<compile_context>
chip_gen: v7x
topology: tpu7x:2x2x1
jax: 0.10.2.dev20260603
libtpu: 0.0.44.dev20260713+nightly
codegen_flags: <defaults>
</compile_context>

<pallas_src>
import jax
import jax.numpy as jnp
from jax import lax
from jax.experimental import pallas as pl
from jax.experimental.pallas import tpu as pltpu
from jax.experimental.pallas import tpu_sc as plsc
import functools

N_NODES = 100000
D_FEAT = 128
NUM_GRAPHS = 1024
OUT_FEATS = 10

NC = 2
NS = 16
NW = NC * NS
CHUNK = 125
CHUNK_PAD = 128
TOT_CHUNKS = N_NODES // CHUNK
CHUNKS_C0 = 22
CHUNKS_C1 = 28
CHUNKS_MAX = max(CHUNKS_C0, CHUNKS_C1)
ACC_ROWS = NUM_GRAPHS + 16
ROWS_PER_TILE = NUM_GRAPHS // NS


def _sc_segment_sums(x, ids2d):
    mesh = plsc.VectorSubcoreMesh(
        core_axis_name="c", subcore_axis_name="s", num_cores=NC, num_subcores=NS
    )

    @functools.partial(
        pl.kernel,
        out_type=(
            jax.ShapeDtypeStruct((NC, NUM_GRAPHS, D_FEAT), jnp.float32),
            jax.ShapeDtypeStruct((NC, NUM_GRAPHS, 16), jnp.float32),
        ),
        mesh=mesh,
        scratch_types=[
            pltpu.VMEM((2, CHUNK_PAD), jnp.int32),
            pltpu.VMEM((2, CHUNK_PAD, D_FEAT), jnp.float32),
            pltpu.VMEM((CHUNK_PAD, 16), jnp.float32),
            pltpu.VMEM((ROWS_PER_TILE, D_FEAT), jnp.float32),
            pltpu.VMEM((ROWS_PER_TILE, 16), jnp.float32),
            pltpu.VMEM_SHARED((ACC_ROWS, D_FEAT), jnp.float32),
            pltpu.VMEM_SHARED((ACC_ROWS, 16), jnp.float32),
            pltpu.SemaphoreType.DMA,
            pltpu.SemaphoreType.DMA,
            pltpu.SemaphoreType.DMA,
            pltpu.SemaphoreType.DMA,
        ],
        compiler_params=pltpu.CompilerParams(use_tc_tiling_on_sc=False),
    )
    def k(x_hbm, ids_hbm, psums, pcnts, idx_v, rows_v, ones_v, zsum_v, zcnt_v,
          acc_sh, cnt_sh, si0, si1, sr0, sr1):
        c = lax.axis_index("c")
        s = lax.axis_index("s")
        my_chunks = jnp.where(c == 0, CHUNKS_C0, CHUNKS_C1)
        q0 = jnp.where(
            c == 0, s * CHUNKS_C0, NS * CHUNKS_C0 + s * CHUNKS_C1
        )
        row0 = q0 * CHUNK
        id_sems = (si0, si1)
        row_sems = (sr0, sr1)

        def gather_copies(kk, slot):
            return (
                pltpu.make_async_copy(
                    ids_hbm.at[q0 + kk], idx_v.at[slot], id_sems[slot]
                ),
                pltpu.make_async_copy(
                    x_hbm.at[pl.ds(row0 + kk * CHUNK, CHUNK)],
                    rows_v.at[slot, pl.ds(0, CHUNK)],
                    row_sems[slot],
                ),
            )

        def start_gather(kk, slot):
            for cp in gather_copies(kk, slot):
                cp.start()

        def wait_gather(kk, slot):
            for cp in gather_copies(kk, slot):
                cp.wait()

        start_gather(0, 0)
        start_gather(1, 1)

        def init_ones(i, carry):
            ones_v[i, :] = jnp.ones((16,), jnp.float32)
            return carry

        lax.fori_loop(0, CHUNK_PAD, init_ones, 0)

        def init_zero(i, carry):
            for j in range(D_FEAT // 16):
                zsum_v[i, pl.ds(j * 16, 16)] = jnp.zeros((16,), jnp.float32)
            zcnt_v[i, :] = jnp.zeros((16,), jnp.float32)
            return carry

        lax.fori_loop(0, ROWS_PER_TILE, init_zero, 0)

        for slot in range(2):
            for r in range(CHUNK, CHUNK_PAD):
                for j in range(D_FEAT // 16):
                    rows_v[slot, r, pl.ds(j * 16, 16)] = jnp.zeros(
                        (16,), jnp.float32
                    )

        pltpu.sync_copy(zsum_v, acc_sh.at[pl.ds(s * ROWS_PER_TILE, ROWS_PER_TILE)])
        pltpu.sync_copy(zcnt_v, cnt_sh.at[pl.ds(s * ROWS_PER_TILE, ROWS_PER_TILE)])
        plsc.subcore_barrier()

        for kk in range(CHUNKS_MAX):
            slot = kk % 2

            @pl.when(kk < my_chunks)
            def _():
                wait_gather(kk, slot)
                pltpu.sync_copy(
                    rows_v.at[slot], acc_sh.at[idx_v.at[slot]], add=True
                )
                pltpu.sync_copy(ones_v, cnt_sh.at[idx_v.at[slot]], add=True)

                @pl.when(kk + 2 < my_chunks)
                def _():
                    start_gather(kk + 2, slot)

        plsc.subcore_barrier()

        sl = pl.ds(s * ROWS_PER_TILE, ROWS_PER_TILE)
        pltpu.sync_copy(acc_sh.at[sl], psums.at[c, sl])
        pltpu.sync_copy(cnt_sh.at[sl], pcnts.at[c, sl])

    return k(x, ids2d)


def _tc_finish(psums, pcnts, W, b2):
    def body(ps, pc, w, b, out):
        sums = ps[0] + ps[1]
        cnt = (pc[0] + pc[1])[:, 0:1]
        mean = sums / jnp.maximum(cnt, 1.0)
        out[...] = (
            lax.dot_general(
                mean, w[...], (((1,), (1,)), ((), ())),
                preferred_element_type=jnp.float32,
            )
            + b[...]
        )

    return pl.pallas_call(
        body,
        out_shape=jax.ShapeDtypeStruct((NUM_GRAPHS, OUT_FEATS), jnp.float32),
    )(psums, pcnts, W, b2)


def kernel(inputs, segment_ids, W, b):
    ids32 = segment_ids.astype(jnp.int32).reshape(TOT_CHUNKS, CHUNK)
    ids2d = jnp.pad(
        ids32, ((0, 0), (0, CHUNK_PAD - CHUNK)), constant_values=NUM_GRAPHS
    )
    psums, pcnts = _sc_segment_sums(inputs, ids2d)
    return _tc_finish(psums, pcnts, W, b.reshape(1, OUT_FEATS))

# --- scband reference (transcript-rebuilt; emitter-appended) ---
"""Pipeline reference for scband-last-layer-4graph-81123342287379 (READ-ONLY COPY).

The authoritative reference and input builder live on the scoring server;
editing this copy changes nothing except your own understanding.
"""

import jax, jax.numpy as jnp
import numpy as np

N_NODES = 100000
D_FEAT = 128
NUM_GRAPHS = 1024
OUT_FEATS = 10


def setup_inputs(seed: int = 0) -> dict:
    key = jax.random.key(seed)
    k1, k2, k3, k4 = jax.random.split(key, 4)
    inputs = jax.random.normal(k1, (N_NODES, D_FEAT), dtype=jnp.float32)
    segment_ids = jnp.sort(jax.random.randint(k2, (N_NODES,), 0, NUM_GRAPHS, dtype=jnp.int64))
    # Linear classify parameters: weight [out_feats, h_feats], bias [out_feats]
    W = jax.random.normal(k3, (OUT_FEATS, D_FEAT), dtype=jnp.float32) * (1.0 / np.sqrt(D_FEAT))
    b = jax.random.normal(k4, (OUT_FEATS,), dtype=jnp.float32) * 0.01
    return {"inputs": inputs, "segment_ids": segment_ids, "W": W, "b": b}


def reference(inputs, segment_ids, W, b):
    # dgl.mean_nodes: per-graph mean of node features over the batched graph
    sums = jax.ops.segment_sum(inputs, segment_ids, num_segments=NUM_GRAPHS)
    counts = jax.ops.segment_sum(jnp.ones((inputs.shape[0],), dtype=inputs.dtype), segment_ids, num_segments=NUM_GRAPHS)
    graph_repr = sums / jnp.maximum(counts, 1.0)[:, None]
    # self.classify: nn.Linear(h_feats, out_feats)
    h = graph_repr @ W.T + b
    return h

if __name__ == "__main__":
    import jax
    _d = setup_inputs()
    print(jax.jit(kernel)(*tuple(_d.values())))

</pallas_src>

<mosaic_0001>
#map = affine_map<(d0, d1) -> (0, 0)>
#map1 = affine_map<(d0, d1) -> (0, 0, 0)>
module attributes {stable_mosaic.version = 14 : i64} {
  func.func @k(%arg0: i32, %arg1: i32, %arg2: memref<100000x128xf32, #tpu.memory_space<hbm>>, %arg3: memref<800x128xi32, #tpu.memory_space<hbm>>, %arg4: memref<2x1024x128xf32, #tpu.memory_space<hbm>>, %arg5: memref<2x1024x16xf32, #tpu.memory_space<hbm>>, %arg6: memref<2x128xi32, #tpu.memory_space<vmem>>, %arg7: memref<2x128x128xf32, #tpu.memory_space<vmem>>, %arg8: memref<128x16xf32, #tpu.memory_space<vmem>>, %arg9: memref<64x128xf32, #tpu.memory_space<vmem>>, %arg10: memref<64x16xf32, #tpu.memory_space<vmem>>, %arg11: memref<1040x128xf32, #tpu.memory_space<vmem_shared>>, %arg12: memref<1040x16xf32, #tpu.memory_space<vmem_shared>>, %arg13: memref<!tpu.dma_semaphore, #tpu.memory_space<semaphore_mem>>, %arg14: memref<!tpu.dma_semaphore, #tpu.memory_space<semaphore_mem>>, %arg15: memref<!tpu.dma_semaphore, #tpu.memory_space<semaphore_mem>>, %arg16: memref<!tpu.dma_semaphore, #tpu.memory_space<semaphore_mem>>) attributes {dimension_semantics = [#tpu.dimension_semantics<core_parallel>, #tpu.dimension_semantics<subcore_parallel>], iteration_bounds = array<i64: 2, 16>, scalar_prefetch = 0 : i64, scratch_operands = 11 : i64, tpu.core_type = #tpu.core_type<sc_vector_subcore>, window_params = [{transform_indices = #map}, {transform_indices = #map}, {transform_indices = #map1}, {transform_indices = #map1}]} {
    %eq3A = arith.constant 0 : i32
    %eq3A_0 = arith.cmpi eq, %arg0, %eq3A : i32
    %jit3A = arith.constant 22 : i32
    %jit3A_1 = arith.constant 28 : i32
    %select_n3A = arith.select %eq3A_0, %jit3A, %jit3A_1 : i32
    %eq3A_2 = arith.constant 0 : i32
    %eq3A_3 = arith.cmpi eq, %arg0, %eq3A_2 : i32
    %mul3A = arith.constant 22 : i32
    %mul3A_4 = arith.muli %arg1, %mul3A : i32
    %mul3A_5 = arith.constant 28 : i32
    %mul3A_6 = arith.muli %arg1, %mul3A_5 : i32
    %add3A = arith.constant 352 : i32
    %add3A_7 = arith.addi %add3A, %mul3A_6 : i32
    %select_n3A_8 = arith.select %eq3A_3, %mul3A_4, %add3A_7 : i32
    %mul3A_9 = arith.constant 125 : i32
    %mul3A_10 = arith.muli %select_n3A_8, %mul3A_9 : i32
    %add3A_11 = arith.constant 0 : i32
    %add3A_12 = arith.addi %select_n3A_8, %add3A_11 : i32
    %add3A_13 = arith.constant 0 : i32
    %add3A_14 = arith.addi %mul3A_10, %add3A_13 : i32
    %dma_start3A = arith.constant 0 : i32
    %dma_start3A_15 = arith.constant 0 : i32
    %dma_start3A_16 = tpu.memref_slice %arg6[%dma_start3A, %dma_start3A_15] : memref<2x128xi32, #tpu.memory_space<vmem>> -> memref<1x128xi32, #tpu.memory_space<vmem>>
    %dma_start3A_17 = tpu.memref_squeeze %dma_start3A_16 : memref<1x128xi32, #tpu.memory_space<vmem>> -> memref<128xi32, #tpu.memory_space<vmem>>
    %dma_start3A_18 = arith.constant 0 : i32
    %dma_start3A_19 = tpu.memref_slice %arg3[%add3A_12, %dma_start3A_18] : memref<800x128xi32, #tpu.memory_space<hbm>> -> memref<1x128xi32, #tpu.memory_space<hbm>>
    %dma_start3A_20 = tpu.memref_squeeze %dma_start3A_19 : memref<1x128xi32, #tpu.memory_space<hbm>> -> memref<128xi32, #tpu.memory_space<hbm>>
    %dma_start3A_21 = arith.constant 0 : i32
    %dma_start3A_22 = tpu.memref_slice %arg6[%dma_start3A, %dma_start3A_21] : memref<2x128xi32, #tpu.memory_space<vmem>> -> memref<1x128xi32, #tpu.memory_space<vmem>>
    %dma_start3A_23 = tpu.memref_squeeze %dma_start3A_22 : memref<1x128xi32, #tpu.memory_space<vmem>> -> memref<128xi32, #tpu.memory_space<vmem>>
    %dma_start3A_24 = arith.constant 0 : i32
    %dma_start3A_25 = tpu.memref_slice %arg3[%add3A_12, %dma_start3A_24] : memref<800x128xi32, #tpu.memory_space<hbm>> -> memref<1x128xi32, #tpu.memory_space<hbm>>
    %dma_start3A_26 = tpu.memref_squeeze %dma_start3A_25 : memref<1x128xi32, #tpu.memory_space<hbm>> -> memref<128xi32, #tpu.memory_space<hbm>>
    tpu.enqueue_dma source(%dma_start3A_26 : memref<128xi32, #tpu.memory_space<hbm>>) target(%dma_start3A_23 : memref<128xi32, #tpu.memory_space<vmem>>) target_semaphore(%arg13 : memref<!tpu.dma_semaphore, #tpu.memory_space<semaphore_mem>>)
    %dma_start3A_27 = arith.constant 0 : i32
    %dma_start3A_28 = arith.constant 0 : i32
    %dma_start3A_29 = arith.constant 0 : i32
    %dma_start3A_30 = tpu.memref_slice %arg7[%dma_start3A_27, %dma_start3A_28, %dma_start3A_29] : memref<2x128x128xf32, #tpu.memory_space<vmem>> -> memref<1x125x128xf32, #tpu.memory_space<vmem>>
    %dma_start3A_31 = tpu.memref_squeeze %dma_start3A_30 : memref<1x125x128xf32, #tpu.memory_space<vmem>> -> memref<125x128xf32, #tpu.memory_space<vmem>>
    %dma_start3A_32 = arith.constant 0 : i32
    %dma_start3A_33 = tpu.memref_slice %arg2[%add3A_14, %dma_start3A_32] : memref<100000x128xf32, #tpu.memory_space<hbm>> -> memref<125x128xf32, #tpu.memory_space<hbm>>
    %dma_start3A_34 = arith.constant 0 : i32
    %dma_start3A_35 = arith.constant 0 : i32
    %dma_start3A_36 = tpu.memref_slice %arg7[%dma_start3A_27, %dma_start3A_34, %dma_start3A_35] : memref<2x128x128xf32, #tpu.memory_space<vmem>> -> memref<1x125x128xf32, #tpu.memory_space<vmem>>
    %dma_start3A_37 = tpu.memref_squeeze %dma_start3A_36 : memref<1x125x128xf32, #tpu.memory_space<vmem>> -> memref<125x128xf32, #tpu.memory_space<vmem>>
    %dma_start3A_38 = arith.constant 0 : i32
    %dma_start3A_39 = tpu.memref_slice %arg2[%add3A_14, %dma_start3A_38] : memref<100000x128xf32, #tpu.memory_space<hbm>> -> memref<125x128xf32, #tpu.memory_space<hbm>>
    tpu.enqueue_dma source(%dma_start3A_39 : memref<125x128xf32, #tpu.memory_space<hbm>>) target(%dma_start3A_37 : memref<125x128xf32, #tpu.memory_space<vmem>>) target_semaphore(%arg15 : memref<!tpu.dma_semaphore, #tpu.memory_space<semaphore_mem>>)
    %add3A_40 = arith.constant 1 : i32
    %add3A_41 = arith.addi %select_n3A_8, %add3A_40 : i32
    %add3A_42 = arith.constant 125 : i32
    %add3A_43 = arith.addi %mul3A_10, %add3A_42 : i32
    %dma_start3A_44 = arith.constant 1 : i32
    %dma_start3A_45 = arith.constant 0 : i32
    %dma_start3A_46 = tpu.memref_slice %arg6[%dma_start3A_44, %dma_start3A_45] : memref<2x128xi32, #tpu.memory_space<vmem>> -> memref<1x128xi32, #tpu.memory_space<vmem>>
    %dma_start3A_47 = tpu.memref_squeeze %dma_start3A_46 : memref<1x128xi32, #tpu.memory_space<vmem>> -> memref<128xi32, #tpu.memory_space<vmem>>
    %dma_start3A_48 = arith.constant 0 : i32
    %dma_start3A_49 = tpu.memref_slice %arg3[%add3A_41, %dma_start3A_48] : memref<800x128xi32, #tpu.memory_space<hbm>> -> memref<1x128xi32, #tpu.memory_space<hbm>>
    %dma_start3A_50 = tpu.memref_squeeze %dma_start3A_49 : memref<1x128xi32, #tpu.memory_space<hbm>> -> memref<128xi32, #tpu.memory_space<hbm>>
    %dma_start3A_51 = arith.constant 0 : i32
    %dma_start3A_52 = tpu.memref_slice %arg6[%dma_start3A_44, %dma_start3A_51] : memref<2x128xi32, #tpu.memory_space<vmem>> -> memref<1x128xi32, #tpu.memory_space<vmem>>
    %dma_start3A_53 = tpu.memref_squeeze %dma_start3A_52 : memref<1x128xi32, #tpu.memory_space<vmem>> -> memref<128xi32, #tpu.memory_space<vmem>>
    %dma_start3A_54 = arith.constant 0 : i32
    %dma_start3A_55 = tpu.memref_slice %arg3[%add3A_41, %dma_start3A_54] : memref<800x128xi32, #tpu.memory_space<hbm>> -> memref<1x128xi32, #tpu.memory_space<hbm>>
    %dma_start3A_56 = tpu.memref_squeeze %dma_start3A_55 : memref<1x128xi32, #tpu.memory_space<hbm>> -> memref<128xi32, #tpu.memory_space<hbm>>
    tpu.enqueue_dma source(%dma_start3A_56 : memref<128xi32, #tpu.memory_space<hbm>>) target(%dma_start3A_53 : memref<128xi32, #tpu.memory_space<vmem>>) target_semaphore(%arg14 : memref<!tpu.dma_semaphore, #tpu.memory_space<semaphore_mem>>)
    %dma_start3A_57 = arith.constant 1 : i32
    %dma_start3A_58 = arith.constant 0 : i32
    %dma_start3A_59 = arith.constant 0 : i32
    %dma_start3A_60 = tpu.memref_slice %arg7[%dma_start3A_57, %dma_start3A_58, %dma_start3A_59] : memref<2x128x128xf32, #tpu.memory_space<vmem>> -> memref<1x125x128xf32, #tpu.memory_space<vmem>>
    %dma_start3A_61 = tpu.memref_squeeze %dma_start3A_60 : memref<1x125x128xf32, #tpu.memory_space<vmem>> -> memref<125x128xf32, #tpu.memory_space<vmem>>
    %dma_start3A_62 = arith.constant 0 : i32
    %dma_start3A_63 = tpu.memref_slice %arg2[%add3A_43, %dma_start3A_62] : memref<100000x128xf32, #tpu.memory_space<hbm>> -> memref<125x128xf32, #tpu.memory_space<hbm>>
    %dma_start3A_64 = arith.constant 0 : i32
    %dma_start3A_65 = arith.constant 0 : i32
    %dma_start3A_66 = tpu.memref_slice %arg7[%dma_start3A_57, %dma_start3A_64, %dma_start3A_65] : memref<2x128x128xf32, #tpu.memory_space<vmem>> -> memref<1x125x128xf32, #tpu.memory_space<vmem>>
    %dma_start3A_67 = tpu.memref_squeeze %dma_start3A_66 : memref<1x125x128xf32, #tpu.memory_space<vmem>> -> memref<125x128xf32, #tpu.memory_space<vmem>>
    %dma_start3A_68 = arith.constant 0 : i32
    %dma_start3A_69 = tpu.memref_slice %arg2[%add3A_43, %dma_start3A_68] : memref<100000x128xf32, #tpu.memory_space<hbm>> -> memref<125x128xf32, #tpu.memory_space<hbm>>
    tpu.enqueue_dma source(%dma_start3A_69 : memref<125x128xf32, #tpu.memory_space<hbm>>) target(%dma_start3A_67 : memref<125x128xf32, #tpu.memory_space<vmem>>) target_semaphore(%arg16 : memref<!tpu.dma_semaphore, #tpu.memory_space<semaphore_mem>>)
    %scan3A = arith.constant 0 : i32
    %scan3A_70 = arith.constant 0 : i32
    %scan3A_71 = arith.constant 128 : i32
    %scan3A_72 = arith.addi %scan3A_70, %scan3A_71 : i32
    %scan3A_73 = arith.constant 1 : i32
    scf.for %scan3A_703 = %scan3A_70 to %scan3A_72 step %scan3A_73  : i32 {
      %broadcast_in_dim3A_704 = arith.constant 1.000000e+00 : f32
      %broadcast_in_dim3A_705 = vector.broadcast %broadcast_in_dim3A_704 : f32 to vector<16xf32>
      %swap3A_706 = arith.index_cast %scan3A_703 : i32 to index
      %swap3A_707 = arith.constant 0 : index
      %swap3A_708 = tpu.vector_load %arg8[%swap3A_706, %swap3A_707] {strides = array<i32>} : memref<128x16xf32, #tpu.memory_space<vmem>>, vector<1x16xf32>,
      %swap3A_709 = vector.shape_cast %swap3A_708 : vector<1x16xf32> to vector<16xf32>
      %swap3A_710 = vector.shape_cast %broadcast_in_dim3A_705 : vector<16xf32> to vector<1x16xf32>
      tpu.vector_store %arg8[%swap3A_706, %swap3A_707], %swap3A_710 {strides = array<i32>} : memref<128x16xf32, #tpu.memory_space<vmem>>, vector<1x16xf32>,
    }
    %scan3A_74 = arith.constant 128 : i32
    %scan3A_75 = arith.constant 0 : i32
    %scan3A_76 = arith.constant 0 : i32
    %scan3A_77 = arith.constant 64 : i32
    %scan3A_78 = arith.addi %scan3A_76, %scan3A_77 : i32
    %scan3A_79 = arith.constant 1 : i32
    scf.for %scan3A_703 = %scan3A_76 to %scan3A_78 step %scan3A_79  : i32 {
      %broadcast_in_dim3A_704 = arith.constant 0.000000e+00 : f32
      %broadcast_in_dim3A_705 = vector.broadcast %broadcast_in_dim3A_704 : f32 to vector<16xf32>
      %swap3A_706 = arith.index_cast %scan3A_703 : i32 to index
      %swap3A_707 = arith.constant 0 : index
      %swap3A_708 = tpu.vector_load %arg9[%swap3A_706, %swap3A_707] {strides = array<i32>} : memref<64x128xf32, #tpu.memory_space<vmem>>, vector<1x16xf32>,
      %swap3A_709 = vector.shape_cast %swap3A_708 : vector<1x16xf32> to vector<16xf32>
      %swap3A_710 = vector.shape_cast %broadcast_in_dim3A_705 : vector<16xf32> to vector<1x16xf32>
      tpu.vector_store %arg9[%swap3A_706, %swap3A_707], %swap3A_710 {strides = array<i32>} : memref<64x128xf32, #tpu.memory_space<vmem>>, vector<1x16xf32>,
      %broadcast_in_dim3A_711 = arith.constant 0.000000e+00 : f32
      %broadcast_in_dim3A_712 = vector.broadcast %broadcast_in_dim3A_711 : f32 to vector<16xf32>
      %swap3A_713 = arith.index_cast %scan3A_703 : i32 to index
      %swap3A_714 = arith.constant 16 : index
      %swap3A_715 = tpu.vector_load %arg9[%swap3A_713, %swap3A_714] {strides = array<i32>} : memref<64x128xf32, #tpu.memory_space<vmem>>, vector<1x16xf32>,
      %swap3A_716 = vector.shape_cast %swap3A_715 : vector<1x16xf32> to vector<16xf32>
      %swap3A_717 = vector.shape_cast %broadcast_in_dim3A_712 : vector<16xf32> to vector<1x16xf32>
      tpu.vector_store %arg9[%swap3A_713, %swap3A_714], %swap3A_717 {strides = array<i32>} : memref<64x128xf32, #tpu.memory_space<vmem>>, vector<1x16xf32>,
      %broadcast_in_dim3A_718 = arith.constant 0.000000e+00 : f32
      %broadcast_in_dim3A_719 = vector.broadcast %broadcast_in_dim3A_718 : f32 to vector<16xf32>
      %swap3A_720 = arith.index_cast %scan3A_703 : i32 to index
      %swap3A_721 = arith.constant 32 : index
      %swap3A_722 = tpu.vector_load %arg9[%swap3A_720, %swap3A_721] {strides = array<i32>} : memref<64x128xf32, #tpu.memory_space<vmem>>, vector<1x16xf32>,
      %swap3A_723 = vector.shape_cast %swap3A_722 : vector<1x16xf32> to vector<16xf32>
      %swap3A_724 = vector.shape_cast %broadcast_in_dim3A_719 : vector<16xf32> to vector<1x16xf32>
      tpu.vector_store %arg9[%swap3A_720, %swap3A_721], %swap3A_724 {strides = array<i32>} : memref<64x128xf32, #tpu.memory_space<vmem>>, vector<1x16xf32>,
      %broadcast_in_dim3A_725 = arith.constant 0.000000e+00 : f32
      %broadcast_in_dim3A_726 = vector.broadcast %broadcast_in_dim3A_725 : f32 to vector<16xf32>
      %swap3A_727 = arith.index_cast %scan3A_703 : i32 to index
      %swap3A_728 = arith.constant 48 : index
      %swap3A_729 = tpu.vector_load %arg9[%swap3A_727, %swap3A_728] {strides = array<i32>} : memref<64x128xf32, #tpu.memory_space<vmem>>, vector<1x16xf32>,
      %swap3A_730 = vector.shape_cast %swap3A_729 : vector<1x16xf32> to vector<16xf32>
      %swap3A_731 = vector.shape_cast %broadcast_in_dim3A_726 : vector<16xf32> to vector<1x16xf32>
      tpu.vector_store %arg9[%swap3A_727, %swap3A_728], %swap3A_731 {strides = array<i32>} : memref<64x128xf32, #tpu.memory_space<vmem>>, vector<1x16xf32>,
      %broadcast_in_dim3A_732 = arith.constant 0.000000e+00 : f32
      %broadcast_in_dim3A_733 = vector.broadcast %broadcast_in_dim3A_732 : f32 to vector<16xf32>
      %swap3A_734 = arith.index_cast %scan3A_703 : i32 to index
      %swap3A_735 = arith.constant 64 : index
      %swap3A_736 = tpu.vector_load %arg9[%swap3A_734, %swap3A_735] {strides = array<i32>} : memref<64x128xf32, #tpu.memory_space<vmem>>, vector<1x16xf32>,
      %swap3A_737 = vector.shape_cast %swap3A_736 : vector<1x16xf32> to vector<16xf32>
      %swap3A_738 = vector.shape_cast %broadcast_in_dim3A_733 : vector<16xf32> to vector<1x16xf32>
      tpu.vector_store %arg9[%swap3A_734, %swap3A_735], %swap3A_738 {strides = array<i32>} : memref<64x128xf32, #tpu.memory_space<vmem>>, vector<1x16xf32>,
      %broadcast_in_dim3A_739 = arith.constant 0.000000e+00 : f32
      %broadcast_in_dim3A_740 = vector.broadcast %broadcast_in_dim3A_739 : f32 to vector<16xf32>
      %swap3A_741 = arith.index_cast %scan3A_703 : i32 to index
      %swap3A_742 = arith.constant 80 : index
      %swap3A_743 = tpu.vector_load %arg9[%swap3A_741, %swap3A_742] {strides = array<i32>} : memref<64x128xf32, #tpu.memory_space<vmem>>, vector<1x16xf32>,
      %swap3A_744 = vector.shape_cast %swap3A_743 : vector<1x16xf32> to vector<16xf32>
      %swap3A_745 = vector.shape_cast %broadcast_in_dim3A_740 : vector<16xf32> to vector<1x16xf32>
      tpu.vector_store %arg9[%swap3A_741, %swap3A_742], %swap3A_745 {strides = array<i32>} : memref<64x128xf32, #tpu.memory_space<vmem>>, vector<1x16xf32>,
      %broadcast_in_dim3A_746 = arith.constant 0.000000e+00 : f32
      %broadcast_in_dim3A_747 = vector.broadcast %broadcast_in_dim3A_746 : f32 to vector<16xf32>
      %swap3A_748 = arith.index_cast %scan3A_703 : i32 to index
      %swap3A_749 = arith.constant 96 : index
      %swap3A_750 = tpu.vector_load %arg9[%swap3A_748, %swap3A_749] {strides = array<i32>} : memref<64x128xf32, #tpu.memory_space<vmem>>, vector<1x16xf32>,
      %swap3A_751 = vector.shape_cast %swap3A_750 : vector<1x16xf32> to vector<16xf32>
      %swap3A_752 = vector.shape_cast %broadcast_in_dim3A_747 : vector<16xf32> to vector<1x16xf32>
      tpu.vector_store %arg9[%swap3A_748, %swap3A_749], %swap3A_752 {strides = array<i32>} : memref<64x128xf32, #tpu.memory_space<vmem>>, vector<1x16xf32>,
      %broadcast_in_dim3A_753 = arith.constant 0.000000e+00 : f32
      %broadcast_in_dim3A_754 = vector.broadcast %broadcast_in_dim3A_753 : f32 to vector<16xf32>
      %swap3A_755 = arith.index_cast %scan3A_703 : i32 to index
      %swap3A_756 = arith.constant 112 : index
      %swap3A_757 = tpu.vector_load %arg9[%swap3A_755, %swap3A_756] {strides = array<i32>} : memref<64x128xf32, #tpu.memory_space<vmem>>, vector<1x16xf32>,
      %swap3A_758 = vector.shape_cast %swap3A_757 : vector<1x16xf32> to vector<16xf32>
      %swap3A_759 = vector.shape_cast %broadcast_in_dim3A_754 : vector<16xf32> to vector<1x16xf32>
      tpu.vector_store %arg9[%swap3A_755, %swap3A_756], %swap3A_759 {strides = array<i32>} : memref<64x128xf32, #tpu.memory_space<vmem>>, vector<1x16xf32>,
      %broadcast_in_dim3A_760 = arith.constant 0.000000e+00 : f32
      %broadcast_in_dim3A_761 = vector.broadcast %broadcast_in_dim3A_760 : f32 to vector<16xf32>
      %swap3A_762 = arith.index_cast %scan3A_703 : i32 to index
      %swap3A_763 = arith.constant 0 : index
      %swap3A_764 = tpu.vector_load %arg10[%swap3A_762, %swap3A_763] {strides = array<i32>} : memref<64x16xf32, #tpu.memory_space<vmem>>, vector<1x16xf32>,
      %swap3A_765 = vector.shape_cast %swap3A_764 : vector<1x16xf32> to vector<16xf32>
      %swap3A_766 = vector.shape_cast %broadcast_in_dim3A_761 : vector<16xf32> to vector<1x16xf32>
      tpu.vector_store %arg10[%swap3A_762, %swap3A_763], %swap3A_766 {strides = array<i32>} : memref<64x16xf32, #tpu.memory_space<vmem>>, vector<1x16xf32>,
    }
    %scan3A_80 = arith.constant 64 : i32
    %broadcast_in_dim3A = arith.constant 0.000000e+00 : f32
    %broadcast_in_dim3A_81 = vector.broadcast %broadcast_in_dim3A : f32 to vector<16xf32>
    %swap3A = arith.constant 0 : i32
    %swap3A_82 = arith.constant 125 : i32
    %swap3A_83 = arith.index_cast %swap3A : i32 to index
    %swap3A_84 = arith.index_cast %swap3A_82 : i32 to index
    %swap3A_85 = arith.constant 0 : index
    %swap3A_86 = tpu.vector_load %arg7[%swap3A_83, %swap3A_84, %swap3A_85] {strides = array<i32>} : memref<2x128x128xf32, #tpu.memory_space<vmem>>, vector<1x1x16xf32>,
    %swap3A_87 = vector.shape_cast %swap3A_86 : vector<1x1x16xf32> to vector<16xf32>
    %swap3A_88 = vector.shape_cast %broadcast_in_dim3A_81 : vector<16xf32> to vector<1x1x16xf32>
    tpu.vector_store %arg7[%swap3A_83, %swap3A_84, %swap3A_85], %swap3A_88 {strides = array<i32>} : memref<2x128x128xf32, #tpu.memory_space<vmem>>, vector<1x1x16xf32>,
    %broadcast_in_dim3A_89 = arith.constant 0.000000e+00 : f32
    %broadcast_in_dim3A_90 = vector.broadcast %broadcast_in_dim3A_89 : f32 to vector<16xf32>
    %swap3A_91 = arith.constant 0 : i32
    %swap3A_92 = arith.constant 125 : i32
    %swap3A_93 = arith.index_cast %swap3A_91 : i32 to index
    %swap3A_94 = arith.index_cast %swap3A_92 : i32 to index
    %swap3A_95 = arith.constant 16 : index
    %swap3A_96 = tpu.vector_load %arg7[%swap3A_93, %swap3A_94, %swap3A_95] {strides = array<i32>} : memref<2x128x128xf32, #tpu.memory_space<vmem>>, vector<1x1x16xf32>,
    %swap3A_97 = vector.shape_cast %swap3A_96 : vector<1x1x16xf32> to vector<16xf32>
    %swap3A_98 = vector.shape_cast %broadcast_in_dim3A_90 : vector<16xf32> to vector<1x1x16xf32>
    tpu.vector_store %arg7[%swap3A_93, %swap3A_94, %swap3A_95], %swap3A_98 {strides = array<i32>} : memref<2x128x128xf32, #tpu.memory_space<vmem>>, vector<1x1x16xf32>,
    %broadcast_in_dim3A_99 = arith.constant 0.000000e+00 : f32
    %broadcast_in_dim3A_100 = vector.broadcast %broadcast_in_dim3A_99 : f32 to vector<16xf32>
    %swap3A_101 = arith.constant 0 : i32
    %swap3A_102 = arith.constant 125 : i32
    %swap3A_103 = arith.index_cast %swap3A_101 : i32 to index
    %swap3A_104 = arith.index_cast %swap3A_102 : i32 to index
    %swap3A_105 = arith.constant 32 : index
    %swap3A_106 = tpu.vector_load %arg7[%swap3A_103, %swap3A_104, %swap3A_105] {strides = array<i32>} : memref<2x128x128xf32, #tpu.memory_space<vmem>>, vector<1x1x16xf32>,
    %swap3A_107 = vector.shape_cast %swap3A_106 : vector<1x1x16xf32> to vector<16xf32>
    %swap3A_108 = vector.shape_cast %broadcast_in_dim3A_100 : vector<16xf32> to vector<1x1x16xf32>
    tpu.vector_store %arg7[%swap3A_103, %swap3A_104, %swap3A_105], %swap3A_108 {strides = array<i32>} : memref<2x128x128xf32, #tpu.memory_space<vmem>>, vector<1x1x16xf32>,
    %broadcast_in_dim3A_109 = arith.constant 0.000000e+00 : f32
    %broadcast_in_dim3A_110 = vector.broadcast %broadcast_in_dim3A_109 : f32 to vector<16xf32>
    %swap3A_111 = arith.constant 0 : i32
    %swap3A_112 = arith.constant 125 : i32
    %swap3A_113 = arith.index_cast %swap3A_111 : i32 to index
    %swap3A_114 = arith.index_cast %swap3A_112 : i32 to index
    %swap3A_115 = arith.constant 48 : index
    %swap3A_116 = tpu.vector_load %arg7[%swap3A_113, %swap3A_114, %swap3A_115] {strides = array<i32>} : memref<2x128x128xf32, #tpu.memory_space<vmem>>, vector<1x1x16xf32>,
    %swap3A_117 = vector.shape_cast %swap3A_116 : vector<1x1x16xf32> to vector<16xf32>
    %swap3A_118 = vector.shape_cast %broadcast_in_dim3A_110 : vector<16xf32> to vector<1x1x16xf32>
    tpu.vector_store %arg7[%swap3A_113, %swap3A_114, %swap3A_115], %swap3A_118 {strides = array<i32>} : memref<2x128x128xf32, #tpu.memory_space<vmem>>, vector<1x1x16xf32>,
    %broadcast_in_dim3A_119 = arith.constant 0.000000e+00 : f32
    %broadcast_in_dim3A_120 = vector.broadcast %broadcast_in_dim3A_119 : f32 to vector<16xf32>
    %swap3A_121 = arith.constant 0 : i32
    %swap3A_122 = arith.constant 125 : i32
    %swap3A_123 = arith.index_cast %swap3A_121 : i32 to index
    %swap3A_124 = arith.index_cast %swap3A_122 : i32 to index
    %swap3A_125 = arith.constant 64 : index
    %swap3A_126 = tpu.vector_load %arg7[%swap3A_123, %swap3A_124, %swap3A_125] {strides = array<i32>} : memref<2x128x128xf32, #tpu.memory_space<vmem>>, vector<1x1x16xf32>,
    %swap3A_127 = vector.shape_cast %swap3A_126 : vector<1x1x16xf32> to vector<16xf32>
    %swap3A_128 = vector.shape_cast %broadcast_in_dim3A_120 : vector<16xf32> to vector<1x1x16xf32>
    tpu.vector_store %arg7[%swap3A_123, %swap3A_124, %swap3A_125], %swap3A_128 {strides = array<i32>} : memref<2x128x128xf32, #tpu.memory_space<vmem>>, vector<1x1x16xf32>,
    %broadcast_in_dim3A_129 = arith.constant 0.000000e+00 : f32
    %broadcast_in_dim3A_130 = vector.broadcast %broadcast_in_dim3A_129 : f32 to vector<16xf32>
    %swap3A_131 = arith.constant 0 : i32
    %swap3A_132 = arith.constant 125 : i32
    %swap3A_133 = arith.index_cast %swap3A_131 : i32 to index
    %swap3A_134 = arith.index_cast %swap3A_132 : i32 to index
    %swap3A_135 = arith.constant 80 : index
    %swap3A_136 = tpu.vector_load %arg7[%swap3A_133, %swap3A_134, %swap3A_135] {strides = array<i32>} : memref<2x128x128xf32, #tpu.memory_space<vmem>>, vector<1x1x16xf32>,
    %swap3A_137 = vector.shape_cast %swap3A_136 : vector<1x1x16xf32> to vector<16xf32>
    %swap3A_138 = vector.shape_cast %broadcast_in_dim3A_130 : vector<16xf32> to vector<1x1x16xf32>
    tpu.vector_store %arg7[%swap3A_133, %swap3A_134, %swap3A_135], %swap3A_138 {strides = array<i32>} : memref<2x128x128xf32, #tpu.memory_space<vmem>>, vector<1x1x16xf32>,
    %broadcast_in_dim3A_139 = arith.constant 0.000000e+00 : f32
    %broadcast_in_dim3A_140 = vector.broadcast %broadcast_in_dim3A_139 : f32 to vector<16xf32>
    %swap3A_141 = arith.constant 0 : i32
    %swap3A_142 = arith.constant 125 : i32
    %swap3A_143 = arith.index_cast %swap3A_141 : i32 to index
    %swap3A_144 = arith.index_cast %swap3A_142 : i32 to index
    %swap3A_145 = arith.constant 96 : index
    %swap3A_146 = tpu.vector_load %arg7[%swap3A_143, %swap3A_144, %swap3A_145] {strides = array<i32>} : memref<2x128x128xf32, #tpu.memory_space<vmem>>, vector<1x1x16xf32>,
    %swap3A_147 = vector.shape_cast %swap3A_146 : vector<1x1x16xf32> to vector<16xf32>
    %swap3A_148 = vector.shape_cast %broadcast_in_dim3A_140 : vector<16xf32> to vector<1x1x16xf32>
    tpu.vector_store %arg7[%swap3A_143, %swap3A_144, %swap3A_145], %swap3A_148 {strides = array<i32>} : memref<2x128x128xf32, #tpu.memory_space<vmem>>, vector<1x1x16xf32>,
    %broadcast_in_dim3A_149 = arith.constant 0.000000e+00 : f32
    %broadcast_in_dim3A_150 = vector.broadcast %broadcast_in_dim3A_149 : f32 to vector<16xf32>
    %swap3A_151 = arith.constant 0 : i32
    %swap3A_152 = arith.constant 125 : i32
    %swap3A_153 = arith.index_cast %swap3A_151 : i32 to index
    %swap3A_154 = arith.index_cast %swap3A_152 : i32 to index
    %swap3A_155 = arith.constant 112 : index
    %swap3A_156 = tpu.vector_load %arg7[%swap3A_153, %swap3A_154, %swap3A_155] {strides = array<i32>} : memref<2x128x128xf32, #tpu.memory_space<vmem>>, vector<1x1x16xf32>,
    %swap3A_157 = vector.shape_cast %swap3A_156 : vector<1x1x16xf32> to vector<16xf32>
    %swap3A_158 = vector.shape_cast %broadcast_in_dim3A_150 : vector<16xf32> to vector<1x1x16xf32>
    tpu.vector_store %arg7[%swap3A_153, %swap3A_154, %swap3A_155], %swap3A_158 {strides = array<i32>} : memref<2x128x128xf32, #tpu.memory_space<vmem>>, vector<1x1x16xf32>,
    %broadcast_in_dim3A_159 = arith.constant 0.000000e+00 : f32
    %broadcast_in_dim3A_160 = vector.broadcast %broadcast_in_dim3A_159 : f32 to vector<16xf32>
    %swap3A_161 = arith.constant 0 : i32
    %swap3A_162 = arith.constant 126 : i32
    %swap3A_163 = arith.index_cast %swap3A_161 : i32 to index
    %swap3A_164 = arith.index_cast %swap3A_162 : i32 to index
    %swap3A_165 = arith.constant 0 : index
    %swap3A_166 = tpu.vector_load %arg7[%swap3A_163, %swap3A_164, %swap3A_165] {strides = array<i32>} : memref<2x128x128xf32, #tpu.memory_space<vmem>>, vector<1x1x16xf32>,
    %swap3A_167 = vector.shape_cast %swap3A_166 : vector<1x1x16xf32> to vector<16xf32>
    %swap3A_168 = vector.shape_cast %broadcast_in_dim3A_160 : vector<16xf32> to vector<1x1x16xf32>
    tpu.vector_store %arg7[%swap3A_163, %swap3A_164, %swap3A_165], %swap3A_168 {strides = array<i32>} : memref<2x128x128xf32, #tpu.memory_space<vmem>>, vector<1x1x16xf32>,
    %broadcast_in_dim3A_169 = arith.constant 0.000000e+00 : f32
    %broadcast_in_dim3A_170 = vector.broadcast %broadcast_in_dim3A_169 : f32 to vector<16xf32>
    %swap3A_171 = arith.constant 0 : i32
    %swap3A_172 = arith.constant 126 : i32
    %swap3A_173 = arith.index_cast %swap3A_171 : i32 to index
    %swap3A_174 = arith.index_cast %swap3A_172 : i32 to index
    %swap3A_175 = arith.constant 16 : index
    %swap3A_176 = tpu.vector_load %arg7[%swap3A_173, %swap3A_174, %swap3A_175] {strides = array<i32>} : memref<2x128x128xf32, #tpu.memory_space<vmem>>, vector<1x1x16xf32>,
    %swap3A_177 = vector.shape_cast %swap3A_176 : vector<1x1x16xf32> to vector<16xf32>
    %swap3A_178 = vector.shape_cast %broadcast_in_dim3A_170 : vector<16xf32> to vector<1x1x16xf32>
    tpu.vector_store %arg7[%swap3A_173, %swap3A_174, %swap3A_175], %swap3A_178 {strides = array<i32>} : memref<2x128x128xf32, #tpu.memory_space<vmem>>, vector<1x1x16xf32>,
    %broadcast_in_dim3A_179 = arith.constant 0.000000e+00 : f32
    %broadcast_in_dim3A_180 = vector.broadcast %broadcast_in_dim3A_179 : f32 to vector<16xf32>
    %swap3A_181 = arith.constant 0 : i32
    %swap3A_182 = arith.constant 126 : i32
    %swap3A_183 = arith.index_cast %swap3A_181 : i32 to index
    %swap3A_184 = arith.index_cast %swap3A_182 : i32 to index
    %swap3A_185 = arith.constant 32 : index
    %swap3A_186 = tpu.vector_load %arg7[%swap3A_183, %swap3A_184, %swap3A_185] {strides = array<i32>} : memref<2x128x128xf32, #tpu.memory_space<vmem>>, vector<1x1x16xf32>,
    %swap3A_187 = vector.shape_cast %swap3A_186 : vector<1x1x16xf32> to vector<16xf32>
    %swap3A_188 = vector.shape_cast %broadcast_in_dim3A_180 : vector<16xf32> to vector<1x1x16xf32>
    tpu.vector_store %arg7[%swap3A_183, %swap3A_184, %swap3A_185], %swap3A_188 {strides = array<i32>} : memref<2x128x128xf32, #tpu.memory_space<vmem>>, vector<1x1x16xf32>,
    %broadcast_in_dim3A_189 = arith.constant 0.000000e+00 : f32
    %broadcast_in_dim3A_190 = vector.broadcast %broadcast_in_dim3A_189 : f32 to vector<16xf32>
    %swap3A_191 = arith.constant 0 : i32
    %swap3A_192 = arith.constant 126 : i32
    %swap3A_193 = arith.index_cast %swap3A_191 : i32 to index
    %swap3A_194 = arith.index_cast %swap3A_192 : i32 to index
    %swap3A_195 = arith.constant 48 : index
    %swap3A_196 = tpu.vector_load %arg7[%swap3A_193, %swap3A_194, %swap3A_195] {strides = array<i32>} : memref<2x128x128xf32, #tpu.memory_space<vmem>>, vector<1x1x16xf32>,
    %swap3A_197 = vector.shape_cast %swap3A_196 : vector<1x1x16xf32> to vector<16xf32>
    %swap3A_198 = vector.shape_cast %broadcast_in_dim3A_190 : vector<16xf32> to vector<1x1x16xf32>
    tpu.vector_store %arg7[%swap3A_193, %swap3A_194, %swap3A_195], %swap3A_198 {strides = array<i32>} : memref<2x128x128xf32, #tpu.memory_space<vmem>>, vector<1x1x16xf32>,
    %broadcast_in_dim3A_199 = arith.constant 0.000000e+00 : f32
    %broadcast_in_dim3A_200 = vector.broadcast %broadcast_in_dim3A_199 : f32 to vector<16xf32>
    %swap3A_201 = arith.constant 0 : i32
    %swap3A_202 = arith.constant 126 : i32
    %swap3A_203 = arith.index_cast %swap3A_201 : i32 to index
    %swap3A_204 = arith.index_cast %swap3A_202 : i32 to index
    %swap3A_205 = arith.constant 64 : index
    %swap3A_206 = tpu.vector_load %arg7[%swap3A_203, %swap3A_204, %swap3A_205] {strides = array<i32>} : memref<2x128x128xf32, #tpu.memory_space<vmem>>, vector<1x1x16xf32>,
    %swap3A_207 = vector.shape_cast %swap3A_206 : vector<1x1x16xf32> to vector<16xf32>
    %swap3A_208 = vector.shape_cast %broadcast_in_dim3A_200 : vector<16xf32> to vector<1x1x16xf32>
    tpu.vector_store %arg7[%swap3A_203, %swap3A_204, %swap3A_205], %swap3A_208 {strides = array<i32>} : memref<2x128x128xf32, #tpu.memory_space<vmem>>, vector<1x1x16xf32>,
    %broadcast_in_dim3A_209 = arith.constant 0.000000e+00 : f32
    %broadcast_in_dim3A_210 = vector.broadcast %broadcast_in_dim3A_209 : f32 to vector<16xf32>
    %swap3A_211 = arith.constant 0 : i32
    %swap3A_212 = arith.constant 126 : i32
    %swap3A_213 = arith.index_cast %swap3A_211 : i32 to index
    %swap3A_214 = arith.index_cast %swap3A_212 : i32 to index
    %swap3A_215 = arith.constant 80 : index
    %swap3A_216 = tpu.vector_load %arg7[%swap3A_213, %swap3A_214, %swap3A_215] {strides = array<i32>} : memref<2x128x128xf32, #tpu.memory_space<vmem>>, vector<1x1x16xf32>,
    %swap3A_217 = vector.shape_cast %swap3A_216 : vector<1x1x16xf32> to vector<16xf32>
    %swap3A_218 = vector.shape_cast %broadcast_in_dim3A_210 : vector<16xf32> to vector<1x1x16xf32>
    tpu.vector_store %arg7[%swap3A_213, %swap3A_214, %swap3A_215], %swap3A_218 {strides = array<i32>} : memref<2x128x128xf32, #tpu.memory_space<vmem>>, vector<1x1x16xf32>,
    %broadcast_in_dim3A_219 = arith.constant 0.000000e+00 : f32
    %broadcast_in_dim3A_220 = vector.broadcast %broadcast_in_dim3A_219 : f32 to vector<16xf32>
    %swap3A_221 = arith.constant 0 : i32
    %swap3A_222 = arith.constant 126 : i32
    %swap3A_223 = arith.index_cast %swap3A_221 : i32 to index
    %swap3A_224 = arith.index_cast %swap3A_222 : i32 to index
    %swap3A_225 = arith.constant 96 : index
    %swap3A_226 = tpu.vector_load %arg7[%swap3A_223, %swap3A_224, %swap3A_225] {strides = array<i32>} : memref<2x128x128xf32, #tpu.memory_space<vmem>>, vector<1x1x16xf32>,
    %swap3A_227 = vector.shape_cast %swap3A_226 : vector<1x1x16xf32> to vector<16xf32>
    %swap3A_228 = vector.shape_cast %broadcast_in_dim3A_220 : vector<16xf32> to vector<1x1x16xf32>
    tpu.vector_store %arg7[%swap3A_223, %swap3A_224, %swap3A_225], %swap3A_228 {strides = array<i32>} : memref<2x128x128xf32, #tpu.memory_space<vmem>>, vector<1x1x16xf32>,
    %broadcast_in_dim3A_229 = arith.constant 0.000000e+00 : f32
    %broadcast_in_dim3A_230 = vector.broadcast %broadcast_in_dim3A_229 : f32 to vector<16xf32>
    %swap3A_231 = arith.constant 0 : i32
    %swap3A_232 = arith.constant 126 : i32
    %swap3A_233 = arith.index_cast %swap3A_231 : i32 to index
    %swap3A_234 = arith.index_cast %swap3A_232 : i32 to index
    %swap3A_235 = arith.constant 112 : index
    %swap3A_236 = tpu.vector_load %arg7[%swap3A_233, %swap3A_234, %swap3A_235] {strides = array<i32>} : memref<2x128x128xf32, #tpu.memory_space<vmem>>, vector<1x1x16xf32>,
    %swap3A_237 = vector.shape_cast %swap3A_236 : vector<1x1x16xf32> to vector<16xf32>
    %swap3A_238 = vector.shape_cast %broadcast_in_dim3A_230 : vector<16xf32> to vector<1x1x16xf32>
    tpu.vector_store %arg7[%swap3A_233, %swap3A_234, %swap3A_235], %swap3A_238 {strides = array<i32>} : memref<2x128x128xf32, #tpu.memory_space<vmem>>, vector<1x1x16xf32>,
    %broadcast_in_dim3A_239 = arith.constant 0.000000e+00 : f32
    %broadcast_in_dim3A_240 = vector.broadcast %broadcast_in_dim3A_239 : f32 to vector<16xf32>
    %swap3A_241 = arith.constant 0 : i32
    %swap3A_242 = arith.constant 127 : i32
    %swap3A_243 = arith.index_cast %swap3A_241 : i32 to index
    %swap3A_244 = arith.index_cast %swap3A_242 : i32 to index
    %swap3A_245 = arith.constant 0 : index
    %swap3A_246 = tpu.vector_load %arg7[%swap3A_243, %swap3A_244, %swap3A_245] {strides = array<i32>} : memref<2x128x128xf32, #tpu.memory_space<vmem>>, vector<1x1x16xf32>,
    %swap3A_247 = vector.shape_cast %swap3A_246 : vector<1x1x16xf32> to vector<16xf32>
    %swap3A_248 = vector.shape_cast %broadcast_in_dim3A_240 : vector<16xf32> to vector<1x1x16xf32>
    tpu.vector_store %arg7[%swap3A_243, %swap3A_244, %swap3A_245], %swap3A_248 {strides = array<i32>} : memref<2x128x128xf32, #tpu.memory_space<vmem>>, vector<1x1x16xf32>,
    %broadcast_in_dim3A_249 = arith.constant 0.000000e+00 : f32
    %broadcast_in_dim3A_250 = vector.broadcast %broadcast_in_dim3A_249 : f32 to vector<16xf32>
    %swap3A_251 = arith.constant 0 : i32
    %swap3A_252 = arith.constant 127 : i32
    %swap3A_253 = arith.index_cast %swap3A_251 : i32 to index
    %swap3A_254 = arith.index_cast %swap3A_252 : i32 to index
    %swap3A_255 = arith.constant 16 : index
    %swap3A_256 = tpu.vector_load %arg7[%swap3A_253, %swap3A_254, %swap3A_255] {strides = array<i32>} : memref<2x128x128xf32, #tpu.memory_space<vmem>>, vector<1x1x16xf32>,
    %swap3A_257 = vector.shape_cast %swap3A_256 : vector<1x1x16xf32> to vector<16xf32>
    %swap3A_258 = vector.shape_cast %broadcast_in_dim3A_250 : vector<16xf32> to vector<1x1x16xf32>
    tpu.vector_store %arg7[%swap3A_253, %swap3A_254, %swap3A_255], %swap3A_258 {strides = array<i32>} : memref<2x128x128xf32, #tpu.memory_space<vmem>>, vector<1x1x16xf32>,
    %broadcast_in_dim3A_259 = arith.constant 0.000000e+00 : f32
    %broadcast_in_dim3A_260 = vector.broadcast %broadcast_in_dim3A_259 : f32 to vector<16xf32>
    %swap3A_261 = arith.constant 0 : i32
    %swap3A_262 = arith.constant 127 : i32
    %swap3A_263 = arith.index_cast %swap3A_261 : i32 to index
    %swap3A_264 = arith.index_cast %swap3A_262 : i32 to index
    %swap3A_265 = arith.constant 32 : index
    %swap3A_266 = tpu.vector_load %arg7[%swap3A_263, %swap3A_264, %swap3A_265] {strides = array<i32>} : memref<2x128x128xf32, #tpu.memory_space<vmem>>, vector<1x1x16xf32>,
    %swap3A_267 = vector.shape_cast %swap3A_266 : vector<1x1x16xf32> to vector<16xf32>
    %swap3A_268 = vector.shape_cast %broadcast_in_dim3A_260 : vector<16xf32> to vector<1x1x16xf32>
    tpu.vector_store %arg7[%swap3A_263, %swap3A_264, %swap3A_265], %swap3A_268 {strides = array<i32>} : memref<2x128x128xf32, #tpu.memory_space<vmem>>, vector<1x1x16xf32>,
    %broadcast_in_dim3A_269 = arith.constant 0.000000e+00 : f32
    %broadcast_in_dim3A_270 = vector.broadcast %broadcast_in_dim3A_269 : f32 to vector<16xf32>
    %swap3A_271 = arith.constant 0 : i32
    %swap3A_272 = arith.constant 127 : i32
    %swap3A_273 = arith.index_cast %swap3A_271 : i32 to index
    %swap3A_274 = arith.index_cast %swap3A_272 : i32 to index
    %swap3A_275 = arith.constant 48 : index
    %swap3A_276 = tpu.vector_load %arg7[%swap3A_273, %swap3A_274, %swap3A_275] {strides = array<i32>} : memref<2x128x128xf32, #tpu.memory_space<vmem>>, vector<1x1x16xf32>,
    %swap3A_277 = vector.shape_cast %swap3A_276 : vector<1x1x16xf32> to vector<16xf32>
    %swap3A_278 = vector.shape_cast %broadcast_in_dim3A_270 : vector<16xf32> to vector<1x1x16xf32>
    tpu.vector_store %arg7[%swap3A_273, %swap3A_274, %swap3A_275], %swap3A_278 {strides = array<i32>} : memref<2x128x128xf32, #tpu.memory_space<vmem>>, vector<1x1x16xf32>,
    %broadcast_in_dim3A_279 = arith.constant 0.000000e+00 : f32
    %broadcast_in_dim3A_280 = vector.broadcast %broadcast_in_dim3A_279 : f32 to vector<16xf32>
    %swap3A_281 = arith.constant 0 : i32
    %swap3A_282 = arith.constant 127 : i32
    %swap3A_283 = arith.index_cast %swap3A_281 : i32 to index
    %swap3A_284 = arith.index_cast %swap3A_282 : i32 to index
    %swap3A_285 = arith.constant 64 : index
    %swap3A_286 = tpu.vector_load %arg7[%swap3A_283, %swap3A_284, %swap3A_285] {strides = array<i32>} : memref<2x128x128xf32, #tpu.memory_space<vmem>>, vector<1x1x16xf32>,
    %swap3A_287 = vector.shape_cast %swap3A_286 : vector<1x1x16xf32> to vector<16xf32>
    %swap3A_288 = vector.shape_cast %broadcast_in_dim3A_280 : vector<16xf32> to vector<1x1x16xf32>
    tpu.vector_store %arg7[%swap3A_283, %swap3A_284, %swap3A_285], %swap3A_288 {strides = array<i32>} : memref<2x128x128xf32, #tpu.memory_space<vmem>>, vector<1x1x16xf32>,
    %broadcast_in_dim3A_289 = arith.constant 0.000000e+00 : f32
    %broadcast_in_dim3A_290 = vector.broadcast %broadcast_in_dim3A_289 : f32 to vector<16xf32>
    %swap3A_291 = arith.constant 0 : i32
    %swap3A_292 = arith.constant 127 : i32
    %swap3A_293 = arith.index_cast %swap3A_291 : i32 to index
    %swap3A_294 = arith.index_cast %swap3A_292 : i32 to index
    %swap3A_295 = arith.constant 80 : index
    %swap3A_296 = tpu.vector_load %arg7[%swap3A_293, %swap3A_294, %swap3A_295] {strides = array<i32>} : memref<2x128x128xf32, #tpu.memory_space<vmem>>, vector<1x1x16xf32>,
    %swap3A_297 = vector.shape_cast %swap3A_296 : vector<1x1x16xf32> to vector<16xf32>
    %swap3A_298 = vector.shape_cast %broadcast_in_dim3A_290 : vector<16xf32> to vector<1x1x16xf32>
    tpu.vector_store %arg7[%swap3A_293, %swap3A_294, %swap3A_295], %swap3A_298 {strides = array<i32>} : memref<2x128x128xf32, #tpu.memory_space<vmem>>, vector<1x1x16xf32>,
    %broadcast_in_dim3A_299 = arith.constant 0.000000e+00 : f32
    %broadcast_in_dim3A_300 = vector.broadcast %broadcast_in_dim3A_299 : f32 to vector<16xf32>
    %swap3A_301 = arith.constant 0 : i32
    %swap3A_302 = arith.constant 127 : i32
    %swap3A_303 = arith.index_cast %swap3A_301 : i32 to index
    %swap3A_304 = arith.index_cast %swap3A_302 : i32 to index
    %swap3A_305 = arith.constant 96 : index
    %swap3A_306 = tpu.vector_load %arg7[%swap3A_303, %swap3A_304, %swap3A_305] {strides = array<i32>} : memref<2x128x128xf32, #tpu.memory_space<vmem>>, vector<1x1x16xf32>,
    %swap3A_307 = vector.shape_cast %swap3A_306 : vector<1x1x16xf32> to vector<16xf32>
    %swap3A_308 = vector.shape_cast %broadcast_in_dim3A_300 : vector<16xf32> to vector<1x1x16xf32>
    tpu.vector_store %arg7[%swap3A_303, %swap3A_304, %swap3A_305], %swap3A_308 {strides = array<i32>} : memref<2x128x128xf32, #tpu.memory_space<vmem>>, vector<1x1x16xf32>,
    %broadcast_in_dim3A_309 = arith.constant 0.000000e+00 : f32
    %broadcast_in_dim3A_310 = vector.broadcast %broadcast_in_dim3A_309 : f32 to vector<16xf32>
    %swap3A_311 = arith.constant 0 : i32
    %swap3A_312 = arith.constant 127 : i32
    %swap3A_313 = arith.index_cast %swap3A_311 : i32 to index
    %swap3A_314 = arith.index_cast %swap3A_312 : i32 to index
    %swap3A_315 = arith.constant 112 : index
    %swap3A_316 = tpu.vector_load %arg7[%swap3A_313, %swap3A_314, %swap3A_315] {strides = array<i32>} : memref<2x128x128xf32, #tpu.memory_space<vmem>>, vector<1x1x16xf32>,
    %swap3A_317 = vector.shape_cast %swap3A_316 : vector<1x1x16xf32> to vector<16xf32>
    %swap3A_318 = vector.shape_cast %broadcast_in_dim3A_310 : vector<16xf32> to vector<1x1x16xf32>
    tpu.vector_store %arg7[%swap3A_313, %swap3A_314, %swap3A_315], %swap3A_318 {strides = array<i32>} : memref<2x128x128xf32, #tpu.memory_space<vmem>>, vector<1x1x16xf32>,
    %broadcast_in_dim3A_319 = arith.constant 0.000000e+00 : f32
    %broadcast_in_dim3A_320 = vector.broadcast %broadcast_in_dim3A_319 : f32 to vector<16xf32>
    %swap3A_321 = arith.constant 1 : i32
    %swap3A_322 = arith.constant 125 : i32
    %swap3A_323 = arith.index_cast %swap3A_321 : i32 to index
    %swap3A_324 = arith.index_cast %swap3A_322 : i32 to index
    %swap3A_325 = arith.constant 0 : index
    %swap3A_326 = tpu.vector_load %arg7[%swap3A_323, %swap3A_324, %swap3A_325] {strides = array<i32>} : memref<2x128x128xf32, #tpu.memory_space<vmem>>, vector<1x1x16xf32>,
    %swap3A_327 = vector.shape_cast %swap3A_326 : vector<1x1x16xf32> to vector<16xf32>
    %swap3A_328 = vector.shape_cast %broadcast_in_dim3A_320 : vector<16xf32> to vector<1x1x16xf32>
    tpu.vector_store %arg7[%swap3A_323, %swap3A_324, %swap3A_325], %swap3A_328 {strides = array<i32>} : memref<2x128x128xf32, #tpu.memory_space<vmem>>, vector<1x1x16xf32>,
    %broadcast_in_dim3A_329 = arith.constant 0.000000e+00 : f32
    %broadcast_in_dim3A_330 = vector.broadcast %broadcast_in_dim3A_329 : f32 to vector<16xf32>
    %swap3A_331 = arith.constant 1 : i32
    %swap3A_332 = arith.constant 125 : i32
    %swap3A_333 = arith.index_cast %swap3A_331 : i32 to index
    %swap3A_334 = arith.index_cast %swap3A_332 : i32 to index
    %swap3A_335 = arith.constant 16 : index
    %swap3A_336 = tpu.vector_load %arg7[%swap3A_333, %swap3A_334, %swap3A_335] {strides = array<i32>} : memref<2x128x128xf32, #tpu.memory_space<vmem>>, vector<1x1x16xf32>,
    %swap3A_337 = vector.shape_cast %swap3A_336 : vector<1x1x16xf32> to vector<16xf32>
    %swap3A_338 = vector.shape_cast %broadcast_in_dim3A_330 : vector<16xf32> to vector<1x1x16xf32>
    tpu.vector_store %arg7[%swap3A_333, %swap3A_334, %swap3A_335], %swap3A_338 {strides = array<i32>} : memref<2x128x128xf32, #tpu.memory_space<vmem>>, vector<1x1x16xf32>,
    %broadcast_in_dim3A_339 = arith.constant 0.000000e+00 : f32
    %broadcast_in_dim3A_340 = vector.broadcast %broadcast_in_dim3A_339 : f32 to vector<16xf32>
    %swap3A_341 = arith.constant 1 : i32
    %swap3A_342 = arith.constant 125 : i32
    %swap3A_343 = arith.index_cast %swap3A_341 : i32 to index
    %swap3A_344 = arith.index_cast %swap3A_342 : i32 to index
    %swap3A_345 = arith.constant 32 : index
    %swap3A_346 = tpu.vector_load %arg7[%swap3A_343, %swap3A_344, %swap3A_345] {strides = array<i32>} : memref<2x128x128xf32, #tpu.memory_space<vmem>>, vector<1x1x16xf32>,
    %swap3A_347 = vector.shape_cast %swap3A_346 : vector<1x1x16xf32> to vector<16xf32>
    %swap3A_348 = vector.shape_cast %broadcast_in_dim3A_340 : vector<16xf32> to vector<1x1x16xf32>
    tpu.vector_store %arg7[%swap3A_343, %swap3A_344, %swap3A_345], %swap3A_348 {strides = array<i32>} : memref<2x128x128xf32, #tpu.memory_space<vmem>>, vector<1x1x16xf32>,
    %broadcast_in_dim3A_349 = arith.constant 0.000000e+00 : f32
    %broadcast_in_dim3A_350 = vector.broadcast %broadcast_in_dim3A_349 : f32 to vector<16xf32>
    %swap3A_351 = arith.constant 1 : i32
    %swap3A_352 = arith.constant 125 : i32
    %swap3A_353 = arith.index_cast %swap3A_351 : i32 to index
    %swap3A_354 = arith.index_cast %swap3A_352 : i32 to index
    %swap3A_355 = arith.constant 48 : index
    %swap3A_356 = tpu.vector_load %arg7[%swap3A_353, %swap3A_354, %swap3A_355] {strides = array<i32>} : memref<2x128x128xf32, #tpu.memory_space<vmem>>, vector<1x1x16xf32>,
    %swap3A_357 = vector.shape_cast %swap3A_356 : vector<1x1x16xf32> to vector<16xf32>
    %swap3A_358 = vector.shape_cast %broadcast_in_dim3A_350 : vector<16xf32> to vector<1x1x16xf32>
    tpu.vector_store %arg7[%swap3A_353, %swap3A_354, %swap3A_355], %swap3A_358 {strides = array<i32>} : memref<2x128x128xf32, #tpu.memory_space<vmem>>, vector<1x1x16xf32>,
    %broadcast_in_dim3A_359 = arith.constant 0.000000e+00 : f32
    %broadcast_in_dim3A_360 = vector.broadcast %broadcast_in_dim3A_359 : f32 to vector<16xf32>
    %swap3A_361 = arith.constant 1 : i32
    %swap3A_362 = arith.constant 125 : i32
    %swap3A_363 = arith.index_cast %swap3A_361 : i32 to index
    %swap3A_364 = arith.index_cast %swap3A_362 : i32 to index
    %swap3A_365 = arith.constant 64 : index
    %swap3A_366 = tpu.vector_load %arg7[%swap3A_363, %swap3A_364, %swap3A_365] {strides = array<i32>} : memref<2x128x128xf32, #tpu.memory_space<vmem>>, vector<1x1x16xf32>,
    %swap3A_367 = vector.shape_cast %swap3A_366 : vector<1x1x16xf32> to vector<16xf32>
    %swap3A_368 = vector.shape_cast %broadcast_in_dim3A_360 : vector<16xf32> to vector<1x1x16xf32>
    tpu.vector_store %arg7[%swap3A_363, %swap3A_364, %swap3A_365], %swap3A_368 {strides = array<i32>} : memref<2x128x128xf32, #tpu.memory_space<vmem>>, vector<1x1x16xf32>,
    %broadcast_in_dim3A_369 = arith.constant 0.000000e+00 : f32
    %broadcast_in_dim3A_370 = vector.broadcast %broadcast_in_dim3A_369 : f32 to vector<16xf32>
    %swap3A_371 = arith.constant 1 : i32
    %swap3A_372 = arith.constant 125 : i32
    %swap3A_373 = arith.index_cast %swap3A_371 : i32 to index
    %swap3A_374 = arith.index_cast %swap3A_372 : i32 to index
    %swap3A_375 = arith.constant 80 : index
    %swap3A_376 = tpu.vector_load %arg7[%swap3A_373, %swap3A_374, %swap3A_375] {strides = array<i32>} : memref<2x128x128xf32, #tpu.memory_space<vmem>>, vector<1x1x16xf32>,
    %swap3A_377 = vector.shape_cast %swap3A_376 : vector<1x1x16xf32> to vector<16xf32>
    %swap3A_378 = vector.shape_cast %broadcast_in_dim3A_370 : vector<16xf32> to vector<1x1x16xf32>
    tpu.vector_store %arg7[%swap3A_373, %swap3A_374, %swap3A_375], %swap3A_378 {strides = array<i32>} : memref<2x128x128xf32, #tpu.memory_space<vmem>>, vector<1x1x16xf32>,
    %broadcast_in_dim3A_379 = arith.constant 0.000000e+00 : f32
    %broadcast_in_dim3A_380 = vector.broadcast %broadcast_in_dim3A_379 : f32 to vector<16xf32>
    %swap3A_381 = arith.constant 1 : i32
    %swap3A_382 = arith.constant 125 : i32
    %swap3A_383 = arith.index_cast %swap3A_381 : i32 to index
    %swap3A_384 = arith.index_cast %swap3A_382 : i32 to index
    %swap3A_385 = arith.constant 96 : index
    %swap3A_386 = tpu.vector_load %arg7[%swap3A_383, %swap3A_384, %swap3A_385] {strides = array<i32>} : memref<2x128x128xf32, #tpu.memory_space<vmem>>, vector<1x1x16xf32>,
    %swap3A_387 = vector.shape_cast %swap3A_386 : vector<1x1x16xf32> to vector<16xf32>
    %swap3A_388 = vector.shape_cast %broadcast_in_dim3A_380 : vector<16xf32> to vector<1x1x16xf32>
    tpu.vector_store %arg7[%swap3A_383, %swap3A_384, %swap3A_385], %swap3A_388 {strides = array<i32>} : memref<2x128x128xf32, #tpu.memory_space<vmem>>, vector<1x1x16xf32>,
    %broadcast_in_dim3A_389 = arith.constant 0.000000e+00 : f32
    %broadcast_in_dim3A_390 = vector.broadcast %broadcast_in_dim3A_389 : f32 to vector<16xf32>
    %swap3A_391 = arith.constant 1 : i32
    %swap3A_392 = arith.constant 125 : i32
    %swap3A_393 = arith.index_cast %swap3A_391 : i32 to index
    %swap3A_394 = arith.index_cast %swap3A_392 : i32 to index
    %swap3A_395 = arith.constant 112 : index
    %swap3A_396 = tpu.vector_load %arg7[%swap3A_393, %swap3A_394, %swap3A_395] {strides = array<i32>} : memref<2x128x128xf32, #tpu.memory_space<vmem>>, vector<1x1x16xf32>,
    %swap3A_397 = vector.shape_cast %swap3A_396 : vector<1x1x16xf32> to vector<16xf32>
    %swap3A_398 = vector.shape_cast %broadcast_in_dim3A_390 : vector<16xf32> to vector<1x1x16xf32>
    tpu.vector_store %arg7[%swap3A_393, %swap3A_394, %swap3A_395], %swap3A_398 {strides = array<i32>} : memref<2x128x128xf32, #tpu.memory_space<vmem>>, vector<1x1x16xf32>,
    %broadcast_in_dim3A_399 = arith.constant 0.000000e+00 : f32
    %broadcast_in_dim3A_400 = vector.broadcast %broadcast_in_dim3A_399 : f32 to vector<16xf32>
    %swap3A_401 = arith.constant 1 : i32
    %swap3A_402 = arith.constant 126 : i32
    %swap3A_403 = arith.index_cast %swap3A_401 : i32 to index
    %swap3A_404 = arith.index_cast %swap3A_402 : i32 to index
    %swap3A_405 = arith.constant 0 : index
    %swap3A_406 = tpu.vector_load %arg7[%swap3A_403, %swap3A_404, %swap3A_405] {strides = array<i32>} : memref<2x128x128xf32, #tpu.memory_space<vmem>>, vector<1x1x16xf32>,
    %swap3A_407 = vector.shape_cast %swap3A_406 : vector<1x1x16xf32> to vector<16xf32>
    %swap3A_408 = vector.shape_cast %broadcast_in_dim3A_400 : vector<16xf32> to vector<1x1x16xf32>
    tpu.vector_store %arg7[%swap3A_403, %swap3A_404, %swap3A_405], %swap3A_408 {strides = array<i32>} : memref<2x128x128xf32, #tpu.memory_space<vmem>>, vector<1x1x16xf32>,
    %broadcast_in_dim3A_409 = arith.constant 0.000000e+00 : f32
    %broadcast_in_dim3A_410 = vector.broadcast %broadcast_in_dim3A_409 : f32 to vector<16xf32>
    %swap3A_411 = arith.constant 1 : i32
    %swap3A_412 = arith.constant 126 : i32
    %swap3A_413 = arith.index_cast %swap3A_411 : i32 to index
    %swap3A_414 = arith.index_cast %swap3A_412 : i32 to index
    %swap3A_415 = arith.constant 16 : index
    %swap3A_416 = tpu.vector_load %arg7[%swap3A_413, %swap3A_414, %swap3A_415] {strides = array<i32>} : memref<2x128x128xf32, #tpu.memory_space<vmem>>, vector<1x1x16xf32>,
    %swap3A_417 = vector.shape_cast %swap3A_416 : vector<1x1x16xf32> to vector<16xf32>
    %swap3A_418 = vector.shape_cast %broadcast_in_dim3A_410 : vector<16xf32> to vector<1x1x16xf32>
    tpu.vector_store %arg7[%swap3A_413, %swap3A_414, %swap3A_415], %swap3A_418 {strides = array<i32>} : memref<2x128x128xf32, #tpu.memory_space<vmem>>, vector<1x1x16xf32>,
    %broadcast_in_dim3A_419 = arith.constant 0.000000e+00 : f32
    %broadcast_in_dim3A_420 = vector.broadcast %broadcast_in_dim3A_419 : f32 to vector<16xf32>
    %swap3A_421 = arith.constant 1 : i32
    %swap3A_422 = arith.constant 126 : i32
    %swap3A_423 = arith.index_cast %swap3A_421 : i32 to index
    %swap3A_424 = arith.index_cast %swap3A_422 : i32 to index
    %swap3A_425 = arith.constant 32 : index
    %swap3A_426 = tpu.vector_load %arg7[%swap3A_423, %swap3A_424, %swap3A_425] {strides = array<i32>} : memref<2x128x128xf32, #tpu.memory_space<vmem>>, vector<1x1x16xf32>,
    %swap3A_427 = vector.shape_cast %swap3A_426 : vector<1x1x16xf32> to vector<16xf32>
    %swap3A_428 = vector.shape_cast %broadcast_in_dim3A_420 : vector<16xf32> to vector<1x1x16xf32>
    tpu.vector_store %arg7[%swap3A_423, %swap3A_424, %swap3A_425], %swap3A_428 {strides = array<i32>} : memref<2x128x128xf32, #tpu.memory_space<vmem>>, vector<1x1x16xf32>,
    %broadcast_in_dim3A_429 = arith.constant 0.000000e+00 : f32
    %broadcast_in_dim3A_430 = vector.broadcast %broadcast_in_dim3A_429 : f32 to vector<16xf32>
    %swap3A_431 = arith.constant 1 : i32
    %swap3A_432 = arith.constant 126 : i32
    %swap3A_433 = arith.index_cast %swap3A_431 : i32 to index
    %swap3A_434 = arith.index_cast %swap3A_432 : i32 to index
    %swap3A_435 = arith.constant 48 : index
    %swap3A_436 = tpu.vector_load %arg7[%swap3A_433, %swap3A_434, %swap3A_435] {strides = array<i32>} : memref<2x128x128xf32, #tpu.memory_space<vmem>>, vector<1x1x16xf32>,
    %swap3A_437 = vector.shape_cast %swap3A_436 : vector<1x1x16xf32> to vector<16xf32>
    %swap3A_438 = vector.shape_cast %broadcast_in_dim3A_430 : vector<16xf32> to vector<1x1x16xf32>
    tpu.vector_store %arg7[%swap3A_433, %swap3A_434, %swap3A_435], %swap3A_438 {strides = array<i32>} : memref<2x128x128xf32, #tpu.memory_space<vmem>>, vector<1x1x16xf32>,
    %broadcast_in_dim3A_439 = arith.constant 0.000000e+00 : f32
    %broadcast_in_dim3A_440 = vector.broadcast %broadcast_in_dim3A_439 : f32 to vector<16xf32>
    %swap3A_441 = arith.constant 1 : i32
    %swap3A_442 = arith.constant 126 : i32
    %swap3A_443 = arith.index_cast %swap3A_441 : i32 to index
    %swap3A_444 = arith.index_cast %swap3A_442 : i32 to index
    %swap3A_445 = arith.constant 64 : index
    %swap3A_446 = tpu.vector_load %arg7[%swap3A_443, %swap3A_444, %swap3A_445] {strides = array<i32>} : memref<2x128x128xf32, #tpu.memory_space<vmem>>, vector<1x1x16xf32>,
    %swap3A_447 = vector.shape_cast %swap3A_446 : vector<1x1x16xf32> to vector<16xf32>
    %swap3A_448 = vector.shape_cast %broadcast_in_dim3A_440 : vector<16xf32> to vector<1x1x16xf32>
    tpu.vector_store %arg7[%swap3A_443, %swap3A_444, %swap3A_445], %swap3A_448 {strides = array<i32>} : memref<2x128x128xf32, #tpu.memory_space<vmem>>, vector<1x1x16xf32>,
    %broadcast_in_dim3A_449 = arith.constant 0.000000e+00 : f32
    %broadcast_in_dim3A_450 = vector.broadcast %broadcast_in_dim3A_449 : f32 to vector<16xf32>
    %swap3A_451 = arith.constant 1 : i32
    %swap3A_452 = arith.constant 126 : i32
    %swap3A_453 = arith.index_cast %swap3A_451 : i32 to index
    %swap3A_454 = arith.index_cast %swap3A_452 : i32 to index
    %swap3A_455 = arith.constant 80 : index
    %swap3A_456 = tpu.vector_load %arg7[%swap3A_453, %swap3A_454, %swap3A_455] {strides = array<i32>} : memref<2x128x128xf32, #tpu.memory_space<vmem>>, vector<1x1x16xf32>,
    %swap3A_457 = vector.shape_cast %swap3A_456 : vector<1x1x16xf32> to vector<16xf32>
    %swap3A_458 = vector.shape_cast %broadcast_in_dim3A_450 : vector<16xf32> to vector<1x1x16xf32>
    tpu.vector_store %arg7[%swap3A_453, %swap3A_454, %swap3A_455], %swap3A_458 {strides = array<i32>} : memref<2x128x128xf32, #tpu.memory_space<vmem>>, vector<1x1x16xf32>,
    %broadcast_in_dim3A_459 = arith.constant 0.000000e+00 : f32
    %broadcast_in_dim3A_460 = vector.broadcast %broadcast_in_dim3A_459 : f32 to vector<16xf32>
    %swap3A_461 = arith.constant 1 : i32
    %swap3A_462 = arith.constant 126 : i32
    %swap3A_463 = arith.index_cast %swap3A_461 : i32 to index
    %swap3A_464 = arith.index_cast %swap3A_462 : i32 to index
    %swap3A_465 = arith.constant 96 : index
    %swap3A_466 = tpu.vector_load %arg7[%swap3A_463, %swap3A_464, %swap3A_465] {strides = array<i32>} : memref<2x128x128xf32, #tpu.memory_space<vmem>>, vector<1x1x16xf32>,
    %swap3A_467 = vector.shape_cast %swap3A_466 : vector<1x1x16xf32> to vector<16xf32>
    %swap3A_468 = vector.shape_cast %broadcast_in_dim3A_460 : vector<16xf32> to vector<1x1x16xf32>
    tpu.vector_store %arg7[%swap3A_463, %swap3A_464, %swap3A_465], %swap3A_468 {strides = array<i32>} : memref<2x128x128xf32, #tpu.memory_space<vmem>>, vector<1x1x16xf32>,
    %broadcast_in_dim3A_469 = arith.constant 0.000000e+00 : f32
    %broadcast_in_dim3A_470 = vector.broadcast %broadcast_in_dim3A_469 : f32 to vector<16xf32>
    %swap3A_471 = arith.constant 1 : i32
    %swap3A_472 = arith.constant 126 : i32
    %swap3A_473 = arith.index_cast %swap3A_471 : i32 to index
    %swap3A_474 = arith.index_cast %swap3A_472 : i32 to index
    %swap3A_475 = arith.constant 112 : index
    %swap3A_476 = tpu.vector_load %arg7[%swap3A_473, %swap3A_474, %swap3A_475] {strides = array<i32>} : memref<2x128x128xf32, #tpu.memory_space<vmem>>, vector<1x1x16xf32>,
    %swap3A_477 = vector.shape_cast %swap3A_476 : vector<1x1x16xf32> to vector<16xf32>
    %swap3A_478 = vector.shape_cast %broadcast_in_dim3A_470 : vector<16xf32> to vector<1x1x16xf32>
    tpu.vector_store %arg7[%swap3A_473, %swap3A_474, %swap3A_475], %swap3A_478 {strides = array<i32>} : memref<2x128x128xf32, #tpu.memory_space<vmem>>, vector<1x1x16xf32>,
    %broadcast_in_dim3A_479 = arith.constant 0.000000e+00 : f32
    %broadcast_in_dim3A_480 = vector.broadcast %broadcast_in_dim3A_479 : f32 to vector<16xf32>
    %swap3A_481 = arith.constant 1 : i32
    %swap3A_482 = arith.constant 127 : i32
    %swap3A_483 = arith.index_cast %swap3A_481 : i32 to index
    %swap3A_484 = arith.index_cast %swap3A_482 : i32 to index
    %swap3A_485 = arith.constant 0 : index
    %swap3A_486 = tpu.vector_load %arg7[%swap3A_483, %swap3A_484, %swap3A_485] {strides = array<i32>} : memref<2x128x128xf32, #tpu.memory_space<vmem>>, vector<1x1x16xf32>,
    %swap3A_487 = vector.shape_cast %swap3A_486 : vector<1x1x16xf32> to vector<16xf32>
    %swap3A_488 = vector.shape_cast %broadcast_in_dim3A_480 : vector<16xf32> to vector<1x1x16xf32>
    tpu.vector_store %arg7[%swap3A_483, %swap3A_484, %swap3A_485], %swap3A_488 {strides = array<i32>} : memref<2x128x128xf32, #tpu.memory_space<vmem>>, vector<1x1x16xf32>,
    %broadcast_in_dim3A_489 = arith.constant 0.000000e+00 : f32
    %broadcast_in_dim3A_490 = vector.broadcast %broadcast_in_dim3A_489 : f32 to vector<16xf32>
    %swap3A_491 = arith.constant 1 : i32
    %swap3A_492 = arith.constant 127 : i32
    %swap3A_493 = arith.index_cast %swap3A_491 : i32 to index
    %swap3A_494 = arith.index_cast %swap3A_492 : i32 to index
    %swap3A_495 = arith.constant 16 : index
    %swap3A_496 = tpu.vector_load %arg7[%swap3A_493, %swap3A_494, %swap3A_495] {strides = array<i32>} : memref<2x128x128xf32, #tpu.memory_space<vmem>>, vector<1x1x16xf32>,
    %swap3A_497 = vector.shape_cast %swap3A_496 : vector<1x1x16xf32> to vector<16xf32>
    %swap3A_498 = vector.shape_cast %broadcast_in_dim3A_490 : vector<16xf32> to vector<1x1x16xf32>
    tpu.vector_store %arg7[%swap3A_493, %swap3A_494, %swap3A_495], %swap3A_498 {strides = array<i32>} : memref<2x128x128xf32, #tpu.memory_space<vmem>>, vector<1x1x16xf32>,
    %broadcast_in_dim3A_499 = arith.constant 0.000000e+00 : f32
    %broadcast_in_dim3A_500 = vector.broadcast %broadcast_in_dim3A_499 : f32 to vector<16xf32>
    %swap3A_501 = arith.constant 1 : i32
    %swap3A_502 = arith.constant 127 : i32
    %swap3A_503 = arith.index_cast %swap3A_501 : i32 to index
    %swap3A_504 = arith.index_cast %swap3A_502 : i32 to index
    %swap3A_505 = arith.constant 32 : index
    %swap3A_506 = tpu.vector_load %arg7[%swap3A_503, %swap3A_504, %swap3A_505] {strides = array<i32>} : memref<2x128x128xf32, #tpu.memory_space<vmem>>, vector<1x1x16xf32>,
    %swap3A_507 = vector.shape_cast %swap3A_506 : vector<1x1x16xf32> to vector<16xf32>
    %swap3A_508 = vector.shape_cast %broadcast_in_dim3A_500 : vector<16xf32> to vector<1x1x16xf32>
    tpu.vector_store %arg7[%swap3A_503, %swap3A_504, %swap3A_505], %swap3A_508 {strides = array<i32>} : memref<2x128x128xf32, #tpu.memory_space<vmem>>, vector<1x1x16xf32>,
    %broadcast_in_dim3A_509 = arith.constant 0.000000e+00 : f32
    %broadcast_in_dim3A_510 = vector.broadcast %broadcast_in_dim3A_509 : f32 to vector<16xf32>
    %swap3A_511 = arith.constant 1 : i32
    %swap3A_512 = arith.constant 127 : i32
    %swap3A_513 = arith.index_cast %swap3A_511 : i32 to index
    %swap3A_514 = arith.index_cast %swap3A_512 : i32 to index
    %swap3A_515 = arith.constant 48 : index
    %swap3A_516 = tpu.vector_load %arg7[%swap3A_513, %swap3A_514, %swap3A_515] {strides = array<i32>} : memref<2x128x128xf32, #tpu.memory_space<vmem>>, vector<1x1x16xf32>,
    %swap3A_517 = vector.shape_cast %swap3A_516 : vector<1x1x16xf32> to vector<16xf32>
    %swap3A_518 = vector.shape_cast %broadcast_in_dim3A_510 : vector<16xf32> to vector<1x1x16xf32>
    tpu.vector_store %arg7[%swap3A_513, %swap3A_514, %swap3A_515], %swap3A_518 {strides = array<i32>} : memref<2x128x128xf32, #tpu.memory_space<vmem>>, vector<1x1x16xf32>,
    %broadcast_in_dim3A_519 = arith.constant 0.000000e+00 : f32
    %broadcast_in_dim3A_520 = vector.broadcast %broadcast_in_dim3A_519 : f32 to vector<16xf32>
    %swap3A_521 = arith.constant 1 : i32
    %swap3A_522 = arith.constant 127 : i32
    %swap3A_523 = arith.index_cast %swap3A_521 : i32 to index
    %swap3A_524 = arith.index_cast %swap3A_522 : i32 to index
    %swap3A_525 = arith.constant 64 : index
    %swap3A_526 = tpu.vector_load %arg7[%swap3A_523, %swap3A_524, %swap3A_525] {strides = array<i32>} : memref<2x128x128xf32, #tpu.memory_space<vmem>>, vector<1x1x16xf32>,
    %swap3A_527 = vector.shape_cast %swap3A_526 : vector<1x1x16xf32> to vector<16xf32>
    %swap3A_528 = vector.shape_cast %broadcast_in_dim3A_520 : vector<16xf32> to vector<1x1x16xf32>
    tpu.vector_store %arg7[%swap3A_523, %swap3A_524, %swap3A_525], %swap3A_528 {strides = array<i32>} : memref<2x128x128xf32, #tpu.memory_space<vmem>>, vector<1x1x16xf32>,
    %broadcast_in_dim3A_529 = arith.constant 0.000000e+00 : f32
    %broadcast_in_dim3A_530 = vector.broadcast %broadcast_in_dim3A_529 : f32 to vector<16xf32>
    %swap3A_531 = arith.constant 1 : i32
    %swap3A_532 = arith.constant 127 : i32
    %swap3A_533 = arith.index_cast %swap3A_531 : i32 to index
    %swap3A_534 = arith.index_cast %swap3A_532 : i32 to index
    %swap3A_535 = arith.constant 80 : index
    %swap3A_536 = tpu.vector_load %arg7[%swap3A_533, %swap3A_534, %swap3A_535] {strides = array<i32>} : memref<2x128x128xf32, #tpu.memory_space<vmem>>, vector<1x1x16xf32>,
    %swap3A_537 = vector.shape_cast %swap3A_536 : vector<1x1x16xf32> to vector<16xf32>
    %swap3A_538 = vector.shape_cast %broadcast_in_dim3A_530 : vector<16xf32> to vector<1x1x16xf32>
    tpu.vector_store %arg7[%swap3A_533, %swap3A_534, %swap3A_535], %swap3A_538 {strides = array<i32>} : memref<2x128x128xf32, #tpu.memory_space<vmem>>, vector<1x1x16xf32>,
    %broadcast_in_dim3A_539 = arith.constant 0.000000e+00 : f32
    %broadcast_in_dim3A_540 = vector.broadcast %broadcast_in_dim3A_539 : f32 to vector<16xf32>
    %swap3A_541 = arith.constant 1 : i32
    %swap3A_542 = arith.constant 127 : i32
    %swap3A_543 = arith.index_cast %swap3A_541 : i32 to index
    %swap3A_544 = arith.index_cast %swap3A_542 : i32 to index
    %swap3A_545 = arith.constant 96 : index
    %swap3A_546 = tpu.vector_load %arg7[%swap3A_543, %swap3A_544, %swap3A_545] {strides = array<i32>} : memref<2x128x128xf32, #tpu.memory_space<vmem>>, vector<1x1x16xf32>,
    %swap3A_547 = vector.shape_cast %swap3A_546 : vector<1x1x16xf32> to vector<16xf32>
    %swap3A_548 = vector.shape_cast %broadcast_in_dim3A_540 : vector<16xf32> to vector<1x1x16xf32>
    tpu.vector_store %arg7[%swap3A_543, %swap3A_544, %swap3A_545], %swap3A_548 {strides = array<i32>} : memref<2x128x128xf32, #tpu.memory_space<vmem>>, vector<1x1x16xf32>,
    %broadcast_in_dim3A_549 = arith.constant 0.000000e+00 : f32
    %broadcast_in_dim3A_550 = vector.broadcast %broadcast_in_dim3A_549 : f32 to vector<16xf32>
    %swap3A_551 = arith.constant 1 : i32
    %swap3A_552 = arith.constant 127 : i32
    %swap3A_553 = arith.index_cast %swap3A_551 : i32 to index
    %swap3A_554 = arith.index_cast %swap3A_552 : i32 to index
    %swap3A_555 = arith.constant 112 : index
    %swap3A_556 = tpu.vector_load %arg7[%swap3A_553, %swap3A_554, %swap3A_555] {strides = array<i32>} : memref<2x128x128xf32, #tpu.memory_space<vmem>>, vector<1x1x16xf32>,
    %swap3A_557 = vector.shape_cast %swap3A_556 : vector<1x1x16xf32> to vector<16xf32>
    %swap3A_558 = vector.shape_cast %broadcast_in_dim3A_550 : vector<16xf32> to vector<1x1x16xf32>
    tpu.vector_store %arg7[%swap3A_553, %swap3A_554, %swap3A_555], %swap3A_558 {strides = array<i32>} : memref<2x128x128xf32, #tpu.memory_space<vmem>>, vector<1x1x16xf32>,
    %mul3A_559 = arith.constant 64 : i32
    %mul3A_560 = arith.muli %arg1, %mul3A_559 : i32
    "tpu.region"() ({
      %run_scoped3A = tpu.sem_alloc : memref<!tpu.dma_semaphore, #tpu.memory_space<semaphore_mem>>
      %dma_start3A_703 = arith.constant 0 : i32
      %dma_start3A_704 = tpu.memref_slice %arg11[%mul3A_560, %dma_start3A_703] : memref<1040x128xf32, #tpu.memory_space<vmem_shared>> -> memref<64x128xf32, #tpu.memory_space<vmem_shared>>
      %dma_start3A_705 = arith.constant 0 : i32
      %dma_start3A_706 = tpu.memref_slice %arg11[%mul3A_560, %dma_start3A_705] : memref<1040x128xf32, #tpu.memory_space<vmem_shared>> -> memref<64x128xf32, #tpu.memory_space<vmem_shared>>
      tpu.enqueue_dma source(%arg9 : memref<64x128xf32, #tpu.memory_space<vmem>>) target(%dma_start3A_706 : memref<64x128xf32, #tpu.memory_space<vmem_shared>>) target_semaphore(%run_scoped3A : memref<!tpu.dma_semaphore, #tpu.memory_space<semaphore_mem>>)
      %dma_wait3A = arith.constant 0 : i32
      %dma_wait3A_707 = tpu.memref_slice %arg11[%mul3A_560, %dma_wait3A] : memref<1040x128xf32, #tpu.memory_space<vmem_shared>> -> memref<64x128xf32, #tpu.memory_space<vmem_shared>>
      %dma_wait3A_708 = arith.constant 0 : i32
      %dma_wait3A_709 = tpu.memref_slice %arg11[%mul3A_560, %dma_wait3A_708] : memref<1040x128xf32, #tpu.memory_space<vmem_shared>> -> memref<64x128xf32, #tpu.memory_space<vmem_shared>>
      tpu.wait_dma2 semaphore(%run_scoped3A : memref<!tpu.dma_semaphore, #tpu.memory_space<semaphore_mem>>) src(%arg9 : memref<64x128xf32, #tpu.memory_space<vmem>>) dst(%dma_wait3A_709 : memref<64x128xf32, #tpu.memory_space<vmem_shared>>)
      tpu.yield
    }) : () -> ()
    %mul3A_561 = arith.constant 64 : i32
    %mul3A_562 = arith.muli %arg1, %mul3A_561 : i32
    "tpu.region"() ({
      %run_scoped3A = tpu.sem_alloc : memref<!tpu.dma_semaphore, #tpu.memory_space<semaphore_mem>>
      %dma_start3A_703 = arith.constant 0 : i32
      %dma_start3A_704 = tpu.memref_slice %arg12[%mul3A_562, %dma_start3A_703] : memref<1040x16xf32, #tpu.memory_space<vmem_shared>> -> memref<64x16xf32, #tpu.memory_space<vmem_shared>>
      %dma_start3A_705 = arith.constant 0 : i32
      %dma_start3A_706 = tpu.memref_slice %arg12[%mul3A_562, %dma_start3A_705] : memref<1040x16xf32, #tpu.memory_space<vmem_shared>> -> memref<64x16xf32, #tpu.memory_space<vmem_shared>>
      tpu.enqueue_dma source(%arg10 : memref<64x16xf32, #tpu.memory_space<vmem>>) target(%dma_start3A_706 : memref<64x16xf32, #tpu.memory_space<vmem_shared>>) target_semaphore(%run_scoped3A : memref<!tpu.dma_semaphore, #tpu.memory_space<semaphore_mem>>)
      %dma_wait3A = arith.constant 0 : i32
      %dma_wait3A_707 = tpu.memref_slice %arg12[%mul3A_562, %dma_wait3A] : memref<1040x16xf32, #tpu.memory_space<vmem_shared>> -> memref<64x16xf32, #tpu.memory_space<vmem_shared>>
      %dma_wait3A_708 = arith.constant 0 : i32
      %dma_wait3A_709 = tpu.memref_slice %arg12[%mul3A_562, %dma_wait3A_708] : memref<1040x16xf32, #tpu.memory_space<vmem_shared>> -> memref<64x16xf32, #tpu.memory_space<vmem_shared>>
      tpu.wait_dma2 semaphore(%run_scoped3A : memref<!tpu.dma_semaphore, #tpu.memory_space<semaphore_mem>>) src(%arg10 : memref<64x16xf32, #tpu.memory_space<vmem>>) dst(%dma_wait3A_709 : memref<64x16xf32, #tpu.memory_space<vmem_shared>>)
      tpu.yield
    }) : () -> ()
    %barrier3A = arith.constant 0 : index
    tpu.barrier barrier_id(%barrier3A)
    %gt3A = arith.constant 0 : i32
    %gt3A_563 = arith.cmpi sgt, %select_n3A, %gt3A : i32
    %convert_element_type3A = arith.extui %gt3A_563 : i1 to i32
    %cond3A = arith.constant 0 : i32
    %cond3A_564 = arith.cmpi ne, %convert_element_type3A, %cond3A : i32
    scf.if %cond3A_564 {
      %add3A_703 = arith.constant 0 : i32
      %add3A_704 = arith.addi %select_n3A_8, %add3A_703 : i32
      %add3A_705 = arith.constant 0 : i32
      %add3A_706 = arith.addi %mul3A_10, %add3A_705 : i32
      %dma_wait3A = arith.constant 0 : i32
      %dma_wait3A_707 = arith.constant 0 : i32
      %dma_wait3A_708 = tpu.memref_slice %arg6[%dma_wait3A, %dma_wait3A_707] : memref<2x128xi32, #tpu.memory_space<vmem>> -> memref<1x128xi32, #tpu.memory_space<vmem>>
      %dma_wait3A_709 = tpu.memref_squeeze %dma_wait3A_708 : memref<1x128xi32, #tpu.memory_space<vmem>> -> memref<128xi32, #tpu.memory_space<vmem>>
      %dma_wait3A_710 = arith.constant 0 : i32
      %dma_wait3A_711 = tpu.memref_slice %arg3[%add3A_704, %dma_wait3A_710] : memref<800x128xi32, #tpu.memory_space<hbm>> -> memref<1x128xi32, #tpu.memory_space<hbm>>
      %dma_wait3A_712 = tpu.memref_squeeze %dma_wait3A_711 : memref<1x128xi32, #tpu.memory_space<hbm>> -> memref<128xi32, #tpu.memory_space<hbm>>
      %dma_wait3A_713 = arith.constant 0 : i32
      %dma_wait3A_714 = tpu.memref_slice %arg6[%dma_wait3A, %dma_wait3A_713] : memref<2x128xi32, #tpu.memory_space<vmem>> -> memref<1x128xi32, #tpu.memory_space<vmem>>
      %dma_wait3A_715 = tpu.memref_squeeze %dma_wait3A_714 : memref<1x128xi32, #tpu.memory_space<vmem>> -> memref<128xi32, #tpu.memory_space<vmem>>
      %dma_wait3A_716 = arith.constant 0 : i32
      %dma_wait3A_717 = tpu.memref_slice %arg3[%add3A_704, %dma_wait3A_716] : memref<800x128xi32, #tpu.memory_space<hbm>> -> memref<1x128xi32, #tpu.memory_space<hbm>>
      %dma_wait3A_718 = tpu.memref_squeeze %dma_wait3A_717 : memref<1x128xi32, #tpu.memory_space<hbm>> -> memref<128xi32, #tpu.memory_space<hbm>>
      tpu.wait_dma2 semaphore(%arg13 : memref<!tpu.dma_semaphore, #tpu.memory_space<semaphore_mem>>) src(%dma_wait3A_718 : memref<128xi32, #tpu.memory_space<hbm>>) dst(%dma_wait3A_715 : memref<128xi32, #tpu.memory_space<vmem>>)
      %dma_wait3A_719 = arith.constant 0 : i32
      %dma_wait3A_720 = arith.constant 0 : i32
      %dma_wait3A_721 = arith.constant 0 : i32
      %dma_wait3A_722 = tpu.memref_slice %arg7[%dma_wait3A_719, %dma_wait3A_720, %dma_wait3A_721] : memref<2x128x128xf32, #tpu.memory_space<vmem>> -> memref<1x125x128xf32, #tpu.memory_space<vmem>>
      %dma_wait3A_723 = tpu.memref_squeeze %dma_wait3A_722 : memref<1x125x128xf32, #tpu.memory_space<vmem>> -> memref<125x128xf32, #tpu.memory_space<vmem>>
      %dma_wait3A_724 = arith.constant 0 : i32
      %dma_wait3A_725 = tpu.memref_slice %arg2[%add3A_706, %dma_wait3A_724] : memref<100000x128xf32, #tpu.memory_space<hbm>> -> memref<125x128xf32, #tpu.memory_space<hbm>>
      %dma_wait3A_726 = arith.constant 0 : i32
      %dma_wait3A_727 = arith.constant 0 : i32
      %dma_wait3A_728 = tpu.memref_slice %arg7[%dma_wait3A_719, %dma_wait3A_726, %dma_wait3A_727] : memref<2x128x128xf32, #tpu.memory_space<vmem>> -> memref<1x125x128xf32, #tpu.memory_space<vmem>>
      %dma_wait3A_729 = tpu.memref_squeeze %dma_wait3A_728 : memref<1x125x128xf32, #tpu.memory_space<vmem>> -> memref<125x128xf32, #tpu.memory_space<vmem>>
      %dma_wait3A_730 = arith.constant 0 : i32
      %dma_wait3A_731 = tpu.memref_slice %arg2[%add3A_706, %dma_wait3A_730] : memref<100000x128xf32, #tpu.memory_space<hbm>> -> memref<125x128xf32, #tpu.memory_space<hbm>>
      tpu.wait_dma2 semaphore(%arg15 : memref<!tpu.dma_semaphore, #tpu.memory_space<semaphore_mem>>) src(%dma_wait3A_731 : memref<125x128xf32, #tpu.memory_space<hbm>>) dst(%dma_wait3A_729 : memref<125x128xf32, #tpu.memory_space<vmem>>)
      %run_scoped3A = arith.constant 0 : i32
      %run_scoped3A_732 = arith.constant 0 : i32
      "tpu.region"() ({
        %run_scoped3A_739 = tpu.sem_alloc : memref<!tpu.dma_semaphore, #tpu.memory_space<semaphore_mem>>
        %dma_start3A_740 = arith.constant 0 : i32
        %dma_start3A_741 = arith.constant 0 : i32
        %dma_start3A_742 = tpu.memref_slice %arg7[%run_scoped3A, %dma_start3A_740, %dma_start3A_741] : memref<2x128x128xf32, #tpu.memory_space<vmem>> -> memref<1x128x128xf32, #tpu.memory_space<vmem>>
        %dma_start3A_743 = tpu.memref_squeeze %dma_start3A_742 : memref<1x128x128xf32, #tpu.memory_space<vmem>> -> memref<128x128xf32, #tpu.memory_space<vmem>>
        %dma_start3A_744 = arith.constant 0 : i32
        %dma_start3A_745 = tpu.memref_slice %arg6[%run_scoped3A_732, %dma_start3A_744] : memref<2x128xi32, #tpu.memory_space<vmem>> -> memref<1x128xi32, #tpu.memory_space<vmem>>
        %dma_start3A_746 = tpu.memref_squeeze %dma_start3A_745 : memref<1x128xi32, #tpu.memory_space<vmem>> -> memref<128xi32, #tpu.memory_space<vmem>>
        %dma_start3A_747 = arith.constant 0 : i32
        %dma_start3A_748 = arith.constant 0 : i32
        %dma_start3A_749 = tpu.memref_slice %arg11[%dma_start3A_747, %dma_start3A_748] : memref<1040x128xf32, #tpu.memory_space<vmem_shared>> -> memref<1040x128xf32, #tpu.memory_space<vmem_shared>>
        tpu.enqueue_indirect_dma source(%dma_start3A_743 : memref<128x128xf32, #tpu.memory_space<vmem>>) target(%dma_start3A_749 : memref<1040x128xf32, #tpu.memory_space<vmem_shared>>) offsets(%dma_start3A_746 : memref<128xi32, #tpu.memory_space<vmem>>) semaphore(%run_scoped3A_739 : memref<!tpu.dma_semaphore, #tpu.memory_space<semaphore_mem>>) {add = true}
        %dma_wait3A_750 = arith.constant 0 : i32
        %dma_wait3A_751 = arith.constant 0 : i32
        %dma_wait3A_752 = tpu.memref_slice %arg7[%run_scoped3A, %dma_wait3A_750, %dma_wait3A_751] : memref<2x128x128xf32, #tpu.memory_space<vmem>> -> memref<1x128x128xf32, #tpu.memory_space<vmem>>
        %dma_wait3A_753 = tpu.memref_squeeze %dma_wait3A_752 : memref<1x128x128xf32, #tpu.memory_space<vmem>> -> memref<128x128xf32, #tpu.memory_space<vmem>>
        %dma_wait3A_754 = arith.constant 0 : i32
        %dma_wait3A_755 = tpu.memref_slice %arg6[%run_scoped3A_732, %dma_wait3A_754] : memref<2x128xi32, #tpu.memory_space<vmem>> -> memref<1x128xi32, #tpu.memory_space<vmem>>
        %dma_wait3A_756 = tpu.memref_squeeze %dma_wait3A_755 : memref<1x128xi32, #tpu.memory_space<vmem>> -> memref<128xi32, #tpu.memory_space<vmem>>
        %dma_wait3A_757 = arith.constant 0 : i32
        %dma_wait3A_758 = arith.constant 0 : i32
        %dma_wait3A_759 = tpu.memref_slice %arg11[%dma_wait3A_757, %dma_wait3A_758] : memref<1040x128xf32, #tpu.memory_space<vmem_shared>> -> memref<1040x128xf32, #tpu.memory_space<vmem_shared>>
        tpu.wait_indirect_dma semaphore(%run_scoped3A_739 : memref<!tpu.dma_semaphore, #tpu.memory_space<semaphore_mem>>) src(%dma_wait3A_753 : memref<128x128xf32, #tpu.memory_space<vmem>>) dst(%dma_wait3A_759 : memref<1040x128xf32, #tpu.memory_space<vmem_shared>>)
        tpu.yield
      }) : () -> ()
      %run_scoped3A_733 = arith.constant 0 : i32
      "tpu.region"() ({
        %run_scoped3A_739 = tpu.sem_alloc : memref<!tpu.dma_semaphore, #tpu.memory_space<semaphore_mem>>
        %dma_start3A_740 = arith.constant 0 : i32
        %dma_start3A_741 = tpu.memref_slice %arg6[%run_scoped3A_733, %dma_start3A_740] : memref<2x128xi32, #tpu.memory_space<vmem>> -> memref<1x128xi32, #tpu.memory_space<vmem>>
        %dma_start3A_742 = tpu.memref_squeeze %dma_start3A_741 : memref<1x128xi32, #tpu.memory_space<vmem>> -> memref<128xi32, #tpu.memory_space<vmem>>
        %dma_start3A_743 = arith.constant 0 : i32
        %dma_start3A_744 = arith.constant 0 : i32
        %dma_start3A_745 = tpu.memref_slice %arg12[%dma_start3A_743, %dma_start3A_744] : memref<1040x16xf32, #tpu.memory_space<vmem_shared>> -> memref<1040x16xf32, #tpu.memory_space<vmem_shared>>
        tpu.enqueue_indirect_dma source(%arg8 : memref<128x16xf32, #tpu.memory_space<vmem>>) target(%dma_start3A_745 : memref<1040x16xf32, #tpu.memory_space<vmem_shared>>) offsets(%dma_start3A_742 : memref<128xi32, #tpu.memory_space<vmem>>) semaphore(%run_scoped3A_739 : memref<!tpu.dma_semaphore, #tpu.memory_space<semaphore_mem>>) {add = true}
        %dma_wait3A_746 = arith.constant 0 : i32
        %dma_wait3A_747 = tpu.memref_slice %arg6[%run_scoped3A_733, %dma_wait3A_746] : memref<2x128xi32, #tpu.memory_space<vmem>> -> memref<1x128xi32, #tpu.memory_space<vmem>>
        %dma_wait3A_748 = tpu.memref_squeeze %dma_wait3A_747 : memref<1x128xi32, #tpu.memory_space<vmem>> -> memref<128xi32, #tpu.memory_space<vmem>>
        %dma_wait3A_749 = arith.constant 0 : i32
        %dma_wait3A_750 = arith.constant 0 : i32
        %dma_wait3A_751 = tpu.memref_slice %arg12[%dma_wait3A_749, %dma_wait3A_750] : memref<1040x16xf32, #tpu.memory_space<vmem_shared>> -> memref<1040x16xf32, #tpu.memory_space<vmem_shared>>
        tpu.wait_indirect_dma semaphore(%run_scoped3A_739 : memref<!tpu.dma_semaphore, #tpu.memory_space<semaphore_mem>>) src(%arg8 : memref<128x16xf32, #tpu.memory_space<vmem>>) dst(%dma_wait3A_751 : memref<1040x16xf32, #tpu.memory_space<vmem_shared>>)
        tpu.yield
      }) : () -> ()
      %gt3A_734 = arith.constant 2 : i32
      %gt3A_735 = arith.cmpi sgt, %select_n3A, %gt3A_734 : i32
      %convert_element_type3A_736 = arith.extui %gt3A_735 : i1 to i32
      %cond3A_737 = arith.constant 0 : i32
      %cond3A_738 = arith.cmpi ne, %convert_element_type3A_736, %cond3A_737 : i32
      scf.if %cond3A_738 {
        %add3A_739 = arith.constant 2 : i32
        %add3A_740 = arith.addi %select_n3A_8, %add3A_739 : i32
        %add3A_741 = arith.constant 250 : i32
        %add3A_742 = arith.addi %mul3A_10, %add3A_741 : i32
        %dma_start3A_743 = arith.constant 0 : i32
        %dma_start3A_744 = arith.constant 0 : i32
        %dma_start3A_745 = tpu.memref_slice %arg6[%dma_start3A_743, %dma_start3A_744] : memref<2x128xi32, #tpu.memory_space<vmem>> -> memref<1x128xi32, #tpu.memory_space<vmem>>
        %dma_start3A_746 = tpu.memref_squeeze %dma_start3A_745 : memref<1x128xi32, #tpu.memory_space<vmem>> -> memref<128xi32, #tpu.memory_space<vmem>>
        %dma_start3A_747 = arith.constant 0 : i32
        %dma_start3A_748 = tpu.memref_slice %arg3[%add3A_740, %dma_start3A_747] : memref<800x128xi32, #tpu.memory_space<hbm>> -> memref<1x128xi32, #tpu.memory_space<hbm>>
        %dma_start3A_749 = tpu.memref_squeeze %dma_start3A_748 : memref<1x128xi32, #tpu.memory_space<hbm>> -> memref<128xi32, #tpu.memory_space<hbm>>
        %dma_start3A_750 = arith.constant 0 : i32
        %dma_start3A_751 = tpu.memref_slice %arg6[%dma_start3A_743, %dma_start3A_750] : memref<2x128xi32, #tpu.memory_space<vmem>> -> memref<1x128xi32, #tpu.memory_space<vmem>>
        %dma_start3A_752 = tpu.memref_squeeze %dma_start3A_751 : memref<1x128xi32, #tpu.memory_space<vmem>> -> memref<128xi32, #tpu.memory_space<vmem>>
        %dma_start3A_753 = arith.constant 0 : i32
        %dma_start3A_754 = tpu.memref_slice %arg3[%add3A_740, %dma_start3A_753] : memref<800x128xi32, #tpu.memory_space<hbm>> -> memref<1x128xi32, #tpu.memory_space<hbm>>
        %dma_start3A_755 = tpu.memref_squeeze %dma_start3A_754 : memref<1x128xi32, #tpu.memory_space<hbm>> -> memref<128xi32, #tpu.memory_space<hbm>>
        tpu.enqueue_dma source(%dma_start3A_755 : memref<128xi32, #tpu.memory_space<hbm>>) target(%dma_start3A_752 : memref<128xi32, #tpu.memory_space<vmem>>) target_semaphore(%arg13 : memref<!tpu.dma_semaphore, #tpu.memory_space<semaphore_mem>>)
        %dma_start3A_756 = arith.constant 0 : i32
        %dma_start3A_757 = arith.constant 0 : i32
        %dma_start3A_758 = arith.constant 0 : i32
        %dma_start3A_759 = tpu.memref_slice %arg7[%dma_start3A_756, %dma_start3A_757, %dma_start3A_758] : memref<2x128x128xf32, #tpu.memory_space<vmem>> -> memref<1x125x128xf32, #tpu.memory_space<vmem>>
        %dma_start3A_760 = tpu.memref_squeeze %dma_start3A_759 : memref<1x125x128xf32, #tpu.memory_space<vmem>> -> memref<125x128xf32, #tpu.memory_space<vmem>>
        %dma_start3A_761 = arith.constant 0 : i32
        %dma_start3A_762 = tpu.memref_slice %arg2[%add3A_742, %dma_start3A_761] : memref<100000x128xf32, #tpu.memory_space<hbm>> -> memref<125x128xf32, #tpu.memory_space<hbm>>
        %dma_start3A_763 = arith.constant 0 : i32
        %dma_start3A_764 = arith.constant 0 : i32
        %dma_start3A_765 = tpu.memref_slice %arg7[%dma_start3A_756, %dma_start3A_763, %dma_start3A_764] : memref<2x128x128xf32, #tpu.memory_space<vmem>> -> memref<1x125x128xf32, #tpu.memory_space<vmem>>
        %dma_start3A_766 = tpu.memref_squeeze %dma_start3A_765 : memref<1x125x128xf32, #tpu.memory_space<vmem>> -> memref<125x128xf32, #tpu.memory_space<vmem>>
        %dma_start3A_767 = arith.constant 0 : i32
        %dma_start3A_768 = tpu.memref_slice %arg2[%add3A_742, %dma_start3A_767] : memref<100000x128xf32, #tpu.memory_space<hbm>> -> memref<125x128xf32, #tpu.memory_space<hbm>>
        tpu.enqueue_dma source(%dma_start3A_768 : memref<125x128xf32, #tpu.memory_space<hbm>>) target(%dma_start3A_766 : memref<125x128xf32, #tpu.memory_space<vmem>>) target_semaphore(%arg15 : memref<!tpu.dma_semaphore, #tpu.memory_space<semaphore_mem>>)
      } else {
      }
    } else {
    }
    %gt3A_565 = arith.constant 1 : i32
    %gt3A_566 = arith.cmpi sgt, %select_n3A, %gt3A_565 : i32
    %convert_element_type3A_567 = arith.extui %gt3A_566 : i1 to i32
    %cond3A_568 = arith.constant 0 : i32
    %cond3A_569 = arith.cmpi ne, %convert_element_type3A_567, %cond3A_568 : i32
    scf.if %cond3A_569 {
      %add3A_703 = arith.constant 1 : i32
      %add3A_704 = arith.addi %select_n3A_8, %add3A_703 : i32
      %add3A_705 = arith.constant 125 : i32
      %add3A_706 = arith.addi %mul3A_10, %add3A_705 : i32
      %dma_wait3A = arith.constant 1 : i32
      %dma_wait3A_707 = arith.constant 0 : i32
      %dma_wait3A_708 = tpu.memref_slice %arg6[%dma_wait3A, %dma_wait3A_707] : memref<2x128xi32, #tpu.memory_space<vmem>> -> memref<1x128xi32, #tpu.memory_space<vmem>>
      %dma_wait3A_709 = tpu.memref_squeeze %dma_wait3A_708 : memref<1x128xi32, #tpu.memory_space<vmem>> -> memref<128xi32, #tpu.memory_space<vmem>>
      %dma_wait3A_710 = arith.constant 0 : i32
      %dma_wait3A_711 = tpu.memref_slice %arg3[%add3A_704, %dma_wait3A_710] : memref<800x128xi32, #tpu.memory_space<hbm>> -> memref<1x128xi32, #tpu.memory_space<hbm>>
      %dma_wait3A_712 = tpu.memref_squeeze %dma_wait3A_711 : memref<1x128xi32, #tpu.memory_space<hbm>> -> memref<128xi32, #tpu.memory_space<hbm>>
      %dma_wait3A_713 = arith.constant 0 : i32
      %dma_wait3A_714 = tpu.memref_slice %arg6[%dma_wait3A, %dma_wait3A_713] : memref<2x128xi32, #tpu.memory_space<vmem>> -> memref<1x128xi32, #tpu.memory_space<vmem>>
      %dma_wait3A_715 = tpu.memref_squeeze %dma_wait3A_714 : memref<1x128xi32, #tpu.memory_space<vmem>> -> memref<128xi32, #tpu.memory_space<vmem>>
      %dma_wait3A_716 = arith.constant 0 : i32
      %dma_wait3A_717 = tpu.memref_slice %arg3[%add3A_704, %dma_wait3A_716] : memref<800x128xi32, #tpu.memory_space<hbm>> -> memref<1x128xi32, #tpu.memory_space<hbm>>
      %dma_wait3A_718 = tpu.memref_squeeze %dma_wait3A_717 : memref<1x128xi32, #tpu.memory_space<hbm>> -> memref<128xi32, #tpu.memory_space<hbm>>
      tpu.wait_dma2 semaphore(%arg14 : memref<!tpu.dma_semaphore, #tpu.memory_space<semaphore_mem>>) src(%dma_wait3A_718 : memref<128xi32, #tpu.memory_space<hbm>>) dst(%dma_wait3A_715 : memref<128xi32, #tpu.memory_space<vmem>>)
      %dma_wait3A_719 = arith.constant 1 : i32
      %dma_wait3A_720 = arith.constant 0 : i32
      %dma_wait3A_721 = arith.constant 0 : i32
      %dma_wait3A_722 = tpu.memref_slice %arg7[%dma_wait3A_719, %dma_wait3A_720, %dma_wait3A_721] : memref<2x128x128xf32, #tpu.memory_space<vmem>> -> memref<1x125x128xf32, #tpu.memory_space<vmem>>
      %dma_wait3A_723 = tpu.memref_squeeze %dma_wait3A_722 : memref<1x125x128xf32, #tpu.memory_space<vmem>> -> memref<125x128xf32, #tpu.memory_space<vmem>>
      %dma_wait3A_724 = arith.constant 0 : i32
      %dma_wait3A_725 = tpu.memref_slice %arg2[%add3A_706, %dma_wait3A_724] : memref<100000x128xf32, #tpu.memory_space<hbm>> -> memref<125x128xf32, #tpu.memory_space<hbm>>
      %dma_wait3A_726 = arith.constant 0 : i32
      %dma_wait3A_727 = arith.constant 0 : i32
      %dma_wait3A_728 = tpu.memref_slice %arg7[%dma_wait3A_719, %dma_wait3A_726, %dma_wait3A_727] : memref<2x128x128xf32, #tpu.memory_space<vmem>> -> memref<1x125x128xf32, #tpu.memory_space<vmem>>
      %dma_wait3A_729 = tpu.memref_squeeze %dma_wait3A_728 : memref<1x125x128xf32, #tpu.memory_space<vmem>> -> memref<125x128xf32, #tpu.memory_space<vmem>>
      %dma_wait3A_730 = arith.constant 0 : i32
      %dma_wait3A_731 = tpu.memref_slice %arg2[%add3A_706, %dma_wait3A_730] : memref<100000x128xf32, #tpu.memory_space<hbm>> -> memref<125x128xf32, #tpu.memory_space<hbm>>
      tpu.wait_dma2 semaphore(%arg16 : memref<!tpu.dma_semaphore, #tpu.memory_space<semaphore_mem>>) src(%dma_wait3A_731 : memref<125x128xf32, #tpu.memory_space<hbm>>) dst(%dma_wait3A_729 : memref<125x128xf32, #tpu.memory_space<vmem>>)
      %run_scoped3A = arith.constant 1 : i32
      %run_scoped3A_732 = arith.constant 1 : i32
      "tpu.region"() ({
        %run_scoped3A_739 = tpu.sem_alloc : memref<!tpu.dma_semaphore, #tpu.memory_space<semaphore_mem>>
        %dma_start3A_740 = arith.constant 0 : i32
        %dma_start3A_741 = arith.constant 0 : i32
        %dma_start3A_742 = tpu.memref_slice %arg7[%run_scoped3A, %dma_start3A_740, %dma_start3A_741] : memref<2x128x128xf32, #tpu.memory_space<vmem>> -> memref<1x128x128xf32, #tpu.memory_space<vmem>>
        %dma_start3A_743 = tpu.memref_squeeze %dma_start3A_742 : memref<1x128x128xf32, #tpu.memory_space<vmem>> -> memref<128x128xf32, #tpu.memory_space<vmem>>
        %dma_start3A_744 = arith.constant 0 : i32
        %dma_start3A_745 = tpu.memref_slice %arg6[%run_scoped3A_732, %dma_start3A_744] : memref<2x128xi32, #tpu.memory_space<vmem>> -> memref<1x128xi32, #tpu.memory_space<vmem>>
        %dma_start3A_746 = tpu.memref_squeeze %dma_start3A_745 : memref<1x128xi32, #tpu.memory_space<vmem>> -> memref<128xi32, #tpu.memory_space<vmem>>
        %dma_start3A_747 = arith.constant 0 : i32
        %dma_start3A_748 = arith.constant 0 : i32
        %dma_start3A_749 = tpu.memref_slice %arg11[%dma_start3A_747, %dma_start3A_748] : memref<1040x128xf32, #tpu.memory_space<vmem_shared>> -> memref<1040x128xf32, #tpu.memory_space<vmem_shared>>
        tpu.enqueue_indirect_dma source(%dma_start3A_743 : memref<128x128xf32, #tpu.memory_space<vmem>>) target(%dma_start3A_749 : memref<1040x128xf32, #tpu.memory_space<vmem_shared>>) offsets(%dma_start3A_746 : memref<128xi32, #tpu.memory_space<vmem>>) semaphore(%run_scoped3A_739 : memref<!tpu.dma_semaphore, #tpu.memory_space<semaphore_mem>>) {add = true}
        %dma_wait3A_750 = arith.constant 0 : i32
        %dma_wait3A_751 = arith.constant 0 : i32
        %dma_wait3A_752 = tpu.memref_slice %arg7[%run_scoped3A, %dma_wait3A_750, %dma_wait3A_751] : memref<2x128x128xf32, #tpu.memory_space<vmem>> -> memref<1x128x128xf32, #tpu.memory_space<vmem>>
        %dma_wait3A_753 = tpu.memref_squeeze %dma_wait3A_752 : memref<1x128x128xf32, #tpu.memory_space<vmem>> -> memref<128x128xf32, #tpu.memory_space<vmem>>
        %dma_wait3A_754 = arith.constant 0 : i32
        %dma_wait3A_755 = tpu.memref_slice %arg6[%run_scoped3A_732, %dma_wait3A_754] : memref<2x128xi32, #tpu.memory_space<vmem>> -> memref<1x128xi32, #tpu.memory_space<vmem>>
        %dma_wait3A_756 = tpu.memref_squeeze %dma_wait3A_755 : memref<1x128xi32, #tpu.memory_space<vmem>> -> memref<128xi32, #tpu.memory_space<vmem>>
        %dma_wait3A_757 = arith.constant 0 : i32
        %dma_wait3A_758 = arith.constant 0 : i32
        %dma_wait3A_759 = tpu.memref_slice %arg11[%dma_wait3A_757, %dma_wait3A_758] : memref<1040x128xf32, #tpu.memory_space<vmem_shared>> -> memref<1040x128xf32, #tpu.memory_space<vmem_shared>>
        tpu.wait_indirect_dma semaphore(%run_scoped3A_739 : memref<!tpu.dma_semaphore, #tpu.memory_space<semaphore_mem>>) src(%dma_wait3A_753 : memref<128x128xf32, #tpu.memory_space<vmem>>) dst(%dma_wait3A_759 : memref<1040x128xf32, #tpu.memory_space<vmem_shared>>)
        tpu.yield
      }) : () -> ()
      %run_scoped3A_733 = arith.constant 1 : i32
      "tpu.region"() ({
        %run_scoped3A_739 = tpu.sem_alloc : memref<!tpu.dma_semaphore, #tpu.memory_space<semaphore_mem>>
        %dma_start3A_740 = arith.constant 0 : i32
        %dma_start3A_741 = tpu.memref_slice %arg6[%run_scoped3A_733, %dma_start3A_740] : memref<2x128xi32, #tpu.memory_space<vmem>> -> memref<1x128xi32, #tpu.memory_space<vmem>>
        %dma_start3A_742 = tpu.memref_squeeze %dma_start3A_741 : memref<1x128xi32, #tpu.memory_space<vmem>> -> memref<128xi32, #tpu.memory_space<vmem>>
        %dma_start3A_743 = arith.constant 0 : i32
        %dma_start3A_744 = arith.constant 0 : i32
        %dma_start3A_745 = tpu.memref_slice %arg12[%dma_start3A_743, %dma_start3A_744] : memref<1040x16xf32, #tpu.memory_space<vmem_shared>> -> memref<1040x16xf32, #tpu.memory_space<vmem_shared>>
        tpu.enqueue_indirect_dma source(%arg8 : memref<128x16xf32, #tpu.memory_space<vmem>>) target(%dma_start3A_745 : memref<1040x16xf32, #tpu.memory_space<vmem_shared>>) offsets(%dma_start3A_742 : memref<128xi32, #tpu.memory_space<vmem>>) semaphore(%run_scoped3A_739 : memref<!tpu.dma_semaphore, #tpu.memory_space<semaphore_mem>>) {add = true}
        %dma_wait3A_746 = arith.constant 0 : i32
        %dma_wait3A_747 = tpu.memref_slice %arg6[%run_scoped3A_733, %dma_wait3A_746] : memref<2x128xi32, #tpu.memory_space<vmem>> -> memref<1x128xi32, #tpu.memory_space<vmem>>
        %dma_wait3A_748 = tpu.memref_squeeze %dma_wait3A_747 : memref<1x128xi32, #tpu.memory_space<vmem>> -> memref<128xi32, #tpu.memory_space<vmem>>
        %dma_wait3A_749 = arith.constant 0 : i32
        %dma_wait3A_750 = arith.constant 0 : i32
        %dma_wait3A_751 = tpu.memref_slice %arg12[%dma_wait3A_749, %dma_wait3A_750] : memref<1040x16xf32, #tpu.memory_space<vmem_shared>> -> memref<1040x16xf32, #tpu.memory_space<vmem_shared>>
        tpu.wait_indirect_dma semaphore(%run_scoped3A_739 : memref<!tpu.dma_semaphore, #tpu.memory_space<semaphore_mem>>) src(%arg8 : memref<128x16xf32, #tpu.memory_space<vmem>>) dst(%dma_wait3A_751 : memref<1040x16xf32, #tpu.memory_space<vmem_shared>>)
        tpu.yield
      }) : () -> ()
      %gt3A_734 = arith.constant 3 : i32
      %gt3A_735 = arith.cmpi sgt, %select_n3A, %gt3A_734 : i32
      %convert_element_type3A_736 = arith.extui %gt3A_735 : i1 to i32
      %cond3A_737 = arith.constant 0 : i32
      %cond3A_738 = arith.cmpi ne, %convert_element_type3A_736, %cond3A_737 : i32
      scf.if %cond3A_738 {
        %add3A_739 = arith.constant 3 : i32
        %add3A_740 = arith.addi %select_n3A_8, %add3A_739 : i32
        %add3A_741 = arith.constant 375 : i32
        %add3A_742 = arith.addi %mul3A_10, %add3A_741 : i32
        %dma_start3A_743 = arith.constant 1 : i32
        %dma_start3A_744 = arith.constant 0 : i32
        %dma_start3A_745 = tpu.memref_slice %arg6[%dma_start3A_743, %dma_start3A_744] : memref<2x128xi32, #tpu.memory_space<vmem>> -> memref<1x128xi32, #tpu.memory_space<vmem>>
        %dma_start3A_746 = tpu.memref_squeeze %dma_start3A_745 : memref<1x128xi32, #tpu.memory_space<vmem>> -> memref<128xi32, #tpu.memory_space<vmem>>
        %dma_start3A_747 = arith.constant 0 : i32
        %dma_start3A_748 = tpu.memref_slice %arg3[%add3A_740, %dma_start3A_747] : memref<800x128xi32, #tpu.memory_space<hbm>> -> memref<1x128xi32, #tpu.memory_space<hbm>>
        %dma_start3A_749 = tpu.memref_squeeze %dma_start3A_748 : memref<1x128xi32, #tpu.memory_space<hbm>> -> memref<128xi32, #tpu.memory_space<hbm>>
        %dma_start3A_750 = arith.constant 0 : i32
        %dma_start3A_751 = tpu.memref_slice %arg6[%dma_start3A_743, %dma_start3A_750] : memref<2x128xi32, #tpu.memory_space<vmem>> -> memref<1x128xi32, #tpu.memory_space<vmem>>
        %dma_start3A_752 = tpu.memref_squeeze %dma_start3A_751 : memref<1x128xi32, #tpu.memory_space<vmem>> -> memref<128xi32, #tpu.memory_space<vmem>>
        %dma_start3A_753 = arith.constant 0 : i32
        %dma_start3A_754 = tpu.memref_slice %arg3[%add3A_740, %dma_start3A_753] : memref<800x128xi32, #tpu.memory_space<hbm>> -> memref<1x128xi32, #tpu.memory_space<hbm>>
        %dma_start3A_755 = tpu.memref_squeeze %dma_start3A_754 : memref<1x128xi32, #tpu.memory_space<hbm>> -> memref<128xi32, #tpu.memory_space<hbm>>
        tpu.enqueue_dma source(%dma_start3A_755 : memref<128xi32, #tpu.memory_space<hbm>>) target(%dma_start3A_752 : memref<128xi32, #tpu.memory_space<vmem>>) target_semaphore(%arg14 : memref<!tpu.dma_semaphore, #tpu.memory_space<semaphore_mem>>)
        %dma_start3A_756 = arith.constant 1 : i32
        %dma_start3A_757 = arith.constant 0 : i32
        %dma_start3A_758 = arith.constant 0 : i32
        %dma_start3A_759 = tpu.memref_slice %arg7[%dma_start3A_756, %dma_start3A_757, %dma_start3A_758] : memref<2x128x128xf32, #tpu.memory_space<vmem>> -> memref<1x125x128xf32, #tpu.memory_space<vmem>>
        %dma_start3A_760 = tpu.memref_squeeze %dma_start3A_759 : memref<1x125x128xf32, #tpu.memory_space<vmem>> -> memref<125x128xf32, #tpu.memory_space<vmem>>
        %dma_start3A_761 = arith.constant 0 : i32
        %dma_start3A_762 = tpu.memref_slice %arg2[%add3A_742, %dma_start3A_761] : memref<100000x128xf32, #tpu.memory_space<hbm>> -> memref<125x128xf32, #tpu.memory_space<hbm>>
        %dma_start3A_763 = arith.constant 0 : i32
        %dma_start3A_764 = arith.constant 0 : i32
        %dma_start3A_765 = tpu.memref_slice %arg7[%dma_start3A_756, %dma_start3A_763, %dma_start3A_764] : memref<2x128x128xf32, #tpu.memory_space<vmem>> -> memref<1x125x128xf32, #tpu.memory_space<vmem>>
        %dma_start3A_766 = tpu.memref_squeeze %dma_start3A_765 : memref<1x125x128xf32, #tpu.memory_space<vmem>> -> memref<125x128xf32, #tpu.memory_space<vmem>>
        %dma_start3A_767 = arith.constant 0 : i32
        %dma_start3A_768 = tpu.memref_slice %arg2[%add3A_742, %dma_start3A_767] : memref<100000x128xf32, #tpu.memory_space<hbm>> -> memref<125x128xf32, #tpu.memory_space<hbm>>
        tpu.enqueue_dma source(%dma_start3A_768 : memref<125x128xf32, #tpu.memory_space<hbm>>) target(%dma_start3A_766 : memref<125x128xf32, #tpu.memory_space<vmem>>) target_semaphore(%arg16 : memref<!tpu.dma_semaphore, #tpu.memory_space<semaphore_mem>>)
      } else {
      }
    } else {
    }
    %gt3A_570 = arith.constant 2 : i32
    %gt3A_571 = arith.cmpi sgt, %select_n3A, %gt3A_570 : i32
    %convert_element_type3A_572 = arith.extui %gt3A_571 : i1 to i32
    %cond3A_573 = arith.constant 0 : i32
    %cond3A_574 = arith.cmpi ne, %convert_element_type3A_572, %cond3A_573 : i32
    scf.if %cond3A_574 {
      %add3A_703 = arith.constant 2 : i32
      %add3A_704 = arith.addi %select_n3A_8, %add3A_703 : i32
      %add3A_705 = arith.constant 250 : i32
      %add3A_706 = arith.addi %mul3A_10, %add3A_705 : i32
      %dma_wait3A = arith.constant 0 : i32
      %dma_wait3A_707 = arith.constant 0 : i32
      %dma_wait3A_708 = tpu.memref_slice %arg6[%dma_wait3A, %dma_wait3A_707] : memref<2x128xi32, #tpu.memory_space<vmem>> -> memref<1x128xi32, #tpu.memory_space<vmem>>
      %dma_wait3A_709 = tpu.memref_squeeze %dma_wait3A_708 : memref<1x128xi32, #tpu.memory_space<vmem>> -> memref<128xi32, #tpu.memory_space<vmem>>
      %dma_wait3A_710 = arith.constant 0 : i32
      %dma_wait3A_711 = tpu.memref_slice %arg3[%add3A_704, %dma_wait3A_710] : memref<800x128xi32, #tpu.memory_space<hbm>> -> memref<1x128xi32, #tpu.memory_space<hbm>>
      %dma_wait3A_712 = tpu.memref_squeeze %dma_wait3A_711 : memref<1x128xi32, #tpu.memory_space<hbm>> -> memref<128xi32, #tpu.memory_space<hbm>>
      %dma_wait3A_713 = arith.constant 0 : i32
      %dma_wait3A_714 = tpu.memref_slice %arg6[%dma_wait3A, %dma_wait3A_713] : memref<2x128xi32, #tpu.memory_space<vmem>> -> memref<1x128xi32, #tpu.memory_space<vmem>>
      %dma_wait3A_715 = tpu.memref_squeeze %dma_wait3A_714 : memref<1x128xi32, #tpu.memory_space<vmem>> -> memref<128xi32, #tpu.memory_space<vmem>>
      %dma_wait3A_716 = arith.constant 0 : i32
      %dma_wait3A_717 = tpu.memref_slice %arg3[%add3A_704, %dma_wait3A_716] : memref<800x128xi32, #tpu.memory_space<hbm>> -> memref<1x128xi32, #tpu.memory_space<hbm>>
      %dma_wait3A_718 = tpu.memref_squeeze %dma_wait3A_717 : memref<1x128xi32, #tpu.memory_space<hbm>> -> memref<128xi32, #tpu.memory_space<hbm>>
      tpu.wait_dma2 semaphore(%arg13 : memref<!tpu.dma_semaphore, #tpu.memory_space<semaphore_mem>>) src(%dma_wait3A_718 : memref<128xi32, #tpu.memory_space<hbm>>) dst(%dma_wait3A_715 : memref<128xi32, #tpu.memory_space<vmem>>)
      %dma_wait3A_719 = arith.constant 0 : i32
      %dma_wait3A_720 = arith.constant 0 : i32
      %dma_wait3A_721 = arith.constant 0 : i32
      %dma_wait3A_722 = tpu.memref_slice %arg7[%dma_wait3A_719, %dma_wait3A_720, %dma_wait3A_721] : memref<2x128x128xf32, #tpu.memory_space<vmem>> -> memref<1x125x128xf32, #tpu.memory_space<vmem>>
      %dma_wait3A_723 = tpu.memref_squeeze %dma_wait3A_722 : memref<1x125x128xf32, #tpu.memory_space<vmem>> -> memref<125x128xf32, #tpu.memory_space<vmem>>
      %dma_wait3A_724 = arith.constant 0 : i32
      %dma_wait3A_725 = tpu.memref_slice %arg2[%add3A_706, %dma_wait3A_724] : memref<100000x128xf32, #tpu.memory_space<hbm>> -> memref<125x128xf32, #tpu.memory_space<hbm>>
      %dma_wait3A_726 = arith.constant 0 : i32
      %dma_wait3A_727 = arith.constant 0 : i32
      %dma_wait3A_728 = tpu.memref_slice %arg7[%dma_wait3A_719, %dma_wait3A_726, %dma_wait3A_727] : memref<2x128x128xf32, #tpu.memory_space<vmem>> -> memref<1x125x128xf32, #tpu.memory_space<vmem>>
      %dma_wait3A_729 = tpu.memref_squeeze %dma_wait3A_728 : memref<1x125x128xf32, #tpu.memory_space<vmem>> -> memref<125x128xf32, #tpu.memory_space<vmem>>
      %dma_wait3A_730 = arith.constant 0 : i32
      %dma_wait3A_731 = tpu.memref_slice %arg2[%add3A_706, %dma_wait3A_730] : memref<100000x128xf32, #tpu.memory_space<hbm>> -> memref<125x128xf32, #tpu.memory_space<hbm>>
      tpu.wait_dma2 semaphore(%arg15 : memref<!tpu.dma_semaphore, #tpu.memory_space<semaphore_mem>>) src(%dma_wait3A_731 : memref<125x128xf32, #tpu.memory_space<hbm>>) dst(%dma_wait3A_729 : memref<125x128xf32, #tpu.memory_space<vmem>>)
      %run_scoped3A = arith.constant 0 : i32
      %run_scoped3A_732 = arith.constant 0 : i32
      "tpu.region"() ({
        %run_scoped3A_739 = tpu.sem_alloc : memref<!tpu.dma_semaphore, #tpu.memory_space<semaphore_mem>>
        %dma_start3A_740 = arith.constant 0 : i32
        %dma_start3A_741 = arith.constant 0 : i32
        %dma_start3A_742 = tpu.memref_slice %arg7[%run_scoped3A, %dma_start3A_740, %dma_start3A_741] : memref<2x128x128xf32, #tpu.memory_space<vmem>> -> memref<1x128x128xf32, #tpu.memory_space<vmem>>
        %dma_start3A_743 = tpu.memref_squeeze %dma_start3A_742 : memref<1x128x128xf32, #tpu.memory_space<vmem>> -> memref<128x128xf32, #tpu.memory_space<vmem>>
        %dma_start3A_744 = arith.constant 0 : i32
        %dma_start3A_745 = tpu.memref_slice %arg6[%run_scoped3A_732, %dma_start3A_744] : memref<2x128xi32, #tpu.memory_space<vmem>> -> memref<1x128xi32, #tpu.memory_space<vmem>>
        %dma_start3A_746 = tpu.memref_squeeze %dma_start3A_745 : memref<1x128xi32, #tpu.memory_space<vmem>> -> memref<128xi32, #tpu.memory_space<vmem>>
        %dma_start3A_747 = arith.constant 0 : i32
        %dma_start3A_748 = arith.constant 0 : i32
        %dma_start3A_749 = tpu.memref_slice %arg11[%dma_start3A_747, %dma_start3A_748] : memref<1040x128xf32, #tpu.memory_space<vmem_shared>> -> memref<1040x128xf32, #tpu.memory_space<vmem_shared>>
        tpu.enqueue_indirect_dma source(%dma_start3A_743 : memref<128x128xf32, #tpu.memory_space<vmem>>) target(%dma_start3A_749 : memref<1040x128xf32, #tpu.memory_space<vmem_shared>>) offsets(%dma_start3A_746 : memref<128xi32, #tpu.memory_space<vmem>>) semaphore(%run_scoped3A_739 : memref<!tpu.dma_semaphore, #tpu.memory_space<semaphore_mem>>) {add = true}
        %dma_wait3A_750 = arith.constant 0 : i32
        %dma_wait3A_751 = arith.constant 0 : i32
        %dma_wait3A_752 = tpu.memref_slice %arg7[%run_scoped3A, %dma_wait3A_750, %dma_wait3A_751] : memref<2x128x128xf32, #tpu.memory_space<vmem>> -> memref<1x128x128xf32, #tpu.memory_space<vmem>>
        %dma_wait3A_753 = tpu.memref_squeeze %dma_wait3A_752 : memref<1x128x128xf32, #tpu.memory_space<vmem>> -> memref<128x128xf32, #tpu.memory_space<vmem>>
        %dma_wait3A_754 = arith.constant 0 : i32
        %dma_wait3A_755 = tpu.memref_slice %arg6[%run_scoped3A_732, %dma_wait3A_754] : memref<2x128xi32, #tpu.memory_space<vmem>> -> memref<1x128xi32, #tpu.memory_space<vmem>>
        %dma_wait3A_756 = tpu.memref_squeeze %dma_wait3A_755 : memref<1x128xi32, #tpu.memory_space<vmem>> -> memref<128xi32, #tpu.memory_space<vmem>>
        %dma_wait3A_757 = arith.constant 0 : i32
        %dma_wait3A_758 = arith.constant 0 : i32
        %dma_wait3A_759 = tpu.memref_slice %arg11[%dma_wait3A_757, %dma_wait3A_758] : memref<1040x128xf32, #tpu.memory_space<vmem_shared>> -> memref<1040x128xf32, #tpu.memory_space<vmem_shared>>
        tpu.wait_indirect_dma semaphore(%run_scoped3A_739 : memref<!tpu.dma_semaphore, #tpu.memory_space<semaphore_mem>>) src(%dma_wait3A_753 : memref<128x128xf32, #tpu.memory_space<vmem>>) dst(%dma_wait3A_759 : memref<1040x128xf32, #tpu.memory_space<vmem_shared>>)
        tpu.yield
      }) : () -> ()
      %run_scoped3A_733 = arith.constant 0 : i32
      "tpu.region"() ({
        %run_scoped3A_739 = tpu.sem_alloc : memref<!tpu.dma_semaphore, #tpu.memory_space<semaphore_mem>>
        %dma_start3A_740 = arith.constant 0 : i32
        %dma_start3A_741 = tpu.memref_slice %arg6[%run_scoped3A_733, %dma_start3A_740] : memref<2x128xi32, #tpu.memory_space<vmem>> -> memref<1x128xi32, #tpu.memory_space<vmem>>
        %dma_start3A_742 = tpu.memref_squeeze %dma_start3A_741 : memref<1x128xi32, #tpu.memory_space<vmem>> -> memref<128xi32, #tpu.memory_space<vmem>>
        %dma_start3A_743 = arith.constant 0 : i32
        %dma_start3A_744 = arith.constant 0 : i32
        %dma_start3A_745 = tpu.memref_slice %arg12[%dma_start3A_743, %dma_start3A_744] : memref<1040x16xf32, #tpu.memory_space<vmem_shared>> -> memref<1040x16xf32, #tpu.memory_space<vmem_shared>>
        tpu.enqueue_indirect_dma source(%arg8 : memref<128x16xf32, #tpu.memory_space<vmem>>) target(%dma_start3A_745 : memref<1040x16xf32, #tpu.memory_space<vmem_shared>>) offsets(%dma_start3A_742 : memref<128xi32, #tpu.memory_space<vmem>>) semaphore(%run_scoped3A_739 : memref<!tpu.dma_semaphore, #tpu.memory_space<semaphore_mem>>) {add = true}
        %dma_wait3A_746 = arith.constant 0 : i32
        %dma_wait3A_747 = tpu.memref_slice %arg6[%run_scoped3A_733, %dma_wait3A_746] : memref<2x128xi32, #tpu.memory_space<vmem>> -> memref<1x128xi32, #tpu.memory_space<vmem>>
        %dma_wait3A_748 = tpu.memref_squeeze %dma_wait3A_747 : memref<1x128xi32, #tpu.memory_space<vmem>> -> memref<128xi32, #tpu.memory_space<vmem>>
        %dma_wait3A_749 = arith.constant 0 : i32
        %dma_wait3A_750 = arith.constant 0 : i32
        %dma_wait3A_751 = tpu.memref_slice %arg12[%dma_wait3A_749, %dma_wait3A_750] : memref<1040x16xf32, #tpu.memory_space<vmem_shared>> -> memref<1040x16xf32, #tpu.memory_space<vmem_shared>>
        tpu.wait_indirect_dma semaphore(%run_scoped3A_739 : memref<!tpu.dma_semaphore, #tpu.memory_space<semaphore_mem>>) src(%arg8 : memref<128x16xf32, #tpu.memory_space<vmem>>) dst(%dma_wait3A_751 : memref<1040x16xf32, #tpu.memory_space<vmem_shared>>)
        tpu.yield
      }) : () -> ()
      %gt3A_734 = arith.constant 4 : i32
      %gt3A_735 = arith.cmpi sgt, %select_n3A, %gt3A_734 : i32
      %convert_element_type3A_736 = arith.extui %gt3A_735 : i1 to i32
      %cond3A_737 = arith.constant 0 : i32
      %cond3A_738 = arith.cmpi ne, %convert_element_type3A_736, %cond3A_737 : i32
      scf.if %cond3A_738 {
        %add3A_739 = arith.constant 4 : i32
        %add3A_740 = arith.addi %select_n3A_8, %add3A_739 : i32
        %add3A_741 = arith.constant 500 : i32
        %add3A_742 = arith.addi %mul3A_10, %add3A_741 : i32
        %dma_start3A_743 = arith.constant 0 : i32
        %dma_start3A_744 = arith.constant 0 : i32
        %dma_start3A_745 = tpu.memref_slice %arg6[%dma_start3A_743, %dma_start3A_744] : memref<2x128xi32, #tpu.memory_space<vmem>> -> memref<1x128xi32, #tpu.memory_space<vmem>>
        %dma_start3A_746 = tpu.memref_squeeze %dma_start3A_745 : memref<1x128xi32, #tpu.memory_space<vmem>> -> memref<128xi32, #tpu.memory_space<vmem>>
        %dma_start3A_747 = arith.constant 0 : i32
        %dma_start3A_748 = tpu.memref_slice %arg3[%add3A_740, %dma_start3A_747] : memref<800x128xi32, #tpu.memory_space<hbm>> -> memref<1x128xi32, #tpu.memory_space<hbm>>
        %dma_start3A_749 = tpu.memref_squeeze %dma_start3A_748 : memref<1x128xi32, #tpu.memory_space<hbm>> -> memref<128xi32, #tpu.memory_space<hbm>>
        %dma_start3A_750 = arith.constant 0 : i32
        %dma_start3A_751 = tpu.memref_slice %arg6[%dma_start3A_743, %dma_start3A_750] : memref<2x128xi32, #tpu.memory_space<vmem>> -> memref<1x128xi32, #tpu.memory_space<vmem>>
        %dma_start3A_752 = tpu.memref_squeeze %dma_start3A_751 : memref<1x128xi32, #tpu.memory_space<vmem>> -> memref<128xi32, #tpu.memory_space<vmem>>
        %dma_start3A_753 = arith.constant 0 : i32
        %dma_start3A_754 = tpu.memref_slice %arg3[%add3A_740, %dma_start3A_753] : memref<800x128xi32, #tpu.memory_space<hbm>> -> memref<1x128xi32, #tpu.memory_space<hbm>>
        %dma_start3A_755 = tpu.memref_squeeze %dma_start3A_754 : memref<1x128xi32, #tpu.memory_space<hbm>> -> memref<128xi32, #tpu.memory_space<hbm>>
        tpu.enqueue_dma source(%dma_start3A_755 : memref<128xi32, #tpu.memory_space<hbm>>) target(%dma_start3A_752 : memref<128xi32, #tpu.memory_space<vmem>>) target_semaphore(%arg13 : memref<!tpu.dma_semaphore, #tpu.memory_space<semaphore_mem>>)
        %dma_start3A_756 = arith.constant 0 : i32
        %dma_start3A_757 = arith.constant 0 : i32
        %dma_start3A_758 = arith.constant 0 : i32
        %dma_start3A_759 = tpu.memref_slice %arg7[%dma_start3A_756, %dma_start3A_757, %dma_start3A_758] : memref<2x128x128xf32, #tpu.memory_space<vmem>> -> memref<1x125x128xf32, #tpu.memory_space<vmem>>
        %dma_start3A_760 = tpu.memref_squeeze %dma_start3A_759 : memref<1x125x128xf32, #tpu.memory_space<vmem>> -> memref<125x128xf32, #tpu.memory_space<vmem>>
        %dma_start3A_761 = arith.constant 0 : i32
        %dma_start3A_762 = tpu.memref_slice %arg2[%add3A_742, %dma_start3A_761] : memref<100000x128xf32, #tpu.memory_space<hbm>> -> memref<125x128xf32, #tpu.memory_space<hbm>>
        %dma_start3A_763 = arith.constant 0 : i32
        %dma_start3A_764 = arith.constant 0 : i32
        %dma_start3A_765 = tpu.memref_slice %arg7[%dma_start3A_756, %dma_start3A_763, %dma_start3A_764] : memref<2x128x128xf32, #tpu.memory_space<vmem>> -> memref<1x125x128xf32, #tpu.memory_space<vmem>>
        %dma_start3A_766 = tpu.memref_squeeze %dma_start3A_765 : memref<1x125x128xf32, #tpu.memory_space<vmem>> -> memref<125x128xf32, #tpu.memory_space<vmem>>
        %dma_start3A_767 = arith.constant 0 : i32
        %dma_start3A_768 = tpu.memref_slice %arg2[%add3A_742, %dma_start3A_767] : memref<100000x128xf32, #tpu.memory_space<hbm>> -> memref<125x128xf32, #tpu.memory_space<hbm>>
        tpu.enqueue_dma source(%dma_start3A_768 : memref<125x128xf32, #tpu.memory_space<hbm>>) target(%dma_start3A_766 : memref<125x128xf32, #tpu.memory_space<vmem>>) target_semaphore(%arg15 : memref<!tpu.dma_semaphore, #tpu.memory_space<semaphore_mem>>)
      } else {
      }
    } else {
    }
    %gt3A_575 = arith.constant 3 : i32
    %gt3A_576 = arith.cmpi sgt, %select_n3A, %gt3A_575 : i32
    %convert_element_type3A_577 = arith.extui %gt3A_576 : i1 to i32
    %cond3A_578 = arith.constant 0 : i32
    %cond3A_579 = arith.cmpi ne, %convert_element_type3A_577, %cond3A_578 : i32
    scf.if %cond3A_579 {
      %add3A_703 = arith.constant 3 : i32
      %add3A_704 = arith.addi %select_n3A_8, %add3A_703 : i32
      %add3A_705 = arith.constant 375 : i32
      %add3A_706 = arith.addi %mul3A_10, %add3A_705 : i32
      %dma_wait3A = arith.constant 1 : i32
      %dma_wait3A_707 = arith.constant 0 : i32
      %dma_wait3A_708 = tpu.memref_slice %arg6[%dma_wait3A, %dma_wait3A_707] : memref<2x128xi32, #tpu.memory_space<vmem>> -> memref<1x128xi32, #tpu.memory_space<vmem>>
      %dma_wait3A_709 = tpu.memref_squeeze %dma_wait3A_708 : memref<1x128xi32, #tpu.memory_space<vmem>> -> memref<128xi32, #tpu.memory_space<vmem>>
      %dma_wait3A_710 = arith.constant 0 : i32
      %dma_wait3A_711 = tpu.memref_slice %arg3[%add3A_704, %dma_wait3A_710] : memref<800x128xi32, #tpu.memory_space<hbm>> -> memref<1x128xi32, #tpu.memory_space<hbm>>
      %dma_wait3A_712 = tpu.memref_squeeze %dma_wait3A_711 : memref<1x128xi32, #tpu.memory_space<hbm>> -> memref<128xi32, #tpu.memory_space<hbm>>
      %dma_wait3A_713 = arith.constant 0 : i32
      %dma_wait3A_714 = tpu.memref_slice %arg6[%dma_wait3A, %dma_wait3A_713] : memref<2x128xi32, #tpu.memory_space<vmem>> -> memref<1x128xi32, #tpu.memory_space<vmem>>
      %dma_wait3A_715 = tpu.memref_squeeze %dma_wait3A_714 : memref<1x128xi32, #tpu.memory_space<vmem>> -> memref<128xi32, #tpu.memory_space<vmem>>
      %dma_wait3A_716 = arith.constant 0 : i32
      %dma_wait3A_717 = tpu.memref_slice %arg3[%add3A_704, %dma_wait3A_716] : memref<800x128xi32, #tpu.memory_space<hbm>> -> memref<1x128xi32, #tpu.memory_space<hbm>>
      %dma_wait3A_718 = tpu.memref_squeeze %dma_wait3A_717 : memref<1x128xi32, #tpu.memory_space<hbm>> -> memref<128xi32, #tpu.memory_space<hbm>>
      tpu.wait_dma2 semaphore(%arg14 : memref<!tpu.dma_semaphore, #tpu.memory_space<semaphore_mem>>) src(%dma_wait3A_718 : memref<128xi32, #tpu.memory_space<hbm>>) dst(%dma_wait3A_715 : memref<128xi32, #tpu.memory_space<vmem>>)
      %dma_wait3A_719 = arith.constant 1 : i32
      %dma_wait3A_720 = arith.constant 0 : i32
      %dma_wait3A_721 = arith.constant 0 : i32
      %dma_wait3A_722 = tpu.memref_slice %arg7[%dma_wait3A_719, %dma_wait3A_720, %dma_wait3A_721] : memref<2x128x128xf32, #tpu.memory_space<vmem>> -> memref<1x125x128xf32, #tpu.memory_space<vmem>>
      %dma_wait3A_723 = tpu.memref_squeeze %dma_wait3A_722 : memref<1x125x128xf32, #tpu.memory_space<vmem>> -> memref<125x128xf32, #tpu.memory_space<vmem>>
      %dma_wait3A_724 = arith.constant 0 : i32
      %dma_wait3A_725 = tpu.memref_slice %arg2[%add3A_706, %dma_wait3A_724] : memref<100000x128xf32, #tpu.memory_space<hbm>> -> memref<125x128xf32, #tpu.memory_space<hbm>>
      %dma_wait3A_726 = arith.constant 0 : i32
      %dma_wait3A_727 = arith.constant 0 : i32
      %dma_wait3A_728 = tpu.memref_slice %arg7[%dma_wait3A_719, %dma_wait3A_726, %dma_wait3A_727] : memref<2x128x128xf32, #tpu.memory_space<vmem>> -> memref<1x125x128xf32, #tpu.memory_space<vmem>>
      %dma_wait3A_729 = tpu.memref_squeeze %dma_wait3A_728 : memref<1x125x128xf32, #tpu.memory_space<vmem>> -> memref<125x128xf32, #tpu.memory_space<vmem>>
      %dma_wait3A_730 = arith.constant 0 : i32
      %dma_wait3A_731 = tpu.memref_slice %arg2[%add3A_706, %dma_wait3A_730] : memref<100000x128xf32, #tpu.memory_space<hbm>> -> memref<125x128xf32, #tpu.memory_space<hbm>>
      tpu.wait_dma2 semaphore(%arg16 : memref<!tpu.dma_semaphore, #tpu.memory_space<semaphore_mem>>) src(%dma_wait3A_731 : memref<125x128xf32, #tpu.memory_space<hbm>>) dst(%dma_wait3A_729 : memref<125x128xf32, #tpu.memory_space<vmem>>)
      %run_scoped3A = arith.constant 1 : i32
      %run_scoped3A_732 = arith.constant 1 : i32
      "tpu.region"() ({
        %run_scoped3A_739 = tpu.sem_alloc : memref<!tpu.dma_semaphore, #tpu.memory_space<semaphore_mem>>
        %dma_start3A_740 = arith.constant 0 : i32
        %dma_start3A_741 = arith.constant 0 : i32
        %dma_start3A_742 = tpu.memref_slice %arg7[%run_scoped3A, %dma_start3A_740, %dma_start3A_741] : memref<2x128x128xf32, #tpu.memory_space<vmem>> -> memref<1x128x128xf32, #tpu.memory_space<vmem>>
        %dma_start3A_743 = tpu.memref_squeeze %dma_start3A_742 : memref<1x128x128xf32, #tpu.memory_space<vmem>> -> memref<128x128xf32, #tpu.memory_space<vmem>>
        %dma_start3A_744 = arith.constant 0 : i32
        %dma_start3A_745 = tpu.memref_slice %arg6[%run_scoped3A_732, %dma_start3A_744] : memref<2x128xi32, #tpu.memory_space<vmem>> -> memref<1x128xi32, #tpu.memory_space<vmem>>
        %dma_start3A_746 = tpu.memref_squeeze %dma_start3A_745 : memref<1x128xi32, #tpu.memory_space<vmem>> -> memref<128xi32, #tpu.memory_space<vmem>>
        %dma_start3A_747 = arith.constant 0 : i32
        %dma_start3A_748 = arith.constant 0 : i32
        %dma_start3A_749 = tpu.memref_slice %arg11[%dma_start3A_747, %dma_start3A_748] : memref<1040x128xf32, #tpu.memory_space<vmem_shared>> -> memref<1040x128xf32, #tpu.memory_space<vmem_shared>>
        tpu.enqueue_indirect_dma source(%dma_start3A_743 : memref<128x128xf32, #tpu.memory_space<vmem>>) target(%dma_start3A_749 : memref<1040x128xf32, #tpu.memory_space<vmem_shared>>) offsets(%dma_start3A_746 : memref<128xi32, #tpu.memory_space<vmem>>) semaphore(%run_scoped3A_739 : memref<!tpu.dma_semaphore, #tpu.memory_space<semaphore_mem>>) {add = true}
        %dma_wait3A_750 = arith.constant 0 : i32
        %dma_wait3A_751 = arith.constant 0 : i32
        %dma_wait3A_752 = tpu.memref_slice %arg7[%run_scoped3A, %dma_wait3A_750, %dma_wait3A_751] : memref<2x128x128xf32, #tpu.memory_space<vmem>> -> memref<1x128x128xf32, #tpu.memory_space<vmem>>
        %dma_wait3A_753 = tpu.memref_squeeze %dma_wait3A_752 : memref<1x128x128xf32, #tpu.memory_space<vmem>> -> memref<128x128xf32, #tpu.memory_space<vmem>>
        %dma_wait3A_754 = arith.constant 0 : i32
        %dma_wait3A_755 = tpu.memref_slice %arg6[%run_scoped3A_732, %dma_wait3A_754] : memref<2x128xi32, #tpu.memory_space<vmem>> -> memref<1x128xi32, #tpu.memory_space<vmem>>
        %dma_wait3A_756 = tpu.memref_squeeze %dma_wait3A_755 : memref<1x128xi32, #tpu.memory_space<vmem>> -> memref<128xi32, #tpu.memory_space<vmem>>
        %dma_wait3A_757 = arith.constant 0 : i32
        %dma_wait3A_758 = arith.constant 0 : i32
        %dma_wait3A_759 = tpu.memref_slice %arg11[%dma_wait3A_757, %dma_wait3A_758] : memref<1040x128xf32, #tpu.memory_space<vmem_shared>> -> memref<1040x128xf32, #tpu.memory_space<vmem_shared>>
        tpu.wait_indirect_dma semaphore(%run_scoped3A_739 : memref<!tpu.dma_semaphore, #tpu.memory_space<semaphore_mem>>) src(%dma_wait3A_753 : memref<128x128xf32, #tpu.memory_space<vmem>>) dst(%dma_wait3A_759 : memref<1040x128xf32, #tpu.memory_space<vmem_shared>>)
        tpu.yield
      }) : () -> ()
      %run_scoped3A_733 = arith.constant 1 : i32
      "tpu.region"() ({
        %run_scoped3A_739 = tpu.sem_alloc : memref<!tpu.dma_semaphore, #tpu.memory_space<semaphore_mem>>
        %dma_start3A_740 = arith.constant 0 : i32
        %dma_start3A_741 = tpu.memref_slice %arg6[%run_scoped3A_733, %dma_start3A_740] : memref<2x128xi32, #tpu.memory_space<vmem>> -> memref<1x128xi32, #tpu.memory_space<vmem>>
        %dma_start3A_742 = tpu.memref_squeeze %dma_start3A_741 : memref<1x128xi32, #tpu.memory_space<vmem>> -> memref<128xi32, #tpu.memory_space<vmem>>
        %dma_start3A_743 = arith.constant 0 : i32
        %dma_start3A_744 = arith.constant 0 : i32
        %dma_start3A_745 = tpu.memref_slice %arg12[%dma_start3A_743, %dma_start3A_744] : memref<1040x16xf32, #tpu.memory_space<vmem_shared>> -> memref<1040x16xf32, #tpu.memory_space<vmem_shared>>
        tpu.enqueue_indirect_dma source(%arg8 : memref<128x16xf32, #tpu.memory_space<vmem>>) target(%dma_start3A_745 : memref<1040x16xf32, #tpu.memory_space<vmem_shared>>) offsets(%dma_start3A_742 : memref<128xi32, #tpu.memory_space<vmem>>) semaphore(%run_scoped3A_739 : memref<!tpu.dma_semaphore, #tpu.memory_space<semaphore_mem>>) {add = true}
        %dma_wait3A_746 = arith.constant 0 : i32
        %dma_wait3A_747 = tpu.memref_slice %arg6[%run_scoped3A_733, %dma_wait3A_746] : memref<2x128xi32, #tpu.memory_space<vmem>> -> memref<1x128xi32, #tpu.memory_space<vmem>>
        %dma_wait3A_748 = tpu.memref_squeeze %dma_wait3A_747 : memref<1x128xi32, #tpu.memory_space<vmem>> -> memref<128xi32, #tpu.memory_space<vmem>>
        %dma_wait3A_749 = arith.constant 0 : i32
        %dma_wait3A_750 = arith.constant 0 : i32
        %dma_wait3A_751 = tpu.memref_slice %arg12[%dma_wait3A_749, %dma_wait3A_750] : memref<1040x16xf32, #tpu.memory_space<vmem_shared>> -> memref<1040x16xf32, #tpu.memory_space<vmem_shared>>
        tpu.wait_indirect_dma semaphore(%run_scoped3A_739 : memref<!tpu.dma_semaphore, #tpu.memory_space<semaphore_mem>>) src(%arg8 : memref<128x16xf32, #tpu.memory_space<vmem>>) dst(%dma_wait3A_751 : memref<1040x16xf32, #tpu.memory_space<vmem_shared>>)
        tpu.yield
      }) : () -> ()
      %gt3A_734 = arith.constant 5 : i32
      %gt3A_735 = arith.cmpi sgt, %select_n3A, %gt3A_734 : i32
      %convert_element_type3A_736 = arith.extui %gt3A_735 : i1 to i32
      %cond3A_737 = arith.constant 0 : i32
      %cond3A_738 = arith.cmpi ne, %convert_element_type3A_736, %cond3A_737 : i32
      scf.if %cond3A_738 {
        %add3A_739 = arith.constant 5 : i32
        %add3A_740 = arith.addi %select_n3A_8, %add3A_739 : i32
        %add3A_741 = arith.constant 625 : i32
        %add3A_742 = arith.addi %mul3A_10, %add3A_741 : i32
        %dma_start3A_743 = arith.constant 1 : i32
        %dma_start3A_744 = arith.constant 0 : i32
        %dma_start3A_745 = tpu.memref_slice %arg6[%dma_start3A_743, %dma_start3A_744] : memref<2x128xi32, #tpu.memory_space<vmem>> -> memref<1x128xi32, #tpu.memory_space<vmem>>
        %dma_start3A_746 = tpu.memref_squeeze %dma_start3A_745 : memref<1x128xi32, #tpu.memory_space<vmem>> -> memref<128xi32, #tpu.memory_space<vmem>>
        %dma_start3A_747 = arith.constant 0 : i32
        %dma_start3A_748 = tpu.memref_slice %arg3[%add3A_740, %dma_start3A_747] : memref<800x128xi32, #tpu.memory_space<hbm>> -> memref<1x128xi32, #tpu.memory_space<hbm>>
        %dma_start3A_749 = tpu.memref_squeeze %dma_start3A_748 : memref<1x128xi32, #tpu.memory_space<hbm>> -> memref<128xi32, #tpu.memory_space<hbm>>
        %dma_start3A_750 = arith.constant 0 : i32
        %dma_start3A_751 = tpu.memref_slice %arg6[%dma_start3A_743, %dma_start3A_750] : memref<2x128xi32, #tpu.memory_space<vmem>> -> memref<1x128xi32, #tpu.memory_space<vmem>>
        %dma_start3A_752 = tpu.memref_squeeze %dma_start3A_751 : memref<1x128xi32, #tpu.memory_space<vmem>> -> memref<128xi32, #tpu.memory_space<vmem>>
        %dma_start3A_753 = arith.constant 0 : i32
        %dma_start3A_754 = tpu.memref_slice %arg3[%add3A_740, %dma_start3A_753] : memref<800x128xi32, #tpu.memory_space<hbm>> -> memref<1x128xi32, #tpu.memory_space<hbm>>
        %dma_start3A_755 = tpu.memref_squeeze %dma_start3A_754 : memref<1x128xi32, #tpu.memory_space<hbm>> -> memref<128xi32, #tpu.memory_space<hbm>>
        tpu.enqueue_dma source(%dma_start3A_755 : memref<128xi32, #tpu.memory_space<hbm>>) target(%dma_start3A_752 : memref<128xi32, #tpu.memory_space<vmem>>) target_semaphore(%arg14 : memref<!tpu.dma_semaphore, #tpu.memory_space<semaphore_mem>>)
        %dma_start3A_756 = arith.constant 1 : i32
        %dma_start3A_757 = arith.constant 0 : i32
        %dma_start3A_758 = arith.constant 0 : i32
        %dma_start3A_759 = tpu.memref_slice %arg7[%dma_start3A_756, %dma_start3A_757, %dma_start3A_758] : memref<2x128x128xf32, #tpu.memory_space<vmem>> -> memref<1x125x128xf32, #tpu.memory_space<vmem>>
        %dma_start3A_760 = tpu.memref_squeeze %dma_start3A_759 : memref<1x125x128xf32, #tpu.memory_space<vmem>> -> memref<125x128xf32, #tpu.memory_space<vmem>>
        %dma_start3A_761 = arith.constant 0 : i32
        %dma_start3A_762 = tpu.memref_slice %arg2[%add3A_742, %dma_start3A_761] : memref<100000x128xf32, #tpu.memory_space<hbm>> -> memref<125x128xf32, #tpu.memory_space<hbm>>
        %dma_start3A_763 = arith.constant 0 : i32
        %dma_start3A_764 = arith.constant 0 : i32
        %dma_start3A_765 = tpu.memref_slice %arg7[%dma_start3A_756, %dma_start3A_763, %dma_start3A_764] : memref<2x128x128xf32, #tpu.memory_space<vmem>> -> memref<1x125x128xf32, #tpu.memory_space<vmem>>
        %dma_start3A_766 = tpu.memref_squeeze %dma_start3A_765 : memref<1x125x128xf32, #tpu.memory_space<vmem>> -> memref<125x128xf32, #tpu.memory_space<vmem>>
        %dma_start3A_767 = arith.constant 0 : i32
        %dma_start3A_768 = tpu.memref_slice %arg2[%add3A_742, %dma_start3A_767] : memref<100000x128xf32, #tpu.memory_space<hbm>> -> memref<125x128xf32, #tpu.memory_space<hbm>>
        tpu.enqueue_dma source(%dma_start3A_768 : memref<125x128xf32, #tpu.memory_space<hbm>>) target(%dma_start3A_766 : memref<125x128xf32, #tpu.memory_space<vmem>>) target_semaphore(%arg16 : memref<!tpu.dma_semaphore, #tpu.memory_space<semaphore_mem>>)
      } else {
      }
    } else {
    }
    %gt3A_580 = arith.constant 4 : i32
    %gt3A_581 = arith.cmpi sgt, %select_n3A, %gt3A_580 : i32
    %convert_element_type3A_582 = arith.extui %gt3A_581 : i1 to i32
    %cond3A_583 = arith.constant 0 : i32
    %cond3A_584 = arith.cmpi ne, %convert_element_type3A_582, %cond3A_583 : i32
    scf.if %cond3A_584 {
      %add3A_703 = arith.constant 4 : i32
      %add3A_704 = arith.addi %select_n3A_8, %add3A_703 : i32
      %add3A_705 = arith.constant 500 : i32
      %add3A_706 = arith.addi %mul3A_10, %add3A_705 : i32
      %dma_wait3A = arith.constant 0 : i32
      %dma_wait3A_707 = arith.constant 0 : i32
      %dma_wait3A_708 = tpu.memref_slice %arg6[%dma_wait3A, %dma_wait3A_707] : memref<2x128xi32, #tpu.memory_space<vmem>> -> memref<1x128xi32, #tpu.memory_space<vmem>>
      %dma_wait3A_709 = tpu.memref_squeeze %dma_wait3A_708 : memref<1x128xi32, #tpu.memory_space<vmem>> -> memref<128xi32, #tpu.memory_space<vmem>>
      %dma_wait3A_710 = arith.constant 0 : i32
      %dma_wait3A_711 = tpu.memref_slice %arg3[%add3A_704, %dma_wait3A_710] : memref<800x128xi32, #tpu.memory_space<hbm>> -> memref<1x128xi32, #tpu.memory_space<hbm>>
      %dma_wait3A_712 = tpu.memref_squeeze %dma_wait3A_711 : memref<1x128xi32, #tpu.memory_space<hbm>> -> memref<128xi32, #tpu.memory_space<hbm>>
      %dma_wait3A_713 = arith.constant 0 : i32
      %dma_wait3A_714 = tpu.memref_slice %arg6[%dma_wait3A, %dma_wait3A_713] : memref<2x128xi32, #tpu.memory_space<vmem>> -> memref<1x128xi32, #tpu.memory_space<vmem>>
      %dma_wait3A_715 = tpu.memref_squeeze %dma_wait3A_714 : memref<1x128xi32, #tpu.memory_space<vmem>> -> memref<128xi32, #tpu.memory_space<vmem>>
      %dma_wait3A_716 = arith.constant 0 : i32
      %dma_wait3A_717 = tpu.memref_slice %arg3[%add3A_704, %dma_wait3A_716] : memref<800x128xi32, #tpu.memory_space<hbm>> -> memref<1x128xi32, #tpu.memory_space<hbm>>
      %dma_wait3A_718 = tpu.memref_squeeze %dma_wait3A_717 : memref<1x128xi32, #tpu.memory_space<hbm>> -> memref<128xi32, #tpu.memory_space<hbm>>
      tpu.wait_dma2 semaphore(%arg13 : memref<!tpu.dma_semaphore, #tpu.memory_space<semaphore_mem>>) src(%dma_wait3A_718 : memref<128xi32, #tpu.memory_space<hbm>>) dst(%dma_wait3A_715 : memref<128xi32, #tpu.memory_space<vmem>>)
      %dma_wait3A_719 = arith.constant 0 : i32
      %dma_wait3A_720 = arith.constant 0 : i32
      %dma_wait3A_721 = arith.constant 0 : i32
      %dma_wait3A_722 = tpu.memref_slice %arg7[%dma_wait3A_719, %dma_wait3A_720, %dma_wait3A_721] : memref<2x128x128xf32, #tpu.memory_space<vmem>> -> memref<1x125x128xf32, #tpu.memory_space<vmem>>
      %dma_wait3A_723 = tpu.memref_squeeze %dma_wait3A_722 : memref<1x125x128xf32, #tpu.memory_space<vmem>> -> memref<125x128xf32, #tpu.memory_space<vmem>>
      %dma_wait3A_724 = arith.constant 0 : i32
      %dma_wait3A_725 = tpu.memref_slice %arg2[%add3A_706, %dma_wait3A_724] : memref<100000x128xf32, #tpu.memory_space<hbm>> -> memref<125x128xf32, #tpu.memory_space<hbm>>
      %dma_wait3A_726 = arith.constant 0 : i32
      %dma_wait3A_727 = arith.constant 0 : i32
      %dma_wait3A_728 = tpu.memref_slice %arg7[%dma_wait3A_719, %dma_wait3A_726, %dma_wait3A_727] : memref<2x128x128xf32, #tpu.memory_space<vmem>> -> memref<1x125x128xf32, #tpu.memory_space<vmem>>
      %dma_wait3A_729 = tpu.memref_squeeze %dma_wait3A_728 : memref<1x125x128xf32, #tpu.memory_space<vmem>> -> memref<125x128xf32, #tpu.memory_space<vmem>>
      %dma_wait3A_730 = arith.constant 0 : i32
      %dma_wait3A_731 = tpu.memref_slice %arg2[%add3A_706, %dma_wait3A_730] : memref<100000x128xf32, #tpu.memory_space<hbm>> -> memref<125x128xf32, #tpu.memory_space<hbm>>
      tpu.wait_dma2 semaphore(%arg15 : memref<!tpu.dma_semaphore, #tpu.memory_space<semaphore_mem>>) src(%dma_wait3A_731 : memref<125x128xf32, #tpu.memory_space<hbm>>) dst(%dma_wait3A_729 : memref<125x128xf32, #tpu.memory_space<vmem>>)
      %run_scoped3A = arith.constant 0 : i32
      %run_scoped3A_732 = arith.constant 0 : i32
      "tpu.region"() ({
        %run_scoped3A_739 = tpu.sem_alloc : memref<!tpu.dma_semaphore, #tpu.memory_space<semaphore_mem>>
        %dma_start3A_740 = arith.constant 0 : i32
        %dma_start3A_741 = arith.constant 0 : i32
        %dma_start3A_742 = tpu.memref_slice %arg7[%run_scoped3A, %dma_start3A_740, %dma_start3A_741] : memref<2x128x128xf32, #tpu.memory_space<vmem>> -> memref<1x128x128xf32, #tpu.memory_space<vmem>>
        %dma_start3A_743 = tpu.memref_squeeze %dma_start3A_742 : memref<1x128x128xf32, #tpu.memory_space<vmem>> -> memref<128x128xf32, #tpu.memory_space<vmem>>
        %dma_start3A_744 = arith.constant 0 : i32
        %dma_start3A_745 = tpu.memref_slice %arg6[%run_scoped3A_732, %dma_start3A_744] : memref<2x128xi32, #tpu.memory_space<vmem>> -> memref<1x128xi32, #tpu.memory_space<vmem>>
        %dma_start3A_746 = tpu.memref_squeeze %dma_start3A_745 : memref<1x128xi32, #tpu.memory_space<vmem>> -> memref<128xi32, #tpu.memory_space<vmem>>
        %dma_start3A_747 = arith.constant 0 : i32
        %dma_start3A_748 = arith.constant 0 : i32
        %dma_start3A_749 = tpu.memref_slice %arg11[%dma_start3A_747, %dma_start3A_748] : memref<1040x128xf32, #tpu.memory_space<vmem_shared>> -> memref<1040x128xf32, #tpu.memory_space<vmem_shared>>
        tpu.enqueue_indirect_dma source(%dma_start3A_743 : memref<128x128xf32, #tpu.memory_space<vmem>>) target(%dma_start3A_749 : memref<1040x128xf32, #tpu.memory_space<vmem_shared>>) offsets(%dma_start3A_746 : memref<128xi32, #tpu.memory_space<vmem>>) semaphore(%run_scoped3A_739 : memref<!tpu.dma_semaphore, #tpu.memory_space<semaphore_mem>>) {add = true}
        %dma_wait3A_750 = arith.constant 0 : i32
        %dma_wait3A_751 = arith.constant 0 : i32
        %dma_wait3A_752 = tpu.memref_slice %arg7[%run_scoped3A, %dma_wait3A_750, %dma_wait3A_751] : memref<2x128x128xf32, #tpu.memory_space<vmem>> -> memref<1x128x128xf32, #tpu.memory_space<vmem>>
        %dma_wait3A_753 = tpu.memref_squeeze %dma_wait3A_752 : memref<1x128x128xf32, #tpu.memory_space<vmem>> -> memref<128x128xf32, #tpu.memory_space<vmem>>
        %dma_wait3A_754 = arith.constant 0 : i32
        %dma_wait3A_755 = tpu.memref_slice %arg6[%run_scoped3A_732, %dma_wait3A_754] : memref<2x128xi32, #tpu.memory_space<vmem>> -> memref<1x128xi32, #tpu.memory_space<vmem>>
        %dma_wait3A_756 = tpu.memref_squeeze %dma_wait3A_755 : memref<1x128xi32, #tpu.memory_space<vmem>> -> memref<128xi32, #tpu.memory_space<vmem>>
        %dma_wait3A_757 = arith.constant 0 : i32
        %dma_wait3A_758 = arith.constant 0 : i32
        %dma_wait3A_759 = tpu.memref_slice %arg11[%dma_wait3A_757, %dma_wait3A_758] : memref<1040x128xf32, #tpu.memory_space<vmem_shared>> -> memref<1040x128xf32, #tpu.memory_space<vmem_shared>>
        tpu.wait_indirect_dma semaphore(%run_scoped3A_739 : memref<!tpu.dma_semaphore, #tpu.memory_space<semaphore_mem>>) src(%dma_wait3A_753 : memref<128x128xf32, #tpu.memory_space<vmem>>) dst(%dma_wait3A_759 : memref<1040x128xf32, #tpu.memory_space<vmem_shared>>)
        tpu.yield
      }) : () -> ()
      %run_scoped3A_733 = arith.constant 0 : i32
      "tpu.region"() ({
        %run_scoped3A_739 = tpu.sem_alloc : memref<!tpu.dma_semaphore, #tpu.memory_space<semaphore_mem>>
        %dma_start3A_740 = arith.constant 0 : i32
        %dma_start3A_741 = tpu.memref_slice %arg6[%run_scoped3A_733, %dma_start3A_740] : memref<2x128xi32, #tpu.memory_space<vmem>> -> memref<1x128xi32, #tpu.memory_space<vmem>>
        %dma_start3A_742 = tpu.memref_squeeze %dma_start3A_741 : memref<1x128xi32, #tpu.memory_space<vmem>> -> memref<128xi32, #tpu.memory_space<vmem>>
        %dma_start3A_743 = arith.constant 0 : i32
        %dma_start3A_744 = arith.constant 0 : i32
        %dma_start3A_745 = tpu.memref_slice %arg12[%dma_start3A_743, %dma_start3A_744] : memref<1040x16xf32, #tpu.memory_space<vmem_shared>> -> memref<1040x16xf32, #tpu.memory_space<vmem_shared>>
        tpu.enqueue_indirect_dma source(%arg8 : memref<128x16xf32, #tpu.memory_space<vmem>>) target(%dma_start3A_745 : memref<1040x16xf32, #tpu.memory_space<vmem_shared>>) offsets(%dma_start3A_742 : memref<128xi32, #tpu.memory_space<vmem>>) semaphore(%run_scoped3A_739 : memref<!tpu.dma_semaphore, #tpu.memory_space<semaphore_mem>>) {add = true}
        %dma_wait3A_746 = arith.constant 0 : i32
        %dma_wait3A_747 = tpu.memref_slice %arg6[%run_scoped3A_733, %dma_wait3A_746] : memref<2x128xi32, #tpu.memory_space<vmem>> -> memref<1x128xi32, #tpu.memory_space<vmem>>
        %dma_wait3A_748 = tpu.memref_squeeze %dma_wait3A_747 : memref<1x128xi32, #tpu.memory_space<vmem>> -> memref<128xi32, #tpu.memory_space<vmem>>
        %dma_wait3A_749 = arith.constant 0 : i32
        %dma_wait3A_750 = arith.constant 0 : i32
        %dma_wait3A_751 = tpu.memref_slice %arg12[%dma_wait3A_749, %dma_wait3A_750] : memref<1040x16xf32, #tpu.memory_space<vmem_shared>> -> memref<1040x16xf32, #tpu.memory_space<vmem_shared>>
        tpu.wait_indirect_dma semaphore(%run_scoped3A_739 : memref<!tpu.dma_semaphore, #tpu.memory_space<semaphore_mem>>) src(%arg8 : memref<128x16xf32, #tpu.memory_space<vmem>>) dst(%dma_wait3A_751 : memref<1040x16xf32, #tpu.memory_space<vmem_shared>>)
        tpu.yield
      }) : () -> ()
      %gt3A_734 = arith.constant 6 : i32
      %gt3A_735 = arith.cmpi sgt, %select_n3A, %gt3A_734 : i32
      %convert_element_type3A_736 = arith.extui %gt3A_735 : i1 to i32
      %cond3A_737 = arith.constant 0 : i32
      %cond3A_738 = arith.cmpi ne, %convert_element_type3A_736, %cond3A_737 : i32
      scf.if %cond3A_738 {
        %add3A_739 = arith.constant 6 : i32
        %add3A_740 = arith.addi %select_n3A_8, %add3A_739 : i32
        %add3A_741 = arith.constant 750 : i32
        %add3A_742 = arith.addi %mul3A_10, %add3A_741 : i32
        %dma_start3A_743 = arith.constant 0 : i32
        %dma_start3A_744 = arith.constant 0 : i32
        %dma_start3A_745 = tpu.memref_slice %arg6[%dma_start3A_743, %dma_start3A_744] : memref<2x128xi32, #tpu.memory_space<vmem>> -> memref<1x128xi32, #tpu.memory_space<vmem>>
        %dma_start3A_746 = tpu.memref_squeeze %dma_start3A_745 : memref<1x128xi32, #tpu.memory_space<vmem>> -> memref<128xi32, #tpu.memory_space<vmem>>
        %dma_start3A_747 = arith.constant 0 : i32
        %dma_start3A_748 = tpu.memref_slice %arg3[%add3A_740, %dma_start3A_747] : memref<800x128xi32, #tpu.memory_space<hbm>> -> memref<1x128xi32, #tpu.memory_space<hbm>>
        %dma_start3A_749 = tpu.memref_squeeze %dma_start3A_748 : memref<1x128xi32, #tpu.memory_space<hbm>> -> memref<128xi32, #tpu.memory_space<hbm>>
        %dma_start3A_750 = arith.constant 0 : i32
        %dma_start3A_751 = tpu.memref_slice %arg6[%dma_start3A_743, %dma_start3A_750] : memref<2x128xi32, #tpu.memory_space<vmem>> -> memref<1x128xi32, #tpu.memory_space<vmem>>
        %dma_start3A_752 = tpu.memref_squeeze %dma_start3A_751 : memref<1x128xi32, #tpu.memory_space<vmem>> -> memref<128xi32, #tpu.memory_space<vmem>>
        %dma_start3A_753 = arith.constant 0 : i32
        %dma_start3A_754 = tpu.memref_slice %arg3[%add3A_740, %dma_start3A_753] : memref<800x128xi32, #tpu.memory_space<hbm>> -> memref<1x128xi32, #tpu.memory_space<hbm>>
        %dma_start3A_755 = tpu.memref_squeeze %dma_start3A_754 : memref<1x128xi32, #tpu.memory_space<hbm>> -> memref<128xi32, #tpu.memory_space<hbm>>
        tpu.enqueue_dma source(%dma_start3A_755 : memref<128xi32, #tpu.memory_space<hbm>>) target(%dma_start3A_752 : memref<128xi32, #tpu.memory_space<vmem>>) target_semaphore(%arg13 : memref<!tpu.dma_semaphore, #tpu.memory_space<semaphore_mem>>)
        %dma_start3A_756 = arith.constant 0 : i32
        %dma_start3A_757 = arith.constant 0 : i32
        %dma_start3A_758 = arith.constant 0 : i32
        %dma_start3A_759 = tpu.memref_slice %arg7[%dma_start3A_756, %dma_start3A_757, %dma_start3A_758] : memref<2x128x128xf32, #tpu.memory_space<vmem>> -> memref<1x125x128xf32, #tpu.memory_space<vmem>>
        %dma_start3A_760 = tpu.memref_squeeze %dma_start3A_759 : memref<1x125x128xf32, #tpu.memory_space<vmem>> -> memref<125x128xf32, #tpu.memory_space<vmem>>
        %dma_start3A_761 = arith.constant 0 : i32
        %dma_start3A_762 = tpu.memref_slice %arg2[%add3A_742, %dma_start3A_761] : memref<100000x128xf32, #tpu.memory_space<hbm>> -> memref<125x128xf32, #tpu.memory_space<hbm>>
        %dma_start3A_763 = arith.constant 0 : i32
        %dma_start3A_764 = arith.constant 0 : i32
        %dma_start3A_765 = tpu.memref_slice %arg7[%dma_start3A_756, %dma_start3A_763, %dma_start3A_764] : memref<2x128x128xf32, #tpu.memory_space<vmem>> -> memref<1x125x128xf32, #tpu.memory_space<vmem>>
        %dma_start3A_766 = tpu.memref_squeeze %dma_start3A_765 : memref<1x125x128xf32, #tpu.memory_space<vmem>> -> memref<125x128xf32, #tpu.memory_space<vmem>>
        %dma_start3A_767 = arith.constant 0 : i32
        %dma_start3A_768 = tpu.memref_slice %arg2[%add3A_742, %dma_start3A_767] : memref<100000x128xf32, #tpu.memory_space<hbm>> -> memref<125x128xf32, #tpu.memory_space<hbm>>
        tpu.enqueue_dma source(%dma_start3A_768 : memref<125x128xf32, #tpu.memory_space<hbm>>) target(%dma_start3A_766 : memref<125x128xf32, #tpu.memory_space<vmem>>) target_semaphore(%arg15 : memref<!tpu.dma_semaphore, #tpu.memory_space<semaphore_mem>>)
      } else {
      }
    } else {
    }
    %gt3A_585 = arith.constant 5 : i32
    %gt3A_586 = arith.cmpi sgt, %select_n3A, %gt3A_585 : i32
    %convert_element_type3A_587 = arith.extui %gt3A_586 : i1 to i32
    %cond3A_588 = arith.constant 0 : i32
    %cond3A_589 = arith.cmpi ne, %convert_element_type3A_587, %cond3A_588 : i32
    scf.if %cond3A_589 {
      %add3A_703 = arith.constant 5 : i32
      %add3A_704 = arith.addi %select_n3A_8, %add3A_703 : i32
      %add3A_705 = arith.constant 625 : i32
      %add3A_706 = arith.addi %mul3A_10, %add3A_705 : i32
      %dma_wait3A = arith.constant 1 : i32
      %dma_wait3A_707 = arith.constant 0 : i32
      %dma_wait3A_708 = tpu.memref_slice %arg6[%dma_wait3A, %dma_wait3A_707] : memref<2x128xi32, #tpu.memory_space<vmem>> -> memref<1x128xi32, #tpu.memory_space<vmem>>
      %dma_wait3A_709 = tpu.memref_squeeze %dma_wait3A_708 : memref<1x128xi32, #tpu.memory_space<vmem>> -> memref<128xi32, #tpu.memory_space<vmem>>
      %dma_wait3A_710 = arith.constant 0 : i32
      %dma_wait3A_711 = tpu.memref_slice %arg3[%add3A_704, %dma_wait3A_710] : memref<800x128xi32, #tpu.memory_space<hbm>> -> memref<1x128xi32, #tpu.memory_space<hbm>>
      %dma_wait3A_712 = tpu.memref_squeeze %dma_wait3A_711 : memref<1x128xi32, #tpu.memory_space<hbm>> -> memref<128xi32, #tpu.memory_space<hbm>>
      %dma_wait3A_713 = arith.constant 0 : i32
      %dma_wait3A_714 = tpu.memref_slice %arg6[%dma_wait3A, %dma_wait3A_713] : memref<2x128xi32, #tpu.memory_space<vmem>> -> memref<1x128xi32, #tpu.memory_space<vmem>>
      %dma_wait3A_715 = tpu.memref_squeeze %dma_wait3A_714 : memref<1x128xi32, #tpu.memory_space<vmem>> -> memref<128xi32, #tpu.memory_space<vmem>>
      %dma_wait3A_716 = arith.constant 0 : i32
      %dma_wait3A_717 = tpu.memref_slice %arg3[%add3A_704, %dma_wait3A_716] : memref<800x128xi32, #tpu.memory_space<hbm>> -> memref<1x128xi32, #tpu.memory_space<hbm>>
      %dma_wait3A_718 = tpu.memref_squeeze %dma_wait3A_717 : memref<1x128xi32, #tpu.memory_space<hbm>> -> memref<128xi32, #tpu.memory_space<hbm>>
      tpu.wait_dma2 semaphore(%arg14 : memref<!tpu.dma_semaphore, #tpu.memory_space<semaphore_mem>>) src(%dma_wait3A_718 : memref<128xi32, #tpu.memory_space<hbm>>) dst(%dma_wait3A_715 : memref<128xi32, #tpu.memory_space<vmem>>)
      %dma_wait3A_719 = arith.constant 1 : i32
      %dma_wait3A_720 = arith.constant 0 : i32
      %dma_wait3A_721 = arith.constant 0 : i32
      %dma_wait3A_722 = tpu.memref_slice %arg7[%dma_wait3A_719, %dma_wait3A_720, %dma_wait3A_721] : memref<2x128x128xf32, #tpu.memory_space<vmem>> -> memref<1x125x128xf32, #tpu.memory_space<vmem>>
      %dma_wait3A_723 = tpu.memref_squeeze %dma_wait3A_722 : memref<1x125x128xf32, #tpu.memory_space<vmem>> -> memref<125x128xf32, #tpu.memory_space<vmem>>
      %dma_wait3A_724 = arith.constant 0 : i32
      %dma_wait3A_725 = tpu.memref_slice %arg2[%add3A_706, %dma_wait3A_724] : memref<100000x128xf32, #tpu.memory_space<hbm>> -> memref<125x128xf32, #tpu.memory_space<hbm>>
      %dma_wait3A_726 = arith.constant 0 : i32
      %dma_wait3A_727 = arith.constant 0 : i32
      %dma_wait3A_728 = tpu.memref_slice %arg7[%dma_wait3A_719, %dma_wait3A_726, %dma_wait3A_727] : memref<2x128x128xf32, #tpu.memory_space<vmem>> -> memref<1x125x128xf32, #tpu.memory_space<vmem>>
      %dma_wait3A_729 = tpu.memref_squeeze %dma_wait3A_728 : memref<1x125x128xf32, #tpu.memory_space<vmem>> -> memref<125x128xf32, #tpu.memory_space<vmem>>
      %dma_wait3A_730 = arith.constant 0 : i32
      %dma_wait3A_731 = tpu.memref_slice %arg2[%add3A_706, %dma_wait3A_730] : memref<100000x128xf32, #tpu.memory_space<hbm>> -> memref<125x128xf32, #tpu.memory_space<hbm>>
      tpu.wait_dma2 semaphore(%arg16 : memref<!tpu.dma_semaphore, #tpu.memory_space<semaphore_mem>>) src(%dma_wait3A_731 : memref<125x128xf32, #tpu.memory_space<hbm>>) dst(%dma_wait3A_729 : memref<125x128xf32, #tpu.memory_space<vmem>>)
      %run_scoped3A = arith.constant 1 : i32
      %run_scoped3A_732 = arith.constant 1 : i32
      "tpu.region"() ({
        %run_scoped3A_739 = tpu.sem_alloc : memref<!tpu.dma_semaphore, #tpu.memory_space<semaphore_mem>>
        %dma_start3A_740 = arith.constant 0 : i32
        %dma_start3A_741 = arith.constant 0 : i32
        %dma_start3A_742 = tpu.memref_slice %arg7[%run_scoped3A, %dma_start3A_740, %dma_start3A_741] : memref<2x128x128xf32, #tpu.memory_space<vmem>> -> memref<1x128x128xf32, #tpu.memory_space<vmem>>
        %dma_start3A_743 = tpu.memref_squeeze %dma_start3A_742 : memref<1x128x128xf32, #tpu.memory_space<vmem>> -> memref<128x128xf32, #tpu.memory_space<vmem>>
        %dma_start3A_744 = arith.constant 0 : i32
        %dma_start3A_745 = tpu.memref_slice %arg6[%run_scoped3A_732, %dma_start3A_744] : memref<2x128xi32, #tpu.memory_space<vmem>> -> memref<1x128xi32, #tpu.memory_space<vmem>>
        %dma_start3A_746 = tpu.memref_squeeze %dma_start3A_745 : memref<1x128xi32, #tpu.memory_space<vmem>> -> memref<128xi32, #tpu.memory_space<vmem>>
        %dma_start3A_747 = arith.constant 0 : i32
        %dma_start3A_748 = arith.constant 0 : i32
        %dma_start3A_749 = tpu.memref_slice %arg11[%dma_start3A_747, %dma_start3A_748] : memref<1040x128xf32, #tpu.memory_space<vmem_shared>> -> memref<1040x128xf32, #tpu.memory_space<vmem_shared>>
        tpu.enqueue_indirect_dma source(%dma_start3A_743 : memref<128x128xf32, #tpu.memory_space<vmem>>) target(%dma_start3A_749 : memref<1040x128xf32, #tpu.memory_space<vmem_shared>>) offsets(%dma_start3A_746 : memref<128xi32, #tpu.memory_space<vmem>>) semaphore(%run_scoped3A_739 : memref<!tpu.dma_semaphore, #tpu.memory_space<semaphore_mem>>) {add = true}
        %dma_wait3A_750 = arith.constant 0 : i32
        %dma_wait3A_751 = arith.constant 0 : i32
        %dma_wait3A_752 = tpu.memref_slice %arg7[%run_scoped3A, %dma_wait3A_750, %dma_wait3A_751] : memref<2x128x128xf32, #tpu.memory_space<vmem>> -> memref<1x128x128xf32, #tpu.memory_space<vmem>>
        %dma_wait3A_753 = tpu.memref_squeeze %dma_wait3A_752 : memref<1x128x128xf32, #tpu.memory_space<vmem>> -> memref<128x128xf32, #tpu.memory_space<vmem>>
        %dma_wait3A_754 = arith.constant 0 : i32
        %dma_wait3A_755 = tpu.memref_slice %arg6[%run_scoped3A_732, %dma_wait3A_754] : memref<2x128xi32, #tpu.memory_space<vmem>> -> memref<1x128xi32, #tpu.memory_space<vmem>>
        %dma_wait3A_756 = tpu.memref_squeeze %dma_wait3A_755 : memref<1x128xi32, #tpu.memory_space<vmem>> -> memref<128xi32, #tpu.memory_space<vmem>>
        %dma_wait3A_757 = arith.constant 0 : i32
        %dma_wait3A_758 = arith.constant 0 : i32
        %dma_wait3A_759 = tpu.memref_slice %arg11[%dma_wait3A_757, %dma_wait3A_758] : memref<1040x128xf32, #tpu.memory_space<vmem_shared>> -> memref<1040x128xf32, #tpu.memory_space<vmem_shared>>
        tpu.wait_indirect_dma semaphore(%run_scoped3A_739 : memref<!tpu.dma_semaphore, #tpu.memory_space<semaphore_mem>>) src(%dma_wait3A_753 : memref<128x128xf32, #tpu.memory_space<vmem>>) dst(%dma_wait3A_759 : memref<1040x128xf32, #tpu.memory_space<vmem_shared>>)
        tpu.yield
      }) : () -> ()
      %run_scoped3A_733 = arith.constant 1 : i32
      "tpu.region"() ({
        %run_scoped3A_739 = tpu.sem_alloc : memref<!tpu.dma_semaphore, #tpu.memory_space<semaphore_mem>>
        %dma_start3A_740 = arith.constant 0 : i32
        %dma_start3A_741 = tpu.memref_slice %arg6[%run_scoped3A_733, %dma_start3A_740] : memref<2x128xi32, #tpu.memory_space<vmem>> -> memref<1x128xi32, #tpu.memory_space<vmem>>
        %dma_start3A_742 = tpu.memref_squeeze %dma_start3A_741 : memref<1x128xi32, #tpu.memory_space<vmem>> -> memref<128xi32, #tpu.memory_space<vmem>>
        %dma_start3A_743 = arith.constant 0 : i32
        %dma_start3A_744 = arith.constant 0 : i32
        %dma_start3A_745 = tpu.memref_slice %arg12[%dma_start3A_743, %dma_start3A_744] : memref<1040x16xf32, #tpu.memory_space<vmem_shared>> -> memref<1040x16xf32, #tpu.memory_space<vmem_shared>>
        tpu.enqueue_indirect_dma source(%arg8 : memref<128x16xf32, #tpu.memory_space<vmem>>) target(%dma_start3A_745 : memref<1040x16xf32, #tpu.memory_space<vmem_shared>>) offsets(%dma_start3A_742 : memref<128xi32, #tpu.memory_space<vmem>>) semaphore(%run_scoped3A_739 : memref<!tpu.dma_semaphore, #tpu.memory_space<semaphore_mem>>) {add = true}
        %dma_wait3A_746 = arith.constant 0 : i32
        %dma_wait3A_747 = tpu.memref_slice %arg6[%run_scoped3A_733, %dma_wait3A_746] : memref<2x128xi32, #tpu.memory_space<vmem>> -> memref<1x128xi32, #tpu.memory_space<vmem>>
        %dma_wait3A_748 = tpu.memref_squeeze %dma_wait3A_747 : memref<1x128xi32, #tpu.memory_space<vmem>> -> memref<128xi32, #tpu.memory_space<vmem>>
        %dma_wait3A_749 = arith.constant 0 : i32
        %dma_wait3A_750 = arith.constant 0 : i32
        %dma_wait3A_751 = tpu.memref_slice %arg12[%dma_wait3A_749, %dma_wait3A_750] : memref<1040x16xf32, #tpu.memory_space<vmem_shared>> -> memref<1040x16xf32, #tpu.memory_space<vmem_shared>>
        tpu.wait_indirect_dma semaphore(%run_scoped3A_739 : memref<!tpu.dma_semaphore, #tpu.memory_space<semaphore_mem>>) src(%arg8 : memref<128x16xf32, #tpu.memory_space<vmem>>) dst(%dma_wait3A_751 : memref<1040x16xf32, #tpu.memory_space<vmem_shared>>)
        tpu.yield
      }) : () -> ()
      %gt3A_734 = arith.constant 7 : i32
      %gt3A_735 = arith.cmpi sgt, %select_n3A, %gt3A_734 : i32
      %convert_element_type3A_736 = arith.extui %gt3A_735 : i1 to i32
      %cond3A_737 = arith.constant 0 : i32
      %cond3A_738 = arith.cmpi ne, %convert_element_type3A_736, %cond3A_737 : i32
      scf.if %cond3A_738 {
        %add3A_739 = arith.constant 7 : i32
        %add3A_740 = arith.addi %select_n3A_8, %add3A_739 : i32
        %add3A_741 = arith.constant 875 : i32
        %add3A_742 = arith.addi %mul3A_10, %add3A_741 : i32
        %dma_start3A_743 = arith.constant 1 : i32
        %dma_start3A_744 = arith.constant 0 : i32
        %dma_start3A_745 = tpu.memref_slice %arg6[%dma_start3A_743, %dma_start3A_744] : memref<2x128xi32, #tpu.memory_space<vmem>> -> memref<1x128xi32, #tpu.memory_space<vmem>>
        %dma_start3A_746 = tpu.memref_squeeze %dma_start3A_745 : memref<1x128xi32, #tpu.memory_space<vmem>> -> memref<128xi32, #tpu.memory_space<vmem>>
        %dma_start3A_747 = arith.constant 0 : i32
        %dma_start3A_748 = tpu.memref_slice %arg3[%add3A_740, %dma_start3A_747] : memref<800x128xi32, #tpu.memory_space<hbm>> -> memref<1x128xi32, #tpu.memory_space<hbm>>
        %dma_start3A_749 = tpu.memref_squeeze %dma_start3A_748 : memref<1x128xi32, #tpu.memory_space<hbm>> -> memref<128xi32, #tpu.memory_space<hbm>>
        %dma_start3A_750 = arith.constant 0 : i32
        %dma_start3A_751 = tpu.memref_slice %arg6[%dma_start3A_743, %dma_start3A_750] : memref<2x128xi32, #tpu.memory_space<vmem>> -> memref<1x128xi32, #tpu.memory_space<vmem>>
        %dma_start3A_752 = tpu.memref_squeeze %dma_start3A_751 : memref<1x128xi32, #tpu.memory_space<vmem>> -> memref<128xi32, #tpu.memory_space<vmem>>
        %dma_start3A_753 = arith.constant 0 : i32
        %dma_start3A_754 = tpu.memref_slice %arg3[%add3A_740, %dma_start3A_753] : memref<800x128xi32, #tpu.memory_space<hbm>> -> memref<1x128xi32, #tpu.memory_space<hbm>>
        %dma_start3A_755 = tpu.memref_squeeze %dma_start3A_754 : memref<1x128xi32, #tpu.memory_space<hbm>> -> memref<128xi32, #tpu.memory_space<hbm>>
        tpu.enqueue_dma source(%dma_start3A_755 : memref<128xi32, #tpu.memory_space<hbm>>) target(%dma_start3A_752 : memref<128xi32, #tpu.memory_space<vmem>>) target_semaphore(%arg14 : memref<!tpu.dma_semaphore, #tpu.memory_space<semaphore_mem>>)
        %dma_start3A_756 = arith.constant 1 : i32
        %dma_start3A_757 = arith.constant 0 : i32
        %dma_start3A_758 = arith.constant 0 : i32
        %dma_start3A_759 = tpu.memref_slice %arg7[%dma_start3A_756, %dma_start3A_757, %dma_start3A_758] : memref<2x128x128xf32, #tpu.memory_space<vmem>> -> memref<1x125x128xf32, #tpu.memory_space<vmem>>
        %dma_start3A_760 = tpu.memref_squeeze %dma_start3A_759 : memref<1x125x128xf32, #tpu.memory_space<vmem>> -> memref<125x128xf32, #tpu.memory_space<vmem>>
        %dma_start3A_761 = arith.constant 0 : i32
        %dma_start3A_762 = tpu.memref_slice %arg2[%add3A_742, %dma_start3A_761] : memref<100000x128xf32, #tpu.memory_space<hbm>> -> memref<125x128xf32, #tpu.memory_space<hbm>>
        %dma_start3A_763 = arith.constant 0 : i32
        %dma_start3A_764 = arith.constant 0 : i32
        %dma_start3A_765 = tpu.memref_slice %arg7[%dma_start3A_756, %dma_start3A_763, %dma_start3A_764] : memref<2x128x128xf32, #tpu.memory_space<vmem>> -> memref<1x125x128xf32, #tpu.memory_space<vmem>>
        %dma_start3A_766 = tpu.memref_squeeze %dma_start3A_765 : memref<1x125x128xf32, #tpu.memory_space<vmem>> -> memref<125x128xf32, #tpu.memory_space<vmem>>
        %dma_start3A_767 = arith.constant 0 : i32
        %dma_start3A_768 = tpu.memref_slice %arg2[%add3A_742, %dma_start3A_767] : memref<100000x128xf32, #tpu.memory_space<hbm>> -> memref<125x128xf32, #tpu.memory_space<hbm>>
        tpu.enqueue_dma source(%dma_start3A_768 : memref<125x128xf32, #tpu.memory_space<hbm>>) target(%dma_start3A_766 : memref<125x128xf32, #tpu.memory_space<vmem>>) target_semaphore(%arg16 : memref<!tpu.dma_semaphore, #tpu.memory_space<semaphore_mem>>)
      } else {
      }
    } else {
    }
    %gt3A_590 = arith.constant 6 : i32
    %gt3A_591 = arith.cmpi sgt, %select_n3A, %gt3A_590 : i32
    %convert_element_type3A_592 = arith.extui %gt3A_591 : i1 to i32
    %cond3A_593 = arith.constant 0 : i32
    %cond3A_594 = arith.cmpi ne, %convert_element_type3A_592, %cond3A_593 : i32
    scf.if %cond3A_594 {
      %add3A_703 = arith.constant 6 : i32
      %add3A_704 = arith.addi %select_n3A_8, %add3A_703 : i32
      %add3A_705 = arith.constant 750 : i32
      %add3A_706 = arith.addi %mul3A_10, %add3A_705 : i32
      %dma_wait3A = arith.constant 0 : i32
      %dma_wait3A_707 = arith.constant 0 : i32
      %dma_wait3A_708 = tpu.memref_slice %arg6[%dma_wait3A, %dma_wait3A_707] : memref<2x128xi32, #tpu.memory_space<vmem>> -> memref<1x128xi32, #tpu.memory_space<vmem>>
      %dma_wait3A_709 = tpu.memref_squeeze %dma_wait3A_708 : memref<1x128xi32, #tpu.memory_space<vmem>> -> memref<128xi32, #tpu.memory_space<vmem>>
      %dma_wait3A_710 = arith.constant 0 : i32
      %dma_wait3A_711 = tpu.memref_slice %arg3[%add3A_704, %dma_wait3A_710] : memref<800x128xi32, #tpu.memory_space<hbm>> -> memref<1x128xi32, #tpu.memory_space<hbm>>
      %dma_wait3A_712 = tpu.memref_squeeze %dma_wait3A_711 : memref<1x128xi32, #tpu.memory_space<hbm>> -> memref<128xi32, #tpu.memory_space<hbm>>
      %dma_wait3A_713 = arith.constant 0 : i32
      %dma_wait3A_714 = tpu.memref_slice %arg6[%dma_wait3A, %dma_wait3A_713] : memref<2x128xi32, #tpu.memory_space<vmem>> -> memref<1x128xi32, #tpu.memory_space<vmem>>
      %dma_wait3A_715 = tpu.memref_squeeze %dma_wait3A_714 : memref<1x128xi32, #tpu.memory_space<vmem>> -> memref<128xi32, #tpu.memory_space<vmem>>
      %dma_wait3A_716 = arith.constant 0 : i32
      %dma_wait3A_717 = tpu.memref_slice %arg3[%add3A_704, %dma_wait3A_716] : memref<800x128xi32, #tpu.memory_space<hbm>> -> memref<1x128xi32, #tpu.memory_space<hbm>>
      %dma_wait3A_718 = tpu.memref_squeeze %dma_wait3A_717 : memref<1x128xi32, #tpu.memory_space<hbm>> -> memref<128xi32, #tpu.memory_space<hbm>>
      tpu.wait_dma2 semaphore(%arg13 : memref<!tpu.dma_semaphore, #tpu.memory_space<semaphore_mem>>) src(%dma_wait3A_718 : memref<128xi32, #tpu.memory_space<hbm>>) dst(%dma_wait3A_715 : memref<128xi32, #tpu.memory_space<vmem>>)
      %dma_wait3A_719 = arith.constant 0 : i32
      %dma_wait3A_720 = arith.constant 0 : i32
      %dma_wait3A_721 = arith.constant 0 : i32
      %dma_wait3A_722 = tpu.memref_slice %arg7[%dma_wait3A_719, %dma_wait3A_720, %dma_wait3A_721] : memref<2x128x128xf32, #tpu.memory_space<vmem>> -> memref<1x125x128xf32, #tpu.memory_space<vmem>>
      %dma_wait3A_723 = tpu.memref_squeeze %dma_wait3A_722 : memref<1x125x128xf32, #tpu.memory_space<vmem>> -> memref<125x128xf32, #tpu.memory_space<vmem>>
      %dma_wait3A_724 = arith.constant 0 : i32
      %dma_wait3A_725 = tpu.memref_slice %arg2[%add3A_706, %dma_wait3A_724] : memref<100000x128xf32, #tpu.memory_space<hbm>> -> memref<125x128xf32, #tpu.memory_space<hbm>>
      %dma_wait3A_726 = arith.constant 0 : i32
      %dma_wait3A_727 = arith.constant 0 : i32
      %dma_wait3A_728 = tpu.memref_slice %arg7[%dma_wait3A_719, %dma_wait3A_726, %dma_wait3A_727] : memref<2x128x128xf32, #tpu.memory_space<vmem>> -> memref<1x125x128xf32, #tpu.memory_space<vmem>>
      %dma_wait3A_729 = tpu.memref_squeeze %dma_wait3A_728 : memref<1x125x128xf32, #tpu.memory_space<vmem>> -> memref<125x128xf32, #tpu.memory_space<vmem>>
      %dma_wait3A_730 = arith.constant 0 : i32
      %dma_wait3A_731 = tpu.memref_slice %arg2[%add3A_706, %dma_wait3A_730] : memref<100000x128xf32, #tpu.memory_space<hbm>> -> memref<125x128xf32, #tpu.memory_space<hbm>>
      tpu.wait_dma2 semaphore(%arg15 : memref<!tpu.dma_semaphore, #tpu.memory_space<semaphore_mem>>) src(%dma_wait3A_731 : memref<125x128xf32, #tpu.memory_space<hbm>>) dst(%dma_wait3A_729 : memref<125x128xf32, #tpu.memory_space<vmem>>)
      %run_scoped3A = arith.constant 0 : i32
      %run_scoped3A_732 = arith.constant 0 : i32
      "tpu.region"() ({
        %run_scoped3A_739 = tpu.sem_alloc : memref<!tpu.dma_semaphore, #tpu.memory_space<semaphore_mem>>
        %dma_start3A_740 = arith.constant 0 : i32
        %dma_start3A_741 = arith.constant 0 : i32
        %dma_start3A_742 = tpu.memref_slice %arg7[%run_scoped3A, %dma_start3A_740, %dma_start3A_741] : memref<2x128x128xf32, #tpu.memory_space<vmem>> -> memref<1x128x128xf32, #tpu.memory_space<vmem>>
        %dma_start3A_743 = tpu.memref_squeeze %dma_start3A_742 : memref<1x128x128xf32, #tpu.memory_space<vmem>> -> memref<128x128xf32, #tpu.memory_space<vmem>>
        %dma_start3A_744 = arith.constant 0 : i32
        %dma_start3A_745 = tpu.memref_slice %arg6[%run_scoped3A_732, %dma_start3A_744] : memref<2x128xi32, #tpu.memory_space<vmem>> -> memref<1x128xi32, #tpu.memory_space<vmem>>
        %dma_start3A_746 = tpu.memref_squeeze %dma_start3A_745 : memref<1x128xi32, #tpu.memory_space<vmem>> -> memref<128xi32, #tpu.memory_space<vmem>>
        %dma_start3A_747 = arith.constant 0 : i32
        %dma_start3A_748 = arith.constant 0 : i32
        %dma_start3A_749 = tpu.memref_slice %arg11[%dma_start3A_747, %dma_start3A_748] : memref<1040x128xf32, #tpu.memory_space<vmem_shared>> -> memref<1040x128xf32, #tpu.memory_space<vmem_shared>>
        tpu.enqueue_indirect_dma source(%dma_start3A_743 : memref<128x128xf32, #tpu.memory_space<vmem>>) target(%dma_start3A_749 : memref<1040x128xf32, #tpu.memory_space<vmem_shared>>) offsets(%dma_start3A_746 : memref<128xi32, #tpu.memory_space<vmem>>) semaphore(%run_scoped3A_739 : memref<!tpu.dma_semaphore, #tpu.memory_space<semaphore_mem>>) {add = true}
        %dma_wait3A_750 = arith.constant 0 : i32
        %dma_wait3A_751 = arith.constant 0 : i32
        %dma_wait3A_752 = tpu.memref_slice %arg7[%run_scoped3A, %dma_wait3A_750, %dma_wait3A_751] : memref<2x128x128xf32, #tpu.memory_space<vmem>> -> memref<1x128x128xf32, #tpu.memory_space<vmem>>
        %dma_wait3A_753 = tpu.memref_squeeze %dma_wait3A_752 : memref<1x128x128xf32, #tpu.memory_space<vmem>> -> memref<128x128xf32, #tpu.memory_space<vmem>>
        %dma_wait3A_754 = arith.constant 0 : i32
        %dma_wait3A_755 = tpu.memref_slice %arg6[%run_scoped3A_732, %dma_wait3A_754] : memref<2x128xi32, #tpu.memory_space<vmem>> -> memref<1x128xi32, #tpu.memory_space<vmem>>
        %dma_wait3A_756 = tpu.memref_squeeze %dma_wait3A_755 : memref<1x128xi32, #tpu.memory_space<vmem>> -> memref<128xi32, #tpu.memory_space<vmem>>
        %dma_wait3A_757 = arith.constant 0 : i32
        %dma_wait3A_758 = arith.constant 0 : i32
        %dma_wait3A_759 = tpu.memref_slice %arg11[%dma_wait3A_757, %dma_wait3A_758] : memref<1040x128xf32, #tpu.memory_space<vmem_shared>> -> memref<1040x128xf32, #tpu.memory_space<vmem_shared>>
        tpu.wait_indirect_dma semaphore(%run_scoped3A_739 : memref<!tpu.dma_semaphore, #tpu.memory_space<semaphore_mem>>) src(%dma_wait3A_753 : memref<128x128xf32, #tpu.memory_space<vmem>>) dst(%dma_wait3A_759 : memref<1040x128xf32, #tpu.memory_space<vmem_shared>>)
        tpu.yield
      }) : () -> ()
      %run_scoped3A_733 = arith.constant 0 : i32
      "tpu.region"() ({
        %run_scoped3A_739 = tpu.sem_alloc : memref<!tpu.dma_semaphore, #tpu.memory_space<semaphore_mem>>
        %dma_start3A_740 = arith.constant 0 : i32
        %dma_start3A_741 = tpu.memref_slice %arg6[%run_scoped3A_733, %dma_start3A_740] : memref<2x128xi32, #tpu.memory_space<vmem>> -> memref<1x128xi32, #tpu.memory_space<vmem>>
        %dma_start3A_742 = tpu.memref_squeeze %dma_start3A_741 : memref<1x128xi32, #tpu.memory_space<vmem>> -> memref<128xi32, #tpu.memory_space<vmem>>
        %dma_start3A_743 = arith.constant 0 : i32
        %dma_start3A_744 = arith.constant 0 : i32
        %dma_start3A_745 = tpu.memref_slice %arg12[%dma_start3A_743, %dma_start3A_744] : memref<1040x16xf32, #tpu.memory_space<vmem_shared>> -> memref<1040x16xf32, #tpu.memory_space<vmem_shared>>
        tpu.enqueue_indirect_dma source(%arg8 : memref<128x16xf32, #tpu.memory_space<vmem>>) target(%dma_start3A_745 : memref<1040x16xf32, #tpu.memory_space<vmem_shared>>) offsets(%dma_start3A_742 : memref<128xi32, #tpu.memory_space<vmem>>) semaphore(%run_scoped3A_739 : memref<!tpu.dma_semaphore, #tpu.memory_space<semaphore_mem>>) {add = true}
        %dma_wait3A_746 = arith.constant 0 : i32
        %dma_wait3A_747 = tpu.memref_slice %arg6[%run_scoped3A_733, %dma_wait3A_746] : memref<2x128xi32, #tpu.memory_space<vmem>> -> memref<1x128xi32, #tpu.memory_space<vmem>>
        %dma_wait3A_748 = tpu.memref_squeeze %dma_wait3A_747 : memref<1x128xi32, #tpu.memory_space<vmem>> -> memref<128xi32, #tpu.memory_space<vmem>>
        %dma_wait3A_749 = arith.constant 0 : i32
        %dma_wait3A_750 = arith.constant 0 : i32
        %dma_wait3A_751 = tpu.memref_slice %arg12[%dma_wait3A_749, %dma_wait3A_750] : memref<1040x16xf32, #tpu.memory_space<vmem_shared>> -> memref<1040x16xf32, #tpu.memory_space<vmem_shared>>
        tpu.wait_indirect_dma semaphore(%run_scoped3A_739 : memref<!tpu.dma_semaphore, #tpu.memory_space<semaphore_mem>>) src(%arg8 : memref<128x16xf32, #tpu.memory_space<vmem>>) dst(%dma_wait3A_751 : memref<1040x16xf32, #tpu.memory_space<vmem_shared>>)
        tpu.yield
      }) : () -> ()
      %gt3A_734 = arith.constant 8 : i32
      %gt3A_735 = arith.cmpi sgt, %select_n3A, %gt3A_734 : i32
      %convert_element_type3A_736 = arith.extui %gt3A_735 : i1 to i32
      %cond3A_737 = arith.constant 0 : i32
      %cond3A_738 = arith.cmpi ne, %convert_element_type3A_736, %cond3A_737 : i32
      scf.if %cond3A_738 {
        %add3A_739 = arith.constant 8 : i32
        %add3A_740 = arith.addi %select_n3A_8, %add3A_739 : i32
        %add3A_741 = arith.constant 1000 : i32
        %add3A_742 = arith.addi %mul3A_10, %add3A_741 : i32
        %dma_start3A_743 = arith.constant 0 : i32
        %dma_start3A_744 = arith.constant 0 : i32
        %dma_start3A_745 = tpu.memref_slice %arg6[%dma_start3A_743, %dma_start3A_744] : memref<2x128xi32, #tpu.memory_space<vmem>> -> memref<1x128xi32, #tpu.memory_space<vmem>>
        %dma_start3A_746 = tpu.memref_squeeze %dma_start3A_745 : memref<1x128xi32, #tpu.memory_space<vmem>> -> memref<128xi32, #tpu.memory_space<vmem>>
        %dma_start3A_747 = arith.constant 0 : i32
        %dma_start3A_748 = tpu.memref_slice %arg3[%add3A_740, %dma_start3A_747] : memref<800x128xi32, #tpu.memory_space<hbm>> -> memref<1x128xi32, #tpu.memory_space<hbm>>
        %dma_start3A_749 = tpu.memref_squeeze %dma_start3A_748 : memref<1x128xi32, #tpu.memory_space<hbm>> -> memref<128xi32, #tpu.memory_space<hbm>>
        %dma_start3A_750 = arith.constant 0 : i32
        %dma_start3A_751 = tpu.memref_slice %arg6[%dma_start3A_743, %dma_start3A_750] : memref<2x128xi32, #tpu.memory_space<vmem>> -> memref<1x128xi32, #tpu.memory_space<vmem>>
        %dma_start3A_752 = tpu.memref_squeeze %dma_start3A_751 : memref<1x128xi32, #tpu.memory_space<vmem>> -> memref<128xi32, #tpu.memory_space<vmem>>
        %dma_start3A_753 = arith.constant 0 : i32
        %dma_start3A_754 = tpu.memref_slice %arg3[%add3A_740, %dma_start3A_753] : memref<800x128xi32, #tpu.memory_space<hbm>> -> memref<1x128xi32, #tpu.memory_space<hbm>>
        %dma_start3A_755 = tpu.memref_squeeze %dma_start3A_754 : memref<1x128xi32, #tpu.memory_space<hbm>> -> memref<128xi32, #tpu.memory_space<hbm>>
        tpu.enqueue_dma source(%dma_start3A_755 : memref<128xi32, #tpu.memory_space<hbm>>) target(%dma_start3A_752 : memref<128xi32, #tpu.memory_space<vmem>>) target_semaphore(%arg13 : memref<!tpu.dma_semaphore, #tpu.memory_space<semaphore_mem>>)
        %dma_start3A_756 = arith.constant 0 : i32
        %dma_start3A_757 = arith.constant 0 : i32
        %dma_start3A_758 = arith.constant 0 : i32
        %dma_start3A_759 = tpu.memref_slice %arg7[%dma_start3A_756, %dma_start3A_757, %dma_start3A_758] : memref<2x128x128xf32, #tpu.memory_space<vmem>> -> memref<1x125x128xf32, #tpu.memory_space<vmem>>
        %dma_start3A_760 = tpu.memref_squeeze %dma_start3A_759 : memref<1x125x128xf32, #tpu.memory_space<vmem>> -> memref<125x128xf32, #tpu.memory_space<vmem>>
        %dma_start3A_761 = arith.constant 0 : i32
        %dma_start3A_762 = tpu.memref_slice %arg2[%add3A_742, %dma_start3A_761] : memref<100000x128xf32, #tpu.memory_space<hbm>> -> memref<125x128xf32, #tpu.memory_space<hbm>>
        %dma_start3A_763 = arith.constant 0 : i32
        %dma_start3A_764 = arith.constant 0 : i32
        %dma_start3A_765 = tpu.memref_slice %arg7[%dma_start3A_756, %dma_start3A_763, %dma_start3A_764] : memref<2x128x128xf32, #tpu.memory_space<vmem>> -> memref<1x125x128xf32, #tpu.memory_space<vmem>>
        %dma_start3A_766 = tpu.memref_squeeze %dma_start3A_765 : memref<1x125x128xf32, #tpu.memory_space<vmem>> -> memref<125x128xf32, #tpu.memory_space<vmem>>
        %dma_start3A_767 = arith.constant 0 : i32
        %dma_start3A_768 = tpu.memref_slice %arg2[%add3A_742, %dma_start3A_767] : memref<100000x128xf32, #tpu.memory_space<hbm>> -> memref<125x128xf32, #tpu.memory_space<hbm>>
        tpu.enqueue_dma source(%dma_start3A_768 : memref<125x128xf32, #tpu.memory_space<hbm>>) target(%dma_start3A_766 : memref<125x128xf32, #tpu.memory_space<vmem>>) target_semaphore(%arg15 : memref<!tpu.dma_semaphore, #tpu.memory_space<semaphore_mem>>)
      } else {
      }
    } else {
    }
    %gt3A_595 = arith.constant 7 : i32
    %gt3A_596 = arith.cmpi sgt, %select_n3A, %gt3A_595 : i32
    %convert_element_type3A_597 = arith.extui %gt3A_596 : i1 to i32
    %cond3A_598 = arith.constant 0 : i32
    %cond3A_599 = arith.cmpi ne, %convert_element_type3A_597, %cond3A_598 : i32
    scf.if %cond3A_599 {
      %add3A_703 = arith.constant 7 : i32
      %add3A_704 = arith.addi %select_n3A_8, %add3A_703 : i32
      %add3A_705 = arith.constant 875 : i32
      %add3A_706 = arith.addi %mul3A_10, %add3A_705 : i32
      %dma_wait3A = arith.constant 1 : i32
      %dma_wait3A_707 = arith.constant 0 : i32
      %dma_wait3A_708 = tpu.memref_slice %arg6[%dma_wait3A, %dma_wait3A_707] : memref<2x128xi32, #tpu.memory_space<vmem>> -> memref<1x128xi32, #tpu.memory_space<vmem>>
      %dma_wait3A_709 = tpu.memref_squeeze %dma_wait3A_708 : memref<1x128xi32, #tpu.memory_space<vmem>> -> memref<128xi32, #tpu.memory_space<vmem>>
      %dma_wait3A_710 = arith.constant 0 : i32
      %dma_wait3A_711 = tpu.memref_slice %arg3[%add3A_704, %dma_wait3A_710] : memref<800x128xi32, #tpu.memory_space<hbm>> -> memref<1x128xi32, #tpu.memory_space<hbm>>
      %dma_wait3A_712 = tpu.memref_squeeze %dma_wait3A_711 : memref<1x128xi32, #tpu.memory_space<hbm>> -> memref<128xi32, #tpu.memory_space<hbm>>
      %dma_wait3A_713 = arith.constant 0 : i32
      %dma_wait3A_714 = tpu.memref_slice %arg6[%dma_wait3A, %dma_wait3A_713] : memref<2x128xi32, #tpu.memory_space<vmem>> -> memref<1x128xi32, #tpu.memory_space<vmem>>
      %dma_wait3A_715 = tpu.memref_squeeze %dma_wait3A_714 : memref<1x128xi32, #tpu.memory_space<vmem>> -> memref<128xi32, #tpu.memory_space<vmem>>
      %dma_wait3A_716 = arith.constant 0 : i32
      %dma_wait3A_717 = tpu.memref_slice %arg3[%add3A_704, %dma_wait3A_716] : memref<800x128xi32, #tpu.memory_space<hbm>> -> memref<1x128xi32, #tpu.memory_space<hbm>>
      %dma_wait3A_718 = tpu.memref_squeeze %dma_wait3A_717 : memref<1x128xi32, #tpu.memory_space<hbm>> -> memref<128xi32, #tpu.memory_space<hbm>>
      tpu.wait_dma2 semaphore(%arg14 : memref<!tpu.dma_semaphore, #tpu.memory_space<semaphore_mem>>) src(%dma_wait3A_718 : memref<128xi32, #tpu.memory_space<hbm>>) dst(%dma_wait3A_715 : memref<128xi32, #tpu.memory_space<vmem>>)
      %dma_wait3A_719 = arith.constant 1 : i32
      %dma_wait3A_720 = arith.constant 0 : i32
      %dma_wait3A_721 = arith.constant 0 : i32
      %dma_wait3A_722 = tpu.memref_slice %arg7[%dma_wait3A_719, %dma_wait3A_720, %dma_wait3A_721] : memref<2x128x128xf32, #tpu.memory_space<vmem>> -> memref<1x125x128xf32, #tpu.memory_space<vmem>>
      %dma_wait3A_723 = tpu.memref_squeeze %dma_wait3A_722 : memref<1x125x128xf32, #tpu.memory_space<vmem>> -> memref<125x128xf32, #tpu.memory_space<vmem>>
      %dma_wait3A_724 = arith.constant 0 : i32
      %dma_wait3A_725 = tpu.memref_slice %arg2[%add3A_706, %dma_wait3A_724] : memref<100000x128xf32, #tpu.memory_space<hbm>> -> memref<125x128xf32, #tpu.memory_space<hbm>>
      %dma_wait3A_726 = arith.constant 0 : i32
      %dma_wait3A_727 = arith.constant 0 : i32
      %dma_wait3A_728 = tpu.memref_slice %arg7[%dma_wait3A_719, %dma_wait3A_726, %dma_wait3A_727] : memref<2x128x128xf32, #tpu.memory_space<vmem>> -> memref<1x125x128xf32, #tpu.memory_space<vmem>>
      %dma_wait3A_729 = tpu.memref_squeeze %dma_wait3A_728 : memref<1x125x128xf32, #tpu.memory_space<vmem>> -> memref<125x128xf32, #tpu.memory_space<vmem>>
      %dma_wait3A_730 = arith.constant 0 : i32
      %dma_wait3A_731 = tpu.memref_slice %arg2[%add3A_706, %dma_wait3A_730] : memref<100000x128xf32, #tpu.memory_space<hbm>> -> memref<125x128xf32, #tpu.memory_space<hbm>>
      tpu.wait_dma2 semaphore(%arg16 : memref<!tpu.dma_semaphore, #tpu.memory_space<semaphore_mem>>) src(%dma_wait3A_731 : memref<125x128xf32, #tpu.memory_space<hbm>>) dst(%dma_wait3A_729 : memref<125x128xf32, #tpu.memory_space<vmem>>)
      %run_scoped3A = arith.constant 1 : i32
      %run_scoped3A_732 = arith.constant 1 : i32
      "tpu.region"() ({
        %run_scoped3A_739 = tpu.sem_alloc : memref<!tpu.dma_semaphore, #tpu.memory_space<semaphore_mem>>
        %dma_start3A_740 = arith.constant 0 : i32
        %dma_start3A_741 = arith.constant 0 : i32
        %dma_start3A_742 = tpu.memref_slice %arg7[%run_scoped3A, %dma_start3A_740, %dma_start3A_741] : memref<2x128x128xf32, #tpu.memory_space<vmem>> -> memref<1x128x128xf32, #tpu.memory_space<vmem>>
        %dma_start3A_743 = tpu.memref_squeeze %dma_start3A_742 : memref<1x128x128xf32, #tpu.memory_space<vmem>> -> memref<128x128xf32, #tpu.memory_space<vmem>>
        %dma_start3A_744 = arith.constant 0 : i32
        %dma_start3A_745 = tpu.memref_slice %arg6[%run_scoped3A_732, %dma_start3A_744] : memref<2x128xi32, #tpu.memory_space<vmem>> -> memref<1x128xi32, #tpu.memory_space<vmem>>
        %dma_start3A_746 = tpu.memref_squeeze %dma_start3A_745 : memref<1x128xi32, #tpu.memory_space<vmem>> -> memref<128xi32, #tpu.memory_space<vmem>>
        %dma_start3A_747 = arith.constant 0 : i32
        %dma_start3A_748 = arith.constant 0 : i32
        %dma_start3A_749 = tpu.memref_slice %arg11[%dma_start3A_747, %dma_start3A_748] : memref<1040x128xf32, #tpu.memory_space<vmem_shared>> -> memref<1040x128xf32, #tpu.memory_space<vmem_shared>>
        tpu.enqueue_indirect_dma source(%dma_start3A_743 : memref<128x128xf32, #tpu.memory_space<vmem>>) target(%dma_start3A_749 : memref<1040x128xf32, #tpu.memory_space<vmem_shared>>) offsets(%dma_start3A_746 : memref<128xi32, #tpu.memory_space<vmem>>) semaphore(%run_scoped3A_739 : memref<!tpu.dma_semaphore, #tpu.memory_space<semaphore_mem>>) {add = true}
        %dma_wait3A_750 = arith.constant 0 : i32
        %dma_wait3A_751 = arith.constant 0 : i32
        %dma_wait3A_752 = tpu.memref_slice %arg7[%run_scoped3A, %dma_wait3A_750, %dma_wait3A_751] : memref<2x128x128xf32, #tpu.memory_space<vmem>> -> memref<1x128x128xf32, #tpu.memory_space<vmem>>
        %dma_wait3A_753 = tpu.memref_squeeze %dma_wait3A_752 : memref<1x128x128xf32, #tpu.memory_space<vmem>> -> memref<128x128xf32, #tpu.memory_space<vmem>>
        %dma_wait3A_754 = arith.constant 0 : i32
        %dma_wait3A_755 = tpu.memref_slice %arg6[%run_scoped3A_732, %dma_wait3A_754] : memref<2x128xi32, #tpu.memory_space<vmem>> -> memref<1x128xi32, #tpu.memory_space<vmem>>
        %dma_wait3A_756 = tpu.memref_squeeze %dma_wait3A_755 : memref<1x128xi32, #tpu.memory_space<vmem>> -> memref<128xi32, #tpu.memory_space<vmem>>
        %dma_wait3A_757 = arith.constant 0 : i32
        %dma_wait3A_758 = arith.constant 0 : i32
        %dma_wait3A_759 = tpu.memref_slice %arg11[%dma_wait3A_757, %dma_wait3A_758] : memref<1040x128xf32, #tpu.memory_space<vmem_shared>> -> memref<1040x128xf32, #tpu.memory_space<vmem_shared>>
        tpu.wait_indirect_dma semaphore(%run_scoped3A_739 : memref<!tpu.dma_semaphore, #tpu.memory_space<semaphore_mem>>) src(%dma_wait3A_753 : memref<128x128xf32, #tpu.memory_space<vmem>>) dst(%dma_wait3A_759 : memref<1040x128xf32, #tpu.memory_space<vmem_shared>>)
        tpu.yield
      }) : () -> ()
      %run_scoped3A_733 = arith.constant 1 : i32
      "tpu.region"() ({
        %run_scoped3A_739 = tpu.sem_alloc : memref<!tpu.dma_semaphore, #tpu.memory_space<semaphore_mem>>
        %dma_start3A_740 = arith.constant 0 : i32
        %dma_start3A_741 = tpu.memref_slice %arg6[%run_scoped3A_733, %dma_start3A_740] : memref<2x128xi32, #tpu.memory_space<vmem>> -> memref<1x128xi32, #tpu.memory_space<vmem>>
        %dma_start3A_742 = tpu.memref_squeeze %dma_start3A_741 : memref<1x128xi32, #tpu.memory_space<vmem>> -> memref<128xi32, #tpu.memory_space<vmem>>
        %dma_start3A_743 = arith.constant 0 : i32
        %dma_start3A_744 = arith.constant 0 : i32
        %dma_start3A_745 = tpu.memref_slice %arg12[%dma_start3A_743, %dma_start3A_744] : memref<1040x16xf32, #tpu.memory_space<vmem_shared>> -> memref<1040x16xf32, #tpu.memory_space<vmem_shared>>
        tpu.enqueue_indirect_dma source(%arg8 : memref<128x16xf32, #tpu.memory_space<vmem>>) target(%dma_start3A_745 : memref<1040x16xf32, #tpu.memory_space<vmem_shared>>) offsets(%dma_start3A_742 : memref<128xi32, #tpu.memory_space<vmem>>) semaphore(%run_scoped3A_739 : memref<!tpu.dma_semaphore, #tpu.memory_space<semaphore_mem>>) {add = true}
        %dma_wait3A_746 = arith.constant 0 : i32
        %dma_wait3A_747 = tpu.memref_slice %arg6[%run_scoped3A_733, %dma_wait3A_746] : memref<2x128xi32, #tpu.memory_space<vmem>> -> memref<1x128xi32, #tpu.memory_space<vmem>>
        %dma_wait3A_748 = tpu.memref_squeeze %dma_wait3A_747 : memref<1x128xi32, #tpu.memory_space<vmem>> -> memref<128xi32, #tpu.memory_space<vmem>>
        %dma_wait3A_749 = arith.constant 0 : i32
        %dma_wait3A_750 = arith.constant 0 : i32
        %dma_wait3A_751 = tpu.memref_slice %arg12[%dma_wait3A_749, %dma_wait3A_750] : memref<1040x16xf32, #tpu.memory_space<vmem_shared>> -> memref<1040x16xf32, #tpu.memory_space<vmem_shared>>
        tpu.wait_indirect_dma semaphore(%run_scoped3A_739 : memref<!tpu.dma_semaphore, #tpu.memory_space<semaphore_mem>>) src(%arg8 : memref<128x16xf32, #tpu.memory_space<vmem>>) dst(%dma_wait3A_751 : memref<1040x16xf32, #tpu.memory_space<vmem_shared>>)
        tpu.yield
      }) : () -> ()
      %gt3A_734 = arith.constant 9 : i32
      %gt3A_735 = arith.cmpi sgt, %select_n3A, %gt3A_734 : i32
      %convert_element_type3A_736 = arith.extui %gt3A_735 : i1 to i32
      %cond3A_737 = arith.constant 0 : i32
      %cond3A_738 = arith.cmpi ne, %convert_element_type3A_736, %cond3A_737 : i32
      scf.if %cond3A_738 {
        %add3A_739 = arith.constant 9 : i32
        %add3A_740 = arith.addi %select_n3A_8, %add3A_739 : i32
        %add3A_741 = arith.constant 1125 : i32
        %add3A_742 = arith.addi %mul3A_10, %add3A_741 : i32
        %dma_start3A_743 = arith.constant 1 : i32
        %dma_start3A_744 = arith.constant 0 : i32
        %dma_start3A_745 = tpu.memref_slice %arg6[%dma_start3A_743, %dma_start3A_744] : memref<2x128xi32, #tpu.memory_space<vmem>> -> memref<1x128xi32, #tpu.memory_space<vmem>>
        %dma_start3A_746 = tpu.memref_squeeze %dma_start3A_745 : memref<1x128xi32, #tpu.memory_space<vmem>> -> memref<128xi32, #tpu.memory_space<vmem>>
        %dma_start3A_747 = arith.constant 0 : i32
        %dma_start3A_748 = tpu.memref_slice %arg3[%add3A_740, %dma_start3A_747] : memref<800x128xi32, #tpu.memory_space<hbm>> -> memref<1x128xi32, #tpu.memory_space<hbm>>
        %dma_start3A_749 = tpu.memref_squeeze %dma_start3A_748 : memref<1x128xi32, #tpu.memory_space<hbm>> -> memref<128xi32, #tpu.memory_space<hbm>>
        %dma_start3A_750 = arith.constant 0 : i32
        %dma_start3A_751 = tpu.memref_slice %arg6[%dma_start3A_743, %dma_start3A_750] : memref<2x128xi32, #tpu.memory_space<vmem>> -> memref<1x128xi32, #tpu.memory_space<vmem>>
        %dma_start3A_752 = tpu.memref_squeeze %dma_start3A_751 : memref<1x128xi32, #tpu.memory_space<vmem>> -> memref<128xi32, #tpu.memory_space<vmem>>
        %dma_start3A_753 = arith.constant 0 : i32
        %dma_start3A_754 = tpu.memref_slice %arg3[%add3A_740, %dma_start3A_753] : memref<800x128xi32, #tpu.memory_space<hbm>> -> memref<1x128xi32, #tpu.memory_space<hbm>>
        %dma_start3A_755 = tpu.memref_squeeze %dma_start3A_754 : memref<1x128xi32, #tpu.memory_space<hbm>> -> memref<128xi32, #tpu.memory_space<hbm>>
        tpu.enqueue_dma source(%dma_start3A_755 : memref<128xi32, #tpu.memory_space<hbm>>) target(%dma_start3A_752 : memref<128xi32, #tpu.memory_space<vmem>>) target_semaphore(%arg14 : memref<!tpu.dma_semaphore, #tpu.memory_space<semaphore_mem>>)
        %dma_start3A_756 = arith.constant 1 : i32
        %dma_start3A_757 = arith.constant 0 : i32
        %dma_start3A_758 = arith.constant 0 : i32
        %dma_start3A_759 = tpu.memref_slice %arg7[%dma_start3A_756, %dma_start3A_757, %dma_start3A_758] : memref<2x128x128xf32, #tpu.memory_space<vmem>> -> memref<1x125x128xf32, #tpu.memory_space<vmem>>
        %dma_start3A_760 = tpu.memref_squeeze %dma_start3A_759 : memref<1x125x128xf32, #tpu.memory_space<vmem>> -> memref<125x128xf32, #tpu.memory_space<vmem>>
        %dma_start3A_761 = arith.constant 0 : i32
        %dma_start3A_762 = tpu.memref_slice %arg2[%add3A_742, %dma_start3A_761] : memref<100000x128xf32, #tpu.memory_space<hbm>> -> memref<125x128xf32, #tpu.memory_space<hbm>>
        %dma_start3A_763 = arith.constant 0 : i32
        %dma_start3A_764 = arith.constant 0 : i32
        %dma_start3A_765 = tpu.memref_slice %arg7[%dma_start3A_756, %dma_start3A_763, %dma_start3A_764] : memref<2x128x128xf32, #tpu.memory_space<vmem>> -> memref<1x125x128xf32, #tpu.memory_space<vmem>>
        %dma_start3A_766 = tpu.memref_squeeze %dma_start3A_765 : memref<1x125x128xf32, #tpu.memory_space<vmem>> -> memref<125x128xf32, #tpu.memory_space<vmem>>
        %dma_start3A_767 = arith.constant 0 : i32
        %dma_start3A_768 = tpu.memref_slice %arg2[%add3A_742, %dma_start3A_767] : memref<100000x128xf32, #tpu.memory_space<hbm>> -> memref<125x128xf32, #tpu.memory_space<hbm>>
        tpu.enqueue_dma source(%dma_start3A_768 : memref<125x128xf32, #tpu.memory_space<hbm>>) target(%dma_start3A_766 : memref<125x128xf32, #tpu.memory_space<vmem>>) target_semaphore(%arg16 : memref<!tpu.dma_semaphore, #tpu.memory_space<semaphore_mem>>)
      } else {
      }
    } else {
    }
    %gt3A_600 = arith.constant 8 : i32
    %gt3A_601 = arith.cmpi sgt, %select_n3A, %gt3A_600 : i32
    %convert_element_type3A_602 = arith.extui %gt3A_601 : i1 to i32
    %cond3A_603 = arith.constant 0 : i32
    %cond3A_604 = arith.cmpi ne, %convert_element_type3A_602, %cond3A_603 : i32
    scf.if %cond3A_604 {
      %add3A_703 = arith.constant 8 : i32
      %add3A_704 = arith.addi %select_n3A_8, %add3A_703 : i32
      %add3A_705 = arith.constant 1000 : i32
      %add3A_706 = arith.addi %mul3A_10, %add3A_705 : i32
      %dma_wait3A = arith.constant 0 : i32
      %dma_wait3A_707 = arith.constant 0 : i32
      %dma_wait3A_708 = tpu.memref_slice %arg6[%dma_wait3A, %dma_wait3A_707] : memref<2x128xi32, #tpu.memory_space<vmem>> -> memref<1x128xi32, #tpu.memory_space<vmem>>
      %dma_wait3A_709 = tpu.memref_squeeze %dma_wait3A_708 : memref<1x128xi32, #tpu.memory_space<vmem>> -> memref<128xi32, #tpu.memory_space<vmem>>
      %dma_wait3A_710 = arith.constant 0 : i32
      %dma_wait3A_711 = tpu.memref_slice %arg3[%add3A_704, %dma_wait3A_710] : memref<800x128xi32, #tpu.memory_space<hbm>> -> memref<1x128xi32, #tpu.memory_space<hbm>>
      %dma_wait3A_712 = tpu.memref_squeeze %dma_wait3A_711 : memref<1x128xi32, #tpu.memory_space<hbm>> -> memref<128xi32, #tpu.memory_space<hbm>>
      %dma_wait3A_713 = arith.constant 0 : i32
      %dma_wait3A_714 = tpu.memref_slice %arg6[%dma_wait3A, %dma_wait3A_713] : memref<2x128xi32, #tpu.memory_space<vmem>> -> memref<1x128xi32, #tpu.memory_space<vmem>>
      %dma_wait3A_715 = tpu.memref_squeeze %dma_wait3A_714 : memref<1x128xi32, #tpu.memory_space<vmem>> -> memref<128xi32, #tpu.memory_space<vmem>>
      %dma_wait3A_716 = arith.constant 0 : i32
      %dma_wait3A_717 = tpu.memref_slice %arg3[%add3A_704, %dma_wait3A_716] : memref<800x128xi32, #tpu.memory_space<hbm>> -> memref<1x128xi32, #tpu.memory_space<hbm>>
      %dma_wait3A_718 = tpu.memref_squeeze %dma_wait3A_717 : memref<1x128xi32, #tpu.memory_space<hbm>> -> memref<128xi32, #tpu.memory_space<hbm>>
      tpu.wait_dma2 semaphore(%arg13 : memref<!tpu.dma_semaphore, #tpu.memory_space<semaphore_mem>>) src(%dma_wait3A_718 : memref<128xi32, #tpu.memory_space<hbm>>) dst(%dma_wait3A_715 : memref<128xi32, #tpu.memory_space<vmem>>)
      %dma_wait3A_719 = arith.constant 0 : i32
      %dma_wait3A_720 = arith.constant 0 : i32
      %dma_wait3A_721 = arith.constant 0 : i32
      %dma_wait3A_722 = tpu.memref_slice %arg7[%dma_wait3A_719, %dma_wait3A_720, %dma_wait3A_721] : memref<2x128x128xf32, #tpu.memory_space<vmem>> -> memref<1x125x128xf32, #tpu.memory_space<vmem>>
      %dma_wait3A_723 = tpu.memref_squeeze %dma_wait3A_722 : memref<1x125x128xf32, #tpu.memory_space<vmem>> -> memref<125x128xf32, #tpu.memory_space<vmem>>
      %dma_wait3A_724 = arith.constant 0 : i32
      %dma_wait3A_725 = tpu.memref_slice %arg2[%add3A_706, %dma_wait3A_724] : memref<100000x128xf32, #tpu.memory_space<hbm>> -> memref<125x128xf32, #tpu.memory_space<hbm>>
      %dma_wait3A_726 = arith.constant 0 : i32
      %dma_wait3A_727 = arith.constant 0 : i32
      %dma_wait3A_728 = tpu.memref_slice %arg7[%dma_wait3A_719, %dma_wait3A_726, %dma_wait3A_727] : memref<2x128x128xf32, #tpu.memory_space<vmem>> -> memref<1x125x128xf32, #tpu.memory_space<vmem>>
      %dma_wait3A_729 = tpu.memref_squeeze %dma_wait3A_728 : memref<1x125x128xf32, #tpu.memory_space<vmem>> -> memref<125x128xf32, #tpu.memory_space<vmem>>
      %dma_wait3A_730 = arith.constant 0 : i32
      %dma_wait3A_731 = tpu.memref_slice %arg2[%add3A_706, %dma_wait3A_730] : memref<100000x128xf32, #tpu.memory_space<hbm>> -> memref<125x128xf32, #tpu.memory_space<hbm>>
      tpu.wait_dma2 semaphore(%arg15 : memref<!tpu.dma_semaphore, #tpu.memory_space<semaphore_mem>>) src(%dma_wait3A_731 : memref<125x128xf32, #tpu.memory_space<hbm>>) dst(%dma_wait3A_729 : memref<125x128xf32, #tpu.memory_space<vmem>>)
      %run_scoped3A = arith.constant 0 : i32
      %run_scoped3A_732 = arith.constant 0 : i32
      "tpu.region"() ({
        %run_scoped3A_739 = tpu.sem_alloc : memref<!tpu.dma_semaphore, #tpu.memory_space<semaphore_mem>>
        %dma_start3A_740 = arith.constant 0 : i32
        %dma_start3A_741 = arith.constant 0 : i32
        %dma_start3A_742 = tpu.memref_slice %arg7[%run_scoped3A, %dma_start3A_740, %dma_start3A_741] : memref<2x128x128xf32, #tpu.memory_space<vmem>> -> memref<1x128x128xf32, #tpu.memory_space<vmem>>
        %dma_start3A_743 = tpu.memref_squeeze %dma_start3A_742 : memref<1x128x128xf32, #tpu.memory_space<vmem>> -> memref<128x128xf32, #tpu.memory_space<vmem>>
        %dma_start3A_744 = arith.constant 0 : i32
        %dma_start3A_745 = tpu.memref_slice %arg6[%run_scoped3A_732, %dma_start3A_744] : memref<2x128xi32, #tpu.memory_space<vmem>> -> memref<1x128xi32, #tpu.memory_space<vmem>>
        %dma_start3A_746 = tpu.memref_squeeze %dma_start3A_745 : memref<1x128xi32, #tpu.memory_space<vmem>> -> memref<128xi32, #tpu.memory_space<vmem>>
        %dma_start3A_747 = arith.constant 0 : i32
        %dma_start3A_748 = arith.constant 0 : i32
        %dma_start3A_749 = tpu.memref_slice %arg11[%dma_start3A_747, %dma_start3A_748] : memref<1040x128xf32, #tpu.memory_space<vmem_shared>> -> memref<1040x128xf32, #tpu.memory_space<vmem_shared>>
        tpu.enqueue_indirect_dma source(%dma_start3A_743 : memref<128x128xf32, #tpu.memory_space<vmem>>) target(%dma_start3A_749 : memref<1040x128xf32, #tpu.memory_space<vmem_shared>>) offsets(%dma_start3A_746 : memref<128xi32, #tpu.memory_space<vmem>>) semaphore(%run_scoped3A_739 : memref<!tpu.dma_semaphore, #tpu.memory_space<semaphore_mem>>) {add = true}
        %dma_wait3A_750 = arith.constant 0 : i32
        %dma_wait3A_751 = arith.constant 0 : i32
        %dma_wait3A_752 = tpu.memref_slice %arg7[%run_scoped3A, %dma_wait3A_750, %dma_wait3A_751] : memref<2x128x128xf32, #tpu.memory_space<vmem>> -> memref<1x128x128xf32, #tpu.memory_space<vmem>>
        %dma_wait3A_753 = tpu.memref_squeeze %dma_wait3A_752 : memref<1x128x128xf32, #tpu.memory_space<vmem>> -> memref<128x128xf32, #tpu.memory_space<vmem>>
        %dma_wait3A_754 = arith.constant 0 : i32
        %dma_wait3A_755 = tpu.memref_slice %arg6[%run_scoped3A_732, %dma_wait3A_754] : memref<2x128xi32, #tpu.memory_space<vmem>> -> memref<1x128xi32, #tpu.memory_space<vmem>>
        %dma_wait3A_756 = tpu.memref_squeeze %dma_wait3A_755 : memref<1x128xi32, #tpu.memory_space<vmem>> -> memref<128xi32, #tpu.memory_space<vmem>>
        %dma_wait3A_757 = arith.constant 0 : i32
        %dma_wait3A_758 = arith.constant 0 : i32
        %dma_wait3A_759 = tpu.memref_slice %arg11[%dma_wait3A_757, %dma_wait3A_758] : memref<1040x128xf32, #tpu.memory_space<vmem_shared>> -> memref<1040x128xf32, #tpu.memory_space<vmem_shared>>
        tpu.wait_indirect_dma semaphore(%run_scoped3A_739 : memref<!tpu.dma_semaphore, #tpu.memory_space<semaphore_mem>>) src(%dma_wait3A_753 : memref<128x128xf32, #tpu.memory_space<vmem>>) dst(%dma_wait3A_759 : memref<1040x128xf32, #tpu.memory_space<vmem_shared>>)
        tpu.yield
      }) : () -> ()
      %run_scoped3A_733 = arith.constant 0 : i32
      "tpu.region"() ({
        %run_scoped3A_739 = tpu.sem_alloc : memref<!tpu.dma_semaphore, #tpu.memory_space<semaphore_mem>>
        %dma_start3A_740 = arith.constant 0 : i32
        %dma_start3A_741 = tpu.memref_slice %arg6[%run_scoped3A_733, %dma_start3A_740] : memref<2x128xi32, #tpu.memory_space<vmem>> -> memref<1x128xi32, #tpu.memory_space<vmem>>
        %dma_start3A_742 = tpu.memref_squeeze %dma_start3A_741 : memref<1x128xi32, #tpu.memory_space<vmem>> -> memref<128xi32, #tpu.memory_space<vmem>>
        %dma_start3A_743 = arith.constant 0 : i32
        %dma_start3A_744 = arith.constant 0 : i32
        %dma_start3A_745 = tpu.memref_slice %arg12[%dma_start3A_743, %dma_start3A_744] : memref<1040x16xf32, #tpu.memory_space<vmem_shared>> -> memref<1040x16xf32, #tpu.memory_space<vmem_shared>>
        tpu.enqueue_indirect_dma source(%arg8 : memref<128x16xf32, #tpu.memory_space<vmem>>) target(%dma_start3A_745 : memref<1040x16xf32, #tpu.memory_space<vmem_shared>>) offsets(%dma_start3A_742 : memref<128xi32, #tpu.memory_space<vmem>>) semaphore(%run_scoped3A_739 : memref<!tpu.dma_semaphore, #tpu.memory_space<semaphore_mem>>) {add = true}
        %dma_wait3A_746 = arith.constant 0 : i32
        %dma_wait3A_747 = tpu.memref_slice %arg6[%run_scoped3A_733, %dma_wait3A_746] : memref<2x128xi32, #tpu.memory_space<vmem>> -> memref<1x128xi32, #tpu.memory_space<vmem>>
        %dma_wait3A_748 = tpu.memref_squeeze %dma_wait3A_747 : memref<1x128xi32, #tpu.memory_space<vmem>> -> memref<128xi32, #tpu.memory_space<vmem>>
        %dma_wait3A_749 = arith.constant 0 : i32
        %dma_wait3A_750 = arith.constant 0 : i32
        %dma_wait3A_751 = tpu.memref_slice %arg12[%dma_wait3A_749, %dma_wait3A_750] : memref<1040x16xf32, #tpu.memory_space<vmem_shared>> -> memref<1040x16xf32, #tpu.memory_space<vmem_shared>>
        tpu.wait_indirect_dma semaphore(%run_scoped3A_739 : memref<!tpu.dma_semaphore, #tpu.memory_space<semaphore_mem>>) src(%arg8 : memref<128x16xf32, #tpu.memory_space<vmem>>) dst(%dma_wait3A_751 : memref<1040x16xf32, #tpu.memory_space<vmem_shared>>)
        tpu.yield
      }) : () -> ()
      %gt3A_734 = arith.constant 10 : i32
      %gt3A_735 = arith.cmpi sgt, %select_n3A, %gt3A_734 : i32
      %convert_element_type3A_736 = arith.extui %gt3A_735 : i1 to i32
      %cond3A_737 = arith.constant 0 : i32
      %cond3A_738 = arith.cmpi ne, %convert_element_type3A_736, %cond3A_737 : i32
      scf.if %cond3A_738 {
        %add3A_739 = arith.constant 10 : i32
        %add3A_740 = arith.addi %select_n3A_8, %add3A_739 : i32
        %add3A_741 = arith.constant 1250 : i32
        %add3A_742 = arith.addi %mul3A_10, %add3A_741 : i32
        %dma_start3A_743 = arith.constant 0 : i32
        %dma_start3A_744 = arith.constant 0 : i32
        %dma_start3A_745 = tpu.memref_slice %arg6[%dma_start3A_743, %dma_start3A_744] : memref<2x128xi32, #tpu.memory_space<vmem>> -> memref<1x128xi32, #tpu.memory_space<vmem>>
        %dma_start3A_746 = tpu.memref_squeeze %dma_start3A_745 : memref<1x128xi32, #tpu.memory_space<vmem>> -> memref<128xi32, #tpu.memory_space<vmem>>
        %dma_start3A_747 = arith.constant 0 : i32
        %dma_start3A_748 = tpu.memref_slice %arg3[%add3A_740, %dma_start3A_747] : memref<800x128xi32, #tpu.memory_space<hbm>> -> memref<1x128xi32, #tpu.memory_space<hbm>>
        %dma_start3A_749 = tpu.memref_squeeze %dma_start3A_748 : memref<1x128xi32, #tpu.memory_space<hbm>> -> memref<128xi32, #tpu.memory_space<hbm>>
        %dma_start3A_750 = arith.constant 0 : i32
        %dma_start3A_751 = tpu.memref_slice %arg6[%dma_start3A_743, %dma_start3A_750] : memref<2x128xi32, #tpu.memory_space<vmem>> -> memref<1x128xi32, #tpu.memory_space<vmem>>
        %dma_start3A_752 = tpu.memref_squeeze %dma_start3A_751 : memref<1x128xi32, #tpu.memory_space<vmem>> -> memref<128xi32, #tpu.memory_space<vmem>>
        %dma_start3A_753 = arith.constant 0 : i32
        %dma_start3A_754 = tpu.memref_slice %arg3[%add3A_740, %dma_start3A_753] : memref<800x128xi32, #tpu.memory_space<hbm>> -> memref<1x128xi32, #tpu.memory_space<hbm>>
        %dma_start3A_755 = tpu.memref_squeeze %dma_start3A_754 : memref<1x128xi32, #tpu.memory_space<hbm>> -> memref<128xi32, #tpu.memory_space<hbm>>
        tpu.enqueue_dma source(%dma_start3A_755 : memref<128xi32, #tpu.memory_space<hbm>>) target(%dma_start3A_752 : memref<128xi32, #tpu.memory_space<vmem>>) target_semaphore(%arg13 : memref<!tpu.dma_semaphore, #tpu.memory_space<semaphore_mem>>)
        %dma_start3A_756 = arith.constant 0 : i32
        %dma_start3A_757 = arith.constant 0 : i32
        %dma_start3A_758 = arith.constant 0 : i32
        %dma_start3A_759 = tpu.memref_slice %arg7[%dma_start3A_756, %dma_start3A_757, %dma_start3A_758] : memref<2x128x128xf32, #tpu.memory_space<vmem>> -> memref<1x125x128xf32, #tpu.memory_space<vmem>>
        %dma_start3A_760 = tpu.memref_squeeze %dma_start3A_759 : memref<1x125x128xf32, #tpu.memory_space<vmem>> -> memref<125x128xf32, #tpu.memory_space<vmem>>
        %dma_start3A_761 = arith.constant 0 : i32
        %dma_start3A_762 = tpu.memref_slice %arg2[%add3A_742, %dma_start3A_761] : memref<100000x128xf32, #tpu.memory_space<hbm>> -> memref<125x128xf32, #tpu.memory_space<hbm>>
        %dma_start3A_763 = arith.constant 0 : i32
        %dma_start3A_764 = arith.constant 0 : i32
        %dma_start3A_765 = tpu.memref_slice %arg7[%dma_start3A_756, %dma_start3A_763, %dma_start3A_764] : memref<2x128x128xf32, #tpu.memory_space<vmem>> -> memref<1x125x128xf32, #tpu.memory_space<vmem>>
        %dma_start3A_766 = tpu.memref_squeeze %dma_start3A_765 : memref<1x125x128xf32, #tpu.memory_space<vmem>> -> memref<125x128xf32, #tpu.memory_space<vmem>>
        %dma_start3A_767 = arith.constant 0 : i32
        %dma_start3A_768 = tpu.memref_slice %arg2[%add3A_742, %dma_start3A_767] : memref<100000x128xf32, #tpu.memory_space<hbm>> -> memref<125x128xf32, #tpu.memory_space<hbm>>
        tpu.enqueue_dma source(%dma_start3A_768 : memref<125x128xf32, #tpu.memory_space<hbm>>) target(%dma_start3A_766 : memref<125x128xf32, #tpu.memory_space<vmem>>) target_semaphore(%arg15 : memref<!tpu.dma_semaphore, #tpu.memory_space<semaphore_mem>>)
      } else {
      }
    } else {
    }
    %gt3A_605 = arith.constant 9 : i32
    %gt3A_606 = arith.cmpi sgt, %select_n3A, %gt3A_605 : i32
    %convert_element_type3A_607 = arith.extui %gt3A_606 : i1 to i32
    %cond3A_608 = arith.constant 0 : i32
    %cond3A_609 = arith.cmpi ne, %convert_element_type3A_607, %cond3A_608 : i32
    scf.if %cond3A_609 {
      %add3A_703 = arith.constant 9 : i32
      %add3A_704 = arith.addi %select_n3A_8, %add3A_703 : i32
      %add3A_705 = arith.constant 1125 : i32
      %add3A_706 = arith.addi %mul3A_10, %add3A_705 : i32
      %dma_wait3A = arith.constant 1 : i32
      %dma_wait3A_707 = arith.constant 0 : i32
      %dma_wait3A_708 = tpu.memref_slice %arg6[%dma_wait3A, %dma_wait3A_707] : memref<2x128xi32, #tpu.memory_space<vmem>> -> memref<1x128xi32, #tpu.memory_space<vmem>>
      %dma_wait3A_709 = tpu.memref_squeeze %dma_wait3A_708 : memref<1x128xi32, #tpu.memory_space<vmem>> -> memref<128xi32, #tpu.memory_space<vmem>>
      %dma_wait3A_710 = arith.constant 0 : i32
      %dma_wait3A_711 = tpu.memref_slice %arg3[%add3A_704, %dma_wait3A_710] : memref<800x128xi32, #tpu.memory_space<hbm>> -> memref<1x128xi32, #tpu.memory_space<hbm>>
      %dma_wait3A_712 = tpu.memref_squeeze %dma_wait3A_711 : memref<1x128xi32, #tpu.memory_space<hbm>> -> memref<128xi32, #tpu.memory_space<hbm>>
      %dma_wait3A_713 = arith.constant 0 : i32
      %dma_wait3A_714 = tpu.memref_slice %arg6[%dma_wait3A, %dma_wait3A_713] : memref<2x128xi32, #tpu.memory_space<vmem>> -> memref<1x128xi32, #tpu.memory_space<vmem>>
      %dma_wait3A_715 = tpu.memref_squeeze %dma_wait3A_714 : memref<1x128xi32, #tpu.memory_space<vmem>> -> memref<128xi32, #tpu.memory_space<vmem>>
      %dma_wait3A_716 = arith.constant 0 : i32
      %dma_wait3A_717 = tpu.memref_slice %arg3[%add3A_704, %dma_wait3A_716] : memref<800x128xi32, #tpu.memory_space<hbm>> -> memref<1x128xi32, #tpu.memory_space<hbm>>
      %dma_wait3A_718 = tpu.memref_squeeze %dma_wait3A_717 : memref<1x128xi32, #tpu.memory_space<hbm>> -> memref<128xi32, #tpu.memory_space<hbm>>
      tpu.wait_dma2 semaphore(%arg14 : memref<!tpu.dma_semaphore, #tpu.memory_space<semaphore_mem>>) src(%dma_wait3A_718 : memref<128xi32, #tpu.memory_space<hbm>>) dst(%dma_wait3A_715 : memref<128xi32, #tpu.memory_space<vmem>>)
      %dma_wait3A_719 = arith.constant 1 : i32
      %dma_wait3A_720 = arith.constant 0 : i32
      %dma_wait3A_721 = arith.constant 0 : i32
      %dma_wait3A_722 = tpu.memref_slice %arg7[%dma_wait3A_719, %dma_wait3A_720, %dma_wait3A_721] : memref<2x128x128xf32, #tpu.memory_space<vmem>> -> memref<1x125x128xf32, #tpu.memory_space<vmem>>
      %dma_wait3A_723 = tpu.memref_squeeze %dma_wait3A_722 : memref<1x125x128xf32, #tpu.memory_space<vmem>> -> memref<125x128xf32, #tpu.memory_space<vmem>>
      %dma_wait3A_724 = arith.constant 0 : i32
      %dma_wait3A_725 = tpu.memref_slice %arg2[%add3A_706, %dma_wait3A_724] : memref<100000x128xf32, #tpu.memory_space<hbm>> -> memref<125x128xf32, #tpu.memory_space<hbm>>
      %dma_wait3A_726 = arith.constant 0 : i32
      %dma_wait3A_727 = arith.constant 0 : i32
      %dma_wait3A_728 = tpu.memref_slice %arg7[%dma_wait3A_719, %dma_wait3A_726, %dma_wait3A_727] : memref<2x128x128xf32, #tpu.memory_space<vmem>> -> memref<1x125x128xf32, #tpu.memory_space<vmem>>
      %dma_wait3A_729 = tpu.memref_squeeze %dma_wait3A_728 : memref<1x125x128xf32, #tpu.memory_space<vmem>> -> memref<125x128xf32, #tpu.memory_space<vmem>>
      %dma_wait3A_730 = arith.constant 0 : i32
      %dma_wait3A_731 = tpu.memref_slice %arg2[%add3A_706, %dma_wait3A_730] : memref<100000x128xf32, #tpu.memory_space<hbm>> -> memref<125x128xf32, #tpu.memory_space<hbm>>
      tpu.wait_dma2 semaphore(%arg16 : memref<!tpu.dma_semaphore, #tpu.memory_space<semaphore_mem>>) src(%dma_wait3A_731 : memref<125x128xf32, #tpu.memory_space<hbm>>) dst(%dma_wait3A_729 : memref<125x128xf32, #tpu.memory_space<vmem>>)
      %run_scoped3A = arith.constant 1 : i32
      %run_scoped3A_732 = arith.constant 1 : i32
      "tpu.region"() ({
        %run_scoped3A_739 = tpu.sem_alloc : memref<!tpu.dma_semaphore, #tpu.memory_space<semaphore_mem>>
        %dma_start3A_740 = arith.constant 0 : i32
        %dma_start3A_741 = arith.constant 0 : i32
        %dma_start3A_742 = tpu.memref_slice %arg7[%run_scoped3A, %dma_start3A_740, %dma_start3A_741] : memref<2x128x128xf32, #tpu.memory_space<vmem>> -> memref<1x128x128xf32, #tpu.memory_space<vmem>>
        %dma_start3A_743 = tpu.memref_squeeze %dma_start3A_742 : memref<1x128x128xf32, #tpu.memory_space<vmem>> -> memref<128x128xf32, #tpu.memory_space<vmem>>
        %dma_start3A_744 = arith.constant 0 : i32
        %dma_start3A_745 = tpu.memref_slice %arg6[%run_scoped3A_732, %dma_start3A_744] : memref<2x128xi32, #tpu.memory_space<vmem>> -> memref<1x128xi32, #tpu.memory_space<vmem>>
        %dma_start3A_746 = tpu.memref_squeeze %dma_start3A_745 : memref<1x128xi32, #tpu.memory_space<vmem>> -> memref<128xi32, #tpu.memory_space<vmem>>
        %dma_start3A_747 = arith.constant 0 : i32
        %dma_start3A_748 = arith.constant 0 : i32
        %dma_start3A_749 = tpu.memref_slice %arg11[%dma_start3A_747, %dma_start3A_748] : memref<1040x128xf32, #tpu.memory_space<vmem_shared>> -> memref<1040x128xf32, #tpu.memory_space<vmem_shared>>
        tpu.enqueue_indirect_dma source(%dma_start3A_743 : memref<128x128xf32, #tpu.memory_space<vmem>>) target(%dma_start3A_749 : memref<1040x128xf32, #tpu.memory_space<vmem_shared>>) offsets(%dma_start3A_746 : memref<128xi32, #tpu.memory_space<vmem>>) semaphore(%run_scoped3A_739 : memref<!tpu.dma_semaphore, #tpu.memory_space<semaphore_mem>>) {add = true}
        %dma_wait3A_750 = arith.constant 0 : i32
        %dma_wait3A_751 = arith.constant 0 : i32
        %dma_wait3A_752 = tpu.memref_slice %arg7[%run_scoped3A, %dma_wait3A_750, %dma_wait3A_751] : memref<2x128x128xf32, #tpu.memory_space<vmem>> -> memref<1x128x128xf32, #tpu.memory_space<vmem>>
        %dma_wait3A_753 = tpu.memref_squeeze %dma_wait3A_752 : memref<1x128x128xf32, #tpu.memory_space<vmem>> -> memref<128x128xf32, #tpu.memory_space<vmem>>
        %dma_wait3A_754 = arith.constant 0 : i32
        %dma_wait3A_755 = tpu.memref_slice %arg6[%run_scoped3A_732, %dma_wait3A_754] : memref<2x128xi32, #tpu.memory_space<vmem>> -> memref<1x128xi32, #tpu.memory_space<vmem>>
        %dma_wait3A_756 = tpu.memref_squeeze %dma_wait3A_755 : memref<1x128xi32, #tpu.memory_space<vmem>> -> memref<128xi32, #tpu.memory_space<vmem>>
        %dma_wait3A_757 = arith.constant 0 : i32
        %dma_wait3A_758 = arith.constant 0 : i32
        %dma_wait3A_759 = tpu.memref_slice %arg11[%dma_wait3A_757, %dma_wait3A_758] : memref<1040x128xf32, #tpu.memory_space<vmem_shared>> -> memref<1040x128xf32, #tpu.memory_space<vmem_shared>>
        tpu.wait_indirect_dma semaphore(%run_scoped3A_739 : memref<!tpu.dma_semaphore, #tpu.memory_space<semaphore_mem>>) src(%dma_wait3A_753 : memref<128x128xf32, #tpu.memory_space<vmem>>) dst(%dma_wait3A_759 : memref<1040x128xf32, #tpu.memory_space<vmem_shared>>)
        tpu.yield
      }) : () -> ()
      %run_scoped3A_733 = arith.constant 1 : i32
      "tpu.region"() ({
        %run_scoped3A_739 = tpu.sem_alloc : memref<!tpu.dma_semaphore, #tpu.memory_space<semaphore_mem>>
        %dma_start3A_740 = arith.constant 0 : i32
        %dma_start3A_741 = tpu.memref_slice %arg6[%run_scoped3A_733, %dma_start3A_740] : memref<2x128xi32, #tpu.memory_space<vmem>> -> memref<1x128xi32, #tpu.memory_space<vmem>>
        %dma_start3A_742 = tpu.memref_squeeze %dma_start3A_741 : memref<1x128xi32, #tpu.memory_space<vmem>> -> memref<128xi32, #tpu.memory_space<vmem>>
        %dma_start3A_743 = arith.constant 0 : i32
        %dma_start3A_744 = arith.constant 0 : i32
        %dma_start3A_745 = tpu.memref_slice %arg12[%dma_start3A_743, %dma_start3A_744] : memref<1040x16xf32, #tpu.memory_space<vmem_shared>> -> memref<1040x16xf32, #tpu.memory_space<vmem_shared>>
        tpu.enqueue_indirect_dma source(%arg8 : memref<128x16xf32, #tpu.memory_space<vmem>>) target(%dma_start3A_745 : memref<1040x16xf32, #tpu.memory_space<vmem_shared>>) offsets(%dma_start3A_742 : memref<128xi32, #tpu.memory_space<vmem>>) semaphore(%run_scoped3A_739 : memref<!tpu.dma_semaphore, #tpu.memory_space<semaphore_mem>>) {add = true}
        %dma_wait3A_746 = arith.constant 0 : i32
        %dma_wait3A_747 = tpu.memref_slice %arg6[%run_scoped3A_733, %dma_wait3A_746] : memref<2x128xi32, #tpu.memory_space<vmem>> -> memref<1x128xi32, #tpu.memory_space<vmem>>
        %dma_wait3A_748 = tpu.memref_squeeze %dma_wait3A_747 : memref<1x128xi32, #tpu.memory_space<vmem>> -> memref<128xi32, #tpu.memory_space<vmem>>
        %dma_wait3A_749 = arith.constant 0 : i32
        %dma_wait3A_750 = arith.constant 0 : i32
        %dma_wait3A_751 = tpu.memref_slice %arg12[%dma_wait3A_749, %dma_wait3A_750] : memref<1040x16xf32, #tpu.memory_space<vmem_shared>> -> memref<1040x16xf32, #tpu.memory_space<vmem_shared>>
        tpu.wait_indirect_dma semaphore(%run_scoped3A_739 : memref<!tpu.dma_semaphore, #tpu.memory_space<semaphore_mem>>) src(%arg8 : memref<128x16xf32, #tpu.memory_space<vmem>>) dst(%dma_wait3A_751 : memref<1040x16xf32, #tpu.memory_space<vmem_shared>>)
        tpu.yield
      }) : () -> ()
      %gt3A_734 = arith.constant 11 : i32
      %gt3A_735 = arith.cmpi sgt, %select_n3A, %gt3A_734 : i32
      %convert_element_type3A_736 = arith.extui %gt3A_735 : i1 to i32
      %cond3A_737 = arith.constant 0 : i32
      %cond3A_738 = arith.cmpi ne, %convert_element_type3A_736, %cond3A_737 : i32
      scf.if %cond3A_738 {
        %add3A_739 = arith.constant 11 : i32
        %add3A_740 = arith.addi %select_n3A_8, %add3A_739 : i32
        %add3A_741 = arith.constant 1375 : i32
        %add3A_742 = arith.addi %mul3A_10, %add3A_741 : i32
        %dma_start3A_743 = arith.constant 1 : i32
        %dma_start3A_744 = arith.constant 0 : i32
        %dma_start3A_745 = tpu.memref_slice %arg6[%dma_start3A_743, %dma_start3A_744] : memref<2x128xi32, #tpu.memory_space<vmem>> -> memref<1x128xi32, #tpu.memory_space<vmem>>
        %dma_start3A_746 = tpu.memref_squeeze %dma_start3A_745 : memref<1x128xi32, #tpu.memory_space<vmem>> -> memref<128xi32, #tpu.memory_space<vmem>>
        %dma_start3A_747 = arith.constant 0 : i32
        %dma_start3A_748 = tpu.memref_slice %arg3[%add3A_740, %dma_start3A_747] : memref<800x128xi32, #tpu.memory_space<hbm>> -> memref<1x128xi32, #tpu.memory_space<hbm>>
        %dma_start3A_749 = tpu.memref_squeeze %dma_start3A_748 : memref<1x128xi32, #tpu.memory_space<hbm>> -> memref<128xi32, #tpu.memory_space<hbm>>
        %dma_start3A_750 = arith.constant 0 : i32
        %dma_start3A_751 = tpu.memref_slice %arg6[%dma_start3A_743, %dma_start3A_750] : memref<2x128xi32, #tpu.memory_space<vmem>> -> memref<1x128xi32, #tpu.memory_space<vmem>>
        %dma_start3A_752 = tpu.memref_squeeze %dma_start3A_751 : memref<1x128xi32, #tpu.memory_space<vmem>> -> memref<128xi32, #tpu.memory_space<vmem>>
        %dma_start3A_753 = arith.constant 0 : i32
        %dma_start3A_754 = tpu.memref_slice %arg3[%add3A_740, %dma_start3A_753] : memref<800x128xi32, #tpu.memory_space<hbm>> -> memref<1x128xi32, #tpu.memory_space<hbm>>
        %dma_start3A_755 = tpu.memref_squeeze %dma_start3A_754 : memref<1x128xi32, #tpu.memory_space<hbm>> -> memref<128xi32, #tpu.memory_space<hbm>>
        tpu.enqueue_dma source(%dma_start3A_755 : memref<128xi32, #tpu.memory_space<hbm>>) target(%dma_start3A_752 : memref<128xi32, #tpu.memory_space<vmem>>) target_semaphore(%arg14 : memref<!tpu.dma_semaphore, #tpu.memory_space<semaphore_mem>>)
        %dma_start3A_756 = arith.constant 1 : i32
        %dma_start3A_757 = arith.constant 0 : i32
        %dma_start3A_758 = arith.constant 0 : i32
        %dma_start3A_759 = tpu.memref_slice %arg7[%dma_start3A_756, %dma_start3A_757, %dma_start3A_758] : memref<2x128x128xf32, #tpu.memory_space<vmem>> -> memref<1x125x128xf32, #tpu.memory_space<vmem>>
        %dma_start3A_760 = tpu.memref_squeeze %dma_start3A_759 : memref<1x125x128xf32, #tpu.memory_space<vmem>> -> memref<125x128xf32, #tpu.memory_space<vmem>>
        %dma_start3A_761 = arith.constant 0 : i32
        %dma_start3A_762 = tpu.memref_slice %arg2[%add3A_742, %dma_start3A_761] : memref<100000x128xf32, #tpu.memory_space<hbm>> -> memref<125x128xf32, #tpu.memory_space<hbm>>
        %dma_start3A_763 = arith.constant 0 : i32
        %dma_start3A_764 = arith.constant 0 : i32
        %dma_start3A_765 = tpu.memref_slice %arg7[%dma_start3A_756, %dma_start3A_763, %dma_start3A_764] : memref<2x128x128xf32, #tpu.memory_space<vmem>> -> memref<1x125x128xf32, #tpu.memory_space<vmem>>
        %dma_start3A_766 = tpu.memref_squeeze %dma_start3A_765 : memref<1x125x128xf32, #tpu.memory_space<vmem>> -> memref<125x128xf32, #tpu.memory_space<vmem>>
        %dma_start3A_767 = arith.constant 0 : i32
        %dma_start3A_768 = tpu.memref_slice %arg2[%add3A_742, %dma_start3A_767] : memref<100000x128xf32, #tpu.memory_space<hbm>> -> memref<125x128xf32, #tpu.memory_space<hbm>>
        tpu.enqueue_dma source(%dma_start3A_768 : memref<125x128xf32, #tpu.memory_space<hbm>>) target(%dma_start3A_766 : memref<125x128xf32, #tpu.memory_space<vmem>>) target_semaphore(%arg16 : memref<!tpu.dma_semaphore, #tpu.memory_space<semaphore_mem>>)
      } else {
      }
    } else {
    }
    %gt3A_610 = arith.constant 10 : i32
    %gt3A_611 = arith.cmpi sgt, %select_n3A, %gt3A_610 : i32
    %convert_element_type3A_612 = arith.extui %gt3A_611 : i1 to i32
    %cond3A_613 = arith.constant 0 : i32
    %cond3A_614 = arith.cmpi ne, %convert_element_type3A_612, %cond3A_613 : i32
    scf.if %cond3A_614 {
      %add3A_703 = arith.constant 10 : i32
      %add3A_704 = arith.addi %select_n3A_8, %add3A_703 : i32
      %add3A_705 = arith.constant 1250 : i32
      %add3A_706 = arith.addi %mul3A_10, %add3A_705 : i32
      %dma_wait3A = arith.constant 0 : i32
      %dma_wait3A_707 = arith.constant 0 : i32
      %dma_wait3A_708 = tpu.memref_slice %arg6[%dma_wait3A, %dma_wait3A_707] : memref<2x128xi32, #tpu.memory_space<vmem>> -> memref<1x128xi32, #tpu.memory_space<vmem>>
      %dma_wait3A_709 = tpu.memref_squeeze %dma_wait3A_708 : memref<1x128xi32, #tpu.memory_space<vmem>> -> memref<128xi32, #tpu.memory_space<vmem>>
      %dma_wait3A_710 = arith.constant 0 : i32
      %dma_wait3A_711 = tpu.memref_slice %arg3[%add3A_704, %dma_wait3A_710] : memref<800x128xi32, #tpu.memory_space<hbm>> -> memref<1x128xi32, #tpu.memory_space<hbm>>
      %dma_wait3A_712 = tpu.memref_squeeze %dma_wait3A_711 : memref<1x128xi32, #tpu.memory_space<hbm>> -> memref<128xi32, #tpu.memory_space<hbm>>
      %dma_wait3A_713 = arith.constant 0 : i32
      %dma_wait3A_714 = tpu.memref_slice %arg6[%dma_wait3A, %dma_wait3A_713] : memref<2x128xi32, #tpu.memory_space<vmem>> -> memref<1x128xi32, #tpu.memory_space<vmem>>
      %dma_wait3A_715 = tpu.memref_squeeze %dma_wait3A_714 : memref<1x128xi32, #tpu.memory_space<vmem>> -> memref<128xi32, #tpu.memory_space<vmem>>
      %dma_wait3A_716 = arith.constant 0 : i32
      %dma_wait3A_717 = tpu.memref_slice %arg3[%add3A_704, %dma_wait3A_716] : memref<800x128xi32, #tpu.memory_space<hbm>> -> memref<1x128xi32, #tpu.memory_space<hbm>>
      %dma_wait3A_718 = tpu.memref_squeeze %dma_wait3A_717 : memref<1x128xi32, #tpu.memory_space<hbm>> -> memref<128xi32, #tpu.memory_space<hbm>>
      tpu.wait_dma2 semaphore(%arg13 : memref<!tpu.dma_semaphore, #tpu.memory_space<semaphore_mem>>) src(%dma_wait3A_718 : memref<128xi32, #tpu.memory_space<hbm>>) dst(%dma_wait3A_715 : memref<128xi32, #tpu.memory_space<vmem>>)
      %dma_wait3A_719 = arith.constant 0 : i32
      %dma_wait3A_720 = arith.constant 0 : i32
      %dma_wait3A_721 = arith.constant 0 : i32
      %dma_wait3A_722 = tpu.memref_slice %arg7[%dma_wait3A_719, %dma_wait3A_720, %dma_wait3A_721] : memref<2x128x128xf32, #tpu.memory_space<vmem>> -> memref<1x125x128xf32, #tpu.memory_space<vmem>>
      %dma_wait3A_723 = tpu.memref_squeeze %dma_wait3A_722 : memref<1x125x128xf32, #tpu.memory_space<vmem>> -> memref<125x128xf32, #tpu.memory_space<vmem>>
      %dma_wait3A_724 = arith.constant 0 : i32
      %dma_wait3A_725 = tpu.memref_slice %arg2[%add3A_706, %dma_wait3A_724] : memref<100000x128xf32, #tpu.memory_space<hbm>> -> memref<125x128xf32, #tpu.memory_space<hbm>>
      %dma_wait3A_726 = arith.constant 0 : i32
      %dma_wait3A_727 = arith.constant 0 : i32
      %dma_wait3A_728 = tpu.memref_slice %arg7[%dma_wait3A_719, %dma_wait3A_726, %dma_wait3A_727] : memref<2x128x128xf32, #tpu.memory_space<vmem>> -> memref<1x125x128xf32, #tpu.memory_space<vmem>>
      %dma_wait3A_729 = tpu.memref_squeeze %dma_wait3A_728 : memref<1x125x128xf32, #tpu.memory_space<vmem>> -> memref<125x128xf32, #tpu.memory_space<vmem>>
      %dma_wait3A_730 = arith.constant 0 : i32
      %dma_wait3A_731 = tpu.memref_slice %arg2[%add3A_706, %dma_wait3A_730] : memref<100000x128xf32, #tpu.memory_space<hbm>> -> memref<125x128xf32, #tpu.memory_space<hbm>>
      tpu.wait_dma2 semaphore(%arg15 : memref<!tpu.dma_semaphore, #tpu.memory_space<semaphore_mem>>) src(%dma_wait3A_731 : memref<125x128xf32, #tpu.memory_space<hbm>>) dst(%dma_wait3A_729 : memref<125x128xf32, #tpu.memory_space<vmem>>)
      %run_scoped3A = arith.constant 0 : i32
      %run_scoped3A_732 = arith.constant 0 : i32
      "tpu.region"() ({
        %run_scoped3A_739 = tpu.sem_alloc : memref<!tpu.dma_semaphore, #tpu.memory_space<semaphore_mem>>
        %dma_start3A_740 = arith.constant 0 : i32
        %dma_start3A_741 = arith.constant 0 : i32
        %dma_start3A_742 = tpu.memref_slice %arg7[%run_scoped3A, %dma_start3A_740, %dma_start3A_741] : memref<2x128x128xf32, #tpu.memory_space<vmem>> -> memref<1x128x128xf32, #tpu.memory_space<vmem>>
        %dma_start3A_743 = tpu.memref_squeeze %dma_start3A_742 : memref<1x128x128xf32, #tpu.memory_space<vmem>> -> memref<128x128xf32, #tpu.memory_space<vmem>>
        %dma_start3A_744 = arith.constant 0 : i32
        %dma_start3A_745 = tpu.memref_slice %arg6[%run_scoped3A_732, %dma_start3A_744] : memref<2x128xi32, #tpu.memory_space<vmem>> -> memref<1x128xi32, #tpu.memory_space<vmem>>
        %dma_start3A_746 = tpu.memref_squeeze %dma_start3A_745 : memref<1x128xi32, #tpu.memory_space<vmem>> -> memref<128xi32, #tpu.memory_space<vmem>>
        %dma_start3A_747 = arith.constant 0 : i32
        %dma_start3A_748 = arith.constant 0 : i32
        %dma_start3A_749 = tpu.memref_slice %arg11[%dma_start3A_747, %dma_start3A_748] : memref<1040x128xf32, #tpu.memory_space<vmem_shared>> -> memref<1040x128xf32, #tpu.memory_space<vmem_shared>>
        tpu.enqueue_indirect_dma source(%dma_start3A_743 : memref<128x128xf32, #tpu.memory_space<vmem>>) target(%dma_start3A_749 : memref<1040x128xf32, #tpu.memory_space<vmem_shared>>) offsets(%dma_start3A_746 : memref<128xi32, #tpu.memory_space<vmem>>) semaphore(%run_scoped3A_739 : memref<!tpu.dma_semaphore, #tpu.memory_space<semaphore_mem>>) {add = true}
        %dma_wait3A_750 = arith.constant 0 : i32
        %dma_wait3A_751 = arith.constant 0 : i32
        %dma_wait3A_752 = tpu.memref_slice %arg7[%run_scoped3A, %dma_wait3A_750, %dma_wait3A_751] : memref<2x128x128xf32, #tpu.memory_space<vmem>> -> memref<1x128x128xf32, #tpu.memory_space<vmem>>
        %dma_wait3A_753 = tpu.memref_squeeze %dma_wait3A_752 : memref<1x128x128xf32, #tpu.memory_space<vmem>> -> memref<128x128xf32, #tpu.memory_space<vmem>>
        %dma_wait3A_754 = arith.constant 0 : i32
        %dma_wait3A_755 = tpu.memref_slice %arg6[%run_scoped3A_732, %dma_wait3A_754] : memref<2x128xi32, #tpu.memory_space<vmem>> -> memref<1x128xi32, #tpu.memory_space<vmem>>
        %dma_wait3A_756 = tpu.memref_squeeze %dma_wait3A_755 : memref<1x128xi32, #tpu.memory_space<vmem>> -> memref<128xi32, #tpu.memory_space<vmem>>
        %dma_wait3A_757 = arith.constant 0 : i32
        %dma_wait3A_758 = arith.constant 0 : i32
        %dma_wait3A_759 = tpu.memref_slice %arg11[%dma_wait3A_757, %dma_wait3A_758] : memref<1040x128xf32, #tpu.memory_space<vmem_shared>> -> memref<1040x128xf32, #tpu.memory_space<vmem_shared>>
        tpu.wait_indirect_dma semaphore(%run_scoped3A_739 : memref<!tpu.dma_semaphore, #tpu.memory_space<semaphore_mem>>) src(%dma_wait3A_753 : memref<128x128xf32, #tpu.memory_space<vmem>>) dst(%dma_wait3A_759 : memref<1040x128xf32, #tpu.memory_space<vmem_shared>>)
        tpu.yield
      }) : () -> ()
      %run_scoped3A_733 = arith.constant 0 : i32
      "tpu.region"() ({
        %run_scoped3A_739 = tpu.sem_alloc : memref<!tpu.dma_semaphore, #tpu.memory_space<semaphore_mem>>
        %dma_start3A_740 = arith.constant 0 : i32
        %dma_start3A_741 = tpu.memref_slice %arg6[%run_scoped3A_733, %dma_start3A_740] : memref<2x128xi32, #tpu.memory_space<vmem>> -> memref<1x128xi32, #tpu.memory_space<vmem>>
        %dma_start3A_742 = tpu.memref_squeeze %dma_start3A_741 : memref<1x128xi32, #tpu.memory_space<vmem>> -> memref<128xi32, #tpu.memory_space<vmem>>
        %dma_start3A_743 = arith.constant 0 : i32
        %dma_start3A_744 = arith.constant 0 : i32
        %dma_start3A_745 = tpu.memref_slice %arg12[%dma_start3A_743, %dma_start3A_744] : memref<1040x16xf32, #tpu.memory_space<vmem_shared>> -> memref<1040x16xf32, #tpu.memory_space<vmem_shared>>
        tpu.enqueue_indirect_dma source(%arg8 : memref<128x16xf32, #tpu.memory_space<vmem>>) target(%dma_start3A_745 : memref<1040x16xf32, #tpu.memory_space<vmem_shared>>) offsets(%dma_start3A_742 : memref<128xi32, #tpu.memory_space<vmem>>) semaphore(%run_scoped3A_739 : memref<!tpu.dma_semaphore, #tpu.memory_space<semaphore_mem>>) {add = true}
        %dma_wait3A_746 = arith.constant 0 : i32
        %dma_wait3A_747 = tpu.memref_slice %arg6[%run_scoped3A_733, %dma_wait3A_746] : memref<2x128xi32, #tpu.memory_space<vmem>> -> memref<1x128xi32, #tpu.memory_space<vmem>>
        %dma_wait3A_748 = tpu.memref_squeeze %dma_wait3A_747 : memref<1x128xi32, #tpu.memory_space<vmem>> -> memref<128xi32, #tpu.memory_space<vmem>>
        %dma_wait3A_749 = arith.constant 0 : i32
        %dma_wait3A_750 = arith.constant 0 : i32
        %dma_wait3A_751 = tpu.memref_slice %arg12[%dma_wait3A_749, %dma_wait3A_750] : memref<1040x16xf32, #tpu.memory_space<vmem_shared>> -> memref<1040x16xf32, #tpu.memory_space<vmem_shared>>
        tpu.wait_indirect_dma semaphore(%run_scoped3A_739 : memref<!tpu.dma_semaphore, #tpu.memory_space<semaphore_mem>>) src(%arg8 : memref<128x16xf32, #tpu.memory_space<vmem>>) dst(%dma_wait3A_751 : memref<1040x16xf32, #tpu.memory_space<vmem_shared>>)
        tpu.yield
      }) : () -> ()
      %gt3A_734 = arith.constant 12 : i32
      %gt3A_735 = arith.cmpi sgt, %select_n3A, %gt3A_734 : i32
      %convert_element_type3A_736 = arith.extui %gt3A_735 : i1 to i32
      %cond3A_737 = arith.constant 0 : i32
      %cond3A_738 = arith.cmpi ne, %convert_element_type3A_736, %cond3A_737 : i32
      scf.if %cond3A_738 {
        %add3A_739 = arith.constant 12 : i32
        %add3A_740 = arith.addi %select_n3A_8, %add3A_739 : i32
        %add3A_741 = arith.constant 1500 : i32
        %add3A_742 = arith.addi %mul3A_10, %add3A_741 : i32
        %dma_start3A_743 = arith.constant 0 : i32
        %dma_start3A_744 = arith.constant 0 : i32
        %dma_start3A_745 = tpu.memref_slice %arg6[%dma_start3A_743, %dma_start3A_744] : memref<2x128xi32, #tpu.memory_space<vmem>> -> memref<1x128xi32, #tpu.memory_space<vmem>>
        %dma_start3A_746 = tpu.memref_squeeze %dma_start3A_745 : memref<1x128xi32, #tpu.memory_space<vmem>> -> memref<128xi32, #tpu.memory_space<vmem>>
        %dma_start3A_747 = arith.constant 0 : i32
        %dma_start3A_748 = tpu.memref_slice %arg3[%add3A_740, %dma_start3A_747] : memref<800x128xi32, #tpu.memory_space<hbm>> -> memref<1x128xi32, #tpu.memory_space<hbm>>
        %dma_start3A_749 = tpu.memref_squeeze %dma_start3A_748 : memref<1x128xi32, #tpu.memory_space<hbm>> -> memref<128xi32, #tpu.memory_space<hbm>>
        %dma_start3A_750 = arith.constant 0 : i32
        %dma_start3A_751 = tpu.memref_slice %arg6[%dma_start3A_743, %dma_start3A_750] : memref<2x128xi32, #tpu.memory_space<vmem>> -> memref<1x128xi32, #tpu.memory_space<vmem>>
        %dma_start3A_752 = tpu.memref_squeeze %dma_start3A_751 : memref<1x128xi32, #tpu.memory_space<vmem>> -> memref<128xi32, #tpu.memory_space<vmem>>
        %dma_start3A_753 = arith.constant 0 : i32
        %dma_start3A_754 = tpu.memref_slice %arg3[%add3A_740, %dma_start3A_753] : memref<800x128xi32, #tpu.memory_space<hbm>> -> memref<1x128xi32, #tpu.memory_space<hbm>>
        %dma_start3A_755 = tpu.memref_squeeze %dma_start3A_754 : memref<1x128xi32, #tpu.memory_space<hbm>> -> memref<128xi32, #tpu.memory_space<hbm>>
        tpu.enqueue_dma source(%dma_start3A_755 : memref<128xi32, #tpu.memory_space<hbm>>) target(%dma_start3A_752 : memref<128xi32, #tpu.memory_space<vmem>>) target_semaphore(%arg13 : memref<!tpu.dma_semaphore, #tpu.memory_space<semaphore_mem>>)
        %dma_start3A_756 = arith.constant 0 : i32
        %dma_start3A_757 = arith.constant 0 : i32
        %dma_start3A_758 = arith.constant 0 : i32
        %dma_start3A_759 = tpu.memref_slice %arg7[%dma_start3A_756, %dma_start3A_757, %dma_start3A_758] : memref<2x128x128xf32, #tpu.memory_space<vmem>> -> memref<1x125x128xf32, #tpu.memory_space<vmem>>
        %dma_start3A_760 = tpu.memref_squeeze %dma_start3A_759 : memref<1x125x128xf32, #tpu.memory_space<vmem>> -> memref<125x128xf32, #tpu.memory_space<vmem>>
        %dma_start3A_761 = arith.constant 0 : i32
        %dma_start3A_762 = tpu.memref_slice %arg2[%add3A_742, %dma_start3A_761] : memref<100000x128xf32, #tpu.memory_space<hbm>> -> memref<125x128xf32, #tpu.memory_space<hbm>>
        %dma_start3A_763 = arith.constant 0 : i32
        %dma_start3A_764 = arith.constant 0 : i32
        %dma_start3A_765 = tpu.memref_slice %arg7[%dma_start3A_756, %dma_start3A_763, %dma_start3A_764] : memref<2x128x128xf32, #tpu.memory_space<vmem>> -> memref<1x125x128xf32, #tpu.memory_space<vmem>>
        %dma_start3A_766 = tpu.memref_squeeze %dma_start3A_765 : memref<1x125x128xf32, #tpu.memory_space<vmem>> -> memref<125x128xf32, #tpu.memory_space<vmem>>
        %dma_start3A_767 = arith.constant 0 : i32
        %dma_start3A_768 = tpu.memref_slice %arg2[%add3A_742, %dma_start3A_767] : memref<100000x128xf32, #tpu.memory_space<hbm>> -> memref<125x128xf32, #tpu.memory_space<hbm>>
        tpu.enqueue_dma source(%dma_start3A_768 : memref<125x128xf32, #tpu.memory_space<hbm>>) target(%dma_start3A_766 : memref<125x128xf32, #tpu.memory_space<vmem>>) target_semaphore(%arg15 : memref<!tpu.dma_semaphore, #tpu.memory_space<semaphore_mem>>)
      } else {
      }
    } else {
    }
    %gt3A_615 = arith.constant 11 : i32
    %gt3A_616 = arith.cmpi sgt, %select_n3A, %gt3A_615 : i32
    %convert_element_type3A_617 = arith.extui %gt3A_616 : i1 to i32
    %cond3A_618 = arith.constant 0 : i32
    %cond3A_619 = arith.cmpi ne, %convert_element_type3A_617, %cond3A_618 : i32
    scf.if %cond3A_619 {
      %add3A_703 = arith.constant 11 : i32
      %add3A_704 = arith.addi %select_n3A_8, %add3A_703 : i32
      %add3A_705 = arith.constant 1375 : i32
      %add3A_706 = arith.addi %mul3A_10, %add3A_705 : i32
      %dma_wait3A = arith.constant 1 : i32
      %dma_wait3A_707 = arith.constant 0 : i32
      %dma_wait3A_708 = tpu.memref_slice %arg6[%dma_wait3A, %dma_wait3A_707] : memref<2x128xi32, #tpu.memory_space<vmem>> -> memref<1x128xi32, #tpu.memory_space<vmem>>
      %dma_wait3A_709 = tpu.memref_squeeze %dma_wait3A_708 : memref<1x128xi32, #tpu.memory_space<vmem>> -> memref<128xi32, #tpu.memory_space<vmem>>
      %dma_wait3A_710 = arith.constant 0 : i32
      %dma_wait3A_711 = tpu.memref_slice %arg3[%add3A_704, %dma_wait3A_710] : memref<800x128xi32, #tpu.memory_space<hbm>> -> memref<1x128xi32, #tpu.memory_space<hbm>>
      %dma_wait3A_712 = tpu.memref_squeeze %dma_wait3A_711 : memref<1x128xi32, #tpu.memory_space<hbm>> -> memref<128xi32, #tpu.memory_space<hbm>>
      %dma_wait3A_713 = arith.constant 0 : i32
      %dma_wait3A_714 = tpu.memref_slice %arg6[%dma_wait3A, %dma_wait3A_713] : memref<2x128xi32, #tpu.memory_space<vmem>> -> memref<1x128xi32, #tpu.memory_space<vmem>>
      %dma_wait3A_715 = tpu.memref_squeeze %dma_wait3A_714 : memref<1x128xi32, #tpu.memory_space<vmem>> -> memref<128xi32, #tpu.memory_space<vmem>>
      %dma_wait3A_716 = arith.constant 0 : i32
      %dma_wait3A_717 = tpu.memref_slice %arg3[%add3A_704, %dma_wait3A_716] : memref<800x128xi32, #tpu.memory_space<hbm>> -> memref<1x128xi32, #tpu.memory_space<hbm>>
      %dma_wait3A_718 = tpu.memref_squeeze %dma_wait3A_717 : memref<1x128xi32, #tpu.memory_space<hbm>> -> memref<128xi32, #tpu.memory_space<hbm>>
      tpu.wait_dma2 semaphore(%arg14 : memref<!tpu.dma_semaphore, #tpu.memory_space<semaphore_mem>>) src(%dma_wait3A_718 : memref<128xi32, #tpu.memory_space<hbm>>) dst(%dma_wait3A_715 : memref<128xi32, #tpu.memory_space<vmem>>)
      %dma_wait3A_719 = arith.constant 1 : i32
      %dma_wait3A_720 = arith.constant 0 : i32
      %dma_wait3A_721 = arith.constant 0 : i32
      %dma_wait3A_722 = tpu.memref_slice %arg7[%dma_wait3A_719, %dma_wait3A_720, %dma_wait3A_721] : memref<2x128x128xf32, #tpu.memory_space<vmem>> -> memref<1x125x128xf32, #tpu.memory_space<vmem>>
      %dma_wait3A_723 = tpu.memref_squeeze %dma_wait3A_722 : memref<1x125x128xf32, #tpu.memory_space<vmem>> -> memref<125x128xf32, #tpu.memory_space<vmem>>
      %dma_wait3A_724 = arith.constant 0 : i32
      %dma_wait3A_725 = tpu.memref_slice %arg2[%add3A_706, %dma_wait3A_724] : memref<100000x128xf32, #tpu.memory_space<hbm>> -> memref<125x128xf32, #tpu.memory_space<hbm>>
      %dma_wait3A_726 = arith.constant 0 : i32
      %dma_wait3A_727 = arith.constant 0 : i32
      %dma_wait3A_728 = tpu.memref_slice %arg7[%dma_wait3A_719, %dma_wait3A_726, %dma_wait3A_727] : memref<2x128x128xf32, #tpu.memory_space<vmem>> -> memref<1x125x128xf32, #tpu.memory_space<vmem>>
      %dma_wait3A_729 = tpu.memref_squeeze %dma_wait3A_728 : memref<1x125x128xf32, #tpu.memory_space<vmem>> -> memref<125x128xf32, #tpu.memory_space<vmem>>
      %dma_wait3A_730 = arith.constant 0 : i32
      %dma_wait3A_731 = tpu.memref_slice %arg2[%add3A_706, %dma_wait3A_730] : memref<100000x128xf32, #tpu.memory_space<hbm>> -> memref<125x128xf32, #tpu.memory_space<hbm>>
      tpu.wait_dma2 semaphore(%arg16 : memref<!tpu.dma_semaphore, #tpu.memory_space<semaphore_mem>>) src(%dma_wait3A_731 : memref<125x128xf32, #tpu.memory_space<hbm>>) dst(%dma_wait3A_729 : memref<125x128xf32, #tpu.memory_space<vmem>>)
      %run_scoped3A = arith.constant 1 : i32
      %run_scoped3A_732 = arith.constant 1 : i32
      "tpu.region"() ({
        %run_scoped3A_739 = tpu.sem_alloc : memref<!tpu.dma_semaphore, #tpu.memory_space<semaphore_mem>>
        %dma_start3A_740 = arith.constant 0 : i32
        %dma_start3A_741 = arith.constant 0 : i32
        %dma_start3A_742 = tpu.memref_slice %arg7[%run_scoped3A, %dma_start3A_740, %dma_start3A_741] : memref<2x128x128xf32, #tpu.memory_space<vmem>> -> memref<1x128x128xf32, #tpu.memory_space<vmem>>
        %dma_start3A_743 = tpu.memref_squeeze %dma_start3A_742 : memref<1x128x128xf32, #tpu.memory_space<vmem>> -> memref<128x128xf32, #tpu.memory_space<vmem>>
        %dma_start3A_744 = arith.constant 0 : i32
        %dma_start3A_745 = tpu.memref_slice %arg6[%run_scoped3A_732, %dma_start3A_744] : memref<2x128xi32, #tpu.memory_space<vmem>> -> memref<1x128xi32, #tpu.memory_space<vmem>>
        %dma_start3A_746 = tpu.memref_squeeze %dma_start3A_745 : memref<1x128xi32, #tpu.memory_space<vmem>> -> memref<128xi32, #tpu.memory_space<vmem>>
        %dma_start3A_747 = arith.constant 0 : i32
        %dma_start3A_748 = arith.constant 0 : i32
        %dma_start3A_749 = tpu.memref_slice %arg11[%dma_start3A_747, %dma_start3A_748] : memref<1040x128xf32, #tpu.memory_space<vmem_shared>> -> memref<1040x128xf32, #tpu.memory_space<vmem_shared>>
        tpu.enqueue_indirect_dma source(%dma_start3A_743 : memref<128x128xf32, #tpu.memory_space<vmem>>) target(%dma_start3A_749 : memref<1040x128xf32, #tpu.memory_space<vmem_shared>>) offsets(%dma_start3A_746 : memref<128xi32, #tpu.memory_space<vmem>>) semaphore(%run_scoped3A_739 : memref<!tpu.dma_semaphore, #tpu.memory_space<semaphore_mem>>) {add = true}
        %dma_wait3A_750 = arith.constant 0 : i32
        %dma_wait3A_751 = arith.constant 0 : i32
        %dma_wait3A_752 = tpu.memref_slice %arg7[%run_scoped3A, %dma_wait3A_750, %dma_wait3A_751] : memref<2x128x128xf32, #tpu.memory_space<vmem>> -> memref<1x128x128xf32, #tpu.memory_space<vmem>>
        %dma_wait3A_753 = tpu.memref_squeeze %dma_wait3A_752 : memref<1x128x128xf32, #tpu.memory_space<vmem>> -> memref<128x128xf32, #tpu.memory_space<vmem>>
        %dma_wait3A_754 = arith.constant 0 : i32
        %dma_wait3A_755 = tpu.memref_slice %arg6[%run_scoped3A_732, %dma_wait3A_754] : memref<2x128xi32, #tpu.memory_space<vmem>> -> memref<1x128xi32, #tpu.memory_space<vmem>>
        %dma_wait3A_756 = tpu.memref_squeeze %dma_wait3A_755 : memref<1x128xi32, #tpu.memory_space<vmem>> -> memref<128xi32, #tpu.memory_space<vmem>>
        %dma_wait3A_757 = arith.constant 0 : i32
        %dma_wait3A_758 = arith.constant 0 : i32
        %dma_wait3A_759 = tpu.memref_slice %arg11[%dma_wait3A_757, %dma_wait3A_758] : memref<1040x128xf32, #tpu.memory_space<vmem_shared>> -> memref<1040x128xf32, #tpu.memory_space<vmem_shared>>
        tpu.wait_indirect_dma semaphore(%run_scoped3A_739 : memref<!tpu.dma_semaphore, #tpu.memory_space<semaphore_mem>>) src(%dma_wait3A_753 : memref<128x128xf32, #tpu.memory_space<vmem>>) dst(%dma_wait3A_759 : memref<1040x128xf32, #tpu.memory_space<vmem_shared>>)
        tpu.yield
      }) : () -> ()
      %run_scoped3A_733 = arith.constant 1 : i32
      "tpu.region"() ({
        %run_scoped3A_739 = tpu.sem_alloc : memref<!tpu.dma_semaphore, #tpu.memory_space<semaphore_mem>>
        %dma_start3A_740 = arith.constant 0 : i32
        %dma_start3A_741 = tpu.memref_slice %arg6[%run_scoped3A_733, %dma_start3A_740] : memref<2x128xi32, #tpu.memory_space<vmem>> -> memref<1x128xi32, #tpu.memory_space<vmem>>
        %dma_start3A_742 = tpu.memref_squeeze %dma_start3A_741 : memref<1x128xi32, #tpu.memory_space<vmem>> -> memref<128xi32, #tpu.memory_space<vmem>>
        %dma_start3A_743 = arith.constant 0 : i32
        %dma_start3A_744 = arith.constant 0 : i32
        %dma_start3A_745 = tpu.memref_slice %arg12[%dma_start3A_743, %dma_start3A_744] : memref<1040x16xf32, #tpu.memory_space<vmem_shared>> -> memref<1040x16xf32, #tpu.memory_space<vmem_shared>>
        tpu.enqueue_indirect_dma source(%arg8 : memref<128x16xf32, #tpu.memory_space<vmem>>) target(%dma_start3A_745 : memref<1040x16xf32, #tpu.memory_space<vmem_shared>>) offsets(%dma_start3A_742 : memref<128xi32, #tpu.memory_space<vmem>>) semaphore(%run_scoped3A_739 : memref<!tpu.dma_semaphore, #tpu.memory_space<semaphore_mem>>) {add = true}
        %dma_wait3A_746 = arith.constant 0 : i32
        %dma_wait3A_747 = tpu.memref_slice %arg6[%run_scoped3A_733, %dma_wait3A_746] : memref<2x128xi32, #tpu.memory_space<vmem>> -> memref<1x128xi32, #tpu.memory_space<vmem>>
        %dma_wait3A_748 = tpu.memref_squeeze %dma_wait3A_747 : memref<1x128xi32, #tpu.memory_space<vmem>> -> memref<128xi32, #tpu.memory_space<vmem>>
        %dma_wait3A_749 = arith.constant 0 : i32
        %dma_wait3A_750 = arith.constant 0 : i32
        %dma_wait3A_751 = tpu.memref_slice %arg12[%dma_wait3A_749, %dma_wait3A_750] : memref<1040x16xf32, #tpu.memory_space<vmem_shared>> -> memref<1040x16xf32, #tpu.memory_space<vmem_shared>>
        tpu.wait_indirect_dma semaphore(%run_scoped3A_739 : memref<!tpu.dma_semaphore, #tpu.memory_space<semaphore_mem>>) src(%arg8 : memref<128x16xf32, #tpu.memory_space<vmem>>) dst(%dma_wait3A_751 : memref<1040x16xf32, #tpu.memory_space<vmem_shared>>)
        tpu.yield
      }) : () -> ()
      %gt3A_734 = arith.constant 13 : i32
      %gt3A_735 = arith.cmpi sgt, %select_n3A, %gt3A_734 : i32
      %convert_element_type3A_736 = arith.extui %gt3A_735 : i1 to i32
      %cond3A_737 = arith.constant 0 : i32
      %cond3A_738 = arith.cmpi ne, %convert_element_type3A_736, %cond3A_737 : i32
      scf.if %cond3A_738 {
        %add3A_739 = arith.constant 13 : i32
        %add3A_740 = arith.addi %select_n3A_8, %add3A_739 : i32
        %add3A_741 = arith.constant 1625 : i32
        %add3A_742 = arith.addi %mul3A_10, %add3A_741 : i32
        %dma_start3A_743 = arith.constant 1 : i32
        %dma_start3A_744 = arith.constant 0 : i32
        %dma_start3A_745 = tpu.memref_slice %arg6[%dma_start3A_743, %dma_start3A_744] : memref<2x128xi32, #tpu.memory_space<vmem>> -> memref<1x128xi32, #tpu.memory_space<vmem>>
        %dma_start3A_746 = tpu.memref_squeeze %dma_start3A_745 : memref<1x128xi32, #tpu.memory_space<vmem>> -> memref<128xi32, #tpu.memory_space<vmem>>
        %dma_start3A_747 = arith.constant 0 : i32
        %dma_start3A_748 = tpu.memref_slice %arg3[%add3A_740, %dma_start3A_747] : memref<800x128xi32, #tpu.memory_space<hbm>> -> memref<1x128xi32, #tpu.memory_space<hbm>>
        %dma_start3A_749 = tpu.memref_squeeze %dma_start3A_748 : memref<1x128xi32, #tpu.memory_space<hbm>> -> memref<128xi32, #tpu.memory_space<hbm>>
        %dma_start3A_750 = arith.constant 0 : i32
        %dma_start3A_751 = tpu.memref_slice %arg6[%dma_start3A_743, %dma_start3A_750] : memref<2x128xi32, #tpu.memory_space<vmem>> -> memref<1x128xi32, #tpu.memory_space<vmem>>
        %dma_start3A_752 = tpu.memref_squeeze %dma_start3A_751 : memref<1x128xi32, #tpu.memory_space<vmem>> -> memref<128xi32, #tpu.memory_space<vmem>>
        %dma_start3A_753 = arith.constant 0 : i32
        %dma_start3A_754 = tpu.memref_slice %arg3[%add3A_740, %dma_start3A_753] : memref<800x128xi32, #tpu.memory_space<hbm>> -> memref<1x128xi32, #tpu.memory_space<hbm>>
        %dma_start3A_755 = tpu.memref_squeeze %dma_start3A_754 : memref<1x128xi32, #tpu.memory_space<hbm>> -> memref<128xi32, #tpu.memory_space<hbm>>
        tpu.enqueue_dma source(%dma_start3A_755 : memref<128xi32, #tpu.memory_space<hbm>>) target(%dma_start3A_752 : memref<128xi32, #tpu.memory_space<vmem>>) target_semaphore(%arg14 : memref<!tpu.dma_semaphore, #tpu.memory_space<semaphore_mem>>)
        %dma_start3A_756 = arith.constant 1 : i32
        %dma_start3A_757 = arith.constant 0 : i32
        %dma_start3A_758 = arith.constant 0 : i32
        %dma_start3A_759 = tpu.memref_slice %arg7[%dma_start3A_756, %dma_start3A_757, %dma_start3A_758] : memref<2x128x128xf32, #tpu.memory_space<vmem>> -> memref<1x125x128xf32, #tpu.memory_space<vmem>>
        %dma_start3A_760 = tpu.memref_squeeze %dma_start3A_759 : memref<1x125x128xf32, #tpu.memory_space<vmem>> -> memref<125x128xf32, #tpu.memory_space<vmem>>
        %dma_start3A_761 = arith.constant 0 : i32
        %dma_start3A_762 = tpu.memref_slice %arg2[%add3A_742, %dma_start3A_761] : memref<100000x128xf32, #tpu.memory_space<hbm>> -> memref<125x128xf32, #tpu.memory_space<hbm>>
        %dma_start3A_763 = arith.constant 0 : i32
        %dma_start3A_764 = arith.constant 0 : i32
        %dma_start3A_765 = tpu.memref_slice %arg7[%dma_start3A_756, %dma_start3A_763, %dma_start3A_764] : memref<2x128x128xf32, #tpu.memory_space<vmem>> -> memref<1x125x128xf32, #tpu.memory_space<vmem>>
        %dma_start3A_766 = tpu.memref_squeeze %dma_start3A_765 : memref<1x125x128xf32, #tpu.memory_space<vmem>> -> memref<125x128xf32, #tpu.memory_space<vmem>>
        %dma_start3A_767 = arith.constant 0 : i32
        %dma_start3A_768 = tpu.memref_slice %arg2[%add3A_742, %dma_start3A_767] : memref<100000x128xf32, #tpu.memory_space<hbm>> -> memref<125x128xf32, #tpu.memory_space<hbm>>
        tpu.enqueue_dma source(%dma_start3A_768 : memref<125x128xf32, #tpu.memory_space<hbm>>) target(%dma_start3A_766 : memref<125x128xf32, #tpu.memory_space<vmem>>) target_semaphore(%arg16 : memref<!tpu.dma_semaphore, #tpu.memory_space<semaphore_mem>>)
      } else {
      }
    } else {
    }
    %gt3A_620 = arith.constant 12 : i32
    %gt3A_621 = arith.cmpi sgt, %select_n3A, %gt3A_620 : i32
    %convert_element_type3A_622 = arith.extui %gt3A_621 : i1 to i32
    %cond3A_623 = arith.constant 0 : i32
    %cond3A_624 = arith.cmpi ne, %convert_element_type3A_622, %cond3A_623 : i32
    scf.if %cond3A_624 {
      %add3A_703 = arith.constant 12 : i32
      %add3A_704 = arith.addi %select_n3A_8, %add3A_703 : i32
      %add3A_705 = arith.constant 1500 : i32
      %add3A_706 = arith.addi %mul3A_10, %add3A_705 : i32
      %dma_wait3A = arith.constant 0 : i32
      %dma_wait3A_707 = arith.constant 0 : i32
      %dma_wait3A_708 = tpu.memref_slice %arg6[%dma_wait3A, %dma_wait3A_707] : memref<2x128xi32, #tpu.memory_space<vmem>> -> memref<1x128xi32, #tpu.memory_space<vmem>>
      %dma_wait3A_709 = tpu.memref_squeeze %dma_wait3A_708 : memref<1x128xi32, #tpu.memory_space<vmem>> -> memref<128xi32, #tpu.memory_space<vmem>>
      %dma_wait3A_710 = arith.constant 0 : i32
      %dma_wait3A_711 = tpu.memref_slice %arg3[%add3A_704, %dma_wait3A_710] : memref<800x128xi32, #tpu.memory_space<hbm>> -> memref<1x128xi32, #tpu.memory_space<hbm>>
      %dma_wait3A_712 = tpu.memref_squeeze %dma_wait3A_711 : memref<1x128xi32, #tpu.memory_space<hbm>> -> memref<128xi32, #tpu.memory_space<hbm>>
      %dma_wait3A_713 = arith.constant 0 : i32
      %dma_wait3A_714 = tpu.memref_slice %arg6[%dma_wait3A, %dma_wait3A_713] : memref<2x128xi32, #tpu.memory_space<vmem>> -> memref<1x128xi32, #tpu.memory_space<vmem>>
      %dma_wait3A_715 = tpu.memref_squeeze %dma_wait3A_714 : memref<1x128xi32, #tpu.memory_space<vmem>> -> memref<128xi32, #tpu.memory_space<vmem>>
      %dma_wait3A_716 = arith.constant 0 : i32
      %dma_wait3A_717 = tpu.memref_slice %arg3[%add3A_704, %dma_wait3A_716] : memref<800x128xi32, #tpu.memory_space<hbm>> -> memref<1x128xi32, #tpu.memory_space<hbm>>
      %dma_wait3A_718 = tpu.memref_squeeze %dma_wait3A_717 : memref<1x128xi32, #tpu.memory_space<hbm>> -> memref<128xi32, #tpu.memory_space<hbm>>
      tpu.wait_dma2 semaphore(%arg13 : memref<!tpu.dma_semaphore, #tpu.memory_space<semaphore_mem>>) src(%dma_wait3A_718 : memref<128xi32, #tpu.memory_space<hbm>>) dst(%dma_wait3A_715 : memref<128xi32, #tpu.memory_space<vmem>>)
      %dma_wait3A_719 = arith.constant 0 : i32
      %dma_wait3A_720 = arith.constant 0 : i32
      %dma_wait3A_721 = arith.constant 0 : i32
      %dma_wait3A_722 = tpu.memref_slice %arg7[%dma_wait3A_719, %dma_wait3A_720, %dma_wait3A_721] : memref<2x128x128xf32, #tpu.memory_space<vmem>> -> memref<1x125x128xf32, #tpu.memory_space<vmem>>
      %dma_wait3A_723 = tpu.memref_squeeze %dma_wait3A_722 : memref<1x125x128xf32, #tpu.memory_space<vmem>> -> memref<125x128xf32, #tpu.memory_space<vmem>>
      %dma_wait3A_724 = arith.constant 0 : i32
      %dma_wait3A_725 = tpu.memref_slice %arg2[%add3A_706, %dma_wait3A_724] : memref<100000x128xf32, #tpu.memory_space<hbm>> -> memref<125x128xf32, #tpu.memory_space<hbm>>
      %dma_wait3A_726 = arith.constant 0 : i32
      %dma_wait3A_727 = arith.constant 0 : i32
      %dma_wait3A_728 = tpu.memref_slice %arg7[%dma_wait3A_719, %dma_wait3A_726, %dma_wait3A_727] : memref<2x128x128xf32, #tpu.memory_space<vmem>> -> memref<1x125x128xf32, #tpu.memory_space<vmem>>
      %dma_wait3A_729 = tpu.memref_squeeze %dma_wait3A_728 : memref<1x125x128xf32, #tpu.memory_space<vmem>> -> memref<125x128xf32, #tpu.memory_space<vmem>>
      %dma_wait3A_730 = arith.constant 0 : i32
      %dma_wait3A_731 = tpu.memref_slice %arg2[%add3A_706, %dma_wait3A_730] : memref<100000x128xf32, #tpu.memory_space<hbm>> -> memref<125x128xf32, #tpu.memory_space<hbm>>
      tpu.wait_dma2 semaphore(%arg15 : memref<!tpu.dma_semaphore, #tpu.memory_space<semaphore_mem>>) src(%dma_wait3A_731 : memref<125x128xf32, #tpu.memory_space<hbm>>) dst(%dma_wait3A_729 : memref<125x128xf32, #tpu.memory_space<vmem>>)
      %run_scoped3A = arith.constant 0 : i32
      %run_scoped3A_732 = arith.constant 0 : i32
      "tpu.region"() ({
        %run_scoped3A_739 = tpu.sem_alloc : memref<!tpu.dma_semaphore, #tpu.memory_space<semaphore_mem>>
        %dma_start3A_740 = arith.constant 0 : i32
        %dma_start3A_741 = arith.constant 0 : i32
        %dma_start3A_742 = tpu.memref_slice %arg7[%run_scoped3A, %dma_start3A_740, %dma_start3A_741] : memref<2x128x128xf32, #tpu.memory_space<vmem>> -> memref<1x128x128xf32, #tpu.memory_space<vmem>>
        %dma_start3A_743 = tpu.memref_squeeze %dma_start3A_742 : memref<1x128x128xf32, #tpu.memory_space<vmem>> -> memref<128x128xf32, #tpu.memory_space<vmem>>
        %dma_start3A_744 = arith.constant 0 : i32
        %dma_start3A_745 = tpu.memref_slice %arg6[%run_scoped3A_732, %dma_start3A_744] : memref<2x128xi32, #tpu.memory_space<vmem>> -> memref<1x128xi32, #tpu.memory_space<vmem>>
        %dma_start3A_746 = tpu.memref_squeeze %dma_start3A_745 : memref<1x128xi32, #tpu.memory_space<vmem>> -> memref<128xi32, #tpu.memory_space<vmem>>
        %dma_start3A_747 = arith.constant 0 : i32
        %dma_start3A_748 = arith.constant 0 : i32
        %dma_start3A_749 = tpu.memref_slice %arg11[%dma_start3A_747, %dma_start3A_748] : memref<1040x128xf32, #tpu.memory_space<vmem_shared>> -> memref<1040x128xf32, #tpu.memory_space<vmem_shared>>
        tpu.enqueue_indirect_dma source(%dma_start3A_743 : memref<128x128xf32, #tpu.memory_space<vmem>>) target(%dma_start3A_749 : memref<1040x128xf32, #tpu.memory_space<vmem_shared>>) offsets(%dma_start3A_746 : memref<128xi32, #tpu.memory_space<vmem>>) semaphore(%run_scoped3A_739 : memref<!tpu.dma_semaphore, #tpu.memory_space<semaphore_mem>>) {add = true}
        %dma_wait3A_750 = arith.constant 0 : i32
        %dma_wait3A_751 = arith.constant 0 : i32
        %dma_wait3A_752 = tpu.memref_slice %arg7[%run_scoped3A, %dma_wait3A_750, %dma_wait3A_751] : memref<2x128x128xf32, #tpu.memory_space<vmem>> -> memref<1x128x128xf32, #tpu.memory_space<vmem>>
        %dma_wait3A_753 = tpu.memref_squeeze %dma_wait3A_752 : memref<1x128x128xf32, #tpu.memory_space<vmem>> -> memref<128x128xf32, #tpu.memory_space<vmem>>
        %dma_wait3A_754 = arith.constant 0 : i32
        %dma_wait3A_755 = tpu.memref_slice %arg6[%run_scoped3A_732, %dma_wait3A_754] : memref<2x128xi32, #tpu.memory_space<vmem>> -> memref<1x128xi32, #tpu.memory_space<vmem>>
        %dma_wait3A_756 = tpu.memref_squeeze %dma_wait3A_755 : memref<1x128xi32, #tpu.memory_space<vmem>> -> memref<128xi32, #tpu.memory_space<vmem>>
        %dma_wait3A_757 = arith.constant 0 : i32
        %dma_wait3A_758 = arith.constant 0 : i32
        %dma_wait3A_759 = tpu.memref_slice %arg11[%dma_wait3A_757, %dma_wait3A_758] : memref<1040x128xf32, #tpu.memory_space<vmem_shared>> -> memref<1040x128xf32, #tpu.memory_space<vmem_shared>>
        tpu.wait_indirect_dma semaphore(%run_scoped3A_739 : memref<!tpu.dma_semaphore, #tpu.memory_space<semaphore_mem>>) src(%dma_wait3A_753 : memref<128x128xf32, #tpu.memory_space<vmem>>) dst(%dma_wait3A_759 : memref<1040x128xf32, #tpu.memory_space<vmem_shared>>)
        tpu.yield
      }) : () -> ()
      %run_scoped3A_733 = arith.constant 0 : i32
      "tpu.region"() ({
        %run_scoped3A_739 = tpu.sem_alloc : memref<!tpu.dma_semaphore, #tpu.memory_space<semaphore_mem>>
        %dma_start3A_740 = arith.constant 0 : i32
        %dma_start3A_741 = tpu.memref_slice %arg6[%run_scoped3A_733, %dma_start3A_740] : memref<2x128xi32, #tpu.memory_space<vmem>> -> memref<1x128xi32, #tpu.memory_space<vmem>>
        %dma_start3A_742 = tpu.memref_squeeze %dma_start3A_741 : memref<1x128xi32, #tpu.memory_space<vmem>> -> memref<128xi32, #tpu.memory_space<vmem>>
        %dma_start3A_743 = arith.constant 0 : i32
        %dma_start3A_744 = arith.constant 0 : i32
        %dma_start3A_745 = tpu.memref_slice %arg12[%dma_start3A_743, %dma_start3A_744] : memref<1040x16xf32, #tpu.memory_space<vmem_shared>> -> memref<1040x16xf32, #tpu.memory_space<vmem_shared>>
        tpu.enqueue_indirect_dma source(%arg8 : memref<128x16xf32, #tpu.memory_space<vmem>>) target(%dma_start3A_745 : memref<1040x16xf32, #tpu.memory_space<vmem_shared>>) offsets(%dma_start3A_742 : memref<128xi32, #tpu.memory_space<vmem>>) semaphore(%run_scoped3A_739 : memref<!tpu.dma_semaphore, #tpu.memory_space<semaphore_mem>>) {add = true}
        %dma_wait3A_746 = arith.constant 0 : i32
        %dma_wait3A_747 = tpu.memref_slice %arg6[%run_scoped3A_733, %dma_wait3A_746] : memref<2x128xi32, #tpu.memory_space<vmem>> -> memref<1x128xi32, #tpu.memory_space<vmem>>
        %dma_wait3A_748 = tpu.memref_squeeze %dma_wait3A_747 : memref<1x128xi32, #tpu.memory_space<vmem>> -> memref<128xi32, #tpu.memory_space<vmem>>
        %dma_wait3A_749 = arith.constant 0 : i32
        %dma_wait3A_750 = arith.constant 0 : i32
        %dma_wait3A_751 = tpu.memref_slice %arg12[%dma_wait3A_749, %dma_wait3A_750] : memref<1040x16xf32, #tpu.memory_space<vmem_shared>> -> memref<1040x16xf32, #tpu.memory_space<vmem_shared>>
        tpu.wait_indirect_dma semaphore(%run_scoped3A_739 : memref<!tpu.dma_semaphore, #tpu.memory_space<semaphore_mem>>) src(%arg8 : memref<128x16xf32, #tpu.memory_space<vmem>>) dst(%dma_wait3A_751 : memref<1040x16xf32, #tpu.memory_space<vmem_shared>>)
        tpu.yield
      }) : () -> ()
      %gt3A_734 = arith.constant 14 : i32
      %gt3A_735 = arith.cmpi sgt, %select_n3A, %gt3A_734 : i32
      %convert_element_type3A_736 = arith.extui %gt3A_735 : i1 to i32
      %cond3A_737 = arith.constant 0 : i32
      %cond3A_738 = arith.cmpi ne, %convert_element_type3A_736, %cond3A_737 : i32
      scf.if %cond3A_738 {
        %add3A_739 = arith.constant 14 : i32
        %add3A_740 = arith.addi %select_n3A_8, %add3A_739 : i32
        %add3A_741 = arith.constant 1750 : i32
        %add3A_742 = arith.addi %mul3A_10, %add3A_741 : i32
        %dma_start3A_743 = arith.constant 0 : i32
        %dma_start3A_744 = arith.constant 0 : i32
        %dma_start3A_745 = tpu.memref_slice %arg6[%dma_start3A_743, %dma_start3A_744] : memref<2x128xi32, #tpu.memory_space<vmem>> -> memref<1x128xi32, #tpu.memory_space<vmem>>
        %dma_start3A_746 = tpu.memref_squeeze %dma_start3A_745 : memref<1x128xi32, #tpu.memory_space<vmem>> -> memref<128xi32, #tpu.memory_space<vmem>>
        %dma_start3A_747 = arith.constant 0 : i32
        %dma_start3A_748 = tpu.memref_slice %arg3[%add3A_740, %dma_start3A_747] : memref<800x128xi32, #tpu.memory_space<hbm>> -> memref<1x128xi32, #tpu.memory_space<hbm>>
        %dma_start3A_749 = tpu.memref_squeeze %dma_start3A_748 : memref<1x128xi32, #tpu.memory_space<hbm>> -> memref<128xi32, #tpu.memory_space<hbm>>
        %dma_start3A_750 = arith.constant 0 : i32
        %dma_start3A_751 = tpu.memref_slice %arg6[%dma_start3A_743, %dma_start3A_750] : memref<2x128xi32, #tpu.memory_space<vmem>> -> memref<1x128xi32, #tpu.memory_space<vmem>>
        %dma_start3A_752 = tpu.memref_squeeze %dma_start3A_751 : memref<1x128xi32, #tpu.memory_space<vmem>> -> memref<128xi32, #tpu.memory_space<vmem>>
        %dma_start3A_753 = arith.constant 0 : i32
        %dma_start3A_754 = tpu.memref_slice %arg3[%add3A_740, %dma_start3A_753] : memref<800x128xi32, #tpu.memory_space<hbm>> -> memref<1x128xi32, #tpu.memory_space<hbm>>
        %dma_start3A_755 = tpu.memref_squeeze %dma_start3A_754 : memref<1x128xi32, #tpu.memory_space<hbm>> -> memref<128xi32, #tpu.memory_space<hbm>>
        tpu.enqueue_dma source(%dma_start3A_755 : memref<128xi32, #tpu.memory_space<hbm>>) target(%dma_start3A_752 : memref<128xi32, #tpu.memory_space<vmem>>) target_semaphore(%arg13 : memref<!tpu.dma_semaphore, #tpu.memory_space<semaphore_mem>>)
        %dma_start3A_756 = arith.constant 0 : i32
        %dma_start3A_757 = arith.constant 0 : i32
        %dma_start3A_758 = arith.constant 0 : i32
        %dma_start3A_759 = tpu.memref_slice %arg7[%dma_start3A_756, %dma_start3A_757, %dma_start3A_758] : memref<2x128x128xf32, #tpu.memory_space<vmem>> -> memref<1x125x128xf32, #tpu.memory_space<vmem>>
        %dma_start3A_760 = tpu.memref_squeeze %dma_start3A_759 : memref<1x125x128xf32, #tpu.memory_space<vmem>> -> memref<125x128xf32, #tpu.memory_space<vmem>>
        %dma_start3A_761 = arith.constant 0 : i32
        %dma_start3A_762 = tpu.memref_slice %arg2[%add3A_742, %dma_start3A_761] : memref<100000x128xf32, #tpu.memory_space<hbm>> -> memref<125x128xf32, #tpu.memory_space<hbm>>
        %dma_start3A_763 = arith.constant 0 : i32
        %dma_start3A_764 = arith.constant 0 : i32
        %dma_start3A_765 = tpu.memref_slice %arg7[%dma_start3A_756, %dma_start3A_763, %dma_start3A_764] : memref<2x128x128xf32, #tpu.memory_space<vmem>> -> memref<1x125x128xf32, #tpu.memory_space<vmem>>
        %dma_start3A_766 = tpu.memref_squeeze %dma_start3A_765 : memref<1x125x128xf32, #tpu.memory_space<vmem>> -> memref<125x128xf32, #tpu.memory_space<vmem>>
        %dma_start3A_767 = arith.constant 0 : i32
        %dma_start3A_768 = tpu.memref_slice %arg2[%add3A_742, %dma_start3A_767] : memref<100000x128xf32, #tpu.memory_space<hbm>> -> memref<125x128xf32, #tpu.memory_space<hbm>>
        tpu.enqueue_dma source(%dma_start3A_768 : memref<125x128xf32, #tpu.memory_space<hbm>>) target(%dma_start3A_766 : memref<125x128xf32, #tpu.memory_space<vmem>>) target_semaphore(%arg15 : memref<!tpu.dma_semaphore, #tpu.memory_space<semaphore_mem>>)
      } else {
      }
    } else {
    }
    %gt3A_625 = arith.constant 13 : i32
    %gt3A_626 = arith.cmpi sgt, %select_n3A, %gt3A_625 : i32
    %convert_element_type3A_627 = arith.extui %gt3A_626 : i1 to i32
    %cond3A_628 = arith.constant 0 : i32
    %cond3A_629 = arith.cmpi ne, %convert_element_type3A_627, %cond3A_628 : i32
    scf.if %cond3A_629 {
      %add3A_703 = arith.constant 13 : i32
      %add3A_704 = arith.addi %select_n3A_8, %add3A_703 : i32
      %add3A_705 = arith.constant 1625 : i32
      %add3A_706 = arith.addi %mul3A_10, %add3A_705 : i32
      %dma_wait3A = arith.constant 1 : i32
      %dma_wait3A_707 = arith.constant 0 : i32
      %dma_wait3A_708 = tpu.memref_slice %arg6[%dma_wait3A, %dma_wait3A_707] : memref<2x128xi32, #tpu.memory_space<vmem>> -> memref<1x128xi32, #tpu.memory_space<vmem>>
      %dma_wait3A_709 = tpu.memref_squeeze %dma_wait3A_708 : memref<1x128xi32, #tpu.memory_space<vmem>> -> memref<128xi32, #tpu.memory_space<vmem>>
      %dma_wait3A_710 = arith.constant 0 : i32
      %dma_wait3A_711 = tpu.memref_slice %arg3[%add3A_704, %dma_wait3A_710] : memref<800x128xi32, #tpu.memory_space<hbm>> -> memref<1x128xi32, #tpu.memory_space<hbm>>
      %dma_wait3A_712 = tpu.memref_squeeze %dma_wait3A_711 : memref<1x128xi32, #tpu.memory_space<hbm>> -> memref<128xi32, #tpu.memory_space<hbm>>
      %dma_wait3A_713 = arith.constant 0 : i32
      %dma_wait3A_714 = tpu.memref_slice %arg6[%dma_wait3A, %dma_wait3A_713] : memref<2x128xi32, #tpu.memory_space<vmem>> -> memref<1x128xi32, #tpu.memory_space<vmem>>
      %dma_wait3A_715 = tpu.memref_squeeze %dma_wait3A_714 : memref<1x128xi32, #tpu.memory_space<vmem>> -> memref<128xi32, #tpu.memory_space<vmem>>
      %dma_wait3A_716 = arith.constant 0 : i32
      %dma_wait3A_717 = tpu.memref_slice %arg3[%add3A_704, %dma_wait3A_716] : memref<800x128xi32, #tpu.memory_space<hbm>> -> memref<1x128xi32, #tpu.memory_space<hbm>>
      %dma_wait3A_718 = tpu.memref_squeeze %dma_wait3A_717 : memref<1x128xi32, #tpu.memory_space<hbm>> -> memref<128xi32, #tpu.memory_space<hbm>>
      tpu.wait_dma2 semaphore(%arg14 : memref<!tpu.dma_semaphore, #tpu.memory_space<semaphore_mem>>) src(%dma_wait3A_718 : memref<128xi32, #tpu.memory_space<hbm>>) dst(%dma_wait3A_715 : memref<128xi32, #tpu.memory_space<vmem>>)
      %dma_wait3A_719 = arith.constant 1 : i32
      %dma_wait3A_720 = arith.constant 0 : i32
      %dma_wait3A_721 = arith.constant 0 : i32
      %dma_wait3A_722 = tpu.memref_slice %arg7[%dma_wait3A_719, %dma_wait3A_720, %dma_wait3A_721] : memref<2x128x128xf32, #tpu.memory_space<vmem>> -> memref<1x125x128xf32, #tpu.memory_space<vmem>>
      %dma_wait3A_723 = tpu.memref_squeeze %dma_wait3A_722 : memref<1x125x128xf32, #tpu.memory_space<vmem>> -> memref<125x128xf32, #tpu.memory_space<vmem>>
      %dma_wait3A_724 = arith.constant 0 : i32
      %dma_wait3A_725 = tpu.memref_slice %arg2[%add3A_706, %dma_wait3A_724] : memref<100000x128xf32, #tpu.memory_space<hbm>> -> memref<125x128xf32, #tpu.memory_space<hbm>>
      %dma_wait3A_726 = arith.constant 0 : i32
      %dma_wait3A_727 = arith.constant 0 : i32
      %dma_wait3A_728 = tpu.memref_slice %arg7[%dma_wait3A_719, %dma_wait3A_726, %dma_wait3A_727] : memref<2x128x128xf32, #tpu.memory_space<vmem>> -> memref<1x125x128xf32, #tpu.memory_space<vmem>>
      %dma_wait3A_729 = tpu.memref_squeeze %dma_wait3A_728 : memref<1x125x128xf32, #tpu.memory_space<vmem>> -> memref<125x128xf32, #tpu.memory_space<vmem>>
      %dma_wait3A_730 = arith.constant 0 : i32
      %dma_wait3A_731 = tpu.memref_slice %arg2[%add3A_706, %dma_wait3A_730] : memref<100000x128xf32, #tpu.memory_space<hbm>> -> memref<125x128xf32, #tpu.memory_space<hbm>>
      tpu.wait_dma2 semaphore(%arg16 : memref<!tpu.dma_semaphore, #tpu.memory_space<semaphore_mem>>) src(%dma_wait3A_731 : memref<125x128xf32, #tpu.memory_space<hbm>>) dst(%dma_wait3A_729 : memref<125x128xf32, #tpu.memory_space<vmem>>)
      %run_scoped3A = arith.constant 1 : i32
      %run_scoped3A_732 = arith.constant 1 : i32
      "tpu.region"() ({
        %run_scoped3A_739 = tpu.sem_alloc : memref<!tpu.dma_semaphore, #tpu.memory_space<semaphore_mem>>
        %dma_start3A_740 = arith.constant 0 : i32
        %dma_start3A_741 = arith.constant 0 : i32
        %dma_start3A_742 = tpu.memref_slice %arg7[%run_scoped3A, %dma_start3A_740, %dma_start3A_741] : memref<2x128x128xf32, #tpu.memory_space<vmem>> -> memref<1x128x128xf32, #tpu.memory_space<vmem>>
        %dma_start3A_743 = tpu.memref_squeeze %dma_start3A_742 : memref<1x128x128xf32, #tpu.memory_space<vmem>> -> memref<128x128xf32, #tpu.memory_space<vmem>>
        %dma_start3A_744 = arith.constant 0 : i32
        %dma_start3A_745 = tpu.memref_slice %arg6[%run_scoped3A_732, %dma_start3A_744] : memref<2x128xi32, #tpu.memory_space<vmem>> -> memref<1x128xi32, #tpu.memory_space<vmem>>
        %dma_start3A_746 = tpu.memref_squeeze %dma_start3A_745 : memref<1x128xi32, #tpu.memory_space<vmem>> -> memref<128xi32, #tpu.memory_space<vmem>>
        %dma_start3A_747 = arith.constant 0 : i32
        %dma_start3A_748 = arith.constant 0 : i32
        %dma_start3A_749 = tpu.memref_slice %arg11[%dma_start3A_747, %dma_start3A_748] : memref<1040x128xf32, #tpu.memory_space<vmem_shared>> -> memref<1040x128xf32, #tpu.memory_space<vmem_shared>>
        tpu.enqueue_indirect_dma source(%dma_start3A_743 : memref<128x128xf32, #tpu.memory_space<vmem>>) target(%dma_start3A_749 : memref<1040x128xf32, #tpu.memory_space<vmem_shared>>) offsets(%dma_start3A_746 : memref<128xi32, #tpu.memory_space<vmem>>) semaphore(%run_scoped3A_739 : memref<!tpu.dma_semaphore, #tpu.memory_space<semaphore_mem>>) {add = true}
        %dma_wait3A_750 = arith.constant 0 : i32
        %dma_wait3A_751 = arith.constant 0 : i32
        %dma_wait3A_752 = tpu.memref_slice %arg7[%run_scoped3A, %dma_wait3A_750, %dma_wait3A_751] : memref<2x128x128xf32, #tpu.memory_space<vmem>> -> memref<1x128x128xf32, #tpu.memory_space<vmem>>
        %dma_wait3A_753 = tpu.memref_squeeze %dma_wait3A_752 : memref<1x128x128xf32, #tpu.memory_space<vmem>> -> memref<128x128xf32, #tpu.memory_space<vmem>>
        %dma_wait3A_754 = arith.constant 0 : i32
        %dma_wait3A_755 = tpu.memref_slice %arg6[%run_scoped3A_732, %dma_wait3A_754] : memref<2x128xi32, #tpu.memory_space<vmem>> -> memref<1x128xi32, #tpu.memory_space<vmem>>
        %dma_wait3A_756 = tpu.memref_squeeze %dma_wait3A_755 : memref<1x128xi32, #tpu.memory_space<vmem>> -> memref<128xi32, #tpu.memory_space<vmem>>
        %dma_wait3A_757 = arith.constant 0 : i32
        %dma_wait3A_758 = arith.constant 0 : i32
        %dma_wait3A_759 = tpu.memref_slice %arg11[%dma_wait3A_757, %dma_wait3A_758] : memref<1040x128xf32, #tpu.memory_space<vmem_shared>> -> memref<1040x128xf32, #tpu.memory_space<vmem_shared>>
        tpu.wait_indirect_dma semaphore(%run_scoped3A_739 : memref<!tpu.dma_semaphore, #tpu.memory_space<semaphore_mem>>) src(%dma_wait3A_753 : memref<128x128xf32, #tpu.memory_space<vmem>>) dst(%dma_wait3A_759 : memref<1040x128xf32, #tpu.memory_space<vmem_shared>>)
        tpu.yield
      }) : () -> ()
      %run_scoped3A_733 = arith.constant 1 : i32
      "tpu.region"() ({
        %run_scoped3A_739 = tpu.sem_alloc : memref<!tpu.dma_semaphore, #tpu.memory_space<semaphore_mem>>
        %dma_start3A_740 = arith.constant 0 : i32
        %dma_start3A_741 = tpu.memref_slice %arg6[%run_scoped3A_733, %dma_start3A_740] : memref<2x128xi32, #tpu.memory_space<vmem>> -> memref<1x128xi32, #tpu.memory_space<vmem>>
        %dma_start3A_742 = tpu.memref_squeeze %dma_start3A_741 : memref<1x128xi32, #tpu.memory_space<vmem>> -> memref<128xi32, #tpu.memory_space<vmem>>
        %dma_start3A_743 = arith.constant 0 : i32
        %dma_start3A_744 = arith.constant 0 : i32
        %dma_start3A_745 = tpu.memref_slice %arg12[%dma_start3A_743, %dma_start3A_744] : memref<1040x16xf32, #tpu.memory_space<vmem_shared>> -> memref<1040x16xf32, #tpu.memory_space<vmem_shared>>
        tpu.enqueue_indirect_dma source(%arg8 : memref<128x16xf32, #tpu.memory_space<vmem>>) target(%dma_start3A_745 : memref<1040x16xf32, #tpu.memory_space<vmem_shared>>) offsets(%dma_start3A_742 : memref<128xi32, #tpu.memory_space<vmem>>) semaphore(%run_scoped3A_739 : memref<!tpu.dma_semaphore, #tpu.memory_space<semaphore_mem>>) {add = true}
        %dma_wait3A_746 = arith.constant 0 : i32
        %dma_wait3A_747 = tpu.memref_slice %arg6[%run_scoped3A_733, %dma_wait3A_746] : memref<2x128xi32, #tpu.memory_space<vmem>> -> memref<1x128xi32, #tpu.memory_space<vmem>>
        %dma_wait3A_748 = tpu.memref_squeeze %dma_wait3A_747 : memref<1x128xi32, #tpu.memory_space<vmem>> -> memref<128xi32, #tpu.memory_space<vmem>>
        %dma_wait3A_749 = arith.constant 0 : i32
        %dma_wait3A_750 = arith.constant 0 : i32
        %dma_wait3A_751 = tpu.memref_slice %arg12[%dma_wait3A_749, %dma_wait3A_750] : memref<1040x16xf32, #tpu.memory_space<vmem_shared>> -> memref<1040x16xf32, #tpu.memory_space<vmem_shared>>
        tpu.wait_indirect_dma semaphore(%run_scoped3A_739 : memref<!tpu.dma_semaphore, #tpu.memory_space<semaphore_mem>>) src(%arg8 : memref<128x16xf32, #tpu.memory_space<vmem>>) dst(%dma_wait3A_751 : memref<1040x16xf32, #tpu.memory_space<vmem_shared>>)
        tpu.yield
      }) : () -> ()
      %gt3A_734 = arith.constant 15 : i32
      %gt3A_735 = arith.cmpi sgt, %select_n3A, %gt3A_734 : i32
      %convert_element_type3A_736 = arith.extui %gt3A_735 : i1 to i32
      %cond3A_737 = arith.constant 0 : i32
      %cond3A_738 = arith.cmpi ne, %convert_element_type3A_736, %cond3A_737 : i32
      scf.if %cond3A_738 {
        %add3A_739 = arith.constant 15 : i32
        %add3A_740 = arith.addi %select_n3A_8, %add3A_739 : i32
        %add3A_741 = arith.constant 1875 : i32
        %add3A_742 = arith.addi %mul3A_10, %add3A_741 : i32
        %dma_start3A_743 = arith.constant 1 : i32
        %dma_start3A_744 = arith.constant 0 : i32
        %dma_start3A_745 = tpu.memref_slice %arg6[%dma_start3A_743, %dma_start3A_744] : memref<2x128xi32, #tpu.memory_space<vmem>> -> memref<1x128xi32, #tpu.memory_space<vmem>>
        %dma_start3A_746 = tpu.memref_squeeze %dma_start3A_745 : memref<1x128xi32, #tpu.memory_space<vmem>> -> memref<128xi32, #tpu.memory_space<vmem>>
        %dma_start3A_747 = arith.constant 0 : i32
        %dma_start3A_748 = tpu.memref_slice %arg3[%add3A_740, %dma_start3A_747] : memref<800x128xi32, #tpu.memory_space<hbm>> -> memref<1x128xi32, #tpu.memory_space<hbm>>
        %dma_start3A_749 = tpu.memref_squeeze %dma_start3A_748 : memref<1x128xi32, #tpu.memory_space<hbm>> -> memref<128xi32, #tpu.memory_space<hbm>>
        %dma_start3A_750 = arith.constant 0 : i32
        %dma_start3A_751 = tpu.memref_slice %arg6[%dma_start3A_743, %dma_start3A_750] : memref<2x128xi32, #tpu.memory_space<vmem>> -> memref<1x128xi32, #tpu.memory_space<vmem>>
        %dma_start3A_752 = tpu.memref_squeeze %dma_start3A_751 : memref<1x128xi32, #tpu.memory_space<vmem>> -> memref<128xi32, #tpu.memory_space<vmem>>
        %dma_start3A_753 = arith.constant 0 : i32
        %dma_start3A_754 = tpu.memref_slice %arg3[%add3A_740, %dma_start3A_753] : memref<800x128xi32, #tpu.memory_space<hbm>> -> memref<1x128xi32, #tpu.memory_space<hbm>>
        %dma_start3A_755 = tpu.memref_squeeze %dma_start3A_754 : memref<1x128xi32, #tpu.memory_space<hbm>> -> memref<128xi32, #tpu.memory_space<hbm>>
        tpu.enqueue_dma source(%dma_start3A_755 : memref<128xi32, #tpu.memory_space<hbm>>) target(%dma_start3A_752 : memref<128xi32, #tpu.memory_space<vmem>>) target_semaphore(%arg14 : memref<!tpu.dma_semaphore, #tpu.memory_space<semaphore_mem>>)
        %dma_start3A_756 = arith.constant 1 : i32
        %dma_start3A_757 = arith.constant 0 : i32
        %dma_start3A_758 = arith.constant 0 : i32
        %dma_start3A_759 = tpu.memref_slice %arg7[%dma_start3A_756, %dma_start3A_757, %dma_start3A_758] : memref<2x128x128xf32, #tpu.memory_space<vmem>> -> memref<1x125x128xf32, #tpu.memory_space<vmem>>
        %dma_start3A_760 = tpu.memref_squeeze %dma_start3A_759 : memref<1x125x128xf32, #tpu.memory_space<vmem>> -> memref<125x128xf32, #tpu.memory_space<vmem>>
        %dma_start3A_761 = arith.constant 0 : i32
        %dma_start3A_762 = tpu.memref_slice %arg2[%add3A_742, %dma_start3A_761] : memref<100000x128xf32, #tpu.memory_space<hbm>> -> memref<125x128xf32, #tpu.memory_space<hbm>>
        %dma_start3A_763 = arith.constant 0 : i32
        %dma_start3A_764 = arith.constant 0 : i32
        %dma_start3A_765 = tpu.memref_slice %arg7[%dma_start3A_756, %dma_start3A_763, %dma_start3A_764] : memref<2x128x128xf32, #tpu.memory_space<vmem>> -> memref<1x125x128xf32, #tpu.memory_space<vmem>>
        %dma_start3A_766 = tpu.memref_squeeze %dma_start3A_765 : memref<1x125x128xf32, #tpu.memory_space<vmem>> -> memref<125x128xf32, #tpu.memory_space<vmem>>
        %dma_start3A_767 = arith.constant 0 : i32
        %dma_start3A_768 = tpu.memref_slice %arg2[%add3A_742, %dma_start3A_767] : memref<100000x128xf32, #tpu.memory_space<hbm>> -> memref<125x128xf32, #tpu.memory_space<hbm>>
        tpu.enqueue_dma source(%dma_start3A_768 : memref<125x128xf32, #tpu.memory_space<hbm>>) target(%dma_start3A_766 : memref<125x128xf32, #tpu.memory_space<vmem>>) target_semaphore(%arg16 : memref<!tpu.dma_semaphore, #tpu.memory_space<semaphore_mem>>)
      } else {
      }
    } else {
    }
    %gt3A_630 = arith.constant 14 : i32
    %gt3A_631 = arith.cmpi sgt, %select_n3A, %gt3A_630 : i32
    %convert_element_type3A_632 = arith.extui %gt3A_631 : i1 to i32
    %cond3A_633 = arith.constant 0 : i32
    %cond3A_634 = arith.cmpi ne, %convert_element_type3A_632, %cond3A_633 : i32
    scf.if %cond3A_634 {
      %add3A_703 = arith.constant 14 : i32
      %add3A_704 = arith.addi %select_n3A_8, %add3A_703 : i32
      %add3A_705 = arith.constant 1750 : i32
      %add3A_706 = arith.addi %mul3A_10, %add3A_705 : i32
      %dma_wait3A = arith.constant 0 : i32
      %dma_wait3A_707 = arith.constant 0 : i32
      %dma_wait3A_708 = tpu.memref_slice %arg6[%dma_wait3A, %dma_wait3A_707] : memref<2x128xi32, #tpu.memory_space<vmem>> -> memref<1x128xi32, #tpu.memory_space<vmem>>
      %dma_wait3A_709 = tpu.memref_squeeze %dma_wait3A_708 : memref<1x128xi32, #tpu.memory_space<vmem>> -> memref<128xi32, #tpu.memory_space<vmem>>
      %dma_wait3A_710 = arith.constant 0 : i32
      %dma_wait3A_711 = tpu.memref_slice %arg3[%add3A_704, %dma_wait3A_710] : memref<800x128xi32, #tpu.memory_space<hbm>> -> memref<1x128xi32, #tpu.memory_space<hbm>>
      %dma_wait3A_712 = tpu.memref_squeeze %dma_wait3A_711 : memref<1x128xi32, #tpu.memory_space<hbm>> -> memref<128xi32, #tpu.memory_space<hbm>>
      %dma_wait3A_713 = arith.constant 0 : i32
      %dma_wait3A_714 = tpu.memref_slice %arg6[%dma_wait3A, %dma_wait3A_713] : memref<2x128xi32, #tpu.memory_space<vmem>> -> memref<1x128xi32, #tpu.memory_space<vmem>>
      %dma_wait3A_715 = tpu.memref_squeeze %dma_wait3A_714 : memref<1x128xi32, #tpu.memory_space<vmem>> -> memref<128xi32, #tpu.memory_space<vmem>>
      %dma_wait3A_716 = arith.constant 0 : i32
      %dma_wait3A_717 = tpu.memref_slice %arg3[%add3A_704, %dma_wait3A_716] : memref<800x128xi32, #tpu.memory_space<hbm>> -> memref<1x128xi32, #tpu.memory_space<hbm>>
      %dma_wait3A_718 = tpu.memref_squeeze %dma_wait3A_717 : memref<1x128xi32, #tpu.memory_space<hbm>> -> memref<128xi32, #tpu.memory_space<hbm>>
      tpu.wait_dma2 semaphore(%arg13 : memref<!tpu.dma_semaphore, #tpu.memory_space<semaphore_mem>>) src(%dma_wait3A_718 : memref<128xi32, #tpu.memory_space<hbm>>) dst(%dma_wait3A_715 : memref<128xi32, #tpu.memory_space<vmem>>)
      %dma_wait3A_719 = arith.constant 0 : i32
      %dma_wait3A_720 = arith.constant 0 : i32
      %dma_wait3A_721 = arith.constant 0 : i32
      %dma_wait3A_722 = tpu.memref_slice %arg7[%dma_wait3A_719, %dma_wait3A_720, %dma_wait3A_721] : memref<2x128x128xf32, #tpu.memory_space<vmem>> -> memref<1x125x128xf32, #tpu.memory_space<vmem>>
      %dma_wait3A_723 = tpu.memref_squeeze %dma_wait3A_722 : memref<1x125x128xf32, #tpu.memory_space<vmem>> -> memref<125x128xf32, #tpu.memory_space<vmem>>
      %dma_wait3A_724 = arith.constant 0 : i32
      %dma_wait3A_725 = tpu.memref_slice %arg2[%add3A_706, %dma_wait3A_724] : memref<100000x128xf32, #tpu.memory_space<hbm>> -> memref<125x128xf32, #tpu.memory_space<hbm>>
      %dma_wait3A_726 = arith.constant 0 : i32
      %dma_wait3A_727 = arith.constant 0 : i32
      %dma_wait3A_728 = tpu.memref_slice %arg7[%dma_wait3A_719, %dma_wait3A_726, %dma_wait3A_727] : memref<2x128x128xf32, #tpu.memory_space<vmem>> -> memref<1x125x128xf32, #tpu.memory_space<vmem>>
      %dma_wait3A_729 = tpu.memref_squeeze %dma_wait3A_728 : memref<1x125x128xf32, #tpu.memory_space<vmem>> -> memref<125x128xf32, #tpu.memory_space<vmem>>
      %dma_wait3A_730 = arith.constant 0 : i32
      %dma_wait3A_731 = tpu.memref_slice %arg2[%add3A_706, %dma_wait3A_730] : memref<100000x128xf32, #tpu.memory_space<hbm>> -> memref<125x128xf32, #tpu.memory_space<hbm>>
      tpu.wait_dma2 semaphore(%arg15 : memref<!tpu.dma_semaphore, #tpu.memory_space<semaphore_mem>>) src(%dma_wait3A_731 : memref<125x128xf32, #tpu.memory_space<hbm>>) dst(%dma_wait3A_729 : memref<125x128xf32, #tpu.memory_space<vmem>>)
      %run_scoped3A = arith.constant 0 : i32
      %run_scoped3A_732 = arith.constant 0 : i32
      "tpu.region"() ({
        %run_scoped3A_739 = tpu.sem_alloc : memref<!tpu.dma_semaphore, #tpu.memory_space<semaphore_mem>>
        %dma_start3A_740 = arith.constant 0 : i32
        %dma_start3A_741 = arith.constant 0 : i32
        %dma_start3A_742 = tpu.memref_slice %arg7[%run_scoped3A, %dma_start3A_740, %dma_start3A_741] : memref<2x128x128xf32, #tpu.memory_space<vmem>> -> memref<1x128x128xf32, #tpu.memory_space<vmem>>
        %dma_start3A_743 = tpu.memref_squeeze %dma_start3A_742 : memref<1x128x128xf32, #tpu.memory_space<vmem>> -> memref<128x128xf32, #tpu.memory_space<vmem>>
        %dma_start3A_744 = arith.constant 0 : i32
        %dma_start3A_745 = tpu.memref_slice %arg6[%run_scoped3A_732, %dma_start3A_744] : memref<2x128xi32, #tpu.memory_space<vmem>> -> memref<1x128xi32, #tpu.memory_space<vmem>>
        %dma_start3A_746 = tpu.memref_squeeze %dma_start3A_745 : memref<1x128xi32, #tpu.memory_space<vmem>> -> memref<128xi32, #tpu.memory_space<vmem>>
        %dma_start3A_747 = arith.constant 0 : i32
        %dma_start3A_748 = arith.constant 0 : i32
        %dma_start3A_749 = tpu.memref_slice %arg11[%dma_start3A_747, %dma_start3A_748] : memref<1040x128xf32, #tpu.memory_space<vmem_shared>> -> memref<1040x128xf32, #tpu.memory_space<vmem_shared>>
        tpu.enqueue_indirect_dma source(%dma_start3A_743 : memref<128x128xf32, #tpu.memory_space<vmem>>) target(%dma_start3A_749 : memref<1040x128xf32, #tpu.memory_space<vmem_shared>>) offsets(%dma_start3A_746 : memref<128xi32, #tpu.memory_space<vmem>>) semaphore(%run_scoped3A_739 : memref<!tpu.dma_semaphore, #tpu.memory_space<semaphore_mem>>) {add = true}
        %dma_wait3A_750 = arith.constant 0 : i32
        %dma_wait3A_751 = arith.constant 0 : i32
        %dma_wait3A_752 = tpu.memref_slice %arg7[%run_scoped3A, %dma_wait3A_750, %dma_wait3A_751] : memref<2x128x128xf32, #tpu.memory_space<vmem>> -> memref<1x128x128xf32, #tpu.memory_space<vmem>>
        %dma_wait3A_753 = tpu.memref_squeeze %dma_wait3A_752 : memref<1x128x128xf32, #tpu.memory_space<vmem>> -> memref<128x128xf32, #tpu.memory_space<vmem>>
        %dma_wait3A_754 = arith.constant 0 : i32
        %dma_wait3A_755 = tpu.memref_slice %arg6[%run_scoped3A_732, %dma_wait3A_754] : memref<2x128xi32, #tpu.memory_space<vmem>> -> memref<1x128xi32, #tpu.memory_space<vmem>>
        %dma_wait3A_756 = tpu.memref_squeeze %dma_wait3A_755 : memref<1x128xi32, #tpu.memory_space<vmem>> -> memref<128xi32, #tpu.memory_space<vmem>>
        %dma_wait3A_757 = arith.constant 0 : i32
        %dma_wait3A_758 = arith.constant 0 : i32
        %dma_wait3A_759 = tpu.memref_slice %arg11[%dma_wait3A_757, %dma_wait3A_758] : memref<1040x128xf32, #tpu.memory_space<vmem_shared>> -> memref<1040x128xf32, #tpu.memory_space<vmem_shared>>
        tpu.wait_indirect_dma semaphore(%run_scoped3A_739 : memref<!tpu.dma_semaphore, #tpu.memory_space<semaphore_mem>>) src(%dma_wait3A_753 : memref<128x128xf32, #tpu.memory_space<vmem>>) dst(%dma_wait3A_759 : memref<1040x128xf32, #tpu.memory_space<vmem_shared>>)
        tpu.yield
      }) : () -> ()
      %run_scoped3A_733 = arith.constant 0 : i32
      "tpu.region"() ({
        %run_scoped3A_739 = tpu.sem_alloc : memref<!tpu.dma_semaphore, #tpu.memory_space<semaphore_mem>>
        %dma_start3A_740 = arith.constant 0 : i32
        %dma_start3A_741 = tpu.memref_slice %arg6[%run_scoped3A_733, %dma_start3A_740] : memref<2x128xi32, #tpu.memory_space<vmem>> -> memref<1x128xi32, #tpu.memory_space<vmem>>
        %dma_start3A_742 = tpu.memref_squeeze %dma_start3A_741 : memref<1x128xi32, #tpu.memory_space<vmem>> -> memref<128xi32, #tpu.memory_space<vmem>>
        %dma_start3A_743 = arith.constant 0 : i32
        %dma_start3A_744 = arith.constant 0 : i32
        %dma_start3A_745 = tpu.memref_slice %arg12[%dma_start3A_743, %dma_start3A_744] : memref<1040x16xf32, #tpu.memory_space<vmem_shared>> -> memref<1040x16xf32, #tpu.memory_space<vmem_shared>>
        tpu.enqueue_indirect_dma source(%arg8 : memref<128x16xf32, #tpu.memory_space<vmem>>) target(%dma_start3A_745 : memref<1040x16xf32, #tpu.memory_space<vmem_shared>>) offsets(%dma_start3A_742 : memref<128xi32, #tpu.memory_space<vmem>>) semaphore(%run_scoped3A_739 : memref<!tpu.dma_semaphore, #tpu.memory_space<semaphore_mem>>) {add = true}
        %dma_wait3A_746 = arith.constant 0 : i32
        %dma_wait3A_747 = tpu.memref_slice %arg6[%run_scoped3A_733, %dma_wait3A_746] : memref<2x128xi32, #tpu.memory_space<vmem>> -> memref<1x128xi32, #tpu.memory_space<vmem>>
        %dma_wait3A_748 = tpu.memref_squeeze %dma_wait3A_747 : memref<1x128xi32, #tpu.memory_space<vmem>> -> memref<128xi32, #tpu.memory_space<vmem>>
        %dma_wait3A_749 = arith.constant 0 : i32
        %dma_wait3A_750 = arith.constant 0 : i32
        %dma_wait3A_751 = tpu.memref_slice %arg12[%dma_wait3A_749, %dma_wait3A_750] : memref<1040x16xf32, #tpu.memory_space<vmem_shared>> -> memref<1040x16xf32, #tpu.memory_space<vmem_shared>>
        tpu.wait_indirect_dma semaphore(%run_scoped3A_739 : memref<!tpu.dma_semaphore, #tpu.memory_space<semaphore_mem>>) src(%arg8 : memref<128x16xf32, #tpu.memory_space<vmem>>) dst(%dma_wait3A_751 : memref<1040x16xf32, #tpu.memory_space<vmem_shared>>)
        tpu.yield
      }) : () -> ()
      %gt3A_734 = arith.constant 16 : i32
      %gt3A_735 = arith.cmpi sgt, %select_n3A, %gt3A_734 : i32
      %convert_element_type3A_736 = arith.extui %gt3A_735 : i1 to i32
      %cond3A_737 = arith.constant 0 : i32
      %cond3A_738 = arith.cmpi ne, %convert_element_type3A_736, %cond3A_737 : i32
      scf.if %cond3A_738 {
        %add3A_739 = arith.constant 16 : i32
        %add3A_740 = arith.addi %select_n3A_8, %add3A_739 : i32
        %add3A_741 = arith.constant 2000 : i32
        %add3A_742 = arith.addi %mul3A_10, %add3A_741 : i32
        %dma_start3A_743 = arith.constant 0 : i32
        %dma_start3A_744 = arith.constant 0 : i32
        %dma_start3A_745 = tpu.memref_slice %arg6[%dma_start3A_743, %dma_start3A_744] : memref<2x128xi32, #tpu.memory_space<vmem>> -> memref<1x128xi32, #tpu.memory_space<vmem>>
        %dma_start3A_746 = tpu.memref_squeeze %dma_start3A_745 : memref<1x128xi32, #tpu.memory_space<vmem>> -> memref<128xi32, #tpu.memory_space<vmem>>
        %dma_start3A_747 = arith.constant 0 : i32
        %dma_start3A_748 = tpu.memref_slice %arg3[%add3A_740, %dma_start3A_747] : memref<800x128xi32, #tpu.memory_space<hbm>> -> memref<1x128xi32, #tpu.memory_space<hbm>>
        %dma_start3A_749 = tpu.memref_squeeze %dma_start3A_748 : memref<1x128xi32, #tpu.memory_space<hbm>> -> memref<128xi32, #tpu.memory_space<hbm>>
        %dma_start3A_750 = arith.constant 0 : i32
        %dma_start3A_751 = tpu.memref_slice %arg6[%dma_start3A_743, %dma_start3A_750] : memref<2x128xi32, #tpu.memory_space<vmem>> -> memref<1x128xi32, #tpu.memory_space<vmem>>
        %dma_start3A_752 = tpu.memref_squeeze %dma_start3A_751 : memref<1x128xi32, #tpu.memory_space<vmem>> -> memref<128xi32, #tpu.memory_space<vmem>>
        %dma_start3A_753 = arith.constant 0 : i32
        %dma_start3A_754 = tpu.memref_slice %arg3[%add3A_740, %dma_start3A_753] : memref<800x128xi32, #tpu.memory_space<hbm>> -> memref<1x128xi32, #tpu.memory_space<hbm>>
        %dma_start3A_755 = tpu.memref_squeeze %dma_start3A_754 : memref<1x128xi32, #tpu.memory_space<hbm>> -> memref<128xi32, #tpu.memory_space<hbm>>
        tpu.enqueue_dma source(%dma_start3A_755 : memref<128xi32, #tpu.memory_space<hbm>>) target(%dma_start3A_752 : memref<128xi32, #tpu.memory_space<vmem>>) target_semaphore(%arg13 : memref<!tpu.dma_semaphore, #tpu.memory_space<semaphore_mem>>)
        %dma_start3A_756 = arith.constant 0 : i32
        %dma_start3A_757 = arith.constant 0 : i32
        %dma_start3A_758 = arith.constant 0 : i32
        %dma_start3A_759 = tpu.memref_slice %arg7[%dma_start3A_756, %dma_start3A_757, %dma_start3A_758] : memref<2x128x128xf32, #tpu.memory_space<vmem>> -> memref<1x125x128xf32, #tpu.memory_space<vmem>>
        %dma_start3A_760 = tpu.memref_squeeze %dma_start3A_759 : memref<1x125x128xf32, #tpu.memory_space<vmem>> -> memref<125x128xf32, #tpu.memory_space<vmem>>
        %dma_start3A_761 = arith.constant 0 : i32
        %dma_start3A_762 = tpu.memref_slice %arg2[%add3A_742, %dma_start3A_761] : memref<100000x128xf32, #tpu.memory_space<hbm>> -> memref<125x128xf32, #tpu.memory_space<hbm>>
        %dma_start3A_763 = arith.constant 0 : i32
        %dma_start3A_764 = arith.constant 0 : i32
        %dma_start3A_765 = tpu.memref_slice %arg7[%dma_start3A_756, %dma_start3A_763, %dma_start3A_764] : memref<2x128x128xf32, #tpu.memory_space<vmem>> -> memref<1x125x128xf32, #tpu.memory_space<vmem>>
        %dma_start3A_766 = tpu.memref_squeeze %dma_start3A_765 : memref<1x125x128xf32, #tpu.memory_space<vmem>> -> memref<125x128xf32, #tpu.memory_space<vmem>>
        %dma_start3A_767 = arith.constant 0 : i32
        %dma_start3A_768 = tpu.memref_slice %arg2[%add3A_742, %dma_start3A_767] : memref<100000x128xf32, #tpu.memory_space<hbm>> -> memref<125x128xf32, #tpu.memory_space<hbm>>
        tpu.enqueue_dma source(%dma_start3A_768 : memref<125x128xf32, #tpu.memory_space<hbm>>) target(%dma_start3A_766 : memref<125x128xf32, #tpu.memory_space<vmem>>) target_semaphore(%arg15 : memref<!tpu.dma_semaphore, #tpu.memory_space<semaphore_mem>>)
      } else {
      }
    } else {
    }
    %gt3A_635 = arith.constant 15 : i32
    %gt3A_636 = arith.cmpi sgt, %select_n3A, %gt3A_635 : i32
    %convert_element_type3A_637 = arith.extui %gt3A_636 : i1 to i32
    %cond3A_638 = arith.constant 0 : i32
    %cond3A_639 = arith.cmpi ne, %convert_element_type3A_637, %cond3A_638 : i32
    scf.if %cond3A_639 {
      %add3A_703 = arith.constant 15 : i32
      %add3A_704 = arith.addi %select_n3A_8, %add3A_703 : i32
      %add3A_705 = arith.constant 1875 : i32
      %add3A_706 = arith.addi %mul3A_10, %add3A_705 : i32
      %dma_wait3A = arith.constant 1 : i32
      %dma_wait3A_707 = arith.constant 0 : i32
      %dma_wait3A_708 = tpu.memref_slice %arg6[%dma_wait3A, %dma_wait3A_707] : memref<2x128xi32, #tpu.memory_space<vmem>> -> memref<1x128xi32, #tpu.memory_space<vmem>>
      %dma_wait3A_709 = tpu.memref_squeeze %dma_wait3A_708 : memref<1x128xi32, #tpu.memory_space<vmem>> -> memref<128xi32, #tpu.memory_space<vmem>>
      %dma_wait3A_710 = arith.constant 0 : i32
      %dma_wait3A_711 = tpu.memref_slice %arg3[%add3A_704, %dma_wait3A_710] : memref<800x128xi32, #tpu.memory_space<hbm>> -> memref<1x128xi32, #tpu.memory_space<hbm>>
      %dma_wait3A_712 = tpu.memref_squeeze %dma_wait3A_711 : memref<1x128xi32, #tpu.memory_space<hbm>> -> memref<128xi32, #tpu.memory_space<hbm>>
      %dma_wait3A_713 = arith.constant 0 : i32
      %dma_wait3A_714 = tpu.memref_slice %arg6[%dma_wait3A, %dma_wait3A_713] : memref<2x128xi32, #tpu.memory_space<vmem>> -> memref<1x128xi32, #tpu.memory_space<vmem>>
      %dma_wait3A_715 = tpu.memref_squeeze %dma_wait3A_714 : memref<1x128xi32, #tpu.memory_space<vmem>> -> memref<128xi32, #tpu.memory_space<vmem>>
      %dma_wait3A_716 = arith.constant 0 : i32
      %dma_wait3A_717 = tpu.memref_slice %arg3[%add3A_704, %dma_wait3A_716] : memref<800x128xi32, #tpu.memory_space<hbm>> -> memref<1x128xi32, #tpu.memory_space<hbm>>
      %dma_wait3A_718 = tpu.memref_squeeze %dma_wait3A_717 : memref<1x128xi32, #tpu.memory_space<hbm>> -> memref<128xi32, #tpu.memory_space<hbm>>
      tpu.wait_dma2 semaphore(%arg14 : memref<!tpu.dma_semaphore, #tpu.memory_space<semaphore_mem>>) src(%dma_wait3A_718 : memref<128xi32, #tpu.memory_space<hbm>>) dst(%dma_wait3A_715 : memref<128xi32, #tpu.memory_space<vmem>>)
      %dma_wait3A_719 = arith.constant 1 : i32
      %dma_wait3A_720 = arith.constant 0 : i32
      %dma_wait3A_721 = arith.constant 0 : i32
      %dma_wait3A_722 = tpu.memref_slice %arg7[%dma_wait3A_719, %dma_wait3A_720, %dma_wait3A_721] : memref<2x128x128xf32, #tpu.memory_space<vmem>> -> memref<1x125x128xf32, #tpu.memory_space<vmem>>
      %dma_wait3A_723 = tpu.memref_squeeze %dma_wait3A_722 : memref<1x125x128xf32, #tpu.memory_space<vmem>> -> memref<125x128xf32, #tpu.memory_space<vmem>>
      %dma_wait3A_724 = arith.constant 0 : i32
      %dma_wait3A_725 = tpu.memref_slice %arg2[%add3A_706, %dma_wait3A_724] : memref<100000x128xf32, #tpu.memory_space<hbm>> -> memref<125x128xf32, #tpu.memory_space<hbm>>
      %dma_wait3A_726 = arith.constant 0 : i32
      %dma_wait3A_727 = arith.constant 0 : i32
      %dma_wait3A_728 = tpu.memref_slice %arg7[%dma_wait3A_719, %dma_wait3A_726, %dma_wait3A_727] : memref<2x128x128xf32, #tpu.memory_space<vmem>> -> memref<1x125x128xf32, #tpu.memory_space<vmem>>
      %dma_wait3A_729 = tpu.memref_squeeze %dma_wait3A_728 : memref<1x125x128xf32, #tpu.memory_space<vmem>> -> memref<125x128xf32, #tpu.memory_space<vmem>>
      %dma_wait3A_730 = arith.constant 0 : i32
      %dma_wait3A_731 = tpu.memref_slice %arg2[%add3A_706, %dma_wait3A_730] : memref<100000x128xf32, #tpu.memory_space<hbm>> -> memref<125x128xf32, #tpu.memory_space<hbm>>
      tpu.wait_dma2 semaphore(%arg16 : memref<!tpu.dma_semaphore, #tpu.memory_space<semaphore_mem>>) src(%dma_wait3A_731 : memref<125x128xf32, #tpu.memory_space<hbm>>) dst(%dma_wait3A_729 : memref<125x128xf32, #tpu.memory_space<vmem>>)
      %run_scoped3A = arith.constant 1 : i32
      %run_scoped3A_732 = arith.constant 1 : i32
      "tpu.region"() ({
        %run_scoped3A_739 = tpu.sem_alloc : memref<!tpu.dma_semaphore, #tpu.memory_space<semaphore_mem>>
        %dma_start3A_740 = arith.constant 0 : i32
        %dma_start3A_741 = arith.constant 0 : i32
        %dma_start3A_742 = tpu.memref_slice %arg7[%run_scoped3A, %dma_start3A_740, %dma_start3A_741] : memref<2x128x128xf32, #tpu.memory_space<vmem>> -> memref<1x128x128xf32, #tpu.memory_space<vmem>>
        %dma_start3A_743 = tpu.memref_squeeze %dma_start3A_742 : memref<1x128x128xf32, #tpu.memory_space<vmem>> -> memref<128x128xf32, #tpu.memory_space<vmem>>
        %dma_start3A_744 = arith.constant 0 : i32
        %dma_start3A_745 = tpu.memref_slice %arg6[%run_scoped3A_732, %dma_start3A_744] : memref<2x128xi32, #tpu.memory_space<vmem>> -> memref<1x128xi32, #tpu.memory_space<vmem>>
        %dma_start3A_746 = tpu.memref_squeeze %dma_start3A_745 : memref<1x128xi32, #tpu.memory_space<vmem>> -> memref<128xi32, #tpu.memory_space<vmem>>
        %dma_start3A_747 = arith.constant 0 : i32
        %dma_start3A_748 = arith.constant 0 : i32
        %dma_start3A_749 = tpu.memref_slice %arg11[%dma_start3A_747, %dma_start3A_748] : memref<1040x128xf32, #tpu.memory_space<vmem_shared>> -> memref<1040x128xf32, #tpu.memory_space<vmem_shared>>
        tpu.enqueue_indirect_dma source(%dma_start3A_743 : memref<128x128xf32, #tpu.memory_space<vmem>>) target(%dma_start3A_749 : memref<1040x128xf32, #tpu.memory_space<vmem_shared>>) offsets(%dma_start3A_746 : memref<128xi32, #tpu.memory_space<vmem>>) semaphore(%run_scoped3A_739 : memref<!tpu.dma_semaphore, #tpu.memory_space<semaphore_mem>>) {add = true}
        %dma_wait3A_750 = arith.constant 0 : i32
        %dma_wait3A_751 = arith.constant 0 : i32
        %dma_wait3A_752 = tpu.memref_slice %arg7[%run_scoped3A, %dma_wait3A_750, %dma_wait3A_751] : memref<2x128x128xf32, #tpu.memory_space<vmem>> -> memref<1x128x128xf32, #tpu.memory_space<vmem>>
        %dma_wait3A_753 = tpu.memref_squeeze %dma_wait3A_752 : memref<1x128x128xf32, #tpu.memory_space<vmem>> -> memref<128x128xf32, #tpu.memory_space<vmem>>
        %dma_wait3A_754 = arith.constant 0 : i32
        %dma_wait3A_755 = tpu.memref_slice %arg6[%run_scoped3A_732, %dma_wait3A_754] : memref<2x128xi32, #tpu.memory_space<vmem>> -> memref<1x128xi32, #tpu.memory_space<vmem>>
        %dma_wait3A_756 = tpu.memref_squeeze %dma_wait3A_755 : memref<1x128xi32, #tpu.memory_space<vmem>> -> memref<128xi32, #tpu.memory_space<vmem>>
        %dma_wait3A_757 = arith.constant 0 : i32
        %dma_wait3A_758 = arith.constant 0 : i32
        %dma_wait3A_759 = tpu.memref_slice %arg11[%dma_wait3A_757, %dma_wait3A_758] : memref<1040x128xf32, #tpu.memory_space<vmem_shared>> -> memref<1040x128xf32, #tpu.memory_space<vmem_shared>>
        tpu.wait_indirect_dma semaphore(%run_scoped3A_739 : memref<!tpu.dma_semaphore, #tpu.memory_space<semaphore_mem>>) src(%dma_wait3A_753 : memref<128x128xf32, #tpu.memory_space<vmem>>) dst(%dma_wait3A_759 : memref<1040x128xf32, #tpu.memory_space<vmem_shared>>)
        tpu.yield
      }) : () -> ()
      %run_scoped3A_733 = arith.constant 1 : i32
      "tpu.region"() ({
        %run_scoped3A_739 = tpu.sem_alloc : memref<!tpu.dma_semaphore, #tpu.memory_space<semaphore_mem>>
        %dma_start3A_740 = arith.constant 0 : i32
        %dma_start3A_741 = tpu.memref_slice %arg6[%run_scoped3A_733, %dma_start3A_740] : memref<2x128xi32, #tpu.memory_space<vmem>> -> memref<1x128xi32, #tpu.memory_space<vmem>>
        %dma_start3A_742 = tpu.memref_squeeze %dma_start3A_741 : memref<1x128xi32, #tpu.memory_space<vmem>> -> memref<128xi32, #tpu.memory_space<vmem>>
        %dma_start3A_743 = arith.constant 0 : i32
        %dma_start3A_744 = arith.constant 0 : i32
        %dma_start3A_745 = tpu.memref_slice %arg12[%dma_start3A_743, %dma_start3A_744] : memref<1040x16xf32, #tpu.memory_space<vmem_shared>> -> memref<1040x16xf32, #tpu.memory_space<vmem_shared>>
        tpu.enqueue_indirect_dma source(%arg8 : memref<128x16xf32, #tpu.memory_space<vmem>>) target(%dma_start3A_745 : memref<1040x16xf32, #tpu.memory_space<vmem_shared>>) offsets(%dma_start3A_742 : memref<128xi32, #tpu.memory_space<vmem>>) semaphore(%run_scoped3A_739 : memref<!tpu.dma_semaphore, #tpu.memory_space<semaphore_mem>>) {add = true}
        %dma_wait3A_746 = arith.constant 0 : i32
        %dma_wait3A_747 = tpu.memref_slice %arg6[%run_scoped3A_733, %dma_wait3A_746] : memref<2x128xi32, #tpu.memory_space<vmem>> -> memref<1x128xi32, #tpu.memory_space<vmem>>
        %dma_wait3A_748 = tpu.memref_squeeze %dma_wait3A_747 : memref<1x128xi32, #tpu.memory_space<vmem>> -> memref<128xi32, #tpu.memory_space<vmem>>
        %dma_wait3A_749 = arith.constant 0 : i32
        %dma_wait3A_750 = arith.constant 0 : i32
        %dma_wait3A_751 = tpu.memref_slice %arg12[%dma_wait3A_749, %dma_wait3A_750] : memref<1040x16xf32, #tpu.memory_space<vmem_shared>> -> memref<1040x16xf32, #tpu.memory_space<vmem_shared>>
        tpu.wait_indirect_dma semaphore(%run_scoped3A_739 : memref<!tpu.dma_semaphore, #tpu.memory_space<semaphore_mem>>) src(%arg8 : memref<128x16xf32, #tpu.memory_space<vmem>>) dst(%dma_wait3A_751 : memref<1040x16xf32, #tpu.memory_space<vmem_shared>>)
        tpu.yield
      }) : () -> ()
      %gt3A_734 = arith.constant 17 : i32
      %gt3A_735 = arith.cmpi sgt, %select_n3A, %gt3A_734 : i32
      %convert_element_type3A_736 = arith.extui %gt3A_735 : i1 to i32
      %cond3A_737 = arith.constant 0 : i32
      %cond3A_738 = arith.cmpi ne, %convert_element_type3A_736, %cond3A_737 : i32
      scf.if %cond3A_738 {
        %add3A_739 = arith.constant 17 : i32
        %add3A_740 = arith.addi %select_n3A_8, %add3A_739 : i32
        %add3A_741 = arith.constant 2125 : i32
        %add3A_742 = arith.addi %mul3A_10, %add3A_741 : i32
        %dma_start3A_743 = arith.constant 1 : i32
        %dma_start3A_744 = arith.constant 0 : i32
        %dma_start3A_745 = tpu.memref_slice %arg6[%dma_start3A_743, %dma_start3A_744] : memref<2x128xi32, #tpu.memory_space<vmem>> -> memref<1x128xi32, #tpu.memory_space<vmem>>
        %dma_start3A_746 = tpu.memref_squeeze %dma_start3A_745 : memref<1x128xi32, #tpu.memory_space<vmem>> -> memref<128xi32, #tpu.memory_space<vmem>>
        %dma_start3A_747 = arith.constant 0 : i32
        %dma_start3A_748 = tpu.memref_slice %arg3[%add3A_740, %dma_start3A_747] : memref<800x128xi32, #tpu.memory_space<hbm>> -> memref<1x128xi32, #tpu.memory_space<hbm>>
        %dma_start3A_749 = tpu.memref_squeeze %dma_start3A_748 : memref<1x128xi32, #tpu.memory_space<hbm>> -> memref<128xi32, #tpu.memory_space<hbm>>
        %dma_start3A_750 = arith.constant 0 : i32
        %dma_start3A_751 = tpu.memref_slice %arg6[%dma_start3A_743, %dma_start3A_750] : memref<2x128xi32, #tpu.memory_space<vmem>> -> memref<1x128xi32, #tpu.memory_space<vmem>>
        %dma_start3A_752 = tpu.memref_squeeze %dma_start3A_751 : memref<1x128xi32, #tpu.memory_space<vmem>> -> memref<128xi32, #tpu.memory_space<vmem>>
        %dma_start3A_753 = arith.constant 0 : i32
        %dma_start3A_754 = tpu.memref_slice %arg3[%add3A_740, %dma_start3A_753] : memref<800x128xi32, #tpu.memory_space<hbm>> -> memref<1x128xi32, #tpu.memory_space<hbm>>
        %dma_start3A_755 = tpu.memref_squeeze %dma_start3A_754 : memref<1x128xi32, #tpu.memory_space<hbm>> -> memref<128xi32, #tpu.memory_space<hbm>>
        tpu.enqueue_dma source(%dma_start3A_755 : memref<128xi32, #tpu.memory_space<hbm>>) target(%dma_start3A_752 : memref<128xi32, #tpu.memory_space<vmem>>) target_semaphore(%arg14 : memref<!tpu.dma_semaphore, #tpu.memory_space<semaphore_mem>>)
        %dma_start3A_756 = arith.constant 1 : i32
        %dma_start3A_757 = arith.constant 0 : i32
        %dma_start3A_758 = arith.constant 0 : i32
        %dma_start3A_759 = tpu.memref_slice %arg7[%dma_start3A_756, %dma_start3A_757, %dma_start3A_758] : memref<2x128x128xf32, #tpu.memory_space<vmem>> -> memref<1x125x128xf32, #tpu.memory_space<vmem>>
        %dma_start3A_760 = tpu.memref_squeeze %dma_start3A_759 : memref<1x125x128xf32, #tpu.memory_space<vmem>> -> memref<125x128xf32, #tpu.memory_space<vmem>>
        %dma_start3A_761 = arith.constant 0 : i32
        %dma_start3A_762 = tpu.memref_slice %arg2[%add3A_742, %dma_start3A_761] : memref<100000x128xf32, #tpu.memory_space<hbm>> -> memref<125x128xf32, #tpu.memory_space<hbm>>
        %dma_start3A_763 = arith.constant 0 : i32
        %dma_start3A_764 = arith.constant 0 : i32
        %dma_start3A_765 = tpu.memref_slice %arg7[%dma_start3A_756, %dma_start3A_763, %dma_start3A_764] : memref<2x128x128xf32, #tpu.memory_space<vmem>> -> memref<1x125x128xf32, #tpu.memory_space<vmem>>
        %dma_start3A_766 = tpu.memref_squeeze %dma_start3A_765 : memref<1x125x128xf32, #tpu.memory_space<vmem>> -> memref<125x128xf32, #tpu.memory_space<vmem>>
        %dma_start3A_767 = arith.constant 0 : i32
        %dma_start3A_768 = tpu.memref_slice %arg2[%add3A_742, %dma_start3A_767] : memref<100000x128xf32, #tpu.memory_space<hbm>> -> memref<125x128xf32, #tpu.memory_space<hbm>>
        tpu.enqueue_dma source(%dma_start3A_768 : memref<125x128xf32, #tpu.memory_space<hbm>>) target(%dma_start3A_766 : memref<125x128xf32, #tpu.memory_space<vmem>>) target_semaphore(%arg16 : memref<!tpu.dma_semaphore, #tpu.memory_space<semaphore_mem>>)
      } else {
      }
    } else {
    }
    %gt3A_640 = arith.constant 16 : i32
    %gt3A_641 = arith.cmpi sgt, %select_n3A, %gt3A_640 : i32
    %convert_element_type3A_642 = arith.extui %gt3A_641 : i1 to i32
    %cond3A_643 = arith.constant 0 : i32
    %cond3A_644 = arith.cmpi ne, %convert_element_type3A_642, %cond3A_643 : i32
    scf.if %cond3A_644 {
      %add3A_703 = arith.constant 16 : i32
      %add3A_704 = arith.addi %select_n3A_8, %add3A_703 : i32
      %add3A_705 = arith.constant 2000 : i32
      %add3A_706 = arith.addi %mul3A_10, %add3A_705 : i32
      %dma_wait3A = arith.constant 0 : i32
      %dma_wait3A_707 = arith.constant 0 : i32
      %dma_wait3A_708 = tpu.memref_slice %arg6[%dma_wait3A, %dma_wait3A_707] : memref<2x128xi32, #tpu.memory_space<vmem>> -> memref<1x128xi32, #tpu.memory_space<vmem>>
      %dma_wait3A_709 = tpu.memref_squeeze %dma_wait3A_708 : memref<1x128xi32, #tpu.memory_space<vmem>> -> memref<128xi32, #tpu.memory_space<vmem>>
      %dma_wait3A_710 = arith.constant 0 : i32
      %dma_wait3A_711 = tpu.memref_slice %arg3[%add3A_704, %dma_wait3A_710] : memref<800x128xi32, #tpu.memory_space<hbm>> -> memref<1x128xi32, #tpu.memory_space<hbm>>
      %dma_wait3A_712 = tpu.memref_squeeze %dma_wait3A_711 : memref<1x128xi32, #tpu.memory_space<hbm>> -> memref<128xi32, #tpu.memory_space<hbm>>
      %dma_wait3A_713 = arith.constant 0 : i32
      %dma_wait3A_714 = tpu.memref_slice %arg6[%dma_wait3A, %dma_wait3A_713] : memref<2x128xi32, #tpu.memory_space<vmem>> -> memref<1x128xi32, #tpu.memory_space<vmem>>
      %dma_wait3A_715 = tpu.memref_squeeze %dma_wait3A_714 : memref<1x128xi32, #tpu.memory_space<vmem>> -> memref<128xi32, #tpu.memory_space<vmem>>
      %dma_wait3A_716 = arith.constant 0 : i32
      %dma_wait3A_717 = tpu.memref_slice %arg3[%add3A_704, %dma_wait3A_716] : memref<800x128xi32, #tpu.memory_space<hbm>> -> memref<1x128xi32, #tpu.memory_space<hbm>>
      %dma_wait3A_718 = tpu.memref_squeeze %dma_wait3A_717 : memref<1x128xi32, #tpu.memory_space<hbm>> -> memref<128xi32, #tpu.memory_space<hbm>>
      tpu.wait_dma2 semaphore(%arg13 : memref<!tpu.dma_semaphore, #tpu.memory_space<semaphore_mem>>) src(%dma_wait3A_718 : memref<128xi32, #tpu.memory_space<hbm>>) dst(%dma_wait3A_715 : memref<128xi32, #tpu.memory_space<vmem>>)
      %dma_wait3A_719 = arith.constant 0 : i32
      %dma_wait3A_720 = arith.constant 0 : i32
      %dma_wait3A_721 = arith.constant 0 : i32
      %dma_wait3A_722 = tpu.memref_slice %arg7[%dma_wait3A_719, %dma_wait3A_720, %dma_wait3A_721] : memref<2x128x128xf32, #tpu.memory_space<vmem>> -> memref<1x125x128xf32, #tpu.memory_space<vmem>>
      %dma_wait3A_723 = tpu.memref_squeeze %dma_wait3A_722 : memref<1x125x128xf32, #tpu.memory_space<vmem>> -> memref<125x128xf32, #tpu.memory_space<vmem>>
      %dma_wait3A_724 = arith.constant 0 : i32
      %dma_wait3A_725 = tpu.memref_slice %arg2[%add3A_706, %dma_wait3A_724] : memref<100000x128xf32, #tpu.memory_space<hbm>> -> memref<125x128xf32, #tpu.memory_space<hbm>>
      %dma_wait3A_726 = arith.constant 0 : i32
      %dma_wait3A_727 = arith.constant 0 : i32
      %dma_wait3A_728 = tpu.memref_slice %arg7[%dma_wait3A_719, %dma_wait3A_726, %dma_wait3A_727] : memref<2x128x128xf32, #tpu.memory_space<vmem>> -> memref<1x125x128xf32, #tpu.memory_space<vmem>>
      %dma_wait3A_729 = tpu.memref_squeeze %dma_wait3A_728 : memref<1x125x128xf32, #tpu.memory_space<vmem>> -> memref<125x128xf32, #tpu.memory_space<vmem>>
      %dma_wait3A_730 = arith.constant 0 : i32
      %dma_wait3A_731 = tpu.memref_slice %arg2[%add3A_706, %dma_wait3A_730] : memref<100000x128xf32, #tpu.memory_space<hbm>> -> memref<125x128xf32, #tpu.memory_space<hbm>>
      tpu.wait_dma2 semaphore(%arg15 : memref<!tpu.dma_semaphore, #tpu.memory_space<semaphore_mem>>) src(%dma_wait3A_731 : memref<125x128xf32, #tpu.memory_space<hbm>>) dst(%dma_wait3A_729 : memref<125x128xf32, #tpu.memory_space<vmem>>)
      %run_scoped3A = arith.constant 0 : i32
      %run_scoped3A_732 = arith.constant 0 : i32
      "tpu.region"() ({
        %run_scoped3A_739 = tpu.sem_alloc : memref<!tpu.dma_semaphore, #tpu.memory_space<semaphore_mem>>
        %dma_start3A_740 = arith.constant 0 : i32
        %dma_start3A_741 = arith.constant 0 : i32
        %dma_start3A_742 = tpu.memref_slice %arg7[%run_scoped3A, %dma_start3A_740, %dma_start3A_741] : memref<2x128x128xf32, #tpu.memory_space<vmem>> -> memref<1x128x128xf32, #tpu.memory_space<vmem>>
        %dma_start3A_743 = tpu.memref_squeeze %dma_start3A_742 : memref<1x128x128xf32, #tpu.memory_space<vmem>> -> memref<128x128xf32, #tpu.memory_space<vmem>>
        %dma_start3A_744 = arith.constant 0 : i32
        %dma_start3A_745 = tpu.memref_slice %arg6[%run_scoped3A_732, %dma_start3A_744] : memref<2x128xi32, #tpu.memory_space<vmem>> -> memref<1x128xi32, #tpu.memory_space<vmem>>
        %dma_start3A_746 = tpu.memref_squeeze %dma_start3A_745 : memref<1x128xi32, #tpu.memory_space<vmem>> -> memref<128xi32, #tpu.memory_space<vmem>>
        %dma_start3A_747 = arith.constant 0 : i32
        %dma_start3A_748 = arith.constant 0 : i32
        %dma_start3A_749 = tpu.memref_slice %arg11[%dma_start3A_747, %dma_start3A_748] : memref<1040x128xf32, #tpu.memory_space<vmem_shared>> -> memref<1040x128xf32, #tpu.memory_space<vmem_shared>>
        tpu.enqueue_indirect_dma source(%dma_start3A_743 : memref<128x128xf32, #tpu.memory_space<vmem>>) target(%dma_start3A_749 : memref<1040x128xf32, #tpu.memory_space<vmem_shared>>) offsets(%dma_start3A_746 : memref<128xi32, #tpu.memory_space<vmem>>) semaphore(%run_scoped3A_739 : memref<!tpu.dma_semaphore, #tpu.memory_space<semaphore_mem>>) {add = true}
        %dma_wait3A_750 = arith.constant 0 : i32
        %dma_wait3A_751 = arith.constant 0 : i32
        %dma_wait3A_752 = tpu.memref_slice %arg7[%run_scoped3A, %dma_wait3A_750, %dma_wait3A_751] : memref<2x128x128xf32, #tpu.memory_space<vmem>> -> memref<1x128x128xf32, #tpu.memory_space<vmem>>
        %dma_wait3A_753 = tpu.memref_squeeze %dma_wait3A_752 : memref<1x128x128xf32, #tpu.memory_space<vmem>> -> memref<128x128xf32, #tpu.memory_space<vmem>>
        %dma_wait3A_754 = arith.constant 0 : i32
        %dma_wait3A_755 = tpu.memref_slice %arg6[%run_scoped3A_732, %dma_wait3A_754] : memref<2x128xi32, #tpu.memory_space<vmem>> -> memref<1x128xi32, #tpu.memory_space<vmem>>
        %dma_wait3A_756 = tpu.memref_squeeze %dma_wait3A_755 : memref<1x128xi32, #tpu.memory_space<vmem>> -> memref<128xi32, #tpu.memory_space<vmem>>
        %dma_wait3A_757 = arith.constant 0 : i32
        %dma_wait3A_758 = arith.constant 0 : i32
        %dma_wait3A_759 = tpu.memref_slice %arg11[%dma_wait3A_757, %dma_wait3A_758] : memref<1040x128xf32, #tpu.memory_space<vmem_shared>> -> memref<1040x128xf32, #tpu.memory_space<vmem_shared>>
        tpu.wait_indirect_dma semaphore(%run_scoped3A_739 : memref<!tpu.dma_semaphore, #tpu.memory_space<semaphore_mem>>) src(%dma_wait3A_753 : memref<128x128xf32, #tpu.memory_space<vmem>>) dst(%dma_wait3A_759 : memref<1040x128xf32, #tpu.memory_space<vmem_shared>>)
        tpu.yield
      }) : () -> ()
      %run_scoped3A_733 = arith.constant 0 : i32
      "tpu.region"() ({
        %run_scoped3A_739 = tpu.sem_alloc : memref<!tpu.dma_semaphore, #tpu.memory_space<semaphore_mem>>
        %dma_start3A_740 = arith.constant 0 : i32
        %dma_start3A_741 = tpu.memref_slice %arg6[%run_scoped3A_733, %dma_start3A_740] : memref<2x128xi32, #tpu.memory_space<vmem>> -> memref<1x128xi32, #tpu.memory_space<vmem>>
        %dma_start3A_742 = tpu.memref_squeeze %dma_start3A_741 : memref<1x128xi32, #tpu.memory_space<vmem>> -> memref<128xi32, #tpu.memory_space<vmem>>
        %dma_start3A_743 = arith.constant 0 : i32
        %dma_start3A_744 = arith.constant 0 : i32
        %dma_start3A_745 = tpu.memref_slice %arg12[%dma_start3A_743, %dma_start3A_744] : memref<1040x16xf32, #tpu.memory_space<vmem_shared>> -> memref<1040x16xf32, #tpu.memory_space<vmem_shared>>
        tpu.enqueue_indirect_dma source(%arg8 : memref<128x16xf32, #tpu.memory_space<vmem>>) target(%dma_start3A_745 : memref<1040x16xf32, #tpu.memory_space<vmem_shared>>) offsets(%dma_start3A_742 : memref<128xi32, #tpu.memory_space<vmem>>) semaphore(%run_scoped3A_739 : memref<!tpu.dma_semaphore, #tpu.memory_space<semaphore_mem>>) {add = true}
        %dma_wait3A_746 = arith.constant 0 : i32
        %dma_wait3A_747 = tpu.memref_slice %arg6[%run_scoped3A_733, %dma_wait3A_746] : memref<2x128xi32, #tpu.memory_space<vmem>> -> memref<1x128xi32, #tpu.memory_space<vmem>>
        %dma_wait3A_748 = tpu.memref_squeeze %dma_wait3A_747 : memref<1x128xi32, #tpu.memory_space<vmem>> -> memref<128xi32, #tpu.memory_space<vmem>>
        %dma_wait3A_749 = arith.constant 0 : i32
        %dma_wait3A_750 = arith.constant 0 : i32
        %dma_wait3A_751 = tpu.memref_slice %arg12[%dma_wait3A_749, %dma_wait3A_750] : memref<1040x16xf32, #tpu.memory_space<vmem_shared>> -> memref<1040x16xf32, #tpu.memory_space<vmem_shared>>
        tpu.wait_indirect_dma semaphore(%run_scoped3A_739 : memref<!tpu.dma_semaphore, #tpu.memory_space<semaphore_mem>>) src(%arg8 : memref<128x16xf32, #tpu.memory_space<vmem>>) dst(%dma_wait3A_751 : memref<1040x16xf32, #tpu.memory_space<vmem_shared>>)
        tpu.yield
      }) : () -> ()
      %gt3A_734 = arith.constant 18 : i32
      %gt3A_735 = arith.cmpi sgt, %select_n3A, %gt3A_734 : i32
      %convert_element_type3A_736 = arith.extui %gt3A_735 : i1 to i32
      %cond3A_737 = arith.constant 0 : i32
      %cond3A_738 = arith.cmpi ne, %convert_element_type3A_736, %cond3A_737 : i32
      scf.if %cond3A_738 {
        %add3A_739 = arith.constant 18 : i32
        %add3A_740 = arith.addi %select_n3A_8, %add3A_739 : i32
        %add3A_741 = arith.constant 2250 : i32
        %add3A_742 = arith.addi %mul3A_10, %add3A_741 : i32
        %dma_start3A_743 = arith.constant 0 : i32
        %dma_start3A_744 = arith.constant 0 : i32
        %dma_start3A_745 = tpu.memref_slice %arg6[%dma_start3A_743, %dma_start3A_744] : memref<2x128xi32, #tpu.memory_space<vmem>> -> memref<1x128xi32, #tpu.memory_space<vmem>>
        %dma_start3A_746 = tpu.memref_squeeze %dma_start3A_745 : memref<1x128xi32, #tpu.memory_space<vmem>> -> memref<128xi32, #tpu.memory_space<vmem>>
        %dma_start3A_747 = arith.constant 0 : i32
        %dma_start3A_748 = tpu.memref_slice %arg3[%add3A_740, %dma_start3A_747] : memref<800x128xi32, #tpu.memory_space<hbm>> -> memref<1x128xi32, #tpu.memory_space<hbm>>
        %dma_start3A_749 = tpu.memref_squeeze %dma_start3A_748 : memref<1x128xi32, #tpu.memory_space<hbm>> -> memref<128xi32, #tpu.memory_space<hbm>>
        %dma_start3A_750 = arith.constant 0 : i32
        %dma_start3A_751 = tpu.memref_slice %arg6[%dma_start3A_743, %dma_start3A_750] : memref<2x128xi32, #tpu.memory_space<vmem>> -> memref<1x128xi32, #tpu.memory_space<vmem>>
        %dma_start3A_752 = tpu.memref_squeeze %dma_start3A_751 : memref<1x128xi32, #tpu.memory_space<vmem>> -> memref<128xi32, #tpu.memory_space<vmem>>
        %dma_start3A_753 = arith.constant 0 : i32
        %dma_start3A_754 = tpu.memref_slice %arg3[%add3A_740, %dma_start3A_753] : memref<800x128xi32, #tpu.memory_space<hbm>> -> memref<1x128xi32, #tpu.memory_space<hbm>>
        %dma_start3A_755 = tpu.memref_squeeze %dma_start3A_754 : memref<1x128xi32, #tpu.memory_space<hbm>> -> memref<128xi32, #tpu.memory_space<hbm>>
        tpu.enqueue_dma source(%dma_start3A_755 : memref<128xi32, #tpu.memory_space<hbm>>) target(%dma_start3A_752 : memref<128xi32, #tpu.memory_space<vmem>>) target_semaphore(%arg13 : memref<!tpu.dma_semaphore, #tpu.memory_space<semaphore_mem>>)
        %dma_start3A_756 = arith.constant 0 : i32
        %dma_start3A_757 = arith.constant 0 : i32
        %dma_start3A_758 = arith.constant 0 : i32
        %dma_start3A_759 = tpu.memref_slice %arg7[%dma_start3A_756, %dma_start3A_757, %dma_start3A_758] : memref<2x128x128xf32, #tpu.memory_space<vmem>> -> memref<1x125x128xf32, #tpu.memory_space<vmem>>
        %dma_start3A_760 = tpu.memref_squeeze %dma_start3A_759 : memref<1x125x128xf32, #tpu.memory_space<vmem>> -> memref<125x128xf32, #tpu.memory_space<vmem>>
        %dma_start3A_761 = arith.constant 0 : i32
        %dma_start3A_762 = tpu.memref_slice %arg2[%add3A_742, %dma_start3A_761] : memref<100000x128xf32, #tpu.memory_space<hbm>> -> memref<125x128xf32, #tpu.memory_space<hbm>>
        %dma_start3A_763 = arith.constant 0 : i32
        %dma_start3A_764 = arith.constant 0 : i32
        %dma_start3A_765 = tpu.memref_slice %arg7[%dma_start3A_756, %dma_start3A_763, %dma_start3A_764] : memref<2x128x128xf32, #tpu.memory_space<vmem>> -> memref<1x125x128xf32, #tpu.memory_space<vmem>>
        %dma_start3A_766 = tpu.memref_squeeze %dma_start3A_765 : memref<1x125x128xf32, #tpu.memory_space<vmem>> -> memref<125x128xf32, #tpu.memory_space<vmem>>
        %dma_start3A_767 = arith.constant 0 : i32
        %dma_start3A_768 = tpu.memref_slice %arg2[%add3A_742, %dma_start3A_767] : memref<100000x128xf32, #tpu.memory_space<hbm>> -> memref<125x128xf32, #tpu.memory_space<hbm>>
        tpu.enqueue_dma source(%dma_start3A_768 : memref<125x128xf32, #tpu.memory_space<hbm>>) target(%dma_start3A_766 : memref<125x128xf32, #tpu.memory_space<vmem>>) target_semaphore(%arg15 : memref<!tpu.dma_semaphore, #tpu.memory_space<semaphore_mem>>)
      } else {
      }
    } else {
    }
    %gt3A_645 = arith.constant 17 : i32
    %gt3A_646 = arith.cmpi sgt, %select_n3A, %gt3A_645 : i32
    %convert_element_type3A_647 = arith.extui %gt3A_646 : i1 to i32
    %cond3A_648 = arith.constant 0 : i32
    %cond3A_649 = arith.cmpi ne, %convert_element_type3A_647, %cond3A_648 : i32
    scf.if %cond3A_649 {
      %add3A_703 = arith.constant 17 : i32
      %add3A_704 = arith.addi %select_n3A_8, %add3A_703 : i32
      %add3A_705 = arith.constant 2125 : i32
      %add3A_706 = arith.addi %mul3A_10, %add3A_705 : i32
      %dma_wait3A = arith.constant 1 : i32
      %dma_wait3A_707 = arith.constant 0 : i32
      %dma_wait3A_708 = tpu.memref_slice %arg6[%dma_wait3A, %dma_wait3A_707] : memref<2x128xi32, #tpu.memory_space<vmem>> -> memref<1x128xi32, #tpu.memory_space<vmem>>
      %dma_wait3A_709 = tpu.memref_squeeze %dma_wait3A_708 : memref<1x128xi32, #tpu.memory_space<vmem>> -> memref<128xi32, #tpu.memory_space<vmem>>
      %dma_wait3A_710 = arith.constant 0 : i32
      %dma_wait3A_711 = tpu.memref_slice %arg3[%add3A_704, %dma_wait3A_710] : memref<800x128xi32, #tpu.memory_space<hbm>> -> memref<1x128xi32, #tpu.memory_space<hbm>>
      %dma_wait3A_712 = tpu.memref_squeeze %dma_wait3A_711 : memref<1x128xi32, #tpu.memory_space<hbm>> -> memref<128xi32, #tpu.memory_space<hbm>>
      %dma_wait3A_713 = arith.constant 0 : i32
      %dma_wait3A_714 = tpu.memref_slice %arg6[%dma_wait3A, %dma_wait3A_713] : memref<2x128xi32, #tpu.memory_space<vmem>> -> memref<1x128xi32, #tpu.memory_space<vmem>>
      %dma_wait3A_715 = tpu.memref_squeeze %dma_wait3A_714 : memref<1x128xi32, #tpu.memory_space<vmem>> -> memref<128xi32, #tpu.memory_space<vmem>>
      %dma_wait3A_716 = arith.constant 0 : i32
      %dma_wait3A_717 = tpu.memref_slice %arg3[%add3A_704, %dma_wait3A_716] : memref<800x128xi32, #tpu.memory_space<hbm>> -> memref<1x128xi32, #tpu.memory_space<hbm>>
      %dma_wait3A_718 = tpu.memref_squeeze %dma_wait3A_717 : memref<1x128xi32, #tpu.memory_space<hbm>> -> memref<128xi32, #tpu.memory_space<hbm>>
      tpu.wait_dma2 semaphore(%arg14 : memref<!tpu.dma_semaphore, #tpu.memory_space<semaphore_mem>>) src(%dma_wait3A_718 : memref<128xi32, #tpu.memory_space<hbm>>) dst(%dma_wait3A_715 : memref<128xi32, #tpu.memory_space<vmem>>)
      %dma_wait3A_719 = arith.constant 1 : i32
      %dma_wait3A_720 = arith.constant 0 : i32
      %dma_wait3A_721 = arith.constant 0 : i32
      %dma_wait3A_722 = tpu.memref_slice %arg7[%dma_wait3A_719, %dma_wait3A_720, %dma_wait3A_721] : memref<2x128x128xf32, #tpu.memory_space<vmem>> -> memref<1x125x128xf32, #tpu.memory_space<vmem>>
      %dma_wait3A_723 = tpu.memref_squeeze %dma_wait3A_722 : memref<1x125x128xf32, #tpu.memory_space<vmem>> -> memref<125x128xf32, #tpu.memory_space<vmem>>
      %dma_wait3A_724 = arith.constant 0 : i32
      %dma_wait3A_725 = tpu.memref_slice %arg2[%add3A_706, %dma_wait3A_724] : memref<100000x128xf32, #tpu.memory_space<hbm>> -> memref<125x128xf32, #tpu.memory_space<hbm>>
      %dma_wait3A_726 = arith.constant 0 : i32
      %dma_wait3A_727 = arith.constant 0 : i32
      %dma_wait3A_728 = tpu.memref_slice %arg7[%dma_wait3A_719, %dma_wait3A_726, %dma_wait3A_727] : memref<2x128x128xf32, #tpu.memory_space<vmem>> -> memref<1x125x128xf32, #tpu.memory_space<vmem>>
      %dma_wait3A_729 = tpu.memref_squeeze %dma_wait3A_728 : memref<1x125x128xf32, #tpu.memory_space<vmem>> -> memref<125x128xf32, #tpu.memory_space<vmem>>
      %dma_wait3A_730 = arith.constant 0 : i32
      %dma_wait3A_731 = tpu.memref_slice %arg2[%add3A_706, %dma_wait3A_730] : memref<100000x128xf32, #tpu.memory_space<hbm>> -> memref<125x128xf32, #tpu.memory_space<hbm>>
      tpu.wait_dma2 semaphore(%arg16 : memref<!tpu.dma_semaphore, #tpu.memory_space<semaphore_mem>>) src(%dma_wait3A_731 : memref<125x128xf32, #tpu.memory_space<hbm>>) dst(%dma_wait3A_729 : memref<125x128xf32, #tpu.memory_space<vmem>>)
      %run_scoped3A = arith.constant 1 : i32
      %run_scoped3A_732 = arith.constant 1 : i32
      "tpu.region"() ({
        %run_scoped3A_739 = tpu.sem_alloc : memref<!tpu.dma_semaphore, #tpu.memory_space<semaphore_mem>>
        %dma_start3A_740 = arith.constant 0 : i32
        %dma_start3A_741 = arith.constant 0 : i32
        %dma_start3A_742 = tpu.memref_slice %arg7[%run_scoped3A, %dma_start3A_740, %dma_start3A_741] : memref<2x128x128xf32, #tpu.memory_space<vmem>> -> memref<1x128x128xf32, #tpu.memory_space<vmem>>
        %dma_start3A_743 = tpu.memref_squeeze %dma_start3A_742 : memref<1x128x128xf32, #tpu.memory_space<vmem>> -> memref<128x128xf32, #tpu.memory_space<vmem>>
        %dma_start3A_744 = arith.constant 0 : i32
        %dma_start3A_745 = tpu.memref_slice %arg6[%run_scoped3A_732, %dma_start3A_744] : memref<2x128xi32, #tpu.memory_space<vmem>> -> memref<1x128xi32, #tpu.memory_space<vmem>>
        %dma_start3A_746 = tpu.memref_squeeze %dma_start3A_745 : memref<1x128xi32, #tpu.memory_space<vmem>> -> memref<128xi32, #tpu.memory_space<vmem>>
        %dma_start3A_747 = arith.constant 0 : i32
        %dma_start3A_748 = arith.constant 0 : i32
        %dma_start3A_749 = tpu.memref_slice %arg11[%dma_start3A_747, %dma_start3A_748] : memref<1040x128xf32, #tpu.memory_space<vmem_shared>> -> memref<1040x128xf32, #tpu.memory_space<vmem_shared>>
        tpu.enqueue_indirect_dma source(%dma_start3A_743 : memref<128x128xf32, #tpu.memory_space<vmem>>) target(%dma_start3A_749 : memref<1040x128xf32, #tpu.memory_space<vmem_shared>>) offsets(%dma_start3A_746 : memref<128xi32, #tpu.memory_space<vmem>>) semaphore(%run_scoped3A_739 : memref<!tpu.dma_semaphore, #tpu.memory_space<semaphore_mem>>) {add = true}
        %dma_wait3A_750 = arith.constant 0 : i32
        %dma_wait3A_751 = arith.constant 0 : i32
        %dma_wait3A_752 = tpu.memref_slice %arg7[%run_scoped3A, %dma_wait3A_750, %dma_wait3A_751] : memref<2x128x128xf32, #tpu.memory_space<vmem>> -> memref<1x128x128xf32, #tpu.memory_space<vmem>>
        %dma_wait3A_753 = tpu.memref_squeeze %dma_wait3A_752 : memref<1x128x128xf32, #tpu.memory_space<vmem>> -> memref<128x128xf32, #tpu.memory_space<vmem>>
        %dma_wait3A_754 = arith.constant 0 : i32
        %dma_wait3A_755 = tpu.memref_slice %arg6[%run_scoped3A_732, %dma_wait3A_754] : memref<2x128xi32, #tpu.memory_space<vmem>> -> memref<1x128xi32, #tpu.memory_space<vmem>>
        %dma_wait3A_756 = tpu.memref_squeeze %dma_wait3A_755 : memref<1x128xi32, #tpu.memory_space<vmem>> -> memref<128xi32, #tpu.memory_space<vmem>>
        %dma_wait3A_757 = arith.constant 0 : i32
        %dma_wait3A_758 = arith.constant 0 : i32
        %dma_wait3A_759 = tpu.memref_slice %arg11[%dma_wait3A_757, %dma_wait3A_758] : memref<1040x128xf32, #tpu.memory_space<vmem_shared>> -> memref<1040x128xf32, #tpu.memory_space<vmem_shared>>
        tpu.wait_indirect_dma semaphore(%run_scoped3A_739 : memref<!tpu.dma_semaphore, #tpu.memory_space<semaphore_mem>>) src(%dma_wait3A_753 : memref<128x128xf32, #tpu.memory_space<vmem>>) dst(%dma_wait3A_759 : memref<1040x128xf32, #tpu.memory_space<vmem_shared>>)
        tpu.yield
      }) : () -> ()
      %run_scoped3A_733 = arith.constant 1 : i32
      "tpu.region"() ({
        %run_scoped3A_739 = tpu.sem_alloc : memref<!tpu.dma_semaphore, #tpu.memory_space<semaphore_mem>>
        %dma_start3A_740 = arith.constant 0 : i32
        %dma_start3A_741 = tpu.memref_slice %arg6[%run_scoped3A_733, %dma_start3A_740] : memref<2x128xi32, #tpu.memory_space<vmem>> -> memref<1x128xi32, #tpu.memory_space<vmem>>
        %dma_start3A_742 = tpu.memref_squeeze %dma_start3A_741 : memref<1x128xi32, #tpu.memory_space<vmem>> -> memref<128xi32, #tpu.memory_space<vmem>>
        %dma_start3A_743 = arith.constant 0 : i32
        %dma_start3A_744 = arith.constant 0 : i32
        %dma_start3A_745 = tpu.memref_slice %arg12[%dma_start3A_743, %dma_start3A_744] : memref<1040x16xf32, #tpu.memory_space<vmem_shared>> -> memref<1040x16xf32, #tpu.memory_space<vmem_shared>>
        tpu.enqueue_indirect_dma source(%arg8 : memref<128x16xf32, #tpu.memory_space<vmem>>) target(%dma_start3A_745 : memref<1040x16xf32, #tpu.memory_space<vmem_shared>>) offsets(%dma_start3A_742 : memref<128xi32, #tpu.memory_space<vmem>>) semaphore(%run_scoped3A_739 : memref<!tpu.dma_semaphore, #tpu.memory_space<semaphore_mem>>) {add = true}
        %dma_wait3A_746 = arith.constant 0 : i32
        %dma_wait3A_747 = tpu.memref_slice %arg6[%run_scoped3A_733, %dma_wait3A_746] : memref<2x128xi32, #tpu.memory_space<vmem>> -> memref<1x128xi32, #tpu.memory_space<vmem>>
        %dma_wait3A_748 = tpu.memref_squeeze %dma_wait3A_747 : memref<1x128xi32, #tpu.memory_space<vmem>> -> memref<128xi32, #tpu.memory_space<vmem>>
        %dma_wait3A_749 = arith.constant 0 : i32
        %dma_wait3A_750 = arith.constant 0 : i32
        %dma_wait3A_751 = tpu.memref_slice %arg12[%dma_wait3A_749, %dma_wait3A_750] : memref<1040x16xf32, #tpu.memory_space<vmem_shared>> -> memref<1040x16xf32, #tpu.memory_space<vmem_shared>>
        tpu.wait_indirect_dma semaphore(%run_scoped3A_739 : memref<!tpu.dma_semaphore, #tpu.memory_space<semaphore_mem>>) src(%arg8 : memref<128x16xf32, #tpu.memory_space<vmem>>) dst(%dma_wait3A_751 : memref<1040x16xf32, #tpu.memory_space<vmem_shared>>)
        tpu.yield
      }) : () -> ()
      %gt3A_734 = arith.constant 19 : i32
      %gt3A_735 = arith.cmpi sgt, %select_n3A, %gt3A_734 : i32
      %convert_element_type3A_736 = arith.extui %gt3A_735 : i1 to i32
      %cond3A_737 = arith.constant 0 : i32
      %cond3A_738 = arith.cmpi ne, %convert_element_type3A_736, %cond3A_737 : i32
      scf.if %cond3A_738 {
        %add3A_739 = arith.constant 19 : i32
        %add3A_740 = arith.addi %select_n3A_8, %add3A_739 : i32
        %add3A_741 = arith.constant 2375 : i32
        %add3A_742 = arith.addi %mul3A_10, %add3A_741 : i32
        %dma_start3A_743 = arith.constant 1 : i32
        %dma_start3A_744 = arith.constant 0 : i32
        %dma_start3A_745 = tpu.memref_slice %arg6[%dma_start3A_743, %dma_start3A_744] : memref<2x128xi32, #tpu.memory_space<vmem>> -> memref<1x128xi32, #tpu.memory_space<vmem>>
        %dma_start3A_746 = tpu.memref_squeeze %dma_start3A_745 : memref<1x128xi32, #tpu.memory_space<vmem>> -> memref<128xi32, #tpu.memory_space<vmem>>
        %dma_start3A_747 = arith.constant 0 : i32
        %dma_start3A_748 = tpu.memref_slice %arg3[%add3A_740, %dma_start3A_747] : memref<800x128xi32, #tpu.memory_space<hbm>> -> memref<1x128xi32, #tpu.memory_space<hbm>>
        %dma_start3A_749 = tpu.memref_squeeze %dma_start3A_748 : memref<1x128xi32, #tpu.memory_space<hbm>> -> memref<128xi32, #tpu.memory_space<hbm>>
        %dma_start3A_750 = arith.constant 0 : i32
        %dma_start3A_751 = tpu.memref_slice %arg6[%dma_start3A_743, %dma_start3A_750] : memref<2x128xi32, #tpu.memory_space<vmem>> -> memref<1x128xi32, #tpu.memory_space<vmem>>
        %dma_start3A_752 = tpu.memref_squeeze %dma_start3A_751 : memref<1x128xi32, #tpu.memory_space<vmem>> -> memref<128xi32, #tpu.memory_space<vmem>>
        %dma_start3A_753 = arith.constant 0 : i32
        %dma_start3A_754 = tpu.memref_slice %arg3[%add3A_740, %dma_start3A_753] : memref<800x128xi32, #tpu.memory_space<hbm>> -> memref<1x128xi32, #tpu.memory_space<hbm>>
        %dma_start3A_755 = tpu.memref_squeeze %dma_start3A_754 : memref<1x128xi32, #tpu.memory_space<hbm>> -> memref<128xi32, #tpu.memory_space<hbm>>
        tpu.enqueue_dma source(%dma_start3A_755 : memref<128xi32, #tpu.memory_space<hbm>>) target(%dma_start3A_752 : memref<128xi32, #tpu.memory_space<vmem>>) target_semaphore(%arg14 : memref<!tpu.dma_semaphore, #tpu.memory_space<semaphore_mem>>)
        %dma_start3A_756 = arith.constant 1 : i32
        %dma_start3A_757 = arith.constant 0 : i32
        %dma_start3A_758 = arith.constant 0 : i32
        %dma_start3A_759 = tpu.memref_slice %arg7[%dma_start3A_756, %dma_start3A_757, %dma_start3A_758] : memref<2x128x128xf32, #tpu.memory_space<vmem>> -> memref<1x125x128xf32, #tpu.memory_space<vmem>>
        %dma_start3A_760 = tpu.memref_squeeze %dma_start3A_759 : memref<1x125x128xf32, #tpu.memory_space<vmem>> -> memref<125x128xf32, #tpu.memory_space<vmem>>
        %dma_start3A_761 = arith.constant 0 : i32
        %dma_start3A_762 = tpu.memref_slice %arg2[%add3A_742, %dma_start3A_761] : memref<100000x128xf32, #tpu.memory_space<hbm>> -> memref<125x128xf32, #tpu.memory_space<hbm>>
        %dma_start3A_763 = arith.constant 0 : i32
        %dma_start3A_764 = arith.constant 0 : i32
        %dma_start3A_765 = tpu.memref_slice %arg7[%dma_start3A_756, %dma_start3A_763, %dma_start3A_764] : memref<2x128x128xf32, #tpu.memory_space<vmem>> -> memref<1x125x128xf32, #tpu.memory_space<vmem>>
        %dma_start3A_766 = tpu.memref_squeeze %dma_start3A_765 : memref<1x125x128xf32, #tpu.memory_space<vmem>> -> memref<125x128xf32, #tpu.memory_space<vmem>>
        %dma_start3A_767 = arith.constant 0 : i32
        %dma_start3A_768 = tpu.memref_slice %arg2[%add3A_742, %dma_start3A_767] : memref<100000x128xf32, #tpu.memory_space<hbm>> -> memref<125x128xf32, #tpu.memory_space<hbm>>
        tpu.enqueue_dma source(%dma_start3A_768 : memref<125x128xf32, #tpu.memory_space<hbm>>) target(%dma_start3A_766 : memref<125x128xf32, #tpu.memory_space<vmem>>) target_semaphore(%arg16 : memref<!tpu.dma_semaphore, #tpu.memory_space<semaphore_mem>>)
      } else {
      }
    } else {
    }
    %gt3A_650 = arith.constant 18 : i32
    %gt3A_651 = arith.cmpi sgt, %select_n3A, %gt3A_650 : i32
    %convert_element_type3A_652 = arith.extui %gt3A_651 : i1 to i32
    %cond3A_653 = arith.constant 0 : i32
    %cond3A_654 = arith.cmpi ne, %convert_element_type3A_652, %cond3A_653 : i32
    scf.if %cond3A_654 {
      %add3A_703 = arith.constant 18 : i32
      %add3A_704 = arith.addi %select_n3A_8, %add3A_703 : i32
      %add3A_705 = arith.constant 2250 : i32
      %add3A_706 = arith.addi %mul3A_10, %add3A_705 : i32
      %dma_wait3A = arith.constant 0 : i32
      %dma_wait3A_707 = arith.constant 0 : i32
      %dma_wait3A_708 = tpu.memref_slice %arg6[%dma_wait3A, %dma_wait3A_707] : memref<2x128xi32, #tpu.memory_space<vmem>> -> memref<1x128xi32, #tpu.memory_space<vmem>>
      %dma_wait3A_709 = tpu.memref_squeeze %dma_wait3A_708 : memref<1x128xi32, #tpu.memory_space<vmem>> -> memref<128xi32, #tpu.memory_space<vmem>>
      %dma_wait3A_710 = arith.constant 0 : i32
      %dma_wait3A_711 = tpu.memref_slice %arg3[%add3A_704, %dma_wait3A_710] : memref<800x128xi32, #tpu.memory_space<hbm>> -> memref<1x128xi32, #tpu.memory_space<hbm>>
      %dma_wait3A_712 = tpu.memref_squeeze %dma_wait3A_711 : memref<1x128xi32, #tpu.memory_space<hbm>> -> memref<128xi32, #tpu.memory_space<hbm>>
      %dma_wait3A_713 = arith.constant 0 : i32
      %dma_wait3A_714 = tpu.memref_slice %arg6[%dma_wait3A, %dma_wait3A_713] : memref<2x128xi32, #tpu.memory_space<vmem>> -> memref<1x128xi32, #tpu.memory_space<vmem>>
      %dma_wait3A_715 = tpu.memref_squeeze %dma_wait3A_714 : memref<1x128xi32, #tpu.memory_space<vmem>> -> memref<128xi32, #tpu.memory_space<vmem>>
      %dma_wait3A_716 = arith.constant 0 : i32
      %dma_wait3A_717 = tpu.memref_slice %arg3[%add3A_704, %dma_wait3A_716] : memref<800x128xi32, #tpu.memory_space<hbm>> -> memref<1x128xi32, #tpu.memory_space<hbm>>
      %dma_wait3A_718 = tpu.memref_squeeze %dma_wait3A_717 : memref<1x128xi32, #tpu.memory_space<hbm>> -> memref<128xi32, #tpu.memory_space<hbm>>
      tpu.wait_dma2 semaphore(%arg13 : memref<!tpu.dma_semaphore, #tpu.memory_space<semaphore_mem>>) src(%dma_wait3A_718 : memref<128xi32, #tpu.memory_space<hbm>>) dst(%dma_wait3A_715 : memref<128xi32, #tpu.memory_space<vmem>>)
      %dma_wait3A_719 = arith.constant 0 : i32
      %dma_wait3A_720 = arith.constant 0 : i32
      %dma_wait3A_721 = arith.constant 0 : i32
      %dma_wait3A_722 = tpu.memref_slice %arg7[%dma_wait3A_719, %dma_wait3A_720, %dma_wait3A_721] : memref<2x128x128xf32, #tpu.memory_space<vmem>> -> memref<1x125x128xf32, #tpu.memory_space<vmem>>
      %dma_wait3A_723 = tpu.memref_squeeze %dma_wait3A_722 : memref<1x125x128xf32, #tpu.memory_space<vmem>> -> memref<125x128xf32, #tpu.memory_space<vmem>>
      %dma_wait3A_724 = arith.constant 0 : i32
      %dma_wait3A_725 = tpu.memref_slice %arg2[%add3A_706, %dma_wait3A_724] : memref<100000x128xf32, #tpu.memory_space<hbm>> -> memref<125x128xf32, #tpu.memory_space<hbm>>
      %dma_wait3A_726 = arith.constant 0 : i32
      %dma_wait3A_727 = arith.constant 0 : i32
      %dma_wait3A_728 = tpu.memref_slice %arg7[%dma_wait3A_719, %dma_wait3A_726, %dma_wait3A_727] : memref<2x128x128xf32, #tpu.memory_space<vmem>> -> memref<1x125x128xf32, #tpu.memory_space<vmem>>
      %dma_wait3A_729 = tpu.memref_squeeze %dma_wait3A_728 : memref<1x125x128xf32, #tpu.memory_space<vmem>> -> memref<125x128xf32, #tpu.memory_space<vmem>>
      %dma_wait3A_730 = arith.constant 0 : i32
      %dma_wait3A_731 = tpu.memref_slice %arg2[%add3A_706, %dma_wait3A_730] : memref<100000x128xf32, #tpu.memory_space<hbm>> -> memref<125x128xf32, #tpu.memory_space<hbm>>
      tpu.wait_dma2 semaphore(%arg15 : memref<!tpu.dma_semaphore, #tpu.memory_space<semaphore_mem>>) src(%dma_wait3A_731 : memref<125x128xf32, #tpu.memory_space<hbm>>) dst(%dma_wait3A_729 : memref<125x128xf32, #tpu.memory_space<vmem>>)
      %run_scoped3A = arith.constant 0 : i32
      %run_scoped3A_732 = arith.constant 0 : i32
      "tpu.region"() ({
        %run_scoped3A_739 = tpu.sem_alloc : memref<!tpu.dma_semaphore, #tpu.memory_space<semaphore_mem>>
        %dma_start3A_740 = arith.constant 0 : i32
        %dma_start3A_741 = arith.constant 0 : i32
        %dma_start3A_742 = tpu.memref_slice %arg7[%run_scoped3A, %dma_start3A_740, %dma_start3A_741] : memref<2x128x128xf32, #tpu.memory_space<vmem>> -> memref<1x128x128xf32, #tpu.memory_space<vmem>>
        %dma_start3A_743 = tpu.memref_squeeze %dma_start3A_742 : memref<1x128x128xf32, #tpu.memory_space<vmem>> -> memref<128x128xf32, #tpu.memory_space<vmem>>
        %dma_start3A_744 = arith.constant 0 : i32
        %dma_start3A_745 = tpu.memref_slice %arg6[%run_scoped3A_732, %dma_start3A_744] : memref<2x128xi32, #tpu.memory_space<vmem>> -> memref<1x128xi32, #tpu.memory_space<vmem>>
        %dma_start3A_746 = tpu.memref_squeeze %dma_start3A_745 : memref<1x128xi32, #tpu.memory_space<vmem>> -> memref<128xi32, #tpu.memory_space<vmem>>
        %dma_start3A_747 = arith.constant 0 : i32
        %dma_start3A_748 = arith.constant 0 : i32
        %dma_start3A_749 = tpu.memref_slice %arg11[%dma_start3A_747, %dma_start3A_748] : memref<1040x128xf32, #tpu.memory_space<vmem_shared>> -> memref<1040x128xf32, #tpu.memory_space<vmem_shared>>
        tpu.enqueue_indirect_dma source(%dma_start3A_743 : memref<128x128xf32, #tpu.memory_space<vmem>>) target(%dma_start3A_749 : memref<1040x128xf32, #tpu.memory_space<vmem_shared>>) offsets(%dma_start3A_746 : memref<128xi32, #tpu.memory_space<vmem>>) semaphore(%run_scoped3A_739 : memref<!tpu.dma_semaphore, #tpu.memory_space<semaphore_mem>>) {add = true}
        %dma_wait3A_750 = arith.constant 0 : i32
        %dma_wait3A_751 = arith.constant 0 : i32
        %dma_wait3A_752 = tpu.memref_slice %arg7[%run_scoped3A, %dma_wait3A_750, %dma_wait3A_751] : memref<2x128x128xf32, #tpu.memory_space<vmem>> -> memref<1x128x128xf32, #tpu.memory_space<vmem>>
        %dma_wait3A_753 = tpu.memref_squeeze %dma_wait3A_752 : memref<1x128x128xf32, #tpu.memory_space<vmem>> -> memref<128x128xf32, #tpu.memory_space<vmem>>
        %dma_wait3A_754 = arith.constant 0 : i32
        %dma_wait3A_755 = tpu.memref_slice %arg6[%run_scoped3A_732, %dma_wait3A_754] : memref<2x128xi32, #tpu.memory_space<vmem>> -> memref<1x128xi32, #tpu.memory_space<vmem>>
        %dma_wait3A_756 = tpu.memref_squeeze %dma_wait3A_755 : memref<1x128xi32, #tpu.memory_space<vmem>> -> memref<128xi32, #tpu.memory_space<vmem>>
        %dma_wait3A_757 = arith.constant 0 : i32
        %dma_wait3A_758 = arith.constant 0 : i32
        %dma_wait3A_759 = tpu.memref_slice %arg11[%dma_wait3A_757, %dma_wait3A_758] : memref<1040x128xf32, #tpu.memory_space<vmem_shared>> -> memref<1040x128xf32, #tpu.memory_space<vmem_shared>>
        tpu.wait_indirect_dma semaphore(%run_scoped3A_739 : memref<!tpu.dma_semaphore, #tpu.memory_space<semaphore_mem>>) src(%dma_wait3A_753 : memref<128x128xf32, #tpu.memory_space<vmem>>) dst(%dma_wait3A_759 : memref<1040x128xf32, #tpu.memory_space<vmem_shared>>)
        tpu.yield
      }) : () -> ()
      %run_scoped3A_733 = arith.constant 0 : i32
      "tpu.region"() ({
        %run_scoped3A_739 = tpu.sem_alloc : memref<!tpu.dma_semaphore, #tpu.memory_space<semaphore_mem>>
        %dma_start3A_740 = arith.constant 0 : i32
        %dma_start3A_741 = tpu.memref_slice %arg6[%run_scoped3A_733, %dma_start3A_740] : memref<2x128xi32, #tpu.memory_space<vmem>> -> memref<1x128xi32, #tpu.memory_space<vmem>>
        %dma_start3A_742 = tpu.memref_squeeze %dma_start3A_741 : memref<1x128xi32, #tpu.memory_space<vmem>> -> memref<128xi32, #tpu.memory_space<vmem>>
        %dma_start3A_743 = arith.constant 0 : i32
        %dma_start3A_744 = arith.constant 0 : i32
        %dma_start3A_745 = tpu.memref_slice %arg12[%dma_start3A_743, %dma_start3A_744] : memref<1040x16xf32, #tpu.memory_space<vmem_shared>> -> memref<1040x16xf32, #tpu.memory_space<vmem_shared>>
        tpu.enqueue_indirect_dma source(%arg8 : memref<128x16xf32, #tpu.memory_space<vmem>>) target(%dma_start3A_745 : memref<1040x16xf32, #tpu.memory_space<vmem_shared>>) offsets(%dma_start3A_742 : memref<128xi32, #tpu.memory_space<vmem>>) semaphore(%run_scoped3A_739 : memref<!tpu.dma_semaphore, #tpu.memory_space<semaphore_mem>>) {add = true}
        %dma_wait3A_746 = arith.constant 0 : i32
        %dma_wait3A_747 = tpu.memref_slice %arg6[%run_scoped3A_733, %dma_wait3A_746] : memref<2x128xi32, #tpu.memory_space<vmem>> -> memref<1x128xi32, #tpu.memory_space<vmem>>
        %dma_wait3A_748 = tpu.memref_squeeze %dma_wait3A_747 : memref<1x128xi32, #tpu.memory_space<vmem>> -> memref<128xi32, #tpu.memory_space<vmem>>
        %dma_wait3A_749 = arith.constant 0 : i32
        %dma_wait3A_750 = arith.constant 0 : i32
        %dma_wait3A_751 = tpu.memref_slice %arg12[%dma_wait3A_749, %dma_wait3A_750] : memref<1040x16xf32, #tpu.memory_space<vmem_shared>> -> memref<1040x16xf32, #tpu.memory_space<vmem_shared>>
        tpu.wait_indirect_dma semaphore(%run_scoped3A_739 : memref<!tpu.dma_semaphore, #tpu.memory_space<semaphore_mem>>) src(%arg8 : memref<128x16xf32, #tpu.memory_space<vmem>>) dst(%dma_wait3A_751 : memref<1040x16xf32, #tpu.memory_space<vmem_shared>>)
        tpu.yield
      }) : () -> ()
      %gt3A_734 = arith.constant 20 : i32
      %gt3A_735 = arith.cmpi sgt, %select_n3A, %gt3A_734 : i32
      %convert_element_type3A_736 = arith.extui %gt3A_735 : i1 to i32
      %cond3A_737 = arith.constant 0 : i32
      %cond3A_738 = arith.cmpi ne, %convert_element_type3A_736, %cond3A_737 : i32
      scf.if %cond3A_738 {
        %add3A_739 = arith.constant 20 : i32
        %add3A_740 = arith.addi %select_n3A_8, %add3A_739 : i32
        %add3A_741 = arith.constant 2500 : i32
        %add3A_742 = arith.addi %mul3A_10, %add3A_741 : i32
        %dma_start3A_743 = arith.constant 0 : i32
        %dma_start3A_744 = arith.constant 0 : i32
        %dma_start3A_745 = tpu.memref_slice %arg6[%dma_start3A_743, %dma_start3A_744] : memref<2x128xi32, #tpu.memory_space<vmem>> -> memref<1x128xi32, #tpu.memory_space<vmem>>
        %dma_start3A_746 = tpu.memref_squeeze %dma_start3A_745 : memref<1x128xi32, #tpu.memory_space<vmem>> -> memref<128xi32, #tpu.memory_space<vmem>>
        %dma_start3A_747 = arith.constant 0 : i32
        %dma_start3A_748 = tpu.memref_slice %arg3[%add3A_740, %dma_start3A_747] : memref<800x128xi32, #tpu.memory_space<hbm>> -> memref<1x128xi32, #tpu.memory_space<hbm>>
        %dma_start3A_749 = tpu.memref_squeeze %dma_start3A_748 : memref<1x128xi32, #tpu.memory_space<hbm>> -> memref<128xi32, #tpu.memory_space<hbm>>
        %dma_start3A_750 = arith.constant 0 : i32
        %dma_start3A_751 = tpu.memref_slice %arg6[%dma_start3A_743, %dma_start3A_750] : memref<2x128xi32, #tpu.memory_space<vmem>> -> memref<1x128xi32, #tpu.memory_space<vmem>>
        %dma_start3A_752 = tpu.memref_squeeze %dma_start3A_751 : memref<1x128xi32, #tpu.memory_space<vmem>> -> memref<128xi32, #tpu.memory_space<vmem>>
        %dma_start3A_753 = arith.constant 0 : i32
        %dma_start3A_754 = tpu.memref_slice %arg3[%add3A_740, %dma_start3A_753] : memref<800x128xi32, #tpu.memory_space<hbm>> -> memref<1x128xi32, #tpu.memory_space<hbm>>
        %dma_start3A_755 = tpu.memref_squeeze %dma_start3A_754 : memref<1x128xi32, #tpu.memory_space<hbm>> -> memref<128xi32, #tpu.memory_space<hbm>>
        tpu.enqueue_dma source(%dma_start3A_755 : memref<128xi32, #tpu.memory_space<hbm>>) target(%dma_start3A_752 : memref<128xi32, #tpu.memory_space<vmem>>) target_semaphore(%arg13 : memref<!tpu.dma_semaphore, #tpu.memory_space<semaphore_mem>>)
        %dma_start3A_756 = arith.constant 0 : i32
        %dma_start3A_757 = arith.constant 0 : i32
        %dma_start3A_758 = arith.constant 0 : i32
        %dma_start3A_759 = tpu.memref_slice %arg7[%dma_start3A_756, %dma_start3A_757, %dma_start3A_758] : memref<2x128x128xf32, #tpu.memory_space<vmem>> -> memref<1x125x128xf32, #tpu.memory_space<vmem>>
        %dma_start3A_760 = tpu.memref_squeeze %dma_start3A_759 : memref<1x125x128xf32, #tpu.memory_space<vmem>> -> memref<125x128xf32, #tpu.memory_space<vmem>>
        %dma_start3A_761 = arith.constant 0 : i32
        %dma_start3A_762 = tpu.memref_slice %arg2[%add3A_742, %dma_start3A_761] : memref<100000x128xf32, #tpu.memory_space<hbm>> -> memref<125x128xf32, #tpu.memory_space<hbm>>
        %dma_start3A_763 = arith.constant 0 : i32
        %dma_start3A_764 = arith.constant 0 : i32
        %dma_start3A_765 = tpu.memref_slice %arg7[%dma_start3A_756, %dma_start3A_763, %dma_start3A_764] : memref<2x128x128xf32, #tpu.memory_space<vmem>> -> memref<1x125x128xf32, #tpu.memory_space<vmem>>
        %dma_start3A_766 = tpu.memref_squeeze %dma_start3A_765 : memref<1x125x128xf32, #tpu.memory_space<vmem>> -> memref<125x128xf32, #tpu.memory_space<vmem>>
        %dma_start3A_767 = arith.constant 0 : i32
        %dma_start3A_768 = tpu.memref_slice %arg2[%add3A_742, %dma_start3A_767] : memref<100000x128xf32, #tpu.memory_space<hbm>> -> memref<125x128xf32, #tpu.memory_space<hbm>>
        tpu.enqueue_dma source(%dma_start3A_768 : memref<125x128xf32, #tpu.memory_space<hbm>>) target(%dma_start3A_766 : memref<125x128xf32, #tpu.memory_space<vmem>>) target_semaphore(%arg15 : memref<!tpu.dma_semaphore, #tpu.memory_space<semaphore_mem>>)
      } else {
      }
    } else {
    }
    %gt3A_655 = arith.constant 19 : i32
    %gt3A_656 = arith.cmpi sgt, %select_n3A, %gt3A_655 : i32
    %convert_element_type3A_657 = arith.extui %gt3A_656 : i1 to i32
    %cond3A_658 = arith.constant 0 : i32
    %cond3A_659 = arith.cmpi ne, %convert_element_type3A_657, %cond3A_658 : i32
    scf.if %cond3A_659 {
      %add3A_703 = arith.constant 19 : i32
      %add3A_704 = arith.addi %select_n3A_8, %add3A_703 : i32
      %add3A_705 = arith.constant 2375 : i32
      %add3A_706 = arith.addi %mul3A_10, %add3A_705 : i32
      %dma_wait3A = arith.constant 1 : i32
      %dma_wait3A_707 = arith.constant 0 : i32
      %dma_wait3A_708 = tpu.memref_slice %arg6[%dma_wait3A, %dma_wait3A_707] : memref<2x128xi32, #tpu.memory_space<vmem>> -> memref<1x128xi32, #tpu.memory_space<vmem>>
      %dma_wait3A_709 = tpu.memref_squeeze %dma_wait3A_708 : memref<1x128xi32, #tpu.memory_space<vmem>> -> memref<128xi32, #tpu.memory_space<vmem>>
      %dma_wait3A_710 = arith.constant 0 : i32
      %dma_wait3A_711 = tpu.memref_slice %arg3[%add3A_704, %dma_wait3A_710] : memref<800x128xi32, #tpu.memory_space<hbm>> -> memref<1x128xi32, #tpu.memory_space<hbm>>
      %dma_wait3A_712 = tpu.memref_squeeze %dma_wait3A_711 : memref<1x128xi32, #tpu.memory_space<hbm>> -> memref<128xi32, #tpu.memory_space<hbm>>
      %dma_wait3A_713 = arith.constant 0 : i32
      %dma_wait3A_714 = tpu.memref_slice %arg6[%dma_wait3A, %dma_wait3A_713] : memref<2x128xi32, #tpu.memory_space<vmem>> -> memref<1x128xi32, #tpu.memory_space<vmem>>
      %dma_wait3A_715 = tpu.memref_squeeze %dma_wait3A_714 : memref<1x128xi32, #tpu.memory_space<vmem>> -> memref<128xi32, #tpu.memory_space<vmem>>
      %dma_wait3A_716 = arith.constant 0 : i32
      %dma_wait3A_717 = tpu.memref_slice %arg3[%add3A_704, %dma_wait3A_716] : memref<800x128xi32, #tpu.memory_space<hbm>> -> memref<1x128xi32, #tpu.memory_space<hbm>>
      %dma_wait3A_718 = tpu.memref_squeeze %dma_wait3A_717 : memref<1x128xi32, #tpu.memory_space<hbm>> -> memref<128xi32, #tpu.memory_space<hbm>>
      tpu.wait_dma2 semaphore(%arg14 : memref<!tpu.dma_semaphore, #tpu.memory_space<semaphore_mem>>) src(%dma_wait3A_718 : memref<128xi32, #tpu.memory_space<hbm>>) dst(%dma_wait3A_715 : memref<128xi32, #tpu.memory_space<vmem>>)
      %dma_wait3A_719 = arith.constant 1 : i32
      %dma_wait3A_720 = arith.constant 0 : i32
      %dma_wait3A_721 = arith.constant 0 : i32
      %dma_wait3A_722 = tpu.memref_slice %arg7[%dma_wait3A_719, %dma_wait3A_720, %dma_wait3A_721] : memref<2x128x128xf32, #tpu.memory_space<vmem>> -> memref<1x125x128xf32, #tpu.memory_space<vmem>>
      %dma_wait3A_723 = tpu.memref_squeeze %dma_wait3A_722 : memref<1x125x128xf32, #tpu.memory_space<vmem>> -> memref<125x128xf32, #tpu.memory_space<vmem>>
      %dma_wait3A_724 = arith.constant 0 : i32
      %dma_wait3A_725 = tpu.memref_slice %arg2[%add3A_706, %dma_wait3A_724] : memref<100000x128xf32, #tpu.memory_space<hbm>> -> memref<125x128xf32, #tpu.memory_space<hbm>>
      %dma_wait3A_726 = arith.constant 0 : i32
      %dma_wait3A_727 = arith.constant 0 : i32
      %dma_wait3A_728 = tpu.memref_slice %arg7[%dma_wait3A_719, %dma_wait3A_726, %dma_wait3A_727] : memref<2x128x128xf32, #tpu.memory_space<vmem>> -> memref<1x125x128xf32, #tpu.memory_space<vmem>>
      %dma_wait3A_729 = tpu.memref_squeeze %dma_wait3A_728 : memref<1x125x128xf32, #tpu.memory_space<vmem>> -> memref<125x128xf32, #tpu.memory_space<vmem>>
      %dma_wait3A_730 = arith.constant 0 : i32
      %dma_wait3A_731 = tpu.memref_slice %arg2[%add3A_706, %dma_wait3A_730] : memref<100000x128xf32, #tpu.memory_space<hbm>> -> memref<125x128xf32, #tpu.memory_space<hbm>>
      tpu.wait_dma2 semaphore(%arg16 : memref<!tpu.dma_semaphore, #tpu.memory_space<semaphore_mem>>) src(%dma_wait3A_731 : memref<125x128xf32, #tpu.memory_space<hbm>>) dst(%dma_wait3A_729 : memref<125x128xf32, #tpu.memory_space<vmem>>)
      %run_scoped3A = arith.constant 1 : i32
      %run_scoped3A_732 = arith.constant 1 : i32
      "tpu.region"() ({
        %run_scoped3A_739 = tpu.sem_alloc : memref<!tpu.dma_semaphore, #tpu.memory_space<semaphore_mem>>
        %dma_start3A_740 = arith.constant 0 : i32
        %dma_start3A_741 = arith.constant 0 : i32
        %dma_start3A_742 = tpu.memref_slice %arg7[%run_scoped3A, %dma_start3A_740, %dma_start3A_741] : memref<2x128x128xf32, #tpu.memory_space<vmem>> -> memref<1x128x128xf32, #tpu.memory_space<vmem>>
        %dma_start3A_743 = tpu.memref_squeeze %dma_start3A_742 : memref<1x128x128xf32, #tpu.memory_space<vmem>> -> memref<128x128xf32, #tpu.memory_space<vmem>>
        %dma_start3A_744 = arith.constant 0 : i32
        %dma_start3A_745 = tpu.memref_slice %arg6[%run_scoped3A_732, %dma_start3A_744] : memref<2x128xi32, #tpu.memory_space<vmem>> -> memref<1x128xi32, #tpu.memory_space<vmem>>
        %dma_start3A_746 = tpu.memref_squeeze %dma_start3A_745 : memref<1x128xi32, #tpu.memory_space<vmem>> -> memref<128xi32, #tpu.memory_space<vmem>>
        %dma_start3A_747 = arith.constant 0 : i32
        %dma_start3A_748 = arith.constant 0 : i32
        %dma_start3A_749 = tpu.memref_slice %arg11[%dma_start3A_747, %dma_start3A_748] : memref<1040x128xf32, #tpu.memory_space<vmem_shared>> -> memref<1040x128xf32, #tpu.memory_space<vmem_shared>>
        tpu.enqueue_indirect_dma source(%dma_start3A_743 : memref<128x128xf32, #tpu.memory_space<vmem>>) target(%dma_start3A_749 : memref<1040x128xf32, #tpu.memory_space<vmem_shared>>) offsets(%dma_start3A_746 : memref<128xi32, #tpu.memory_space<vmem>>) semaphore(%run_scoped3A_739 : memref<!tpu.dma_semaphore, #tpu.memory_space<semaphore_mem>>) {add = true}
        %dma_wait3A_750 = arith.constant 0 : i32
        %dma_wait3A_751 = arith.constant 0 : i32
        %dma_wait3A_752 = tpu.memref_slice %arg7[%run_scoped3A, %dma_wait3A_750, %dma_wait3A_751] : memref<2x128x128xf32, #tpu.memory_space<vmem>> -> memref<1x128x128xf32, #tpu.memory_space<vmem>>
        %dma_wait3A_753 = tpu.memref_squeeze %dma_wait3A_752 : memref<1x128x128xf32, #tpu.memory_space<vmem>> -> memref<128x128xf32, #tpu.memory_space<vmem>>
        %dma_wait3A_754 = arith.constant 0 : i32
        %dma_wait3A_755 = tpu.memref_slice %arg6[%run_scoped3A_732, %dma_wait3A_754] : memref<2x128xi32, #tpu.memory_space<vmem>> -> memref<1x128xi32, #tpu.memory_space<vmem>>
        %dma_wait3A_756 = tpu.memref_squeeze %dma_wait3A_755 : memref<1x128xi32, #tpu.memory_space<vmem>> -> memref<128xi32, #tpu.memory_space<vmem>>
        %dma_wait3A_757 = arith.constant 0 : i32
        %dma_wait3A_758 = arith.constant 0 : i32
        %dma_wait3A_759 = tpu.memref_slice %arg11[%dma_wait3A_757, %dma_wait3A_758] : memref<1040x128xf32, #tpu.memory_space<vmem_shared>> -> memref<1040x128xf32, #tpu.memory_space<vmem_shared>>
        tpu.wait_indirect_dma semaphore(%run_scoped3A_739 : memref<!tpu.dma_semaphore, #tpu.memory_space<semaphore_mem>>) src(%dma_wait3A_753 : memref<128x128xf32, #tpu.memory_space<vmem>>) dst(%dma_wait3A_759 : memref<1040x128xf32, #tpu.memory_space<vmem_shared>>)
        tpu.yield
      }) : () -> ()
      %run_scoped3A_733 = arith.constant 1 : i32
      "tpu.region"() ({
        %run_scoped3A_739 = tpu.sem_alloc : memref<!tpu.dma_semaphore, #tpu.memory_space<semaphore_mem>>
        %dma_start3A_740 = arith.constant 0 : i32
        %dma_start3A_741 = tpu.memref_slice %arg6[%run_scoped3A_733, %dma_start3A_740] : memref<2x128xi32, #tpu.memory_space<vmem>> -> memref<1x128xi32, #tpu.memory_space<vmem>>
        %dma_start3A_742 = tpu.memref_squeeze %dma_start3A_741 : memref<1x128xi32, #tpu.memory_space<vmem>> -> memref<128xi32, #tpu.memory_space<vmem>>
        %dma_start3A_743 = arith.constant 0 : i32
        %dma_start3A_744 = arith.constant 0 : i32
        %dma_start3A_745 = tpu.memref_slice %arg12[%dma_start3A_743, %dma_start3A_744] : memref<1040x16xf32, #tpu.memory_space<vmem_shared>> -> memref<1040x16xf32, #tpu.memory_space<vmem_shared>>
        tpu.enqueue_indirect_dma source(%arg8 : memref<128x16xf32, #tpu.memory_space<vmem>>) target(%dma_start3A_745 : memref<1040x16xf32, #tpu.memory_space<vmem_shared>>) offsets(%dma_start3A_742 : memref<128xi32, #tpu.memory_space<vmem>>) semaphore(%run_scoped3A_739 : memref<!tpu.dma_semaphore, #tpu.memory_space<semaphore_mem>>) {add = true}
        %dma_wait3A_746 = arith.constant 0 : i32
        %dma_wait3A_747 = tpu.memref_slice %arg6[%run_scoped3A_733, %dma_wait3A_746] : memref<2x128xi32, #tpu.memory_space<vmem>> -> memref<1x128xi32, #tpu.memory_space<vmem>>
        %dma_wait3A_748 = tpu.memref_squeeze %dma_wait3A_747 : memref<1x128xi32, #tpu.memory_space<vmem>> -> memref<128xi32, #tpu.memory_space<vmem>>
        %dma_wait3A_749 = arith.constant 0 : i32
        %dma_wait3A_750 = arith.constant 0 : i32
        %dma_wait3A_751 = tpu.memref_slice %arg12[%dma_wait3A_749, %dma_wait3A_750] : memref<1040x16xf32, #tpu.memory_space<vmem_shared>> -> memref<1040x16xf32, #tpu.memory_space<vmem_shared>>
        tpu.wait_indirect_dma semaphore(%run_scoped3A_739 : memref<!tpu.dma_semaphore, #tpu.memory_space<semaphore_mem>>) src(%arg8 : memref<128x16xf32, #tpu.memory_space<vmem>>) dst(%dma_wait3A_751 : memref<1040x16xf32, #tpu.memory_space<vmem_shared>>)
        tpu.yield
      }) : () -> ()
      %gt3A_734 = arith.constant 21 : i32
      %gt3A_735 = arith.cmpi sgt, %select_n3A, %gt3A_734 : i32
      %convert_element_type3A_736 = arith.extui %gt3A_735 : i1 to i32
      %cond3A_737 = arith.constant 0 : i32
      %cond3A_738 = arith.cmpi ne, %convert_element_type3A_736, %cond3A_737 : i32
      scf.if %cond3A_738 {
        %add3A_739 = arith.constant 21 : i32
        %add3A_740 = arith.addi %select_n3A_8, %add3A_739 : i32
        %add3A_741 = arith.constant 2625 : i32
        %add3A_742 = arith.addi %mul3A_10, %add3A_741 : i32
        %dma_start3A_743 = arith.constant 1 : i32
        %dma_start3A_744 = arith.constant 0 : i32
        %dma_start3A_745 = tpu.memref_slice %arg6[%dma_start3A_743, %dma_start3A_744] : memref<2x128xi32, #tpu.memory_space<vmem>> -> memref<1x128xi32, #tpu.memory_space<vmem>>
        %dma_start3A_746 = tpu.memref_squeeze %dma_start3A_745 : memref<1x128xi32, #tpu.memory_space<vmem>> -> memref<128xi32, #tpu.memory_space<vmem>>
        %dma_start3A_747 = arith.constant 0 : i32
        %dma_start3A_748 = tpu.memref_slice %arg3[%add3A_740, %dma_start3A_747] : memref<800x128xi32, #tpu.memory_space<hbm>> -> memref<1x128xi32, #tpu.memory_space<hbm>>
        %dma_start3A_749 = tpu.memref_squeeze %dma_start3A_748 : memref<1x128xi32, #tpu.memory_space<hbm>> -> memref<128xi32, #tpu.memory_space<hbm>>
        %dma_start3A_750 = arith.constant 0 : i32
        %dma_start3A_751 = tpu.memref_slice %arg6[%dma_start3A_743, %dma_start3A_750] : memref<2x128xi32, #tpu.memory_space<vmem>> -> memref<1x128xi32, #tpu.memory_space<vmem>>
        %dma_start3A_752 = tpu.memref_squeeze %dma_start3A_751 : memref<1x128xi32, #tpu.memory_space<vmem>> -> memref<128xi32, #tpu.memory_space<vmem>>
        %dma_start3A_753 = arith.constant 0 : i32
        %dma_start3A_754 = tpu.memref_slice %arg3[%add3A_740, %dma_start3A_753] : memref<800x128xi32, #tpu.memory_space<hbm>> -> memref<1x128xi32, #tpu.memory_space<hbm>>
        %dma_start3A_755 = tpu.memref_squeeze %dma_start3A_754 : memref<1x128xi32, #tpu.memory_space<hbm>> -> memref<128xi32, #tpu.memory_space<hbm>>
        tpu.enqueue_dma source(%dma_start3A_755 : memref<128xi32, #tpu.memory_space<hbm>>) target(%dma_start3A_752 : memref<128xi32, #tpu.memory_space<vmem>>) target_semaphore(%arg14 : memref<!tpu.dma_semaphore, #tpu.memory_space<semaphore_mem>>)
        %dma_start3A_756 = arith.constant 1 : i32
        %dma_start3A_757 = arith.constant 0 : i32
        %dma_start3A_758 = arith.constant 0 : i32
        %dma_start3A_759 = tpu.memref_slice %arg7[%dma_start3A_756, %dma_start3A_757, %dma_start3A_758] : memref<2x128x128xf32, #tpu.memory_space<vmem>> -> memref<1x125x128xf32, #tpu.memory_space<vmem>>
        %dma_start3A_760 = tpu.memref_squeeze %dma_start3A_759 : memref<1x125x128xf32, #tpu.memory_space<vmem>> -> memref<125x128xf32, #tpu.memory_space<vmem>>
        %dma_start3A_761 = arith.constant 0 : i32
        %dma_start3A_762 = tpu.memref_slice %arg2[%add3A_742, %dma_start3A_761] : memref<100000x128xf32, #tpu.memory_space<hbm>> -> memref<125x128xf32, #tpu.memory_space<hbm>>
        %dma_start3A_763 = arith.constant 0 : i32
        %dma_start3A_764 = arith.constant 0 : i32
        %dma_start3A_765 = tpu.memref_slice %arg7[%dma_start3A_756, %dma_start3A_763, %dma_start3A_764] : memref<2x128x128xf32, #tpu.memory_space<vmem>> -> memref<1x125x128xf32, #tpu.memory_space<vmem>>
        %dma_start3A_766 = tpu.memref_squeeze %dma_start3A_765 : memref<1x125x128xf32, #tpu.memory_space<vmem>> -> memref<125x128xf32, #tpu.memory_space<vmem>>
        %dma_start3A_767 = arith.constant 0 : i32
        %dma_start3A_768 = tpu.memref_slice %arg2[%add3A_742, %dma_start3A_767] : memref<100000x128xf32, #tpu.memory_space<hbm>> -> memref<125x128xf32, #tpu.memory_space<hbm>>
        tpu.enqueue_dma source(%dma_start3A_768 : memref<125x128xf32, #tpu.memory_space<hbm>>) target(%dma_start3A_766 : memref<125x128xf32, #tpu.memory_space<vmem>>) target_semaphore(%arg16 : memref<!tpu.dma_semaphore, #tpu.memory_space<semaphore_mem>>)
      } else {
      }
    } else {
    }
    %gt3A_660 = arith.constant 20 : i32
    %gt3A_661 = arith.cmpi sgt, %select_n3A, %gt3A_660 : i32
    %convert_element_type3A_662 = arith.extui %gt3A_661 : i1 to i32
    %cond3A_663 = arith.constant 0 : i32
    %cond3A_664 = arith.cmpi ne, %convert_element_type3A_662, %cond3A_663 : i32
    scf.if %cond3A_664 {
      %add3A_703 = arith.constant 20 : i32
      %add3A_704 = arith.addi %select_n3A_8, %add3A_703 : i32
      %add3A_705 = arith.constant 2500 : i32
      %add3A_706 = arith.addi %mul3A_10, %add3A_705 : i32
      %dma_wait3A = arith.constant 0 : i32
      %dma_wait3A_707 = arith.constant 0 : i32
      %dma_wait3A_708 = tpu.memref_slice %arg6[%dma_wait3A, %dma_wait3A_707] : memref<2x128xi32, #tpu.memory_space<vmem>> -> memref<1x128xi32, #tpu.memory_space<vmem>>
      %dma_wait3A_709 = tpu.memref_squeeze %dma_wait3A_708 : memref<1x128xi32, #tpu.memory_space<vmem>> -> memref<128xi32, #tpu.memory_space<vmem>>
      %dma_wait3A_710 = arith.constant 0 : i32
      %dma_wait3A_711 = tpu.memref_slice %arg3[%add3A_704, %dma_wait3A_710] : memref<800x128xi32, #tpu.memory_space<hbm>> -> memref<1x128xi32, #tpu.memory_space<hbm>>
      %dma_wait3A_712 = tpu.memref_squeeze %dma_wait3A_711 : memref<1x128xi32, #tpu.memory_space<hbm>> -> memref<128xi32, #tpu.memory_space<hbm>>
      %dma_wait3A_713 = arith.constant 0 : i32
      %dma_wait3A_714 = tpu.memref_slice %arg6[%dma_wait3A, %dma_wait3A_713] : memref<2x128xi32, #tpu.memory_space<vmem>> -> memref<1x128xi32, #tpu.memory_space<vmem>>
      %dma_wait3A_715 = tpu.memref_squeeze %dma_wait3A_714 : memref<1x128xi32, #tpu.memory_space<vmem>> -> memref<128xi32, #tpu.memory_space<vmem>>
      %dma_wait3A_716 = arith.constant 0 : i32
      %dma_wait3A_717 = tpu.memref_slice %arg3[%add3A_704, %dma_wait3A_716] : memref<800x128xi32, #tpu.memory_space<hbm>> -> memref<1x128xi32, #tpu.memory_space<hbm>>
      %dma_wait3A_718 = tpu.memref_squeeze %dma_wait3A_717 : memref<1x128xi32, #tpu.memory_space<hbm>> -> memref<128xi32, #tpu.memory_space<hbm>>
      tpu.wait_dma2 semaphore(%arg13 : memref<!tpu.dma_semaphore, #tpu.memory_space<semaphore_mem>>) src(%dma_wait3A_718 : memref<128xi32, #tpu.memory_space<hbm>>) dst(%dma_wait3A_715 : memref<128xi32, #tpu.memory_space<vmem>>)
      %dma_wait3A_719 = arith.constant 0 : i32
      %dma_wait3A_720 = arith.constant 0 : i32
      %dma_wait3A_721 = arith.constant 0 : i32
      %dma_wait3A_722 = tpu.memref_slice %arg7[%dma_wait3A_719, %dma_wait3A_720, %dma_wait3A_721] : memref<2x128x128xf32, #tpu.memory_space<vmem>> -> memref<1x125x128xf32, #tpu.memory_space<vmem>>
      %dma_wait3A_723 = tpu.memref_squeeze %dma_wait3A_722 : memref<1x125x128xf32, #tpu.memory_space<vmem>> -> memref<125x128xf32, #tpu.memory_space<vmem>>
      %dma_wait3A_724 = arith.constant 0 : i32
      %dma_wait3A_725 = tpu.memref_slice %arg2[%add3A_706, %dma_wait3A_724] : memref<100000x128xf32, #tpu.memory_space<hbm>> -> memref<125x128xf32, #tpu.memory_space<hbm>>
      %dma_wait3A_726 = arith.constant 0 : i32
      %dma_wait3A_727 = arith.constant 0 : i32
      %dma_wait3A_728 = tpu.memref_slice %arg7[%dma_wait3A_719, %dma_wait3A_726, %dma_wait3A_727] : memref<2x128x128xf32, #tpu.memory_space<vmem>> -> memref<1x125x128xf32, #tpu.memory_space<vmem>>
      %dma_wait3A_729 = tpu.memref_squeeze %dma_wait3A_728 : memref<1x125x128xf32, #tpu.memory_space<vmem>> -> memref<125x128xf32, #tpu.memory_space<vmem>>
      %dma_wait3A_730 = arith.constant 0 : i32
      %dma_wait3A_731 = tpu.memref_slice %arg2[%add3A_706, %dma_wait3A_730] : memref<100000x128xf32, #tpu.memory_space<hbm>> -> memref<125x128xf32, #tpu.memory_space<hbm>>
      tpu.wait_dma2 semaphore(%arg15 : memref<!tpu.dma_semaphore, #tpu.memory_space<semaphore_mem>>) src(%dma_wait3A_731 : memref<125x128xf32, #tpu.memory_space<hbm>>) dst(%dma_wait3A_729 : memref<125x128xf32, #tpu.memory_space<vmem>>)
      %run_scoped3A = arith.constant 0 : i32
      %run_scoped3A_732 = arith.constant 0 : i32
      "tpu.region"() ({
        %run_scoped3A_739 = tpu.sem_alloc : memref<!tpu.dma_semaphore, #tpu.memory_space<semaphore_mem>>
        %dma_start3A_740 = arith.constant 0 : i32
        %dma_start3A_741 = arith.constant 0 : i32
        %dma_start3A_742 = tpu.memref_slice %arg7[%run_scoped3A, %dma_start3A_740, %dma_start3A_741] : memref<2x128x128xf32, #tpu.memory_space<vmem>> -> memref<1x128x128xf32, #tpu.memory_space<vmem>>
        %dma_start3A_743 = tpu.memref_squeeze %dma_start3A_742 : memref<1x128x128xf32, #tpu.memory_space<vmem>> -> memref<128x128xf32, #tpu.memory_space<vmem>>
        %dma_start3A_744 = arith.constant 0 : i32
        %dma_start3A_745 = tpu.memref_slice %arg6[%run_scoped3A_732, %dma_start3A_744] : memref<2x128xi32, #tpu.memory_space<vmem>> -> memref<1x128xi32, #tpu.memory_space<vmem>>
        %dma_start3A_746 = tpu.memref_squeeze %dma_start3A_745 : memref<1x128xi32, #tpu.memory_space<vmem>> -> memref<128xi32, #tpu.memory_space<vmem>>
        %dma_start3A_747 = arith.constant 0 : i32
        %dma_start3A_748 = arith.constant 0 : i32
        %dma_start3A_749 = tpu.memref_slice %arg11[%dma_start3A_747, %dma_start3A_748] : memref<1040x128xf32, #tpu.memory_space<vmem_shared>> -> memref<1040x128xf32, #tpu.memory_space<vmem_shared>>
        tpu.enqueue_indirect_dma source(%dma_start3A_743 : memref<128x128xf32, #tpu.memory_space<vmem>>) target(%dma_start3A_749 : memref<1040x128xf32, #tpu.memory_space<vmem_shared>>) offsets(%dma_start3A_746 : memref<128xi32, #tpu.memory_space<vmem>>) semaphore(%run_scoped3A_739 : memref<!tpu.dma_semaphore, #tpu.memory_space<semaphore_mem>>) {add = true}
        %dma_wait3A_750 = arith.constant 0 : i32
        %dma_wait3A_751 = arith.constant 0 : i32
        %dma_wait3A_752 = tpu.memref_slice %arg7[%run_scoped3A, %dma_wait3A_750, %dma_wait3A_751] : memref<2x128x128xf32, #tpu.memory_space<vmem>> -> memref<1x128x128xf32, #tpu.memory_space<vmem>>
        %dma_wait3A_753 = tpu.memref_squeeze %dma_wait3A_752 : memref<1x128x128xf32, #tpu.memory_space<vmem>> -> memref<128x128xf32, #tpu.memory_space<vmem>>
        %dma_wait3A_754 = arith.constant 0 : i32
        %dma_wait3A_755 = tpu.memref_slice %arg6[%run_scoped3A_732, %dma_wait3A_754] : memref<2x128xi32, #tpu.memory_space<vmem>> -> memref<1x128xi32, #tpu.memory_space<vmem>>
        %dma_wait3A_756 = tpu.memref_squeeze %dma_wait3A_755 : memref<1x128xi32, #tpu.memory_space<vmem>> -> memref<128xi32, #tpu.memory_space<vmem>>
        %dma_wait3A_757 = arith.constant 0 : i32
        %dma_wait3A_758 = arith.constant 0 : i32
        %dma_wait3A_759 = tpu.memref_slice %arg11[%dma_wait3A_757, %dma_wait3A_758] : memref<1040x128xf32, #tpu.memory_space<vmem_shared>> -> memref<1040x128xf32, #tpu.memory_space<vmem_shared>>
        tpu.wait_indirect_dma semaphore(%run_scoped3A_739 : memref<!tpu.dma_semaphore, #tpu.memory_space<semaphore_mem>>) src(%dma_wait3A_753 : memref<128x128xf32, #tpu.memory_space<vmem>>) dst(%dma_wait3A_759 : memref<1040x128xf32, #tpu.memory_space<vmem_shared>>)
        tpu.yield
      }) : () -> ()
      %run_scoped3A_733 = arith.constant 0 : i32
      "tpu.region"() ({
        %run_scoped3A_739 = tpu.sem_alloc : memref<!tpu.dma_semaphore, #tpu.memory_space<semaphore_mem>>
        %dma_start3A_740 = arith.constant 0 : i32
        %dma_start3A_741 = tpu.memref_slice %arg6[%run_scoped3A_733, %dma_start3A_740] : memref<2x128xi32, #tpu.memory_space<vmem>> -> memref<1x128xi32, #tpu.memory_space<vmem>>
        %dma_start3A_742 = tpu.memref_squeeze %dma_start3A_741 : memref<1x128xi32, #tpu.memory_space<vmem>> -> memref<128xi32, #tpu.memory_space<vmem>>
        %dma_start3A_743 = arith.constant 0 : i32
        %dma_start3A_744 = arith.constant 0 : i32
        %dma_start3A_745 = tpu.memref_slice %arg12[%dma_start3A_743, %dma_start3A_744] : memref<1040x16xf32, #tpu.memory_space<vmem_shared>> -> memref<1040x16xf32, #tpu.memory_space<vmem_shared>>
        tpu.enqueue_indirect_dma source(%arg8 : memref<128x16xf32, #tpu.memory_space<vmem>>) target(%dma_start3A_745 : memref<1040x16xf32, #tpu.memory_space<vmem_shared>>) offsets(%dma_start3A_742 : memref<128xi32, #tpu.memory_space<vmem>>) semaphore(%run_scoped3A_739 : memref<!tpu.dma_semaphore, #tpu.memory_space<semaphore_mem>>) {add = true}
        %dma_wait3A_746 = arith.constant 0 : i32
        %dma_wait3A_747 = tpu.memref_slice %arg6[%run_scoped3A_733, %dma_wait3A_746] : memref<2x128xi32, #tpu.memory_space<vmem>> -> memref<1x128xi32, #tpu.memory_space<vmem>>
        %dma_wait3A_748 = tpu.memref_squeeze %dma_wait3A_747 : memref<1x128xi32, #tpu.memory_space<vmem>> -> memref<128xi32, #tpu.memory_space<vmem>>
        %dma_wait3A_749 = arith.constant 0 : i32
        %dma_wait3A_750 = arith.constant 0 : i32
        %dma_wait3A_751 = tpu.memref_slice %arg12[%dma_wait3A_749, %dma_wait3A_750] : memref<1040x16xf32, #tpu.memory_space<vmem_shared>> -> memref<1040x16xf32, #tpu.memory_space<vmem_shared>>
        tpu.wait_indirect_dma semaphore(%run_scoped3A_739 : memref<!tpu.dma_semaphore, #tpu.memory_space<semaphore_mem>>) src(%arg8 : memref<128x16xf32, #tpu.memory_space<vmem>>) dst(%dma_wait3A_751 : memref<1040x16xf32, #tpu.memory_space<vmem_shared>>)
        tpu.yield
      }) : () -> ()
      %gt3A_734 = arith.constant 22 : i32
      %gt3A_735 = arith.cmpi sgt, %select_n3A, %gt3A_734 : i32
      %convert_element_type3A_736 = arith.extui %gt3A_735 : i1 to i32
      %cond3A_737 = arith.constant 0 : i32
      %cond3A_738 = arith.cmpi ne, %convert_element_type3A_736, %cond3A_737 : i32
      scf.if %cond3A_738 {
        %add3A_739 = arith.constant 22 : i32
        %add3A_740 = arith.addi %select_n3A_8, %add3A_739 : i32
        %add3A_741 = arith.constant 2750 : i32
        %add3A_742 = arith.addi %mul3A_10, %add3A_741 : i32
        %dma_start3A_743 = arith.constant 0 : i32
        %dma_start3A_744 = arith.constant 0 : i32
        %dma_start3A_745 = tpu.memref_slice %arg6[%dma_start3A_743, %dma_start3A_744] : memref<2x128xi32, #tpu.memory_space<vmem>> -> memref<1x128xi32, #tpu.memory_space<vmem>>
        %dma_start3A_746 = tpu.memref_squeeze %dma_start3A_745 : memref<1x128xi32, #tpu.memory_space<vmem>> -> memref<128xi32, #tpu.memory_space<vmem>>
        %dma_start3A_747 = arith.constant 0 : i32
        %dma_start3A_748 = tpu.memref_slice %arg3[%add3A_740, %dma_start3A_747] : memref<800x128xi32, #tpu.memory_space<hbm>> -> memref<1x128xi32, #tpu.memory_space<hbm>>
        %dma_start3A_749 = tpu.memref_squeeze %dma_start3A_748 : memref<1x128xi32, #tpu.memory_space<hbm>> -> memref<128xi32, #tpu.memory_space<hbm>>
        %dma_start3A_750 = arith.constant 0 : i32
        %dma_start3A_751 = tpu.memref_slice %arg6[%dma_start3A_743, %dma_start3A_750] : memref<2x128xi32, #tpu.memory_space<vmem>> -> memref<1x128xi32, #tpu.memory_space<vmem>>
        %dma_start3A_752 = tpu.memref_squeeze %dma_start3A_751 : memref<1x128xi32, #tpu.memory_space<vmem>> -> memref<128xi32, #tpu.memory_space<vmem>>
        %dma_start3A_753 = arith.constant 0 : i32
        %dma_start3A_754 = tpu.memref_slice %arg3[%add3A_740, %dma_start3A_753] : memref<800x128xi32, #tpu.memory_space<hbm>> -> memref<1x128xi32, #tpu.memory_space<hbm>>
        %dma_start3A_755 = tpu.memref_squeeze %dma_start3A_754 : memref<1x128xi32, #tpu.memory_space<hbm>> -> memref<128xi32, #tpu.memory_space<hbm>>
        tpu.enqueue_dma source(%dma_start3A_755 : memref<128xi32, #tpu.memory_space<hbm>>) target(%dma_start3A_752 : memref<128xi32, #tpu.memory_space<vmem>>) target_semaphore(%arg13 : memref<!tpu.dma_semaphore, #tpu.memory_space<semaphore_mem>>)
        %dma_start3A_756 = arith.constant 0 : i32
        %dma_start3A_757 = arith.constant 0 : i32
        %dma_start3A_758 = arith.constant 0 : i32
        %dma_start3A_759 = tpu.memref_slice %arg7[%dma_start3A_756, %dma_start3A_757, %dma_start3A_758] : memref<2x128x128xf32, #tpu.memory_space<vmem>> -> memref<1x125x128xf32, #tpu.memory_space<vmem>>
        %dma_start3A_760 = tpu.memref_squeeze %dma_start3A_759 : memref<1x125x128xf32, #tpu.memory_space<vmem>> -> memref<125x128xf32, #tpu.memory_space<vmem>>
        %dma_start3A_761 = arith.constant 0 : i32
        %dma_start3A_762 = tpu.memref_slice %arg2[%add3A_742, %dma_start3A_761] : memref<100000x128xf32, #tpu.memory_space<hbm>> -> memref<125x128xf32, #tpu.memory_space<hbm>>
        %dma_start3A_763 = arith.constant 0 : i32
        %dma_start3A_764 = arith.constant 0 : i32
        %dma_start3A_765 = tpu.memref_slice %arg7[%dma_start3A_756, %dma_start3A_763, %dma_start3A_764] : memref<2x128x128xf32, #tpu.memory_space<vmem>> -> memref<1x125x128xf32, #tpu.memory_space<vmem>>
        %dma_start3A_766 = tpu.memref_squeeze %dma_start3A_765 : memref<1x125x128xf32, #tpu.memory_space<vmem>> -> memref<125x128xf32, #tpu.memory_space<vmem>>
        %dma_start3A_767 = arith.constant 0 : i32
        %dma_start3A_768 = tpu.memref_slice %arg2[%add3A_742, %dma_start3A_767] : memref<100000x128xf32, #tpu.memory_space<hbm>> -> memref<125x128xf32, #tpu.memory_space<hbm>>
        tpu.enqueue_dma source(%dma_start3A_768 : memref<125x128xf32, #tpu.memory_space<hbm>>) target(%dma_start3A_766 : memref<125x128xf32, #tpu.memory_space<vmem>>) target_semaphore(%arg15 : memref<!tpu.dma_semaphore, #tpu.memory_space<semaphore_mem>>)
      } else {
      }
    } else {
    }
    %gt3A_665 = arith.constant 21 : i32
    %gt3A_666 = arith.cmpi sgt, %select_n3A, %gt3A_665 : i32
    %convert_element_type3A_667 = arith.extui %gt3A_666 : i1 to i32
    %cond3A_668 = arith.constant 0 : i32
    %cond3A_669 = arith.cmpi ne, %convert_element_type3A_667, %cond3A_668 : i32
    scf.if %cond3A_669 {
      %add3A_703 = arith.constant 21 : i32
      %add3A_704 = arith.addi %select_n3A_8, %add3A_703 : i32
      %add3A_705 = arith.constant 2625 : i32
      %add3A_706 = arith.addi %mul3A_10, %add3A_705 : i32
      %dma_wait3A = arith.constant 1 : i32
      %dma_wait3A_707 = arith.constant 0 : i32
      %dma_wait3A_708 = tpu.memref_slice %arg6[%dma_wait3A, %dma_wait3A_707] : memref<2x128xi32, #tpu.memory_space<vmem>> -> memref<1x128xi32, #tpu.memory_space<vmem>>
      %dma_wait3A_709 = tpu.memref_squeeze %dma_wait3A_708 : memref<1x128xi32, #tpu.memory_space<vmem>> -> memref<128xi32, #tpu.memory_space<vmem>>
      %dma_wait3A_710 = arith.constant 0 : i32
      %dma_wait3A_711 = tpu.memref_slice %arg3[%add3A_704, %dma_wait3A_710] : memref<800x128xi32, #tpu.memory_space<hbm>> -> memref<1x128xi32, #tpu.memory_space<hbm>>
      %dma_wait3A_712 = tpu.memref_squeeze %dma_wait3A_711 : memref<1x128xi32, #tpu.memory_space<hbm>> -> memref<128xi32, #tpu.memory_space<hbm>>
      %dma_wait3A_713 = arith.constant 0 : i32
      %dma_wait3A_714 = tpu.memref_slice %arg6[%dma_wait3A, %dma_wait3A_713] : memref<2x128xi32, #tpu.memory_space<vmem>> -> memref<1x128xi32, #tpu.memory_space<vmem>>
      %dma_wait3A_715 = tpu.memref_squeeze %dma_wait3A_714 : memref<1x128xi32, #tpu.memory_space<vmem>> -> memref<128xi32, #tpu.memory_space<vmem>>
      %dma_wait3A_716 = arith.constant 0 : i32
      %dma_wait3A_717 = tpu.memref_slice %arg3[%add3A_704, %dma_wait3A_716] : memref<800x128xi32, #tpu.memory_space<hbm>> -> memref<1x128xi32, #tpu.memory_space<hbm>>
      %dma_wait3A_718 = tpu.memref_squeeze %dma_wait3A_717 : memref<1x128xi32, #tpu.memory_space<hbm>> -> memref<128xi32, #tpu.memory_space<hbm>>
      tpu.wait_dma2 semaphore(%arg14 : memref<!tpu.dma_semaphore, #tpu.memory_space<semaphore_mem>>) src(%dma_wait3A_718 : memref<128xi32, #tpu.memory_space<hbm>>) dst(%dma_wait3A_715 : memref<128xi32, #tpu.memory_space<vmem>>)
      %dma_wait3A_719 = arith.constant 1 : i32
      %dma_wait3A_720 = arith.constant 0 : i32
      %dma_wait3A_721 = arith.constant 0 : i32
      %dma_wait3A_722 = tpu.memref_slice %arg7[%dma_wait3A_719, %dma_wait3A_720, %dma_wait3A_721] : memref<2x128x128xf32, #tpu.memory_space<vmem>> -> memref<1x125x128xf32, #tpu.memory_space<vmem>>
      %dma_wait3A_723 = tpu.memref_squeeze %dma_wait3A_722 : memref<1x125x128xf32, #tpu.memory_space<vmem>> -> memref<125x128xf32, #tpu.memory_space<vmem>>
      %dma_wait3A_724 = arith.constant 0 : i32
      %dma_wait3A_725 = tpu.memref_slice %arg2[%add3A_706, %dma_wait3A_724] : memref<100000x128xf32, #tpu.memory_space<hbm>> -> memref<125x128xf32, #tpu.memory_space<hbm>>
      %dma_wait3A_726 = arith.constant 0 : i32
      %dma_wait3A_727 = arith.constant 0 : i32
      %dma_wait3A_728 = tpu.memref_slice %arg7[%dma_wait3A_719, %dma_wait3A_726, %dma_wait3A_727] : memref<2x128x128xf32, #tpu.memory_space<vmem>> -> memref<1x125x128xf32, #tpu.memory_space<vmem>>
      %dma_wait3A_729 = tpu.memref_squeeze %dma_wait3A_728 : memref<1x125x128xf32, #tpu.memory_space<vmem>> -> memref<125x128xf32, #tpu.memory_space<vmem>>
      %dma_wait3A_730 = arith.constant 0 : i32
      %dma_wait3A_731 = tpu.memref_slice %arg2[%add3A_706, %dma_wait3A_730] : memref<100000x128xf32, #tpu.memory_space<hbm>> -> memref<125x128xf32, #tpu.memory_space<hbm>>
      tpu.wait_dma2 semaphore(%arg16 : memref<!tpu.dma_semaphore, #tpu.memory_space<semaphore_mem>>) src(%dma_wait3A_731 : memref<125x128xf32, #tpu.memory_space<hbm>>) dst(%dma_wait3A_729 : memref<125x128xf32, #tpu.memory_space<vmem>>)
      %run_scoped3A = arith.constant 1 : i32
      %run_scoped3A_732 = arith.constant 1 : i32
      "tpu.region"() ({
        %run_scoped3A_739 = tpu.sem_alloc : memref<!tpu.dma_semaphore, #tpu.memory_space<semaphore_mem>>
        %dma_start3A_740 = arith.constant 0 : i32
        %dma_start3A_741 = arith.constant 0 : i32
        %dma_start3A_742 = tpu.memref_slice %arg7[%run_scoped3A, %dma_start3A_740, %dma_start3A_741] : memref<2x128x128xf32, #tpu.memory_space<vmem>> -> memref<1x128x128xf32, #tpu.memory_space<vmem>>
        %dma_start3A_743 = tpu.memref_squeeze %dma_start3A_742 : memref<1x128x128xf32, #tpu.memory_space<vmem>> -> memref<128x128xf32, #tpu.memory_space<vmem>>
        %dma_start3A_744 = arith.constant 0 : i32
        %dma_start3A_745 = tpu.memref_slice %arg6[%run_scoped3A_732, %dma_start3A_744] : memref<2x128xi32, #tpu.memory_space<vmem>> -> memref<1x128xi32, #tpu.memory_space<vmem>>
        %dma_start3A_746 = tpu.memref_squeeze %dma_start3A_745 : memref<1x128xi32, #tpu.memory_space<vmem>> -> memref<128xi32, #tpu.memory_space<vmem>>
        %dma_start3A_747 = arith.constant 0 : i32
        %dma_start3A_748 = arith.constant 0 : i32
        %dma_start3A_749 = tpu.memref_slice %arg11[%dma_start3A_747, %dma_start3A_748] : memref<1040x128xf32, #tpu.memory_space<vmem_shared>> -> memref<1040x128xf32, #tpu.memory_space<vmem_shared>>
        tpu.enqueue_indirect_dma source(%dma_start3A_743 : memref<128x128xf32, #tpu.memory_space<vmem>>) target(%dma_start3A_749 : memref<1040x128xf32, #tpu.memory_space<vmem_shared>>) offsets(%dma_start3A_746 : memref<128xi32, #tpu.memory_space<vmem>>) semaphore(%run_scoped3A_739 : memref<!tpu.dma_semaphore, #tpu.memory_space<semaphore_mem>>) {add = true}
        %dma_wait3A_750 = arith.constant 0 : i32
        %dma_wait3A_751 = arith.constant 0 : i32
        %dma_wait3A_752 = tpu.memref_slice %arg7[%run_scoped3A, %dma_wait3A_750, %dma_wait3A_751] : memref<2x128x128xf32, #tpu.memory_space<vmem>> -> memref<1x128x128xf32, #tpu.memory_space<vmem>>
        %dma_wait3A_753 = tpu.memref_squeeze %dma_wait3A_752 : memref<1x128x128xf32, #tpu.memory_space<vmem>> -> memref<128x128xf32, #tpu.memory_space<vmem>>
        %dma_wait3A_754 = arith.constant 0 : i32
        %dma_wait3A_755 = tpu.memref_slice %arg6[%run_scoped3A_732, %dma_wait3A_754] : memref<2x128xi32, #tpu.memory_space<vmem>> -> memref<1x128xi32, #tpu.memory_space<vmem>>
        %dma_wait3A_756 = tpu.memref_squeeze %dma_wait3A_755 : memref<1x128xi32, #tpu.memory_space<vmem>> -> memref<128xi32, #tpu.memory_space<vmem>>
        %dma_wait3A_757 = arith.constant 0 : i32
        %dma_wait3A_758 = arith.constant 0 : i32
        %dma_wait3A_759 = tpu.memref_slice %arg11[%dma_wait3A_757, %dma_wait3A_758] : memref<1040x128xf32, #tpu.memory_space<vmem_shared>> -> memref<1040x128xf32, #tpu.memory_space<vmem_shared>>
        tpu.wait_indirect_dma semaphore(%run_scoped3A_739 : memref<!tpu.dma_semaphore, #tpu.memory_space<semaphore_mem>>) src(%dma_wait3A_753 : memref<128x128xf32, #tpu.memory_space<vmem>>) dst(%dma_wait3A_759 : memref<1040x128xf32, #tpu.memory_space<vmem_shared>>)
        tpu.yield
      }) : () -> ()
      %run_scoped3A_733 = arith.constant 1 : i32
      "tpu.region"() ({
        %run_scoped3A_739 = tpu.sem_alloc : memref<!tpu.dma_semaphore, #tpu.memory_space<semaphore_mem>>
        %dma_start3A_740 = arith.constant 0 : i32
        %dma_start3A_741 = tpu.memref_slice %arg6[%run_scoped3A_733, %dma_start3A_740] : memref<2x128xi32, #tpu.memory_space<vmem>> -> memref<1x128xi32, #tpu.memory_space<vmem>>
        %dma_start3A_742 = tpu.memref_squeeze %dma_start3A_741 : memref<1x128xi32, #tpu.memory_space<vmem>> -> memref<128xi32, #tpu.memory_space<vmem>>
        %dma_start3A_743 = arith.constant 0 : i32
        %dma_start3A_744 = arith.constant 0 : i32
        %dma_start3A_745 = tpu.memref_slice %arg12[%dma_start3A_743, %dma_start3A_744] : memref<1040x16xf32, #tpu.memory_space<vmem_shared>> -> memref<1040x16xf32, #tpu.memory_space<vmem_shared>>
        tpu.enqueue_indirect_dma source(%arg8 : memref<128x16xf32, #tpu.memory_space<vmem>>) target(%dma_start3A_745 : memref<1040x16xf32, #tpu.memory_space<vmem_shared>>) offsets(%dma_start3A_742 : memref<128xi32, #tpu.memory_space<vmem>>) semaphore(%run_scoped3A_739 : memref<!tpu.dma_semaphore, #tpu.memory_space<semaphore_mem>>) {add = true}
        %dma_wait3A_746 = arith.constant 0 : i32
        %dma_wait3A_747 = tpu.memref_slice %arg6[%run_scoped3A_733, %dma_wait3A_746] : memref<2x128xi32, #tpu.memory_space<vmem>> -> memref<1x128xi32, #tpu.memory_space<vmem>>
        %dma_wait3A_748 = tpu.memref_squeeze %dma_wait3A_747 : memref<1x128xi32, #tpu.memory_space<vmem>> -> memref<128xi32, #tpu.memory_space<vmem>>
        %dma_wait3A_749 = arith.constant 0 : i32
        %dma_wait3A_750 = arith.constant 0 : i32
        %dma_wait3A_751 = tpu.memref_slice %arg12[%dma_wait3A_749, %dma_wait3A_750] : memref<1040x16xf32, #tpu.memory_space<vmem_shared>> -> memref<1040x16xf32, #tpu.memory_space<vmem_shared>>
        tpu.wait_indirect_dma semaphore(%run_scoped3A_739 : memref<!tpu.dma_semaphore, #tpu.memory_space<semaphore_mem>>) src(%arg8 : memref<128x16xf32, #tpu.memory_space<vmem>>) dst(%dma_wait3A_751 : memref<1040x16xf32, #tpu.memory_space<vmem_shared>>)
        tpu.yield
      }) : () -> ()
      %gt3A_734 = arith.constant 23 : i32
      %gt3A_735 = arith.cmpi sgt, %select_n3A, %gt3A_734 : i32
      %convert_element_type3A_736 = arith.extui %gt3A_735 : i1 to i32
      %cond3A_737 = arith.constant 0 : i32
      %cond3A_738 = arith.cmpi ne, %convert_element_type3A_736, %cond3A_737 : i32
      scf.if %cond3A_738 {
        %add3A_739 = arith.constant 23 : i32
        %add3A_740 = arith.addi %select_n3A_8, %add3A_739 : i32
        %add3A_741 = arith.constant 2875 : i32
        %add3A_742 = arith.addi %mul3A_10, %add3A_741 : i32
        %dma_start3A_743 = arith.constant 1 : i32
        %dma_start3A_744 = arith.constant 0 : i32
        %dma_start3A_745 = tpu.memref_slice %arg6[%dma_start3A_743, %dma_start3A_744] : memref<2x128xi32, #tpu.memory_space<vmem>> -> memref<1x128xi32, #tpu.memory_space<vmem>>
        %dma_start3A_746 = tpu.memref_squeeze %dma_start3A_745 : memref<1x128xi32, #tpu.memory_space<vmem>> -> memref<128xi32, #tpu.memory_space<vmem>>
        %dma_start3A_747 = arith.constant 0 : i32
        %dma_start3A_748 = tpu.memref_slice %arg3[%add3A_740, %dma_start3A_747] : memref<800x128xi32, #tpu.memory_space<hbm>> -> memref<1x128xi32, #tpu.memory_space<hbm>>
        %dma_start3A_749 = tpu.memref_squeeze %dma_start3A_748 : memref<1x128xi32, #tpu.memory_space<hbm>> -> memref<128xi32, #tpu.memory_space<hbm>>
        %dma_start3A_750 = arith.constant 0 : i32
        %dma_start3A_751 = tpu.memref_slice %arg6[%dma_start3A_743, %dma_start3A_750] : memref<2x128xi32, #tpu.memory_space<vmem>> -> memref<1x128xi32, #tpu.memory_space<vmem>>
        %dma_start3A_752 = tpu.memref_squeeze %dma_start3A_751 : memref<1x128xi32, #tpu.memory_space<vmem>> -> memref<128xi32, #tpu.memory_space<vmem>>
        %dma_start3A_753 = arith.constant 0 : i32
        %dma_start3A_754 = tpu.memref_slice %arg3[%add3A_740, %dma_start3A_753] : memref<800x128xi32, #tpu.memory_space<hbm>> -> memref<1x128xi32, #tpu.memory_space<hbm>>
        %dma_start3A_755 = tpu.memref_squeeze %dma_start3A_754 : memref<1x128xi32, #tpu.memory_space<hbm>> -> memref<128xi32, #tpu.memory_space<hbm>>
        tpu.enqueue_dma source(%dma_start3A_755 : memref<128xi32, #tpu.memory_space<hbm>>) target(%dma_start3A_752 : memref<128xi32, #tpu.memory_space<vmem>>) target_semaphore(%arg14 : memref<!tpu.dma_semaphore, #tpu.memory_space<semaphore_mem>>)
        %dma_start3A_756 = arith.constant 1 : i32
        %dma_start3A_757 = arith.constant 0 : i32
        %dma_start3A_758 = arith.constant 0 : i32
        %dma_start3A_759 = tpu.memref_slice %arg7[%dma_start3A_756, %dma_start3A_757, %dma_start3A_758] : memref<2x128x128xf32, #tpu.memory_space<vmem>> -> memref<1x125x128xf32, #tpu.memory_space<vmem>>
        %dma_start3A_760 = tpu.memref_squeeze %dma_start3A_759 : memref<1x125x128xf32, #tpu.memory_space<vmem>> -> memref<125x128xf32, #tpu.memory_space<vmem>>
        %dma_start3A_761 = arith.constant 0 : i32
        %dma_start3A_762 = tpu.memref_slice %arg2[%add3A_742, %dma_start3A_761] : memref<100000x128xf32, #tpu.memory_space<hbm>> -> memref<125x128xf32, #tpu.memory_space<hbm>>
        %dma_start3A_763 = arith.constant 0 : i32
        %dma_start3A_764 = arith.constant 0 : i32
        %dma_start3A_765 = tpu.memref_slice %arg7[%dma_start3A_756, %dma_start3A_763, %dma_start3A_764] : memref<2x128x128xf32, #tpu.memory_space<vmem>> -> memref<1x125x128xf32, #tpu.memory_space<vmem>>
        %dma_start3A_766 = tpu.memref_squeeze %dma_start3A_765 : memref<1x125x128xf32, #tpu.memory_space<vmem>> -> memref<125x128xf32, #tpu.memory_space<vmem>>
        %dma_start3A_767 = arith.constant 0 : i32
        %dma_start3A_768 = tpu.memref_slice %arg2[%add3A_742, %dma_start3A_767] : memref<100000x128xf32, #tpu.memory_space<hbm>> -> memref<125x128xf32, #tpu.memory_space<hbm>>
        tpu.enqueue_dma source(%dma_start3A_768 : memref<125x128xf32, #tpu.memory_space<hbm>>) target(%dma_start3A_766 : memref<125x128xf32, #tpu.memory_space<vmem>>) target_semaphore(%arg16 : memref<!tpu.dma_semaphore, #tpu.memory_space<semaphore_mem>>)
      } else {
      }
    } else {
    }
    %gt3A_670 = arith.constant 22 : i32
    %gt3A_671 = arith.cmpi sgt, %select_n3A, %gt3A_670 : i32
    %convert_element_type3A_672 = arith.extui %gt3A_671 : i1 to i32
    %cond3A_673 = arith.constant 0 : i32
    %cond3A_674 = arith.cmpi ne, %convert_element_type3A_672, %cond3A_673 : i32
    scf.if %cond3A_674 {
      %add3A_703 = arith.constant 22 : i32
      %add3A_704 = arith.addi %select_n3A_8, %add3A_703 : i32
      %add3A_705 = arith.constant 2750 : i32
      %add3A_706 = arith.addi %mul3A_10, %add3A_705 : i32
      %dma_wait3A = arith.constant 0 : i32
      %dma_wait3A_707 = arith.constant 0 : i32
      %dma_wait3A_708 = tpu.memref_slice %arg6[%dma_wait3A, %dma_wait3A_707] : memref<2x128xi32, #tpu.memory_space<vmem>> -> memref<1x128xi32, #tpu.memory_space<vmem>>
      %dma_wait3A_709 = tpu.memref_squeeze %dma_wait3A_708 : memref<1x128xi32, #tpu.memory_space<vmem>> -> memref<128xi32, #tpu.memory_space<vmem>>
      %dma_wait3A_710 = arith.constant 0 : i32
      %dma_wait3A_711 = tpu.memref_slice %arg3[%add3A_704, %dma_wait3A_710] : memref<800x128xi32, #tpu.memory_space<hbm>> -> memref<1x128xi32, #tpu.memory_space<hbm>>
      %dma_wait3A_712 = tpu.memref_squeeze %dma_wait3A_711 : memref<1x128xi32, #tpu.memory_space<hbm>> -> memref<128xi32, #tpu.memory_space<hbm>>
      %dma_wait3A_713 = arith.constant 0 : i32
      %dma_wait3A_714 = tpu.memref_slice %arg6[%dma_wait3A, %dma_wait3A_713] : memref<2x128xi32, #tpu.memory_space<vmem>> -> memref<1x128xi32, #tpu.memory_space<vmem>>
      %dma_wait3A_715 = tpu.memref_squeeze %dma_wait3A_714 : memref<1x128xi32, #tpu.memory_space<vmem>> -> memref<128xi32, #tpu.memory_space<vmem>>
      %dma_wait3A_716 = arith.constant 0 : i32
      %dma_wait3A_717 = tpu.memref_slice %arg3[%add3A_704, %dma_wait3A_716] : memref<800x128xi32, #tpu.memory_space<hbm>> -> memref<1x128xi32, #tpu.memory_space<hbm>>
      %dma_wait3A_718 = tpu.memref_squeeze %dma_wait3A_717 : memref<1x128xi32, #tpu.memory_space<hbm>> -> memref<128xi32, #tpu.memory_space<hbm>>
      tpu.wait_dma2 semaphore(%arg13 : memref<!tpu.dma_semaphore, #tpu.memory_space<semaphore_mem>>) src(%dma_wait3A_718 : memref<128xi32, #tpu.memory_space<hbm>>) dst(%dma_wait3A_715 : memref<128xi32, #tpu.memory_space<vmem>>)
      %dma_wait3A_719 = arith.constant 0 : i32
      %dma_wait3A_720 = arith.constant 0 : i32
      %dma_wait3A_721 = arith.constant 0 : i32
      %dma_wait3A_722 = tpu.memref_slice %arg7[%dma_wait3A_719, %dma_wait3A_720, %dma_wait3A_721] : memref<2x128x128xf32, #tpu.memory_space<vmem>> -> memref<1x125x128xf32, #tpu.memory_space<vmem>>
      %dma_wait3A_723 = tpu.memref_squeeze %dma_wait3A_722 : memref<1x125x128xf32, #tpu.memory_space<vmem>> -> memref<125x128xf32, #tpu.memory_space<vmem>>
      %dma_wait3A_724 = arith.constant 0 : i32
      %dma_wait3A_725 = tpu.memref_slice %arg2[%add3A_706, %dma_wait3A_724] : memref<100000x128xf32, #tpu.memory_space<hbm>> -> memref<125x128xf32, #tpu.memory_space<hbm>>
      %dma_wait3A_726 = arith.constant 0 : i32
      %dma_wait3A_727 = arith.constant 0 : i32
      %dma_wait3A_728 = tpu.memref_slice %arg7[%dma_wait3A_719, %dma_wait3A_726, %dma_wait3A_727] : memref<2x128x128xf32, #tpu.memory_space<vmem>> -> memref<1x125x128xf32, #tpu.memory_space<vmem>>
      %dma_wait3A_729 = tpu.memref_squeeze %dma_wait3A_728 : memref<1x125x128xf32, #tpu.memory_space<vmem>> -> memref<125x128xf32, #tpu.memory_space<vmem>>
      %dma_wait3A_730 = arith.constant 0 : i32
      %dma_wait3A_731 = tpu.memref_slice %arg2[%add3A_706, %dma_wait3A_730] : memref<100000x128xf32, #tpu.memory_space<hbm>> -> memref<125x128xf32, #tpu.memory_space<hbm>>
      tpu.wait_dma2 semaphore(%arg15 : memref<!tpu.dma_semaphore, #tpu.memory_space<semaphore_mem>>) src(%dma_wait3A_731 : memref<125x128xf32, #tpu.memory_space<hbm>>) dst(%dma_wait3A_729 : memref<125x128xf32, #tpu.memory_space<vmem>>)
      %run_scoped3A = arith.constant 0 : i32
      %run_scoped3A_732 = arith.constant 0 : i32
      "tpu.region"() ({
        %run_scoped3A_739 = tpu.sem_alloc : memref<!tpu.dma_semaphore, #tpu.memory_space<semaphore_mem>>
        %dma_start3A_740 = arith.constant 0 : i32
        %dma_start3A_741 = arith.constant 0 : i32
        %dma_start3A_742 = tpu.memref_slice %arg7[%run_scoped3A, %dma_start3A_740, %dma_start3A_741] : memref<2x128x128xf32, #tpu.memory_space<vmem>> -> memref<1x128x128xf32, #tpu.memory_space<vmem>>
        %dma_start3A_743 = tpu.memref_squeeze %dma_start3A_742 : memref<1x128x128xf32, #tpu.memory_space<vmem>> -> memref<128x128xf32, #tpu.memory_space<vmem>>
        %dma_start3A_744 = arith.constant 0 : i32
        %dma_start3A_745 = tpu.memref_slice %arg6[%run_scoped3A_732, %dma_start3A_744] : memref<2x128xi32, #tpu.memory_space<vmem>> -> memref<1x128xi32, #tpu.memory_space<vmem>>
        %dma_start3A_746 = tpu.memref_squeeze %dma_start3A_745 : memref<1x128xi32, #tpu.memory_space<vmem>> -> memref<128xi32, #tpu.memory_space<vmem>>
        %dma_start3A_747 = arith.constant 0 : i32
        %dma_start3A_748 = arith.constant 0 : i32
        %dma_start3A_749 = tpu.memref_slice %arg11[%dma_start3A_747, %dma_start3A_748] : memref<1040x128xf32, #tpu.memory_space<vmem_shared>> -> memref<1040x128xf32, #tpu.memory_space<vmem_shared>>
        tpu.enqueue_indirect_dma source(%dma_start3A_743 : memref<128x128xf32, #tpu.memory_space<vmem>>) target(%dma_start3A_749 : memref<1040x128xf32, #tpu.memory_space<vmem_shared>>) offsets(%dma_start3A_746 : memref<128xi32, #tpu.memory_space<vmem>>) semaphore(%run_scoped3A_739 : memref<!tpu.dma_semaphore, #tpu.memory_space<semaphore_mem>>) {add = true}
        %dma_wait3A_750 = arith.constant 0 : i32
        %dma_wait3A_751 = arith.constant 0 : i32
        %dma_wait3A_752 = tpu.memref_slice %arg7[%run_scoped3A, %dma_wait3A_750, %dma_wait3A_751] : memref<2x128x128xf32, #tpu.memory_space<vmem>> -> memref<1x128x128xf32, #tpu.memory_space<vmem>>
        %dma_wait3A_753 = tpu.memref_squeeze %dma_wait3A_752 : memref<1x128x128xf32, #tpu.memory_space<vmem>> -> memref<128x128xf32, #tpu.memory_space<vmem>>
        %dma_wait3A_754 = arith.constant 0 : i32
        %dma_wait3A_755 = tpu.memref_slice %arg6[%run_scoped3A_732, %dma_wait3A_754] : memref<2x128xi32, #tpu.memory_space<vmem>> -> memref<1x128xi32, #tpu.memory_space<vmem>>
        %dma_wait3A_756 = tpu.memref_squeeze %dma_wait3A_755 : memref<1x128xi32, #tpu.memory_space<vmem>> -> memref<128xi32, #tpu.memory_space<vmem>>
        %dma_wait3A_757 = arith.constant 0 : i32
        %dma_wait3A_758 = arith.constant 0 : i32
        %dma_wait3A_759 = tpu.memref_slice %arg11[%dma_wait3A_757, %dma_wait3A_758] : memref<1040x128xf32, #tpu.memory_space<vmem_shared>> -> memref<1040x128xf32, #tpu.memory_space<vmem_shared>>
        tpu.wait_indirect_dma semaphore(%run_scoped3A_739 : memref<!tpu.dma_semaphore, #tpu.memory_space<semaphore_mem>>) src(%dma_wait3A_753 : memref<128x128xf32, #tpu.memory_space<vmem>>) dst(%dma_wait3A_759 : memref<1040x128xf32, #tpu.memory_space<vmem_shared>>)
        tpu.yield
      }) : () -> ()
      %run_scoped3A_733 = arith.constant 0 : i32
      "tpu.region"() ({
        %run_scoped3A_739 = tpu.sem_alloc : memref<!tpu.dma_semaphore, #tpu.memory_space<semaphore_mem>>
        %dma_start3A_740 = arith.constant 0 : i32
        %dma_start3A_741 = tpu.memref_slice %arg6[%run_scoped3A_733, %dma_start3A_740] : memref<2x128xi32, #tpu.memory_space<vmem>> -> memref<1x128xi32, #tpu.memory_space<vmem>>
        %dma_start3A_742 = tpu.memref_squeeze %dma_start3A_741 : memref<1x128xi32, #tpu.memory_space<vmem>> -> memref<128xi32, #tpu.memory_space<vmem>>
        %dma_start3A_743 = arith.constant 0 : i32
        %dma_start3A_744 = arith.constant 0 : i32
        %dma_start3A_745 = tpu.memref_slice %arg12[%dma_start3A_743, %dma_start3A_744] : memref<1040x16xf32, #tpu.memory_space<vmem_shared>> -> memref<1040x16xf32, #tpu.memory_space<vmem_shared>>
        tpu.enqueue_indirect_dma source(%arg8 : memref<128x16xf32, #tpu.memory_space<vmem>>) target(%dma_start3A_745 : memref<1040x16xf32, #tpu.memory_space<vmem_shared>>) offsets(%dma_start3A_742 : memref<128xi32, #tpu.memory_space<vmem>>) semaphore(%run_scoped3A_739 : memref<!tpu.dma_semaphore, #tpu.memory_space<semaphore_mem>>) {add = true}
        %dma_wait3A_746 = arith.constant 0 : i32
        %dma_wait3A_747 = tpu.memref_slice %arg6[%run_scoped3A_733, %dma_wait3A_746] : memref<2x128xi32, #tpu.memory_space<vmem>> -> memref<1x128xi32, #tpu.memory_space<vmem>>
        %dma_wait3A_748 = tpu.memref_squeeze %dma_wait3A_747 : memref<1x128xi32, #tpu.memory_space<vmem>> -> memref<128xi32, #tpu.memory_space<vmem>>
        %dma_wait3A_749 = arith.constant 0 : i32
        %dma_wait3A_750 = arith.constant 0 : i32
        %dma_wait3A_751 = tpu.memref_slice %arg12[%dma_wait3A_749, %dma_wait3A_750] : memref<1040x16xf32, #tpu.memory_space<vmem_shared>> -> memref<1040x16xf32, #tpu.memory_space<vmem_shared>>
        tpu.wait_indirect_dma semaphore(%run_scoped3A_739 : memref<!tpu.dma_semaphore, #tpu.memory_space<semaphore_mem>>) src(%arg8 : memref<128x16xf32, #tpu.memory_space<vmem>>) dst(%dma_wait3A_751 : memref<1040x16xf32, #tpu.memory_space<vmem_shared>>)
        tpu.yield
      }) : () -> ()
      %gt3A_734 = arith.constant 24 : i32
      %gt3A_735 = arith.cmpi sgt, %select_n3A, %gt3A_734 : i32
      %convert_element_type3A_736 = arith.extui %gt3A_735 : i1 to i32
      %cond3A_737 = arith.constant 0 : i32
      %cond3A_738 = arith.cmpi ne, %convert_element_type3A_736, %cond3A_737 : i32
      scf.if %cond3A_738 {
        %add3A_739 = arith.constant 24 : i32
        %add3A_740 = arith.addi %select_n3A_8, %add3A_739 : i32
        %add3A_741 = arith.constant 3000 : i32
        %add3A_742 = arith.addi %mul3A_10, %add3A_741 : i32
        %dma_start3A_743 = arith.constant 0 : i32
        %dma_start3A_744 = arith.constant 0 : i32
        %dma_start3A_745 = tpu.memref_slice %arg6[%dma_start3A_743, %dma_start3A_744] : memref<2x128xi32, #tpu.memory_space<vmem>> -> memref<1x128xi32, #tpu.memory_space<vmem>>
        %dma_start3A_746 = tpu.memref_squeeze %dma_start3A_745 : memref<1x128xi32, #tpu.memory_space<vmem>> -> memref<128xi32, #tpu.memory_space<vmem>>
        %dma_start3A_747 = arith.constant 0 : i32
        %dma_start3A_748 = tpu.memref_slice %arg3[%add3A_740, %dma_start3A_747] : memref<800x128xi32, #tpu.memory_space<hbm>> -> memref<1x128xi32, #tpu.memory_space<hbm>>
        %dma_start3A_749 = tpu.memref_squeeze %dma_start3A_748 : memref<1x128xi32, #tpu.memory_space<hbm>> -> memref<128xi32, #tpu.memory_space<hbm>>
        %dma_start3A_750 = arith.constant 0 : i32
        %dma_start3A_751 = tpu.memref_slice %arg6[%dma_start3A_743, %dma_start3A_750] : memref<2x128xi32, #tpu.memory_space<vmem>> -> memref<1x128xi32, #tpu.memory_space<vmem>>
        %dma_start3A_752 = tpu.memref_squeeze %dma_start3A_751 : memref<1x128xi32, #tpu.memory_space<vmem>> -> memref<128xi32, #tpu.memory_space<vmem>>
        %dma_start3A_753 = arith.constant 0 : i32
        %dma_start3A_754 = tpu.memref_slice %arg3[%add3A_740, %dma_start3A_753] : memref<800x128xi32, #tpu.memory_space<hbm>> -> memref<1x128xi32, #tpu.memory_space<hbm>>
        %dma_start3A_755 = tpu.memref_squeeze %dma_start3A_754 : memref<1x128xi32, #tpu.memory_space<hbm>> -> memref<128xi32, #tpu.memory_space<hbm>>
        tpu.enqueue_dma source(%dma_start3A_755 : memref<128xi32, #tpu.memory_space<hbm>>) target(%dma_start3A_752 : memref<128xi32, #tpu.memory_space<vmem>>) target_semaphore(%arg13 : memref<!tpu.dma_semaphore, #tpu.memory_space<semaphore_mem>>)
        %dma_start3A_756 = arith.constant 0 : i32
        %dma_start3A_757 = arith.constant 0 : i32
        %dma_start3A_758 = arith.constant 0 : i32
        %dma_start3A_759 = tpu.memref_slice %arg7[%dma_start3A_756, %dma_start3A_757, %dma_start3A_758] : memref<2x128x128xf32, #tpu.memory_space<vmem>> -> memref<1x125x128xf32, #tpu.memory_space<vmem>>
        %dma_start3A_760 = tpu.memref_squeeze %dma_start3A_759 : memref<1x125x128xf32, #tpu.memory_space<vmem>> -> memref<125x128xf32, #tpu.memory_space<vmem>>
        %dma_start3A_761 = arith.constant 0 : i32
        %dma_start3A_762 = tpu.memref_slice %arg2[%add3A_742, %dma_start3A_761] : memref<100000x128xf32, #tpu.memory_space<hbm>> -> memref<125x128xf32, #tpu.memory_space<hbm>>
        %dma_start3A_763 = arith.constant 0 : i32
        %dma_start3A_764 = arith.constant 0 : i32
        %dma_start3A_765 = tpu.memref_slice %arg7[%dma_start3A_756, %dma_start3A_763, %dma_start3A_764] : memref<2x128x128xf32, #tpu.memory_space<vmem>> -> memref<1x125x128xf32, #tpu.memory_space<vmem>>
        %dma_start3A_766 = tpu.memref_squeeze %dma_start3A_765 : memref<1x125x128xf32, #tpu.memory_space<vmem>> -> memref<125x128xf32, #tpu.memory_space<vmem>>
        %dma_start3A_767 = arith.constant 0 : i32
        %dma_start3A_768 = tpu.memref_slice %arg2[%add3A_742, %dma_start3A_767] : memref<100000x128xf32, #tpu.memory_space<hbm>> -> memref<125x128xf32, #tpu.memory_space<hbm>>
        tpu.enqueue_dma source(%dma_start3A_768 : memref<125x128xf32, #tpu.memory_space<hbm>>) target(%dma_start3A_766 : memref<125x128xf32, #tpu.memory_space<vmem>>) target_semaphore(%arg15 : memref<!tpu.dma_semaphore, #tpu.memory_space<semaphore_mem>>)
      } else {
      }
    } else {
    }
    %gt3A_675 = arith.constant 23 : i32
    %gt3A_676 = arith.cmpi sgt, %select_n3A, %gt3A_675 : i32
    %convert_element_type3A_677 = arith.extui %gt3A_676 : i1 to i32
    %cond3A_678 = arith.constant 0 : i32
    %cond3A_679 = arith.cmpi ne, %convert_element_type3A_677, %cond3A_678 : i32
    scf.if %cond3A_679 {
      %add3A_703 = arith.constant 23 : i32
      %add3A_704 = arith.addi %select_n3A_8, %add3A_703 : i32
      %add3A_705 = arith.constant 2875 : i32
      %add3A_706 = arith.addi %mul3A_10, %add3A_705 : i32
      %dma_wait3A = arith.constant 1 : i32
      %dma_wait3A_707 = arith.constant 0 : i32
      %dma_wait3A_708 = tpu.memref_slice %arg6[%dma_wait3A, %dma_wait3A_707] : memref<2x128xi32, #tpu.memory_space<vmem>> -> memref<1x128xi32, #tpu.memory_space<vmem>>
      %dma_wait3A_709 = tpu.memref_squeeze %dma_wait3A_708 : memref<1x128xi32, #tpu.memory_space<vmem>> -> memref<128xi32, #tpu.memory_space<vmem>>
      %dma_wait3A_710 = arith.constant 0 : i32
      %dma_wait3A_711 = tpu.memref_slice %arg3[%add3A_704, %dma_wait3A_710] : memref<800x128xi32, #tpu.memory_space<hbm>> -> memref<1x128xi32, #tpu.memory_space<hbm>>
      %dma_wait3A_712 = tpu.memref_squeeze %dma_wait3A_711 : memref<1x128xi32, #tpu.memory_space<hbm>> -> memref<128xi32, #tpu.memory_space<hbm>>
      %dma_wait3A_713 = arith.constant 0 : i32
      %dma_wait3A_714 = tpu.memref_slice %arg6[%dma_wait3A, %dma_wait3A_713] : memref<2x128xi32, #tpu.memory_space<vmem>> -> memref<1x128xi32, #tpu.memory_space<vmem>>
      %dma_wait3A_715 = tpu.memref_squeeze %dma_wait3A_714 : memref<1x128xi32, #tpu.memory_space<vmem>> -> memref<128xi32, #tpu.memory_space<vmem>>
      %dma_wait3A_716 = arith.constant 0 : i32
      %dma_wait3A_717 = tpu.memref_slice %arg3[%add3A_704, %dma_wait3A_716] : memref<800x128xi32, #tpu.memory_space<hbm>> -> memref<1x128xi32, #tpu.memory_space<hbm>>
      %dma_wait3A_718 = tpu.memref_squeeze %dma_wait3A_717 : memref<1x128xi32, #tpu.memory_space<hbm>> -> memref<128xi32, #tpu.memory_space<hbm>>
      tpu.wait_dma2 semaphore(%arg14 : memref<!tpu.dma_semaphore, #tpu.memory_space<semaphore_mem>>) src(%dma_wait3A_718 : memref<128xi32, #tpu.memory_space<hbm>>) dst(%dma_wait3A_715 : memref<128xi32, #tpu.memory_space<vmem>>)
      %dma_wait3A_719 = arith.constant 1 : i32
      %dma_wait3A_720 = arith.constant 0 : i32
      %dma_wait3A_721 = arith.constant 0 : i32
      %dma_wait3A_722 = tpu.memref_slice %arg7[%dma_wait3A_719, %dma_wait3A_720, %dma_wait3A_721] : memref<2x128x128xf32, #tpu.memory_space<vmem>> -> memref<1x125x128xf32, #tpu.memory_space<vmem>>
      %dma_wait3A_723 = tpu.memref_squeeze %dma_wait3A_722 : memref<1x125x128xf32, #tpu.memory_space<vmem>> -> memref<125x128xf32, #tpu.memory_space<vmem>>
      %dma_wait3A_724 = arith.constant 0 : i32
      %dma_wait3A_725 = tpu.memref_slice %arg2[%add3A_706, %dma_wait3A_724] : memref<100000x128xf32, #tpu.memory_space<hbm>> -> memref<125x128xf32, #tpu.memory_space<hbm>>
      %dma_wait3A_726 = arith.constant 0 : i32
      %dma_wait3A_727 = arith.constant 0 : i32
      %dma_wait3A_728 = tpu.memref_slice %arg7[%dma_wait3A_719, %dma_wait3A_726, %dma_wait3A_727] : memref<2x128x128xf32, #tpu.memory_space<vmem>> -> memref<1x125x128xf32, #tpu.memory_space<vmem>>
      %dma_wait3A_729 = tpu.memref_squeeze %dma_wait3A_728 : memref<1x125x128xf32, #tpu.memory_space<vmem>> -> memref<125x128xf32, #tpu.memory_space<vmem>>
      %dma_wait3A_730 = arith.constant 0 : i32
      %dma_wait3A_731 = tpu.memref_slice %arg2[%add3A_706, %dma_wait3A_730] : memref<100000x128xf32, #tpu.memory_space<hbm>> -> memref<125x128xf32, #tpu.memory_space<hbm>>
      tpu.wait_dma2 semaphore(%arg16 : memref<!tpu.dma_semaphore, #tpu.memory_space<semaphore_mem>>) src(%dma_wait3A_731 : memref<125x128xf32, #tpu.memory_space<hbm>>) dst(%dma_wait3A_729 : memref<125x128xf32, #tpu.memory_space<vmem>>)
      %run_scoped3A = arith.constant 1 : i32
      %run_scoped3A_732 = arith.constant 1 : i32
      "tpu.region"() ({
        %run_scoped3A_739 = tpu.sem_alloc : memref<!tpu.dma_semaphore, #tpu.memory_space<semaphore_mem>>
        %dma_start3A_740 = arith.constant 0 : i32
        %dma_start3A_741 = arith.constant 0 : i32
        %dma_start3A_742 = tpu.memref_slice %arg7[%run_scoped3A, %dma_start3A_740, %dma_start3A_741] : memref<2x128x128xf32, #tpu.memory_space<vmem>> -> memref<1x128x128xf32, #tpu.memory_space<vmem>>
        %dma_start3A_743 = tpu.memref_squeeze %dma_start3A_742 : memref<1x128x128xf32, #tpu.memory_space<vmem>> -> memref<128x128xf32, #tpu.memory_space<vmem>>
        %dma_start3A_744 = arith.constant 0 : i32
        %dma_start3A_745 = tpu.memref_slice %arg6[%run_scoped3A_732, %dma_start3A_744] : memref<2x128xi32, #tpu.memory_space<vmem>> -> memref<1x128xi32, #tpu.memory_space<vmem>>
        %dma_start3A_746 = tpu.memref_squeeze %dma_start3A_745 : memref<1x128xi32, #tpu.memory_space<vmem>> -> memref<128xi32, #tpu.memory_space<vmem>>
        %dma_start3A_747 = arith.constant 0 : i32
        %dma_start3A_748 = arith.constant 0 : i32
        %dma_start3A_749 = tpu.memref_slice %arg11[%dma_start3A_747, %dma_start3A_748] : memref<1040x128xf32, #tpu.memory_space<vmem_shared>> -> memref<1040x128xf32, #tpu.memory_space<vmem_shared>>
        tpu.enqueue_indirect_dma source(%dma_start3A_743 : memref<128x128xf32, #tpu.memory_space<vmem>>) target(%dma_start3A_749 : memref<1040x128xf32, #tpu.memory_space<vmem_shared>>) offsets(%dma_start3A_746 : memref<128xi32, #tpu.memory_space<vmem>>) semaphore(%run_scoped3A_739 : memref<!tpu.dma_semaphore, #tpu.memory_space<semaphore_mem>>) {add = true}
        %dma_wait3A_750 = arith.constant 0 : i32
        %dma_wait3A_751 = arith.constant 0 : i32
        %dma_wait3A_752 = tpu.memref_slice %arg7[%run_scoped3A, %dma_wait3A_750, %dma_wait3A_751] : memref<2x128x128xf32, #tpu.memory_space<vmem>> -> memref<1x128x128xf32, #tpu.memory_space<vmem>>
        %dma_wait3A_753 = tpu.memref_squeeze %dma_wait3A_752 : memref<1x128x128xf32, #tpu.memory_space<vmem>> -> memref<128x128xf32, #tpu.memory_space<vmem>>
        %dma_wait3A_754 = arith.constant 0 : i32
        %dma_wait3A_755 = tpu.memref_slice %arg6[%run_scoped3A_732, %dma_wait3A_754] : memref<2x128xi32, #tpu.memory_space<vmem>> -> memref<1x128xi32, #tpu.memory_space<vmem>>
        %dma_wait3A_756 = tpu.memref_squeeze %dma_wait3A_755 : memref<1x128xi32, #tpu.memory_space<vmem>> -> memref<128xi32, #tpu.memory_space<vmem>>
        %dma_wait3A_757 = arith.constant 0 : i32
        %dma_wait3A_758 = arith.constant 0 : i32
        %dma_wait3A_759 = tpu.memref_slice %arg11[%dma_wait3A_757, %dma_wait3A_758] : memref<1040x128xf32, #tpu.memory_space<vmem_shared>> -> memref<1040x128xf32, #tpu.memory_space<vmem_shared>>
        tpu.wait_indirect_dma semaphore(%run_scoped3A_739 : memref<!tpu.dma_semaphore, #tpu.memory_space<semaphore_mem>>) src(%dma_wait3A_753 : memref<128x128xf32, #tpu.memory_space<vmem>>) dst(%dma_wait3A_759 : memref<1040x128xf32, #tpu.memory_space<vmem_shared>>)
        tpu.yield
      }) : () -> ()
      %run_scoped3A_733 = arith.constant 1 : i32
      "tpu.region"() ({
        %run_scoped3A_739 = tpu.sem_alloc : memref<!tpu.dma_semaphore, #tpu.memory_space<semaphore_mem>>
        %dma_start3A_740 = arith.constant 0 : i32
        %dma_start3A_741 = tpu.memref_slice %arg6[%run_scoped3A_733, %dma_start3A_740] : memref<2x128xi32, #tpu.memory_space<vmem>> -> memref<1x128xi32, #tpu.memory_space<vmem>>
        %dma_start3A_742 = tpu.memref_squeeze %dma_start3A_741 : memref<1x128xi32, #tpu.memory_space<vmem>> -> memref<128xi32, #tpu.memory_space<vmem>>
        %dma_start3A_743 = arith.constant 0 : i32
        %dma_start3A_744 = arith.constant 0 : i32
        %dma_start3A_745 = tpu.memref_slice %arg12[%dma_start3A_743, %dma_start3A_744] : memref<1040x16xf32, #tpu.memory_space<vmem_shared>> -> memref<1040x16xf32, #tpu.memory_space<vmem_shared>>
        tpu.enqueue_indirect_dma source(%arg8 : memref<128x16xf32, #tpu.memory_space<vmem>>) target(%dma_start3A_745 : memref<1040x16xf32, #tpu.memory_space<vmem_shared>>) offsets(%dma_start3A_742 : memref<128xi32, #tpu.memory_space<vmem>>) semaphore(%run_scoped3A_739 : memref<!tpu.dma_semaphore, #tpu.memory_space<semaphore_mem>>) {add = true}
        %dma_wait3A_746 = arith.constant 0 : i32
        %dma_wait3A_747 = tpu.memref_slice %arg6[%run_scoped3A_733, %dma_wait3A_746] : memref<2x128xi32, #tpu.memory_space<vmem>> -> memref<1x128xi32, #tpu.memory_space<vmem>>
        %dma_wait3A_748 = tpu.memref_squeeze %dma_wait3A_747 : memref<1x128xi32, #tpu.memory_space<vmem>> -> memref<128xi32, #tpu.memory_space<vmem>>
        %dma_wait3A_749 = arith.constant 0 : i32
        %dma_wait3A_750 = arith.constant 0 : i32
        %dma_wait3A_751 = tpu.memref_slice %arg12[%dma_wait3A_749, %dma_wait3A_750] : memref<1040x16xf32, #tpu.memory_space<vmem_shared>> -> memref<1040x16xf32, #tpu.memory_space<vmem_shared>>
        tpu.wait_indirect_dma semaphore(%run_scoped3A_739 : memref<!tpu.dma_semaphore, #tpu.memory_space<semaphore_mem>>) src(%arg8 : memref<128x16xf32, #tpu.memory_space<vmem>>) dst(%dma_wait3A_751 : memref<1040x16xf32, #tpu.memory_space<vmem_shared>>)
        tpu.yield
      }) : () -> ()
      %gt3A_734 = arith.constant 25 : i32
      %gt3A_735 = arith.cmpi sgt, %select_n3A, %gt3A_734 : i32
      %convert_element_type3A_736 = arith.extui %gt3A_735 : i1 to i32
      %cond3A_737 = arith.constant 0 : i32
      %cond3A_738 = arith.cmpi ne, %convert_element_type3A_736, %cond3A_737 : i32
      scf.if %cond3A_738 {
        %add3A_739 = arith.constant 25 : i32
        %add3A_740 = arith.addi %select_n3A_8, %add3A_739 : i32
        %add3A_741 = arith.constant 3125 : i32
        %add3A_742 = arith.addi %mul3A_10, %add3A_741 : i32
        %dma_start3A_743 = arith.constant 1 : i32
        %dma_start3A_744 = arith.constant 0 : i32
        %dma_start3A_745 = tpu.memref_slice %arg6[%dma_start3A_743, %dma_start3A_744] : memref<2x128xi32, #tpu.memory_space<vmem>> -> memref<1x128xi32, #tpu.memory_space<vmem>>
        %dma_start3A_746 = tpu.memref_squeeze %dma_start3A_745 : memref<1x128xi32, #tpu.memory_space<vmem>> -> memref<128xi32, #tpu.memory_space<vmem>>
        %dma_start3A_747 = arith.constant 0 : i32
        %dma_start3A_748 = tpu.memref_slice %arg3[%add3A_740, %dma_start3A_747] : memref<800x128xi32, #tpu.memory_space<hbm>> -> memref<1x128xi32, #tpu.memory_space<hbm>>
        %dma_start3A_749 = tpu.memref_squeeze %dma_start3A_748 : memref<1x128xi32, #tpu.memory_space<hbm>> -> memref<128xi32, #tpu.memory_space<hbm>>
        %dma_start3A_750 = arith.constant 0 : i32
        %dma_start3A_751 = tpu.memref_slice %arg6[%dma_start3A_743, %dma_start3A_750] : memref<2x128xi32, #tpu.memory_space<vmem>> -> memref<1x128xi32, #tpu.memory_space<vmem>>
        %dma_start3A_752 = tpu.memref_squeeze %dma_start3A_751 : memref<1x128xi32, #tpu.memory_space<vmem>> -> memref<128xi32, #tpu.memory_space<vmem>>
        %dma_start3A_753 = arith.constant 0 : i32
        %dma_start3A_754 = tpu.memref_slice %arg3[%add3A_740, %dma_start3A_753] : memref<800x128xi32, #tpu.memory_space<hbm>> -> memref<1x128xi32, #tpu.memory_space<hbm>>
        %dma_start3A_755 = tpu.memref_squeeze %dma_start3A_754 : memref<1x128xi32, #tpu.memory_space<hbm>> -> memref<128xi32, #tpu.memory_space<hbm>>
        tpu.enqueue_dma source(%dma_start3A_755 : memref<128xi32, #tpu.memory_space<hbm>>) target(%dma_start3A_752 : memref<128xi32, #tpu.memory_space<vmem>>) target_semaphore(%arg14 : memref<!tpu.dma_semaphore, #tpu.memory_space<semaphore_mem>>)
        %dma_start3A_756 = arith.constant 1 : i32
        %dma_start3A_757 = arith.constant 0 : i32
        %dma_start3A_758 = arith.constant 0 : i32
        %dma_start3A_759 = tpu.memref_slice %arg7[%dma_start3A_756, %dma_start3A_757, %dma_start3A_758] : memref<2x128x128xf32, #tpu.memory_space<vmem>> -> memref<1x125x128xf32, #tpu.memory_space<vmem>>
        %dma_start3A_760 = tpu.memref_squeeze %dma_start3A_759 : memref<1x125x128xf32, #tpu.memory_space<vmem>> -> memref<125x128xf32, #tpu.memory_space<vmem>>
        %dma_start3A_761 = arith.constant 0 : i32
        %dma_start3A_762 = tpu.memref_slice %arg2[%add3A_742, %dma_start3A_761] : memref<100000x128xf32, #tpu.memory_space<hbm>> -> memref<125x128xf32, #tpu.memory_space<hbm>>
        %dma_start3A_763 = arith.constant 0 : i32
        %dma_start3A_764 = arith.constant 0 : i32
        %dma_start3A_765 = tpu.memref_slice %arg7[%dma_start3A_756, %dma_start3A_763, %dma_start3A_764] : memref<2x128x128xf32, #tpu.memory_space<vmem>> -> memref<1x125x128xf32, #tpu.memory_space<vmem>>
        %dma_start3A_766 = tpu.memref_squeeze %dma_start3A_765 : memref<1x125x128xf32, #tpu.memory_space<vmem>> -> memref<125x128xf32, #tpu.memory_space<vmem>>
        %dma_start3A_767 = arith.constant 0 : i32
        %dma_start3A_768 = tpu.memref_slice %arg2[%add3A_742, %dma_start3A_767] : memref<100000x128xf32, #tpu.memory_space<hbm>> -> memref<125x128xf32, #tpu.memory_space<hbm>>
        tpu.enqueue_dma source(%dma_start3A_768 : memref<125x128xf32, #tpu.memory_space<hbm>>) target(%dma_start3A_766 : memref<125x128xf32, #tpu.memory_space<vmem>>) target_semaphore(%arg16 : memref<!tpu.dma_semaphore, #tpu.memory_space<semaphore_mem>>)
      } else {
      }
    } else {
    }
    %gt3A_680 = arith.constant 24 : i32
    %gt3A_681 = arith.cmpi sgt, %select_n3A, %gt3A_680 : i32
    %convert_element_type3A_682 = arith.extui %gt3A_681 : i1 to i32
    %cond3A_683 = arith.constant 0 : i32
    %cond3A_684 = arith.cmpi ne, %convert_element_type3A_682, %cond3A_683 : i32
    scf.if %cond3A_684 {
      %add3A_703 = arith.constant 24 : i32
      %add3A_704 = arith.addi %select_n3A_8, %add3A_703 : i32
      %add3A_705 = arith.constant 3000 : i32
      %add3A_706 = arith.addi %mul3A_10, %add3A_705 : i32
      %dma_wait3A = arith.constant 0 : i32
      %dma_wait3A_707 = arith.constant 0 : i32
      %dma_wait3A_708 = tpu.memref_slice %arg6[%dma_wait3A, %dma_wait3A_707] : memref<2x128xi32, #tpu.memory_space<vmem>> -> memref<1x128xi32, #tpu.memory_space<vmem>>
      %dma_wait3A_709 = tpu.memref_squeeze %dma_wait3A_708 : memref<1x128xi32, #tpu.memory_space<vmem>> -> memref<128xi32, #tpu.memory_space<vmem>>
      %dma_wait3A_710 = arith.constant 0 : i32
      %dma_wait3A_711 = tpu.memref_slice %arg3[%add3A_704, %dma_wait3A_710] : memref<800x128xi32, #tpu.memory_space<hbm>> -> memref<1x128xi32, #tpu.memory_space<hbm>>
      %dma_wait3A_712 = tpu.memref_squeeze %dma_wait3A_711 : memref<1x128xi32, #tpu.memory_space<hbm>> -> memref<128xi32, #tpu.memory_space<hbm>>
      %dma_wait3A_713 = arith.constant 0 : i32
      %dma_wait3A_714 = tpu.memref_slice %arg6[%dma_wait3A, %dma_wait3A_713] : memref<2x128xi32, #tpu.memory_space<vmem>> -> memref<1x128xi32, #tpu.memory_space<vmem>>
      %dma_wait3A_715 = tpu.memref_squeeze %dma_wait3A_714 : memref<1x128xi32, #tpu.memory_space<vmem>> -> memref<128xi32, #tpu.memory_space<vmem>>
      %dma_wait3A_716 = arith.constant 0 : i32
      %dma_wait3A_717 = tpu.memref_slice %arg3[%add3A_704, %dma_wait3A_716] : memref<800x128xi32, #tpu.memory_space<hbm>> -> memref<1x128xi32, #tpu.memory_space<hbm>>
      %dma_wait3A_718 = tpu.memref_squeeze %dma_wait3A_717 : memref<1x128xi32, #tpu.memory_space<hbm>> -> memref<128xi32, #tpu.memory_space<hbm>>
      tpu.wait_dma2 semaphore(%arg13 : memref<!tpu.dma_semaphore, #tpu.memory_space<semaphore_mem>>) src(%dma_wait3A_718 : memref<128xi32, #tpu.memory_space<hbm>>) dst(%dma_wait3A_715 : memref<128xi32, #tpu.memory_space<vmem>>)
      %dma_wait3A_719 = arith.constant 0 : i32
      %dma_wait3A_720 = arith.constant 0 : i32
      %dma_wait3A_721 = arith.constant 0 : i32
      %dma_wait3A_722 = tpu.memref_slice %arg7[%dma_wait3A_719, %dma_wait3A_720, %dma_wait3A_721] : memref<2x128x128xf32, #tpu.memory_space<vmem>> -> memref<1x125x128xf32, #tpu.memory_space<vmem>>
      %dma_wait3A_723 = tpu.memref_squeeze %dma_wait3A_722 : memref<1x125x128xf32, #tpu.memory_space<vmem>> -> memref<125x128xf32, #tpu.memory_space<vmem>>
      %dma_wait3A_724 = arith.constant 0 : i32
      %dma_wait3A_725 = tpu.memref_slice %arg2[%add3A_706, %dma_wait3A_724] : memref<100000x128xf32, #tpu.memory_space<hbm>> -> memref<125x128xf32, #tpu.memory_space<hbm>>
      %dma_wait3A_726 = arith.constant 0 : i32
      %dma_wait3A_727 = arith.constant 0 : i32
      %dma_wait3A_728 = tpu.memref_slice %arg7[%dma_wait3A_719, %dma_wait3A_726, %dma_wait3A_727] : memref<2x128x128xf32, #tpu.memory_space<vmem>> -> memref<1x125x128xf32, #tpu.memory_space<vmem>>
      %dma_wait3A_729 = tpu.memref_squeeze %dma_wait3A_728 : memref<1x125x128xf32, #tpu.memory_space<vmem>> -> memref<125x128xf32, #tpu.memory_space<vmem>>
      %dma_wait3A_730 = arith.constant 0 : i32
      %dma_wait3A_731 = tpu.memref_slice %arg2[%add3A_706, %dma_wait3A_730] : memref<100000x128xf32, #tpu.memory_space<hbm>> -> memref<125x128xf32, #tpu.memory_space<hbm>>
      tpu.wait_dma2 semaphore(%arg15 : memref<!tpu.dma_semaphore, #tpu.memory_space<semaphore_mem>>) src(%dma_wait3A_731 : memref<125x128xf32, #tpu.memory_space<hbm>>) dst(%dma_wait3A_729 : memref<125x128xf32, #tpu.memory_space<vmem>>)
      %run_scoped3A = arith.constant 0 : i32
      %run_scoped3A_732 = arith.constant 0 : i32
      "tpu.region"() ({
        %run_scoped3A_739 = tpu.sem_alloc : memref<!tpu.dma_semaphore, #tpu.memory_space<semaphore_mem>>
        %dma_start3A_740 = arith.constant 0 : i32
        %dma_start3A_741 = arith.constant 0 : i32
        %dma_start3A_742 = tpu.memref_slice %arg7[%run_scoped3A, %dma_start3A_740, %dma_start3A_741] : memref<2x128x128xf32, #tpu.memory_space<vmem>> -> memref<1x128x128xf32, #tpu.memory_space<vmem>>
        %dma_start3A_743 = tpu.memref_squeeze %dma_start3A_742 : memref<1x128x128xf32, #tpu.memory_space<vmem>> -> memref<128x128xf32, #tpu.memory_space<vmem>>
        %dma_start3A_744 = arith.constant 0 : i32
        %dma_start3A_745 = tpu.memref_slice %arg6[%run_scoped3A_732, %dma_start3A_744] : memref<2x128xi32, #tpu.memory_space<vmem>> -> memref<1x128xi32, #tpu.memory_space<vmem>>
        %dma_start3A_746 = tpu.memref_squeeze %dma_start3A_745 : memref<1x128xi32, #tpu.memory_space<vmem>> -> memref<128xi32, #tpu.memory_space<vmem>>
        %dma_start3A_747 = arith.constant 0 : i32
        %dma_start3A_748 = arith.constant 0 : i32
        %dma_start3A_749 = tpu.memref_slice %arg11[%dma_start3A_747, %dma_start3A_748] : memref<1040x128xf32, #tpu.memory_space<vmem_shared>> -> memref<1040x128xf32, #tpu.memory_space<vmem_shared>>
        tpu.enqueue_indirect_dma source(%dma_start3A_743 : memref<128x128xf32, #tpu.memory_space<vmem>>) target(%dma_start3A_749 : memref<1040x128xf32, #tpu.memory_space<vmem_shared>>) offsets(%dma_start3A_746 : memref<128xi32, #tpu.memory_space<vmem>>) semaphore(%run_scoped3A_739 : memref<!tpu.dma_semaphore, #tpu.memory_space<semaphore_mem>>) {add = true}
        %dma_wait3A_750 = arith.constant 0 : i32
        %dma_wait3A_751 = arith.constant 0 : i32
        %dma_wait3A_752 = tpu.memref_slice %arg7[%run_scoped3A, %dma_wait3A_750, %dma_wait3A_751] : memref<2x128x128xf32, #tpu.memory_space<vmem>> -> memref<1x128x128xf32, #tpu.memory_space<vmem>>
        %dma_wait3A_753 = tpu.memref_squeeze %dma_wait3A_752 : memref<1x128x128xf32, #tpu.memory_space<vmem>> -> memref<128x128xf32, #tpu.memory_space<vmem>>
        %dma_wait3A_754 = arith.constant 0 : i32
        %dma_wait3A_755 = tpu.memref_slice %arg6[%run_scoped3A_732, %dma_wait3A_754] : memref<2x128xi32, #tpu.memory_space<vmem>> -> memref<1x128xi32, #tpu.memory_space<vmem>>
        %dma_wait3A_756 = tpu.memref_squeeze %dma_wait3A_755 : memref<1x128xi32, #tpu.memory_space<vmem>> -> memref<128xi32, #tpu.memory_space<vmem>>
        %dma_wait3A_757 = arith.constant 0 : i32
        %dma_wait3A_758 = arith.constant 0 : i32
        %dma_wait3A_759 = tpu.memref_slice %arg11[%dma_wait3A_757, %dma_wait3A_758] : memref<1040x128xf32, #tpu.memory_space<vmem_shared>> -> memref<1040x128xf32, #tpu.memory_space<vmem_shared>>
        tpu.wait_indirect_dma semaphore(%run_scoped3A_739 : memref<!tpu.dma_semaphore, #tpu.memory_space<semaphore_mem>>) src(%dma_wait3A_753 : memref<128x128xf32, #tpu.memory_space<vmem>>) dst(%dma_wait3A_759 : memref<1040x128xf32, #tpu.memory_space<vmem_shared>>)
        tpu.yield
      }) : () -> ()
      %run_scoped3A_733 = arith.constant 0 : i32
      "tpu.region"() ({
        %run_scoped3A_739 = tpu.sem_alloc : memref<!tpu.dma_semaphore, #tpu.memory_space<semaphore_mem>>
        %dma_start3A_740 = arith.constant 0 : i32
        %dma_start3A_741 = tpu.memref_slice %arg6[%run_scoped3A_733, %dma_start3A_740] : memref<2x128xi32, #tpu.memory_space<vmem>> -> memref<1x128xi32, #tpu.memory_space<vmem>>
        %dma_start3A_742 = tpu.memref_squeeze %dma_start3A_741 : memref<1x128xi32, #tpu.memory_space<vmem>> -> memref<128xi32, #tpu.memory_space<vmem>>
        %dma_start3A_743 = arith.constant 0 : i32
        %dma_start3A_744 = arith.constant 0 : i32
        %dma_start3A_745 = tpu.memref_slice %arg12[%dma_start3A_743, %dma_start3A_744] : memref<1040x16xf32, #tpu.memory_space<vmem_shared>> -> memref<1040x16xf32, #tpu.memory_space<vmem_shared>>
        tpu.enqueue_indirect_dma source(%arg8 : memref<128x16xf32, #tpu.memory_space<vmem>>) target(%dma_start3A_745 : memref<1040x16xf32, #tpu.memory_space<vmem_shared>>) offsets(%dma_start3A_742 : memref<128xi32, #tpu.memory_space<vmem>>) semaphore(%run_scoped3A_739 : memref<!tpu.dma_semaphore, #tpu.memory_space<semaphore_mem>>) {add = true}
        %dma_wait3A_746 = arith.constant 0 : i32
        %dma_wait3A_747 = tpu.memref_slice %arg6[%run_scoped3A_733, %dma_wait3A_746] : memref<2x128xi32, #tpu.memory_space<vmem>> -> memref<1x128xi32, #tpu.memory_space<vmem>>
        %dma_wait3A_748 = tpu.memref_squeeze %dma_wait3A_747 : memref<1x128xi32, #tpu.memory_space<vmem>> -> memref<128xi32, #tpu.memory_space<vmem>>
        %dma_wait3A_749 = arith.constant 0 : i32
        %dma_wait3A_750 = arith.constant 0 : i32
        %dma_wait3A_751 = tpu.memref_slice %arg12[%dma_wait3A_749, %dma_wait3A_750] : memref<1040x16xf32, #tpu.memory_space<vmem_shared>> -> memref<1040x16xf32, #tpu.memory_space<vmem_shared>>
        tpu.wait_indirect_dma semaphore(%run_scoped3A_739 : memref<!tpu.dma_semaphore, #tpu.memory_space<semaphore_mem>>) src(%arg8 : memref<128x16xf32, #tpu.memory_space<vmem>>) dst(%dma_wait3A_751 : memref<1040x16xf32, #tpu.memory_space<vmem_shared>>)
        tpu.yield
      }) : () -> ()
      %gt3A_734 = arith.constant 26 : i32
      %gt3A_735 = arith.cmpi sgt, %select_n3A, %gt3A_734 : i32
      %convert_element_type3A_736 = arith.extui %gt3A_735 : i1 to i32
      %cond3A_737 = arith.constant 0 : i32
      %cond3A_738 = arith.cmpi ne, %convert_element_type3A_736, %cond3A_737 : i32
      scf.if %cond3A_738 {
        %add3A_739 = arith.constant 26 : i32
        %add3A_740 = arith.addi %select_n3A_8, %add3A_739 : i32
        %add3A_741 = arith.constant 3250 : i32
        %add3A_742 = arith.addi %mul3A_10, %add3A_741 : i32
        %dma_start3A_743 = arith.constant 0 : i32
        %dma_start3A_744 = arith.constant 0 : i32
        %dma_start3A_745 = tpu.memref_slice %arg6[%dma_start3A_743, %dma_start3A_744] : memref<2x128xi32, #tpu.memory_space<vmem>> -> memref<1x128xi32, #tpu.memory_space<vmem>>
        %dma_start3A_746 = tpu.memref_squeeze %dma_start3A_745 : memref<1x128xi32, #tpu.memory_space<vmem>> -> memref<128xi32, #tpu.memory_space<vmem>>
        %dma_start3A_747 = arith.constant 0 : i32
        %dma_start3A_748 = tpu.memref_slice %arg3[%add3A_740, %dma_start3A_747] : memref<800x128xi32, #tpu.memory_space<hbm>> -> memref<1x128xi32, #tpu.memory_space<hbm>>
        %dma_start3A_749 = tpu.memref_squeeze %dma_start3A_748 : memref<1x128xi32, #tpu.memory_space<hbm>> -> memref<128xi32, #tpu.memory_space<hbm>>
        %dma_start3A_750 = arith.constant 0 : i32
        %dma_start3A_751 = tpu.memref_slice %arg6[%dma_start3A_743, %dma_start3A_750] : memref<2x128xi32, #tpu.memory_space<vmem>> -> memref<1x128xi32, #tpu.memory_space<vmem>>
        %dma_start3A_752 = tpu.memref_squeeze %dma_start3A_751 : memref<1x128xi32, #tpu.memory_space<vmem>> -> memref<128xi32, #tpu.memory_space<vmem>>
        %dma_start3A_753 = arith.constant 0 : i32
        %dma_start3A_754 = tpu.memref_slice %arg3[%add3A_740, %dma_start3A_753] : memref<800x128xi32, #tpu.memory_space<hbm>> -> memref<1x128xi32, #tpu.memory_space<hbm>>
        %dma_start3A_755 = tpu.memref_squeeze %dma_start3A_754 : memref<1x128xi32, #tpu.memory_space<hbm>> -> memref<128xi32, #tpu.memory_space<hbm>>
        tpu.enqueue_dma source(%dma_start3A_755 : memref<128xi32, #tpu.memory_space<hbm>>) target(%dma_start3A_752 : memref<128xi32, #tpu.memory_space<vmem>>) target_semaphore(%arg13 : memref<!tpu.dma_semaphore, #tpu.memory_space<semaphore_mem>>)
        %dma_start3A_756 = arith.constant 0 : i32
        %dma_start3A_757 = arith.constant 0 : i32
        %dma_start3A_758 = arith.constant 0 : i32
        %dma_start3A_759 = tpu.memref_slice %arg7[%dma_start3A_756, %dma_start3A_757, %dma_start3A_758] : memref<2x128x128xf32, #tpu.memory_space<vmem>> -> memref<1x125x128xf32, #tpu.memory_space<vmem>>
        %dma_start3A_760 = tpu.memref_squeeze %dma_start3A_759 : memref<1x125x128xf32, #tpu.memory_space<vmem>> -> memref<125x128xf32, #tpu.memory_space<vmem>>
        %dma_start3A_761 = arith.constant 0 : i32
        %dma_start3A_762 = tpu.memref_slice %arg2[%add3A_742, %dma_start3A_761] : memref<100000x128xf32, #tpu.memory_space<hbm>> -> memref<125x128xf32, #tpu.memory_space<hbm>>
        %dma_start3A_763 = arith.constant 0 : i32
        %dma_start3A_764 = arith.constant 0 : i32
        %dma_start3A_765 = tpu.memref_slice %arg7[%dma_start3A_756, %dma_start3A_763, %dma_start3A_764] : memref<2x128x128xf32, #tpu.memory_space<vmem>> -> memref<1x125x128xf32, #tpu.memory_space<vmem>>
        %dma_start3A_766 = tpu.memref_squeeze %dma_start3A_765 : memref<1x125x128xf32, #tpu.memory_space<vmem>> -> memref<125x128xf32, #tpu.memory_space<vmem>>
        %dma_start3A_767 = arith.constant 0 : i32
        %dma_start3A_768 = tpu.memref_slice %arg2[%add3A_742, %dma_start3A_767] : memref<100000x128xf32, #tpu.memory_space<hbm>> -> memref<125x128xf32, #tpu.memory_space<hbm>>
        tpu.enqueue_dma source(%dma_start3A_768 : memref<125x128xf32, #tpu.memory_space<hbm>>) target(%dma_start3A_766 : memref<125x128xf32, #tpu.memory_space<vmem>>) target_semaphore(%arg15 : memref<!tpu.dma_semaphore, #tpu.memory_space<semaphore_mem>>)
      } else {
      }
    } else {
    }
    %gt3A_685 = arith.constant 25 : i32
    %gt3A_686 = arith.cmpi sgt, %select_n3A, %gt3A_685 : i32
    %convert_element_type3A_687 = arith.extui %gt3A_686 : i1 to i32
    %cond3A_688 = arith.constant 0 : i32
    %cond3A_689 = arith.cmpi ne, %convert_element_type3A_687, %cond3A_688 : i32
    scf.if %cond3A_689 {
      %add3A_703 = arith.constant 25 : i32
      %add3A_704 = arith.addi %select_n3A_8, %add3A_703 : i32
      %add3A_705 = arith.constant 3125 : i32
      %add3A_706 = arith.addi %mul3A_10, %add3A_705 : i32
      %dma_wait3A = arith.constant 1 : i32
      %dma_wait3A_707 = arith.constant 0 : i32
      %dma_wait3A_708 = tpu.memref_slice %arg6[%dma_wait3A, %dma_wait3A_707] : memref<2x128xi32, #tpu.memory_space<vmem>> -> memref<1x128xi32, #tpu.memory_space<vmem>>
      %dma_wait3A_709 = tpu.memref_squeeze %dma_wait3A_708 : memref<1x128xi32, #tpu.memory_space<vmem>> -> memref<128xi32, #tpu.memory_space<vmem>>
      %dma_wait3A_710 = arith.constant 0 : i32
      %dma_wait3A_711 = tpu.memref_slice %arg3[%add3A_704, %dma_wait3A_710] : memref<800x128xi32, #tpu.memory_space<hbm>> -> memref<1x128xi32, #tpu.memory_space<hbm>>
      %dma_wait3A_712 = tpu.memref_squeeze %dma_wait3A_711 : memref<1x128xi32, #tpu.memory_space<hbm>> -> memref<128xi32, #tpu.memory_space<hbm>>
      %dma_wait3A_713 = arith.constant 0 : i32
      %dma_wait3A_714 = tpu.memref_slice %arg6[%dma_wait3A, %dma_wait3A_713] : memref<2x128xi32, #tpu.memory_space<vmem>> -> memref<1x128xi32, #tpu.memory_space<vmem>>
      %dma_wait3A_715 = tpu.memref_squeeze %dma_wait3A_714 : memref<1x128xi32, #tpu.memory_space<vmem>> -> memref<128xi32, #tpu.memory_space<vmem>>
      %dma_wait3A_716 = arith.constant 0 : i32
      %dma_wait3A_717 = tpu.memref_slice %arg3[%add3A_704, %dma_wait3A_716] : memref<800x128xi32, #tpu.memory_space<hbm>> -> memref<1x128xi32, #tpu.memory_space<hbm>>
      %dma_wait3A_718 = tpu.memref_squeeze %dma_wait3A_717 : memref<1x128xi32, #tpu.memory_space<hbm>> -> memref<128xi32, #tpu.memory_space<hbm>>
      tpu.wait_dma2 semaphore(%arg14 : memref<!tpu.dma_semaphore, #tpu.memory_space<semaphore_mem>>) src(%dma_wait3A_718 : memref<128xi32, #tpu.memory_space<hbm>>) dst(%dma_wait3A_715 : memref<128xi32, #tpu.memory_space<vmem>>)
      %dma_wait3A_719 = arith.constant 1 : i32
      %dma_wait3A_720 = arith.constant 0 : i32
      %dma_wait3A_721 = arith.constant 0 : i32
      %dma_wait3A_722 = tpu.memref_slice %arg7[%dma_wait3A_719, %dma_wait3A_720, %dma_wait3A_721] : memref<2x128x128xf32, #tpu.memory_space<vmem>> -> memref<1x125x128xf32, #tpu.memory_space<vmem>>
      %dma_wait3A_723 = tpu.memref_squeeze %dma_wait3A_722 : memref<1x125x128xf32, #tpu.memory_space<vmem>> -> memref<125x128xf32, #tpu.memory_space<vmem>>
      %dma_wait3A_724 = arith.constant 0 : i32
      %dma_wait3A_725 = tpu.memref_slice %arg2[%add3A_706, %dma_wait3A_724] : memref<100000x128xf32, #tpu.memory_space<hbm>> -> memref<125x128xf32, #tpu.memory_space<hbm>>
      %dma_wait3A_726 = arith.constant 0 : i32
      %dma_wait3A_727 = arith.constant 0 : i32
      %dma_wait3A_728 = tpu.memref_slice %arg7[%dma_wait3A_719, %dma_wait3A_726, %dma_wait3A_727] : memref<2x128x128xf32, #tpu.memory_space<vmem>> -> memref<1x125x128xf32, #tpu.memory_space<vmem>>
      %dma_wait3A_729 = tpu.memref_squeeze %dma_wait3A_728 : memref<1x125x128xf32, #tpu.memory_space<vmem>> -> memref<125x128xf32, #tpu.memory_space<vmem>>
      %dma_wait3A_730 = arith.constant 0 : i32
      %dma_wait3A_731 = tpu.memref_slice %arg2[%add3A_706, %dma_wait3A_730] : memref<100000x128xf32, #tpu.memory_space<hbm>> -> memref<125x128xf32, #tpu.memory_space<hbm>>
      tpu.wait_dma2 semaphore(%arg16 : memref<!tpu.dma_semaphore, #tpu.memory_space<semaphore_mem>>) src(%dma_wait3A_731 : memref<125x128xf32, #tpu.memory_space<hbm>>) dst(%dma_wait3A_729 : memref<125x128xf32, #tpu.memory_space<vmem>>)
      %run_scoped3A = arith.constant 1 : i32
      %run_scoped3A_732 = arith.constant 1 : i32
      "tpu.region"() ({
        %run_scoped3A_739 = tpu.sem_alloc : memref<!tpu.dma_semaphore, #tpu.memory_space<semaphore_mem>>
        %dma_start3A_740 = arith.constant 0 : i32
        %dma_start3A_741 = arith.constant 0 : i32
        %dma_start3A_742 = tpu.memref_slice %arg7[%run_scoped3A, %dma_start3A_740, %dma_start3A_741] : memref<2x128x128xf32, #tpu.memory_space<vmem>> -> memref<1x128x128xf32, #tpu.memory_space<vmem>>
        %dma_start3A_743 = tpu.memref_squeeze %dma_start3A_742 : memref<1x128x128xf32, #tpu.memory_space<vmem>> -> memref<128x128xf32, #tpu.memory_space<vmem>>
        %dma_start3A_744 = arith.constant 0 : i32
        %dma_start3A_745 = tpu.memref_slice %arg6[%run_scoped3A_732, %dma_start3A_744] : memref<2x128xi32, #tpu.memory_space<vmem>> -> memref<1x128xi32, #tpu.memory_space<vmem>>
        %dma_start3A_746 = tpu.memref_squeeze %dma_start3A_745 : memref<1x128xi32, #tpu.memory_space<vmem>> -> memref<128xi32, #tpu.memory_space<vmem>>
        %dma_start3A_747 = arith.constant 0 : i32
        %dma_start3A_748 = arith.constant 0 : i32
        %dma_start3A_749 = tpu.memref_slice %arg11[%dma_start3A_747, %dma_start3A_748] : memref<1040x128xf32, #tpu.memory_space<vmem_shared>> -> memref<1040x128xf32, #tpu.memory_space<vmem_shared>>
        tpu.enqueue_indirect_dma source(%dma_start3A_743 : memref<128x128xf32, #tpu.memory_space<vmem>>) target(%dma_start3A_749 : memref<1040x128xf32, #tpu.memory_space<vmem_shared>>) offsets(%dma_start3A_746 : memref<128xi32, #tpu.memory_space<vmem>>) semaphore(%run_scoped3A_739 : memref<!tpu.dma_semaphore, #tpu.memory_space<semaphore_mem>>) {add = true}
        %dma_wait3A_750 = arith.constant 0 : i32
        %dma_wait3A_751 = arith.constant 0 : i32
        %dma_wait3A_752 = tpu.memref_slice %arg7[%run_scoped3A, %dma_wait3A_750, %dma_wait3A_751] : memref<2x128x128xf32, #tpu.memory_space<vmem>> -> memref<1x128x128xf32, #tpu.memory_space<vmem>>
        %dma_wait3A_753 = tpu.memref_squeeze %dma_wait3A_752 : memref<1x128x128xf32, #tpu.memory_space<vmem>> -> memref<128x128xf32, #tpu.memory_space<vmem>>
        %dma_wait3A_754 = arith.constant 0 : i32
        %dma_wait3A_755 = tpu.memref_slice %arg6[%run_scoped3A_732, %dma_wait3A_754] : memref<2x128xi32, #tpu.memory_space<vmem>> -> memref<1x128xi32, #tpu.memory_space<vmem>>
        %dma_wait3A_756 = tpu.memref_squeeze %dma_wait3A_755 : memref<1x128xi32, #tpu.memory_space<vmem>> -> memref<128xi32, #tpu.memory_space<vmem>>
        %dma_wait3A_757 = arith.constant 0 : i32
        %dma_wait3A_758 = arith.constant 0 : i32
        %dma_wait3A_759 = tpu.memref_slice %arg11[%dma_wait3A_757, %dma_wait3A_758] : memref<1040x128xf32, #tpu.memory_space<vmem_shared>> -> memref<1040x128xf32, #tpu.memory_space<vmem_shared>>
        tpu.wait_indirect_dma semaphore(%run_scoped3A_739 : memref<!tpu.dma_semaphore, #tpu.memory_space<semaphore_mem>>) src(%dma_wait3A_753 : memref<128x128xf32, #tpu.memory_space<vmem>>) dst(%dma_wait3A_759 : memref<1040x128xf32, #tpu.memory_space<vmem_shared>>)
        tpu.yield
      }) : () -> ()
      %run_scoped3A_733 = arith.constant 1 : i32
      "tpu.region"() ({
        %run_scoped3A_739 = tpu.sem_alloc : memref<!tpu.dma_semaphore, #tpu.memory_space<semaphore_mem>>
        %dma_start3A_740 = arith.constant 0 : i32
        %dma_start3A_741 = tpu.memref_slice %arg6[%run_scoped3A_733, %dma_start3A_740] : memref<2x128xi32, #tpu.memory_space<vmem>> -> memref<1x128xi32, #tpu.memory_space<vmem>>
        %dma_start3A_742 = tpu.memref_squeeze %dma_start3A_741 : memref<1x128xi32, #tpu.memory_space<vmem>> -> memref<128xi32, #tpu.memory_space<vmem>>
        %dma_start3A_743 = arith.constant 0 : i32
        %dma_start3A_744 = arith.constant 0 : i32
        %dma_start3A_745 = tpu.memref_slice %arg12[%dma_start3A_743, %dma_start3A_744] : memref<1040x16xf32, #tpu.memory_space<vmem_shared>> -> memref<1040x16xf32, #tpu.memory_space<vmem_shared>>
        tpu.enqueue_indirect_dma source(%arg8 : memref<128x16xf32, #tpu.memory_space<vmem>>) target(%dma_start3A_745 : memref<1040x16xf32, #tpu.memory_space<vmem_shared>>) offsets(%dma_start3A_742 : memref<128xi32, #tpu.memory_space<vmem>>) semaphore(%run_scoped3A_739 : memref<!tpu.dma_semaphore, #tpu.memory_space<semaphore_mem>>) {add = true}
        %dma_wait3A_746 = arith.constant 0 : i32
        %dma_wait3A_747 = tpu.memref_slice %arg6[%run_scoped3A_733, %dma_wait3A_746] : memref<2x128xi32, #tpu.memory_space<vmem>> -> memref<1x128xi32, #tpu.memory_space<vmem>>
        %dma_wait3A_748 = tpu.memref_squeeze %dma_wait3A_747 : memref<1x128xi32, #tpu.memory_space<vmem>> -> memref<128xi32, #tpu.memory_space<vmem>>
        %dma_wait3A_749 = arith.constant 0 : i32
        %dma_wait3A_750 = arith.constant 0 : i32
        %dma_wait3A_751 = tpu.memref_slice %arg12[%dma_wait3A_749, %dma_wait3A_750] : memref<1040x16xf32, #tpu.memory_space<vmem_shared>> -> memref<1040x16xf32, #tpu.memory_space<vmem_shared>>
        tpu.wait_indirect_dma semaphore(%run_scoped3A_739 : memref<!tpu.dma_semaphore, #tpu.memory_space<semaphore_mem>>) src(%arg8 : memref<128x16xf32, #tpu.memory_space<vmem>>) dst(%dma_wait3A_751 : memref<1040x16xf32, #tpu.memory_space<vmem_shared>>)
        tpu.yield
      }) : () -> ()
      %gt3A_734 = arith.constant 27 : i32
      %gt3A_735 = arith.cmpi sgt, %select_n3A, %gt3A_734 : i32
      %convert_element_type3A_736 = arith.extui %gt3A_735 : i1 to i32
      %cond3A_737 = arith.constant 0 : i32
      %cond3A_738 = arith.cmpi ne, %convert_element_type3A_736, %cond3A_737 : i32
      scf.if %cond3A_738 {
        %add3A_739 = arith.constant 27 : i32
        %add3A_740 = arith.addi %select_n3A_8, %add3A_739 : i32
        %add3A_741 = arith.constant 3375 : i32
        %add3A_742 = arith.addi %mul3A_10, %add3A_741 : i32
        %dma_start3A_743 = arith.constant 1 : i32
        %dma_start3A_744 = arith.constant 0 : i32
        %dma_start3A_745 = tpu.memref_slice %arg6[%dma_start3A_743, %dma_start3A_744] : memref<2x128xi32, #tpu.memory_space<vmem>> -> memref<1x128xi32, #tpu.memory_space<vmem>>
        %dma_start3A_746 = tpu.memref_squeeze %dma_start3A_745 : memref<1x128xi32, #tpu.memory_space<vmem>> -> memref<128xi32, #tpu.memory_space<vmem>>
        %dma_start3A_747 = arith.constant 0 : i32
        %dma_start3A_748 = tpu.memref_slice %arg3[%add3A_740, %dma_start3A_747] : memref<800x128xi32, #tpu.memory_space<hbm>> -> memref<1x128xi32, #tpu.memory_space<hbm>>
        %dma_start3A_749 = tpu.memref_squeeze %dma_start3A_748 : memref<1x128xi32, #tpu.memory_space<hbm>> -> memref<128xi32, #tpu.memory_space<hbm>>
        %dma_start3A_750 = arith.constant 0 : i32
        %dma_start3A_751 = tpu.memref_slice %arg6[%dma_start3A_743, %dma_start3A_750] : memref<2x128xi32, #tpu.memory_space<vmem>> -> memref<1x128xi32, #tpu.memory_space<vmem>>
        %dma_start3A_752 = tpu.memref_squeeze %dma_start3A_751 : memref<1x128xi32, #tpu.memory_space<vmem>> -> memref<128xi32, #tpu.memory_space<vmem>>
        %dma_start3A_753 = arith.constant 0 : i32
        %dma_start3A_754 = tpu.memref_slice %arg3[%add3A_740, %dma_start3A_753] : memref<800x128xi32, #tpu.memory_space<hbm>> -> memref<1x128xi32, #tpu.memory_space<hbm>>
        %dma_start3A_755 = tpu.memref_squeeze %dma_start3A_754 : memref<1x128xi32, #tpu.memory_space<hbm>> -> memref<128xi32, #tpu.memory_space<hbm>>
        tpu.enqueue_dma source(%dma_start3A_755 : memref<128xi32, #tpu.memory_space<hbm>>) target(%dma_start3A_752 : memref<128xi32, #tpu.memory_space<vmem>>) target_semaphore(%arg14 : memref<!tpu.dma_semaphore, #tpu.memory_space<semaphore_mem>>)
        %dma_start3A_756 = arith.constant 1 : i32
        %dma_start3A_757 = arith.constant 0 : i32
        %dma_start3A_758 = arith.constant 0 : i32
        %dma_start3A_759 = tpu.memref_slice %arg7[%dma_start3A_756, %dma_start3A_757, %dma_start3A_758] : memref<2x128x128xf32, #tpu.memory_space<vmem>> -> memref<1x125x128xf32, #tpu.memory_space<vmem>>
        %dma_start3A_760 = tpu.memref_squeeze %dma_start3A_759 : memref<1x125x128xf32, #tpu.memory_space<vmem>> -> memref<125x128xf32, #tpu.memory_space<vmem>>
        %dma_start3A_761 = arith.constant 0 : i32
        %dma_start3A_762 = tpu.memref_slice %arg2[%add3A_742, %dma_start3A_761] : memref<100000x128xf32, #tpu.memory_space<hbm>> -> memref<125x128xf32, #tpu.memory_space<hbm>>
        %dma_start3A_763 = arith.constant 0 : i32
        %dma_start3A_764 = arith.constant 0 : i32
        %dma_start3A_765 = tpu.memref_slice %arg7[%dma_start3A_756, %dma_start3A_763, %dma_start3A_764] : memref<2x128x128xf32, #tpu.memory_space<vmem>> -> memref<1x125x128xf32, #tpu.memory_space<vmem>>
        %dma_start3A_766 = tpu.memref_squeeze %dma_start3A_765 : memref<1x125x128xf32, #tpu.memory_space<vmem>> -> memref<125x128xf32, #tpu.memory_space<vmem>>
        %dma_start3A_767 = arith.constant 0 : i32
        %dma_start3A_768 = tpu.memref_slice %arg2[%add3A_742, %dma_start3A_767] : memref<100000x128xf32, #tpu.memory_space<hbm>> -> memref<125x128xf32, #tpu.memory_space<hbm>>
        tpu.enqueue_dma source(%dma_start3A_768 : memref<125x128xf32, #tpu.memory_space<hbm>>) target(%dma_start3A_766 : memref<125x128xf32, #tpu.memory_space<vmem>>) target_semaphore(%arg16 : memref<!tpu.dma_semaphore, #tpu.memory_space<semaphore_mem>>)
      } else {
      }
    } else {
    }
    %gt3A_690 = arith.constant 26 : i32
    %gt3A_691 = arith.cmpi sgt, %select_n3A, %gt3A_690 : i32
    %convert_element_type3A_692 = arith.extui %gt3A_691 : i1 to i32
    %cond3A_693 = arith.constant 0 : i32
    %cond3A_694 = arith.cmpi ne, %convert_element_type3A_692, %cond3A_693 : i32
    scf.if %cond3A_694 {
      %add3A_703 = arith.constant 26 : i32
      %add3A_704 = arith.addi %select_n3A_8, %add3A_703 : i32
      %add3A_705 = arith.constant 3250 : i32
      %add3A_706 = arith.addi %mul3A_10, %add3A_705 : i32
      %dma_wait3A = arith.constant 0 : i32
      %dma_wait3A_707 = arith.constant 0 : i32
      %dma_wait3A_708 = tpu.memref_slice %arg6[%dma_wait3A, %dma_wait3A_707] : memref<2x128xi32, #tpu.memory_space<vmem>> -> memref<1x128xi32, #tpu.memory_space<vmem>>
      %dma_wait3A_709 = tpu.memref_squeeze %dma_wait3A_708 : memref<1x128xi32, #tpu.memory_space<vmem>> -> memref<128xi32, #tpu.memory_space<vmem>>
      %dma_wait3A_710 = arith.constant 0 : i32
      %dma_wait3A_711 = tpu.memref_slice %arg3[%add3A_704, %dma_wait3A_710] : memref<800x128xi32, #tpu.memory_space<hbm>> -> memref<1x128xi32, #tpu.memory_space<hbm>>
      %dma_wait3A_712 = tpu.memref_squeeze %dma_wait3A_711 : memref<1x128xi32, #tpu.memory_space<hbm>> -> memref<128xi32, #tpu.memory_space<hbm>>
      %dma_wait3A_713 = arith.constant 0 : i32
      %dma_wait3A_714 = tpu.memref_slice %arg6[%dma_wait3A, %dma_wait3A_713] : memref<2x128xi32, #tpu.memory_space<vmem>> -> memref<1x128xi32, #tpu.memory_space<vmem>>
      %dma_wait3A_715 = tpu.memref_squeeze %dma_wait3A_714 : memref<1x128xi32, #tpu.memory_space<vmem>> -> memref<128xi32, #tpu.memory_space<vmem>>
      %dma_wait3A_716 = arith.constant 0 : i32
      %dma_wait3A_717 = tpu.memref_slice %arg3[%add3A_704, %dma_wait3A_716] : memref<800x128xi32, #tpu.memory_space<hbm>> -> memref<1x128xi32, #tpu.memory_space<hbm>>
      %dma_wait3A_718 = tpu.memref_squeeze %dma_wait3A_717 : memref<1x128xi32, #tpu.memory_space<hbm>> -> memref<128xi32, #tpu.memory_space<hbm>>
      tpu.wait_dma2 semaphore(%arg13 : memref<!tpu.dma_semaphore, #tpu.memory_space<semaphore_mem>>) src(%dma_wait3A_718 : memref<128xi32, #tpu.memory_space<hbm>>) dst(%dma_wait3A_715 : memref<128xi32, #tpu.memory_space<vmem>>)
      %dma_wait3A_719 = arith.constant 0 : i32
      %dma_wait3A_720 = arith.constant 0 : i32
      %dma_wait3A_721 = arith.constant 0 : i32
      %dma_wait3A_722 = tpu.memref_slice %arg7[%dma_wait3A_719, %dma_wait3A_720, %dma_wait3A_721] : memref<2x128x128xf32, #tpu.memory_space<vmem>> -> memref<1x125x128xf32, #tpu.memory_space<vmem>>
      %dma_wait3A_723 = tpu.memref_squeeze %dma_wait3A_722 : memref<1x125x128xf32, #tpu.memory_space<vmem>> -> memref<125x128xf32, #tpu.memory_space<vmem>>
      %dma_wait3A_724 = arith.constant 0 : i32
      %dma_wait3A_725 = tpu.memref_slice %arg2[%add3A_706, %dma_wait3A_724] : memref<100000x128xf32, #tpu.memory_space<hbm>> -> memref<125x128xf32, #tpu.memory_space<hbm>>
      %dma_wait3A_726 = arith.constant 0 : i32
      %dma_wait3A_727 = arith.constant 0 : i32
      %dma_wait3A_728 = tpu.memref_slice %arg7[%dma_wait3A_719, %dma_wait3A_726, %dma_wait3A_727] : memref<2x128x128xf32, #tpu.memory_space<vmem>> -> memref<1x125x128xf32, #tpu.memory_space<vmem>>
      %dma_wait3A_729 = tpu.memref_squeeze %dma_wait3A_728 : memref<1x125x128xf32, #tpu.memory_space<vmem>> -> memref<125x128xf32, #tpu.memory_space<vmem>>
      %dma_wait3A_730 = arith.constant 0 : i32
      %dma_wait3A_731 = tpu.memref_slice %arg2[%add3A_706, %dma_wait3A_730] : memref<100000x128xf32, #tpu.memory_space<hbm>> -> memref<125x128xf32, #tpu.memory_space<hbm>>
      tpu.wait_dma2 semaphore(%arg15 : memref<!tpu.dma_semaphore, #tpu.memory_space<semaphore_mem>>) src(%dma_wait3A_731 : memref<125x128xf32, #tpu.memory_space<hbm>>) dst(%dma_wait3A_729 : memref<125x128xf32, #tpu.memory_space<vmem>>)
      %run_scoped3A = arith.constant 0 : i32
      %run_scoped3A_732 = arith.constant 0 : i32
      "tpu.region"() ({
        %run_scoped3A_739 = tpu.sem_alloc : memref<!tpu.dma_semaphore, #tpu.memory_space<semaphore_mem>>
        %dma_start3A_740 = arith.constant 0 : i32
        %dma_start3A_741 = arith.constant 0 : i32
        %dma_start3A_742 = tpu.memref_slice %arg7[%run_scoped3A, %dma_start3A_740, %dma_start3A_741] : memref<2x128x128xf32, #tpu.memory_space<vmem>> -> memref<1x128x128xf32, #tpu.memory_space<vmem>>
        %dma_start3A_743 = tpu.memref_squeeze %dma_start3A_742 : memref<1x128x128xf32, #tpu.memory_space<vmem>> -> memref<128x128xf32, #tpu.memory_space<vmem>>
        %dma_start3A_744 = arith.constant 0 : i32
        %dma_start3A_745 = tpu.memref_slice %arg6[%run_scoped3A_732, %dma_start3A_744] : memref<2x128xi32, #tpu.memory_space<vmem>> -> memref<1x128xi32, #tpu.memory_space<vmem>>
        %dma_start3A_746 = tpu.memref_squeeze %dma_start3A_745 : memref<1x128xi32, #tpu.memory_space<vmem>> -> memref<128xi32, #tpu.memory_space<vmem>>
        %dma_start3A_747 = arith.constant 0 : i32
        %dma_start3A_748 = arith.constant 0 : i32
        %dma_start3A_749 = tpu.memref_slice %arg11[%dma_start3A_747, %dma_start3A_748] : memref<1040x128xf32, #tpu.memory_space<vmem_shared>> -> memref<1040x128xf32, #tpu.memory_space<vmem_shared>>
        tpu.enqueue_indirect_dma source(%dma_start3A_743 : memref<128x128xf32, #tpu.memory_space<vmem>>) target(%dma_start3A_749 : memref<1040x128xf32, #tpu.memory_space<vmem_shared>>) offsets(%dma_start3A_746 : memref<128xi32, #tpu.memory_space<vmem>>) semaphore(%run_scoped3A_739 : memref<!tpu.dma_semaphore, #tpu.memory_space<semaphore_mem>>) {add = true}
        %dma_wait3A_750 = arith.constant 0 : i32
        %dma_wait3A_751 = arith.constant 0 : i32
        %dma_wait3A_752 = tpu.memref_slice %arg7[%run_scoped3A, %dma_wait3A_750, %dma_wait3A_751] : memref<2x128x128xf32, #tpu.memory_space<vmem>> -> memref<1x128x128xf32, #tpu.memory_space<vmem>>
        %dma_wait3A_753 = tpu.memref_squeeze %dma_wait3A_752 : memref<1x128x128xf32, #tpu.memory_space<vmem>> -> memref<128x128xf32, #tpu.memory_space<vmem>>
        %dma_wait3A_754 = arith.constant 0 : i32
        %dma_wait3A_755 = tpu.memref_slice %arg6[%run_scoped3A_732, %dma_wait3A_754] : memref<2x128xi32, #tpu.memory_space<vmem>> -> memref<1x128xi32, #tpu.memory_space<vmem>>
        %dma_wait3A_756 = tpu.memref_squeeze %dma_wait3A_755 : memref<1x128xi32, #tpu.memory_space<vmem>> -> memref<128xi32, #tpu.memory_space<vmem>>
        %dma_wait3A_757 = arith.constant 0 : i32
        %dma_wait3A_758 = arith.constant 0 : i32
        %dma_wait3A_759 = tpu.memref_slice %arg11[%dma_wait3A_757, %dma_wait3A_758] : memref<1040x128xf32, #tpu.memory_space<vmem_shared>> -> memref<1040x128xf32, #tpu.memory_space<vmem_shared>>
        tpu.wait_indirect_dma semaphore(%run_scoped3A_739 : memref<!tpu.dma_semaphore, #tpu.memory_space<semaphore_mem>>) src(%dma_wait3A_753 : memref<128x128xf32, #tpu.memory_space<vmem>>) dst(%dma_wait3A_759 : memref<1040x128xf32, #tpu.memory_space<vmem_shared>>)
        tpu.yield
      }) : () -> ()
      %run_scoped3A_733 = arith.constant 0 : i32
      "tpu.region"() ({
        %run_scoped3A_739 = tpu.sem_alloc : memref<!tpu.dma_semaphore, #tpu.memory_space<semaphore_mem>>
        %dma_start3A_740 = arith.constant 0 : i32
        %dma_start3A_741 = tpu.memref_slice %arg6[%run_scoped3A_733, %dma_start3A_740] : memref<2x128xi32, #tpu.memory_space<vmem>> -> memref<1x128xi32, #tpu.memory_space<vmem>>
        %dma_start3A_742 = tpu.memref_squeeze %dma_start3A_741 : memref<1x128xi32, #tpu.memory_space<vmem>> -> memref<128xi32, #tpu.memory_space<vmem>>
        %dma_start3A_743 = arith.constant 0 : i32
        %dma_start3A_744 = arith.constant 0 : i32
        %dma_start3A_745 = tpu.memref_slice %arg12[%dma_start3A_743, %dma_start3A_744] : memref<1040x16xf32, #tpu.memory_space<vmem_shared>> -> memref<1040x16xf32, #tpu.memory_space<vmem_shared>>
        tpu.enqueue_indirect_dma source(%arg8 : memref<128x16xf32, #tpu.memory_space<vmem>>) target(%dma_start3A_745 : memref<1040x16xf32, #tpu.memory_space<vmem_shared>>) offsets(%dma_start3A_742 : memref<128xi32, #tpu.memory_space<vmem>>) semaphore(%run_scoped3A_739 : memref<!tpu.dma_semaphore, #tpu.memory_space<semaphore_mem>>) {add = true}
        %dma_wait3A_746 = arith.constant 0 : i32
        %dma_wait3A_747 = tpu.memref_slice %arg6[%run_scoped3A_733, %dma_wait3A_746] : memref<2x128xi32, #tpu.memory_space<vmem>> -> memref<1x128xi32, #tpu.memory_space<vmem>>
        %dma_wait3A_748 = tpu.memref_squeeze %dma_wait3A_747 : memref<1x128xi32, #tpu.memory_space<vmem>> -> memref<128xi32, #tpu.memory_space<vmem>>
        %dma_wait3A_749 = arith.constant 0 : i32
        %dma_wait3A_750 = arith.constant 0 : i32
        %dma_wait3A_751 = tpu.memref_slice %arg12[%dma_wait3A_749, %dma_wait3A_750] : memref<1040x16xf32, #tpu.memory_space<vmem_shared>> -> memref<1040x16xf32, #tpu.memory_space<vmem_shared>>
        tpu.wait_indirect_dma semaphore(%run_scoped3A_739 : memref<!tpu.dma_semaphore, #tpu.memory_space<semaphore_mem>>) src(%arg8 : memref<128x16xf32, #tpu.memory_space<vmem>>) dst(%dma_wait3A_751 : memref<1040x16xf32, #tpu.memory_space<vmem_shared>>)
        tpu.yield
      }) : () -> ()
      %gt3A_734 = arith.constant 28 : i32
      %gt3A_735 = arith.cmpi sgt, %select_n3A, %gt3A_734 : i32
      %convert_element_type3A_736 = arith.extui %gt3A_735 : i1 to i32
      %cond3A_737 = arith.constant 0 : i32
      %cond3A_738 = arith.cmpi ne, %convert_element_type3A_736, %cond3A_737 : i32
      scf.if %cond3A_738 {
        %add3A_739 = arith.constant 28 : i32
        %add3A_740 = arith.addi %select_n3A_8, %add3A_739 : i32
        %add3A_741 = arith.constant 3500 : i32
        %add3A_742 = arith.addi %mul3A_10, %add3A_741 : i32
        %dma_start3A_743 = arith.constant 0 : i32
        %dma_start3A_744 = arith.constant 0 : i32
        %dma_start3A_745 = tpu.memref_slice %arg6[%dma_start3A_743, %dma_start3A_744] : memref<2x128xi32, #tpu.memory_space<vmem>> -> memref<1x128xi32, #tpu.memory_space<vmem>>
        %dma_start3A_746 = tpu.memref_squeeze %dma_start3A_745 : memref<1x128xi32, #tpu.memory_space<vmem>> -> memref<128xi32, #tpu.memory_space<vmem>>
        %dma_start3A_747 = arith.constant 0 : i32
        %dma_start3A_748 = tpu.memref_slice %arg3[%add3A_740, %dma_start3A_747] : memref<800x128xi32, #tpu.memory_space<hbm>> -> memref<1x128xi32, #tpu.memory_space<hbm>>
        %dma_start3A_749 = tpu.memref_squeeze %dma_start3A_748 : memref<1x128xi32, #tpu.memory_space<hbm>> -> memref<128xi32, #tpu.memory_space<hbm>>
        %dma_start3A_750 = arith.constant 0 : i32
        %dma_start3A_751 = tpu.memref_slice %arg6[%dma_start3A_743, %dma_start3A_750] : memref<2x128xi32, #tpu.memory_space<vmem>> -> memref<1x128xi32, #tpu.memory_space<vmem>>
        %dma_start3A_752 = tpu.memref_squeeze %dma_start3A_751 : memref<1x128xi32, #tpu.memory_space<vmem>> -> memref<128xi32, #tpu.memory_space<vmem>>
        %dma_start3A_753 = arith.constant 0 : i32
        %dma_start3A_754 = tpu.memref_slice %arg3[%add3A_740, %dma_start3A_753] : memref<800x128xi32, #tpu.memory_space<hbm>> -> memref<1x128xi32, #tpu.memory_space<hbm>>
        %dma_start3A_755 = tpu.memref_squeeze %dma_start3A_754 : memref<1x128xi32, #tpu.memory_space<hbm>> -> memref<128xi32, #tpu.memory_space<hbm>>
        tpu.enqueue_dma source(%dma_start3A_755 : memref<128xi32, #tpu.memory_space<hbm>>) target(%dma_start3A_752 : memref<128xi32, #tpu.memory_space<vmem>>) target_semaphore(%arg13 : memref<!tpu.dma_semaphore, #tpu.memory_space<semaphore_mem>>)
        %dma_start3A_756 = arith.constant 0 : i32
        %dma_start3A_757 = arith.constant 0 : i32
        %dma_start3A_758 = arith.constant 0 : i32
        %dma_start3A_759 = tpu.memref_slice %arg7[%dma_start3A_756, %dma_start3A_757, %dma_start3A_758] : memref<2x128x128xf32, #tpu.memory_space<vmem>> -> memref<1x125x128xf32, #tpu.memory_space<vmem>>
        %dma_start3A_760 = tpu.memref_squeeze %dma_start3A_759 : memref<1x125x128xf32, #tpu.memory_space<vmem>> -> memref<125x128xf32, #tpu.memory_space<vmem>>
        %dma_start3A_761 = arith.constant 0 : i32
        %dma_start3A_762 = tpu.memref_slice %arg2[%add3A_742, %dma_start3A_761] : memref<100000x128xf32, #tpu.memory_space<hbm>> -> memref<125x128xf32, #tpu.memory_space<hbm>>
        %dma_start3A_763 = arith.constant 0 : i32
        %dma_start3A_764 = arith.constant 0 : i32
        %dma_start3A_765 = tpu.memref_slice %arg7[%dma_start3A_756, %dma_start3A_763, %dma_start3A_764] : memref<2x128x128xf32, #tpu.memory_space<vmem>> -> memref<1x125x128xf32, #tpu.memory_space<vmem>>
        %dma_start3A_766 = tpu.memref_squeeze %dma_start3A_765 : memref<1x125x128xf32, #tpu.memory_space<vmem>> -> memref<125x128xf32, #tpu.memory_space<vmem>>
        %dma_start3A_767 = arith.constant 0 : i32
        %dma_start3A_768 = tpu.memref_slice %arg2[%add3A_742, %dma_start3A_767] : memref<100000x128xf32, #tpu.memory_space<hbm>> -> memref<125x128xf32, #tpu.memory_space<hbm>>
        tpu.enqueue_dma source(%dma_start3A_768 : memref<125x128xf32, #tpu.memory_space<hbm>>) target(%dma_start3A_766 : memref<125x128xf32, #tpu.memory_space<vmem>>) target_semaphore(%arg15 : memref<!tpu.dma_semaphore, #tpu.memory_space<semaphore_mem>>)
      } else {
      }
    } else {
    }
    %gt3A_695 = arith.constant 27 : i32
    %gt3A_696 = arith.cmpi sgt, %select_n3A, %gt3A_695 : i32
    %convert_element_type3A_697 = arith.extui %gt3A_696 : i1 to i32
    %cond3A_698 = arith.constant 0 : i32
    %cond3A_699 = arith.cmpi ne, %convert_element_type3A_697, %cond3A_698 : i32
    scf.if %cond3A_699 {
      %add3A_703 = arith.constant 27 : i32
      %add3A_704 = arith.addi %select_n3A_8, %add3A_703 : i32
      %add3A_705 = arith.constant 3375 : i32
      %add3A_706 = arith.addi %mul3A_10, %add3A_705 : i32
      %dma_wait3A = arith.constant 1 : i32
      %dma_wait3A_707 = arith.constant 0 : i32
      %dma_wait3A_708 = tpu.memref_slice %arg6[%dma_wait3A, %dma_wait3A_707] : memref<2x128xi32, #tpu.memory_space<vmem>> -> memref<1x128xi32, #tpu.memory_space<vmem>>
      %dma_wait3A_709 = tpu.memref_squeeze %dma_wait3A_708 : memref<1x128xi32, #tpu.memory_space<vmem>> -> memref<128xi32, #tpu.memory_space<vmem>>
      %dma_wait3A_710 = arith.constant 0 : i32
      %dma_wait3A_711 = tpu.memref_slice %arg3[%add3A_704, %dma_wait3A_710] : memref<800x128xi32, #tpu.memory_space<hbm>> -> memref<1x128xi32, #tpu.memory_space<hbm>>
      %dma_wait3A_712 = tpu.memref_squeeze %dma_wait3A_711 : memref<1x128xi32, #tpu.memory_space<hbm>> -> memref<128xi32, #tpu.memory_space<hbm>>
      %dma_wait3A_713 = arith.constant 0 : i32
      %dma_wait3A_714 = tpu.memref_slice %arg6[%dma_wait3A, %dma_wait3A_713] : memref<2x128xi32, #tpu.memory_space<vmem>> -> memref<1x128xi32, #tpu.memory_space<vmem>>
      %dma_wait3A_715 = tpu.memref_squeeze %dma_wait3A_714 : memref<1x128xi32, #tpu.memory_space<vmem>> -> memref<128xi32, #tpu.memory_space<vmem>>
      %dma_wait3A_716 = arith.constant 0 : i32
      %dma_wait3A_717 = tpu.memref_slice %arg3[%add3A_704, %dma_wait3A_716] : memref<800x128xi32, #tpu.memory_space<hbm>> -> memref<1x128xi32, #tpu.memory_space<hbm>>
      %dma_wait3A_718 = tpu.memref_squeeze %dma_wait3A_717 : memref<1x128xi32, #tpu.memory_space<hbm>> -> memref<128xi32, #tpu.memory_space<hbm>>
      tpu.wait_dma2 semaphore(%arg14 : memref<!tpu.dma_semaphore, #tpu.memory_space<semaphore_mem>>) src(%dma_wait3A_718 : memref<128xi32, #tpu.memory_space<hbm>>) dst(%dma_wait3A_715 : memref<128xi32, #tpu.memory_space<vmem>>)
      %dma_wait3A_719 = arith.constant 1 : i32
      %dma_wait3A_720 = arith.constant 0 : i32
      %dma_wait3A_721 = arith.constant 0 : i32
      %dma_wait3A_722 = tpu.memref_slice %arg7[%dma_wait3A_719, %dma_wait3A_720, %dma_wait3A_721] : memref<2x128x128xf32, #tpu.memory_space<vmem>> -> memref<1x125x128xf32, #tpu.memory_space<vmem>>
      %dma_wait3A_723 = tpu.memref_squeeze %dma_wait3A_722 : memref<1x125x128xf32, #tpu.memory_space<vmem>> -> memref<125x128xf32, #tpu.memory_space<vmem>>
      %dma_wait3A_724 = arith.constant 0 : i32
      %dma_wait3A_725 = tpu.memref_slice %arg2[%add3A_706, %dma_wait3A_724] : memref<100000x128xf32, #tpu.memory_space<hbm>> -> memref<125x128xf32, #tpu.memory_space<hbm>>
      %dma_wait3A_726 = arith.constant 0 : i32
      %dma_wait3A_727 = arith.constant 0 : i32
      %dma_wait3A_728 = tpu.memref_slice %arg7[%dma_wait3A_719, %dma_wait3A_726, %dma_wait3A_727] : memref<2x128x128xf32, #tpu.memory_space<vmem>> -> memref<1x125x128xf32, #tpu.memory_space<vmem>>
      %dma_wait3A_729 = tpu.memref_squeeze %dma_wait3A_728 : memref<1x125x128xf32, #tpu.memory_space<vmem>> -> memref<125x128xf32, #tpu.memory_space<vmem>>
      %dma_wait3A_730 = arith.constant 0 : i32
      %dma_wait3A_731 = tpu.memref_slice %arg2[%add3A_706, %dma_wait3A_730] : memref<100000x128xf32, #tpu.memory_space<hbm>> -> memref<125x128xf32, #tpu.memory_space<hbm>>
      tpu.wait_dma2 semaphore(%arg16 : memref<!tpu.dma_semaphore, #tpu.memory_space<semaphore_mem>>) src(%dma_wait3A_731 : memref<125x128xf32, #tpu.memory_space<hbm>>) dst(%dma_wait3A_729 : memref<125x128xf32, #tpu.memory_space<vmem>>)
      %run_scoped3A = arith.constant 1 : i32
      %run_scoped3A_732 = arith.constant 1 : i32
      "tpu.region"() ({
        %run_scoped3A_739 = tpu.sem_alloc : memref<!tpu.dma_semaphore, #tpu.memory_space<semaphore_mem>>
        %dma_start3A_740 = arith.constant 0 : i32
        %dma_start3A_741 = arith.constant 0 : i32
        %dma_start3A_742 = tpu.memref_slice %arg7[%run_scoped3A, %dma_start3A_740, %dma_start3A_741] : memref<2x128x128xf32, #tpu.memory_space<vmem>> -> memref<1x128x128xf32, #tpu.memory_space<vmem>>
        %dma_start3A_743 = tpu.memref_squeeze %dma_start3A_742 : memref<1x128x128xf32, #tpu.memory_space<vmem>> -> memref<128x128xf32, #tpu.memory_space<vmem>>
        %dma_start3A_744 = arith.constant 0 : i32
        %dma_start3A_745 = tpu.memref_slice %arg6[%run_scoped3A_732, %dma_start3A_744] : memref<2x128xi32, #tpu.memory_space<vmem>> -> memref<1x128xi32, #tpu.memory_space<vmem>>
        %dma_start3A_746 = tpu.memref_squeeze %dma_start3A_745 : memref<1x128xi32, #tpu.memory_space<vmem>> -> memref<128xi32, #tpu.memory_space<vmem>>
        %dma_start3A_747 = arith.constant 0 : i32
        %dma_start3A_748 = arith.constant 0 : i32
        %dma_start3A_749 = tpu.memref_slice %arg11[%dma_start3A_747, %dma_start3A_748] : memref<1040x128xf32, #tpu.memory_space<vmem_shared>> -> memref<1040x128xf32, #tpu.memory_space<vmem_shared>>
        tpu.enqueue_indirect_dma source(%dma_start3A_743 : memref<128x128xf32, #tpu.memory_space<vmem>>) target(%dma_start3A_749 : memref<1040x128xf32, #tpu.memory_space<vmem_shared>>) offsets(%dma_start3A_746 : memref<128xi32, #tpu.memory_space<vmem>>) semaphore(%run_scoped3A_739 : memref<!tpu.dma_semaphore, #tpu.memory_space<semaphore_mem>>) {add = true}
        %dma_wait3A_750 = arith.constant 0 : i32
        %dma_wait3A_751 = arith.constant 0 : i32
        %dma_wait3A_752 = tpu.memref_slice %arg7[%run_scoped3A, %dma_wait3A_750, %dma_wait3A_751] : memref<2x128x128xf32, #tpu.memory_space<vmem>> -> memref<1x128x128xf32, #tpu.memory_space<vmem>>
        %dma_wait3A_753 = tpu.memref_squeeze %dma_wait3A_752 : memref<1x128x128xf32, #tpu.memory_space<vmem>> -> memref<128x128xf32, #tpu.memory_space<vmem>>
        %dma_wait3A_754 = arith.constant 0 : i32
        %dma_wait3A_755 = tpu.memref_slice %arg6[%run_scoped3A_732, %dma_wait3A_754] : memref<2x128xi32, #tpu.memory_space<vmem>> -> memref<1x128xi32, #tpu.memory_space<vmem>>
        %dma_wait3A_756 = tpu.memref_squeeze %dma_wait3A_755 : memref<1x128xi32, #tpu.memory_space<vmem>> -> memref<128xi32, #tpu.memory_space<vmem>>
        %dma_wait3A_757 = arith.constant 0 : i32
        %dma_wait3A_758 = arith.constant 0 : i32
        %dma_wait3A_759 = tpu.memref_slice %arg11[%dma_wait3A_757, %dma_wait3A_758] : memref<1040x128xf32, #tpu.memory_space<vmem_shared>> -> memref<1040x128xf32, #tpu.memory_space<vmem_shared>>
        tpu.wait_indirect_dma semaphore(%run_scoped3A_739 : memref<!tpu.dma_semaphore, #tpu.memory_space<semaphore_mem>>) src(%dma_wait3A_753 : memref<128x128xf32, #tpu.memory_space<vmem>>) dst(%dma_wait3A_759 : memref<1040x128xf32, #tpu.memory_space<vmem_shared>>)
        tpu.yield
      }) : () -> ()
      %run_scoped3A_733 = arith.constant 1 : i32
      "tpu.region"() ({
        %run_scoped3A_739 = tpu.sem_alloc : memref<!tpu.dma_semaphore, #tpu.memory_space<semaphore_mem>>
        %dma_start3A_740 = arith.constant 0 : i32
        %dma_start3A_741 = tpu.memref_slice %arg6[%run_scoped3A_733, %dma_start3A_740] : memref<2x128xi32, #tpu.memory_space<vmem>> -> memref<1x128xi32, #tpu.memory_space<vmem>>
        %dma_start3A_742 = tpu.memref_squeeze %dma_start3A_741 : memref<1x128xi32, #tpu.memory_space<vmem>> -> memref<128xi32, #tpu.memory_space<vmem>>
        %dma_start3A_743 = arith.constant 0 : i32
        %dma_start3A_744 = arith.constant 0 : i32
        %dma_start3A_745 = tpu.memref_slice %arg12[%dma_start3A_743, %dma_start3A_744] : memref<1040x16xf32, #tpu.memory_space<vmem_shared>> -> memref<1040x16xf32, #tpu.memory_space<vmem_shared>>
        tpu.enqueue_indirect_dma source(%arg8 : memref<128x16xf32, #tpu.memory_space<vmem>>) target(%dma_start3A_745 : memref<1040x16xf32, #tpu.memory_space<vmem_shared>>) offsets(%dma_start3A_742 : memref<128xi32, #tpu.memory_space<vmem>>) semaphore(%run_scoped3A_739 : memref<!tpu.dma_semaphore, #tpu.memory_space<semaphore_mem>>) {add = true}
        %dma_wait3A_746 = arith.constant 0 : i32
        %dma_wait3A_747 = tpu.memref_slice %arg6[%run_scoped3A_733, %dma_wait3A_746] : memref<2x128xi32, #tpu.memory_space<vmem>> -> memref<1x128xi32, #tpu.memory_space<vmem>>
        %dma_wait3A_748 = tpu.memref_squeeze %dma_wait3A_747 : memref<1x128xi32, #tpu.memory_space<vmem>> -> memref<128xi32, #tpu.memory_space<vmem>>
        %dma_wait3A_749 = arith.constant 0 : i32
        %dma_wait3A_750 = arith.constant 0 : i32
        %dma_wait3A_751 = tpu.memref_slice %arg12[%dma_wait3A_749, %dma_wait3A_750] : memref<1040x16xf32, #tpu.memory_space<vmem_shared>> -> memref<1040x16xf32, #tpu.memory_space<vmem_shared>>
        tpu.wait_indirect_dma semaphore(%run_scoped3A_739 : memref<!tpu.dma_semaphore, #tpu.memory_space<semaphore_mem>>) src(%arg8 : memref<128x16xf32, #tpu.memory_space<vmem>>) dst(%dma_wait3A_751 : memref<1040x16xf32, #tpu.memory_space<vmem_shared>>)
        tpu.yield
      }) : () -> ()
      %gt3A_734 = arith.constant 29 : i32
      %gt3A_735 = arith.cmpi sgt, %select_n3A, %gt3A_734 : i32
      %convert_element_type3A_736 = arith.extui %gt3A_735 : i1 to i32
      %cond3A_737 = arith.constant 0 : i32
      %cond3A_738 = arith.cmpi ne, %convert_element_type3A_736, %cond3A_737 : i32
      scf.if %cond3A_738 {
        %add3A_739 = arith.constant 29 : i32
        %add3A_740 = arith.addi %select_n3A_8, %add3A_739 : i32
        %add3A_741 = arith.constant 3625 : i32
        %add3A_742 = arith.addi %mul3A_10, %add3A_741 : i32
        %dma_start3A_743 = arith.constant 1 : i32
        %dma_start3A_744 = arith.constant 0 : i32
        %dma_start3A_745 = tpu.memref_slice %arg6[%dma_start3A_743, %dma_start3A_744] : memref<2x128xi32, #tpu.memory_space<vmem>> -> memref<1x128xi32, #tpu.memory_space<vmem>>
        %dma_start3A_746 = tpu.memref_squeeze %dma_start3A_745 : memref<1x128xi32, #tpu.memory_space<vmem>> -> memref<128xi32, #tpu.memory_space<vmem>>
        %dma_start3A_747 = arith.constant 0 : i32
        %dma_start3A_748 = tpu.memref_slice %arg3[%add3A_740, %dma_start3A_747] : memref<800x128xi32, #tpu.memory_space<hbm>> -> memref<1x128xi32, #tpu.memory_space<hbm>>
        %dma_start3A_749 = tpu.memref_squeeze %dma_start3A_748 : memref<1x128xi32, #tpu.memory_space<hbm>> -> memref<128xi32, #tpu.memory_space<hbm>>
        %dma_start3A_750 = arith.constant 0 : i32
        %dma_start3A_751 = tpu.memref_slice %arg6[%dma_start3A_743, %dma_start3A_750] : memref<2x128xi32, #tpu.memory_space<vmem>> -> memref<1x128xi32, #tpu.memory_space<vmem>>
        %dma_start3A_752 = tpu.memref_squeeze %dma_start3A_751 : memref<1x128xi32, #tpu.memory_space<vmem>> -> memref<128xi32, #tpu.memory_space<vmem>>
        %dma_start3A_753 = arith.constant 0 : i32
        %dma_start3A_754 = tpu.memref_slice %arg3[%add3A_740, %dma_start3A_753] : memref<800x128xi32, #tpu.memory_space<hbm>> -> memref<1x128xi32, #tpu.memory_space<hbm>>
        %dma_start3A_755 = tpu.memref_squeeze %dma_start3A_754 : memref<1x128xi32, #tpu.memory_space<hbm>> -> memref<128xi32, #tpu.memory_space<hbm>>
        tpu.enqueue_dma source(%dma_start3A_755 : memref<128xi32, #tpu.memory_space<hbm>>) target(%dma_start3A_752 : memref<128xi32, #tpu.memory_space<vmem>>) target_semaphore(%arg14 : memref<!tpu.dma_semaphore, #tpu.memory_space<semaphore_mem>>)
        %dma_start3A_756 = arith.constant 1 : i32
        %dma_start3A_757 = arith.constant 0 : i32
        %dma_start3A_758 = arith.constant 0 : i32
        %dma_start3A_759 = tpu.memref_slice %arg7[%dma_start3A_756, %dma_start3A_757, %dma_start3A_758] : memref<2x128x128xf32, #tpu.memory_space<vmem>> -> memref<1x125x128xf32, #tpu.memory_space<vmem>>
        %dma_start3A_760 = tpu.memref_squeeze %dma_start3A_759 : memref<1x125x128xf32, #tpu.memory_space<vmem>> -> memref<125x128xf32, #tpu.memory_space<vmem>>
        %dma_start3A_761 = arith.constant 0 : i32
        %dma_start3A_762 = tpu.memref_slice %arg2[%add3A_742, %dma_start3A_761] : memref<100000x128xf32, #tpu.memory_space<hbm>> -> memref<125x128xf32, #tpu.memory_space<hbm>>
        %dma_start3A_763 = arith.constant 0 : i32
        %dma_start3A_764 = arith.constant 0 : i32
        %dma_start3A_765 = tpu.memref_slice %arg7[%dma_start3A_756, %dma_start3A_763, %dma_start3A_764] : memref<2x128x128xf32, #tpu.memory_space<vmem>> -> memref<1x125x128xf32, #tpu.memory_space<vmem>>
        %dma_start3A_766 = tpu.memref_squeeze %dma_start3A_765 : memref<1x125x128xf32, #tpu.memory_space<vmem>> -> memref<125x128xf32, #tpu.memory_space<vmem>>
        %dma_start3A_767 = arith.constant 0 : i32
        %dma_start3A_768 = tpu.memref_slice %arg2[%add3A_742, %dma_start3A_767] : memref<100000x128xf32, #tpu.memory_space<hbm>> -> memref<125x128xf32, #tpu.memory_space<hbm>>
        tpu.enqueue_dma source(%dma_start3A_768 : memref<125x128xf32, #tpu.memory_space<hbm>>) target(%dma_start3A_766 : memref<125x128xf32, #tpu.memory_space<vmem>>) target_semaphore(%arg16 : memref<!tpu.dma_semaphore, #tpu.memory_space<semaphore_mem>>)
      } else {
      }
    } else {
    }
    %barrier3A_700 = arith.constant 0 : index
    tpu.barrier barrier_id(%barrier3A_700)
    %mul3A_701 = arith.constant 64 : i32
    %mul3A_702 = arith.muli %arg1, %mul3A_701 : i32
    "tpu.region"() ({
      %run_scoped3A = tpu.sem_alloc : memref<!tpu.dma_semaphore, #tpu.memory_space<semaphore_mem>>
      %dma_start3A_703 = arith.constant 0 : i32
      %dma_start3A_704 = tpu.memref_slice %arg4[%arg0, %mul3A_702, %dma_start3A_703] : memref<2x1024x128xf32, #tpu.memory_space<hbm>> -> memref<1x64x128xf32, #tpu.memory_space<hbm>>
      %dma_start3A_705 = tpu.memref_squeeze %dma_start3A_704 : memref<1x64x128xf32, #tpu.memory_space<hbm>> -> memref<64x128xf32, #tpu.memory_space<hbm>>
      %dma_start3A_706 = arith.constant 0 : i32
      %dma_start3A_707 = tpu.memref_slice %arg11[%mul3A_702, %dma_start3A_706] : memref<1040x128xf32, #tpu.memory_space<vmem_shared>> -> memref<64x128xf32, #tpu.memory_space<vmem_shared>>
      tpu.enqueue_dma source(%dma_start3A_707 : memref<64x128xf32, #tpu.memory_space<vmem_shared>>) target(%dma_start3A_705 : memref<64x128xf32, #tpu.memory_space<hbm>>) target_semaphore(%run_scoped3A : memref<!tpu.dma_semaphore, #tpu.memory_space<semaphore_mem>>)
      %dma_wait3A = arith.constant 0 : i32
      %dma_wait3A_708 = tpu.memref_slice %arg4[%arg0, %mul3A_702, %dma_wait3A] : memref<2x1024x128xf32, #tpu.memory_space<hbm>> -> memref<1x64x128xf32, #tpu.memory_space<hbm>>
      %dma_wait3A_709 = tpu.memref_squeeze %dma_wait3A_708 : memref<1x64x128xf32, #tpu.memory_space<hbm>> -> memref<64x128xf32, #tpu.memory_space<hbm>>
      %dma_wait3A_710 = arith.constant 0 : i32
      %dma_wait3A_711 = tpu.memref_slice %arg11[%mul3A_702, %dma_wait3A_710] : memref<1040x128xf32, #tpu.memory_space<vmem_shared>> -> memref<64x128xf32, #tpu.memory_space<vmem_shared>>
      tpu.wait_dma2 semaphore(%run_scoped3A : memref<!tpu.dma_semaphore, #tpu.memory_space<semaphore_mem>>) src(%dma_wait3A_711 : memref<64x128xf32, #tpu.memory_space<vmem_shared>>) dst(%dma_wait3A_709 : memref<64x128xf32, #tpu.memory_space<hbm>>)
      tpu.yield
    }) : () -> ()
    "tpu.region"() ({
      %run_scoped3A = tpu.sem_alloc : memref<!tpu.dma_semaphore, #tpu.memory_space<semaphore_mem>>
      %dma_start3A_703 = arith.constant 0 : i32
      %dma_start3A_704 = tpu.memref_slice %arg5[%arg0, %mul3A_702, %dma_start3A_703] : memref<2x1024x16xf32, #tpu.memory_space<hbm>> -> memref<1x64x16xf32, #tpu.memory_space<hbm>>
      %dma_start3A_705 = tpu.memref_squeeze %dma_start3A_704 : memref<1x64x16xf32, #tpu.memory_space<hbm>> -> memref<64x16xf32, #tpu.memory_space<hbm>>
      %dma_start3A_706 = arith.constant 0 : i32
      %dma_start3A_707 = tpu.memref_slice %arg12[%mul3A_702, %dma_start3A_706] : memref<1040x16xf32, #tpu.memory_space<vmem_shared>> -> memref<64x16xf32, #tpu.memory_space<vmem_shared>>
      tpu.enqueue_dma source(%dma_start3A_707 : memref<64x16xf32, #tpu.memory_space<vmem_shared>>) target(%dma_start3A_705 : memref<64x16xf32, #tpu.memory_space<hbm>>) target_semaphore(%run_scoped3A : memref<!tpu.dma_semaphore, #tpu.memory_space<semaphore_mem>>)
      %dma_wait3A = arith.constant 0 : i32
      %dma_wait3A_708 = tpu.memref_slice %arg5[%arg0, %mul3A_702, %dma_wait3A] : memref<2x1024x16xf32, #tpu.memory_space<hbm>> -> memref<1x64x16xf32, #tpu.memory_space<hbm>>
      %dma_wait3A_709 = tpu.memref_squeeze %dma_wait3A_708 : memref<1x64x16xf32, #tpu.memory_space<hbm>> -> memref<64x16xf32, #tpu.memory_space<hbm>>
      %dma_wait3A_710 = arith.constant 0 : i32
      %dma_wait3A_711 = tpu.memref_slice %arg12[%mul3A_702, %dma_wait3A_710] : memref<1040x16xf32, #tpu.memory_space<vmem_shared>> -> memref<64x16xf32, #tpu.memory_space<vmem_shared>>
      tpu.wait_dma2 semaphore(%run_scoped3A : memref<!tpu.dma_semaphore, #tpu.memory_space<semaphore_mem>>) src(%dma_wait3A_711 : memref<64x16xf32, #tpu.memory_space<vmem_shared>>) dst(%dma_wait3A_709 : memref<64x16xf32, #tpu.memory_space<hbm>>)
      tpu.yield
    }) : () -> ()
    return
  }
}

module attributes {stable_mosaic.version = 14 : i64} {
  func.func @body(%arg0: memref<2x1024x128xf32, #tpu.memory_space<vmem>>, %arg1: memref<2x1024x16xf32, #tpu.memory_space<vmem>>, %arg2: memref<10x128xf32, #tpu.memory_space<vmem>>, %arg3: memref<1x10xf32, #tpu.memory_space<vmem>>, %arg4: memref<1024x10xf32, #tpu.memory_space<vmem>>) attributes {dimension_semantics = [], scalar_prefetch = 0 : i64, scratch_operands = 0 : i64, tpu.core_type = #tpu.core_type<tc>} {
    %get3A = arith.constant 0 : index
    %get3A_0 = arith.constant 0 : index
    %get3A_1 = arith.constant 0 : index
    %get3A_2 = vector.load %arg0[%get3A, %get3A_0, %get3A_1] : memref<2x1024x128xf32, #tpu.memory_space<vmem>>, vector<1x1024x128xf32>
    %get3A_3 = vector.shape_cast %get3A_2 : vector<1x1024x128xf32> to vector<1024x128xf32>
    %get3A_4 = arith.constant 1 : index
    %get3A_5 = arith.constant 0 : index
    %get3A_6 = arith.constant 0 : index
    %get3A_7 = vector.load %arg0[%get3A_4, %get3A_5, %get3A_6] : memref<2x1024x128xf32, #tpu.memory_space<vmem>>, vector<1x1024x128xf32>
    %get3A_8 = vector.shape_cast %get3A_7 : vector<1x1024x128xf32> to vector<1024x128xf32>
    %add3A = arith.addf %get3A_3, %get3A_8 : vector<1024x128xf32>
    %get3A_9 = arith.constant 0 : index
    %get3A_10 = arith.constant 0 : index
    %get3A_11 = arith.constant 0 : index
    %get3A_12 = vector.load %arg1[%get3A_9, %get3A_10, %get3A_11] : memref<2x1024x16xf32, #tpu.memory_space<vmem>>, vector<1x1024x16xf32>
    %get3A_13 = vector.shape_cast %get3A_12 : vector<1x1024x16xf32> to vector<1024x16xf32>
    %get3A_14 = arith.constant 1 : index
    %get3A_15 = arith.constant 0 : index
    %get3A_16 = arith.constant 0 : index
    %get3A_17 = vector.load %arg1[%get3A_14, %get3A_15, %get3A_16] : memref<2x1024x16xf32, #tpu.memory_space<vmem>>, vector<1x1024x16xf32>
    %get3A_18 = vector.shape_cast %get3A_17 : vector<1x1024x16xf32> to vector<1024x16xf32>
    %add3A_19 = arith.addf %get3A_13, %get3A_18 : vector<1024x16xf32>
    %slice3A = vector.extract_strided_slice %add3A_19 {offsets = [0, 0], sizes = [1024, 1], strides = [1, 1]} : vector<1024x16xf32> to vector<1024x1xf32>
    %max3A = arith.constant 1.000000e+00 : f32
    %max3A_20 = vector.broadcast %max3A : f32 to vector<1024x1xf32>
    %max3A_21 = arith.maximumf %slice3A, %max3A_20 : vector<1024x1xf32>
    %div3A = vector.broadcast %max3A_21 : vector<1024x1xf32> to vector<1024x128xf32>
    %div3A_22 = arith.divf %add3A, %div3A : vector<1024x128xf32>
    %get3A_23 = arith.constant 0 : index
    %get3A_24 = arith.constant 0 : index
    %get3A_25 = vector.load %arg2[%get3A_23, %get3A_24] : memref<10x128xf32, #tpu.memory_space<vmem>>, vector<10x128xf32>
    %dot_general3A = arith.constant dense<0.000000e+00> : vector<1024x10xf32>
    %dot_general3A_26 = tpu.matmul %div3A_22, %get3A_25, %dot_general3A {dimension_numbers = #tpu.dot_dimension_numbers<[1], [1], [0], [0], [0, 0, 1, 0], [], []>, transpose_lhs_hint = false} : vector<1024x128xf32>, vector<10x128xf32>, vector<1024x10xf32> -> vector<1024x10xf32>
    %get3A_27 = arith.constant 0 : index
    %get3A_28 = arith.constant 0 : index
    %get3A_29 = vector.load %arg3[%get3A_27, %get3A_28] : memref<1x10xf32, #tpu.memory_space<vmem>>, vector<1x10xf32>
    %add3A_30 = vector.broadcast %get3A_29 : vector<1x10xf32> to vector<1024x10xf32>
    %add3A_31 = arith.addf %dot_general3A_26, %add3A_30 : vector<1024x10xf32>
    %swap3A = arith.constant 0 : index
    %swap3A_32 = arith.constant 0 : index
    %swap3A_33 = vector.load %arg4[%swap3A, %swap3A_32] : memref<1024x10xf32, #tpu.memory_space<vmem>>, vector<1024x10xf32>
    tpu.vector_store %arg4[%swap3A, %swap3A_32], %add3A_31 {strides = array<i32>} : memref<1024x10xf32, #tpu.memory_space<vmem>>, vector<1024x10xf32>,
    return
  }
}

</mosaic_0001>

<sc_bundles>
// kernel: kernel.4.cloned.1.call-start
scs
__scs_entry_jumppad:
0x0: {  	(pc) =	sbr.rel $0x88, $3  }
0x1: {  	(tag) =	ssettag $0x0;
	lr =	simm.s32 $0x1  }
0x2: {  	[smem:$0x3F9D] =	sst lr;
	_ =	strace $0xD0000000  }
0x3: {  	_ = 	snop  }
0x4: {  	_ = 	snop  }
0x5: {  	_ = 	snop  }
0x6: {  	_ = 	snop  }
0x7: {  	_ = 	snop  }
__scs_overlays_trampoline_lowered:
0x8: {  	[smem:$0x3FAC] =	sst s0  }
0x9: {  	[smem:$0x3FAD] =	sst s1  }
0xa: {  	[smem:$0x3FAE] =	sst s2  }
0xb: {  	[smem:$0x3FAF] =	sst s3  }
0xc: {  	[smem:$0x3FB0] =	sst s4  }
0xd: {  	[smem:$0x3FB1] =	sst s5  }
0xe: {  	[smem:$0x3FB2] =	sst s6  }
0xf: {  	[smem:$0x3FB3] =	sst s7  }
0x10: {  	[smem:$0x3FB4] =	sst s8  }
0x11: {  	[smem:$0x3FB5] =	sst s9;
	s0 =	simm.s32 @!p0 $0x0  }
0x12: {  	s1 =	sld [smem:$0x3F9B];
	s0 =	simm.s32 @p0 $0x1  }
0x13: {  	[smem:$0x3FB6] =	sst s0;
	s0 =	simm.s32 @!p1 $0x0  }
0x14: {  	s2 =	sld [smem:$0x3F9A];
	s0 =	simm.s32 @p1 $0x1  }
0x15: {  	[smem:$0x3FB7] =	sst s0;
	s0 =	simm.s32 @!p2 $0x0  }
0x16: {  	s3 =	sld [smem:$0x3FDB];
	s0 =	simm.s32 @p2 $0x1  }
0x17: {  	s4 =	simm.s32 $0x1BF5;
	[smem:$0x3FB9] =	sst s0  }
0x18: {  	s0 =	sld [smem:$0x3F9C];
	_ =	swait.ge [sflag:s4], $0x0  }
0x19: {  	s7 =	sld [smem:$0x3F9D]  }
0x1a: {  	s8 =	sadd.s32 $0xFFFFE003, lr  }
0x1b: {  	s9 =	sadd.s32 $0xFFFFFEF7, lr;
	s5 =	simm.s32 $0xFFFFFFFF;
	p2 =	slt.u32 s8, $0xFFFFF086  }
0x1c: {  	p1 =	slt.u32 s9, $0xF7A;
	s5 =	simm.s32 @!p2 $0x0  }
0x1d: {  	s5 =	simm.s32 @p1 $0x1;
	p0 =	seq.s32 s7, s2  }
0x1e: {  	s7 =	smul.u32 @!p0 $0xF7A, s2;
	p2 =	seq.s32 @!p0 s5, $0x0  }
0x1f: {  	s9 =	smul.u32 $0xF7A, s1;
	s8 =	simm.s32 @!p0 $0x1BF5;
	p2 =	por !p2, p0  }
0x20: {  	[sflag:s8] =	ssyncset.s32 @!p0 $0xFFFFF086;
	s6 =	sadd.s32 @!p0 s3, s7;
	s7 =	simm.s32 @!p0 $0x108  }
0x21: {  	s3 =	sadd.s32 s3, s9;
	s6 =	sadd.s32 @!p0 $0x88, s6;
	s7 =	simm.s32 @p2 $0x1082  }
0x22: {  	[simem:s7], [sflag:s8] =	dma.local @!p0 [hbm:s6], $0xF7A  }
0x23: {  	s9 =	sor.u32 $0xD0000000, s2;
	s6 =	simm.s32 $0x108;
	_ =	swait.ge @!p0 [sflag:s8], $0x0  }
0x24: {  	s3 =	sadd.s32 $0x88, s3;
	s6 =	simm.s32 @!p1 $0x1082;
	[sflag:s4] =	ssyncset.s32 $0xFFFFF086  }
0x25: {  	[simem:s6], [sflag:s4] =	dma.local [hbm:s3], $0xF7A  }
0x26: {  	[smem:$0x3F9D] =	sst s1;
	(tag) =	ssettag s2;
	_ =	strace s9  }
0x27: {  	s1 =	sld [smem:$0x3FAD]  }
0x28: {  	s2 =	sld [smem:$0x3FAE]  }
0x29: {  	s4 =	sld [smem:$0x3FB0]  }
0x2a: {  	p0 =	seq.s32 s5, $0x0;
	s5 =	sld [smem:$0x3FB1]  }
0x2b: {  	s6 =	sld [smem:$0x3FB2]  }
0x2c: {  	s7 =	sld [smem:$0x3FB3]  }
0x2d: {  	s3 =	simm.s32 $0x108;
	s8 =	sld [smem:$0x3FB4]  }
0x2e: {  	s3 =	simm.s32 @!p0 $0x1082;
	s9 =	sld [smem:$0x3FB5]  }
0x2f: {  	lr =	sadd.s32 s0, s3;
	s0 =	sld [smem:$0x3FAC]  }
0x30: {  	s3 =	sld [smem:$0x3FAF]  }
0x31: {  	[smem:$0x3FB8] =	sst s10  }
0x32: {  	s10 =	sld [smem:$0x3FB6];
	_ =	sdelay $0x3  }
0x33: {  	p0 =	seq.s32 s10, $0x1;
	s10 =	sld [smem:$0x3FB8];
	_ =	sdelay $0x3  }
0x34: {  	[smem:$0x3FB8] =	sst s10  }
0x35: {  	s10 =	sld [smem:$0x3FB7];
	_ =	sdelay $0x3  }
0x36: {  	p1 =	seq.s32 s10, $0x1;
	s10 =	sld [smem:$0x3FB8];
	_ =	sdelay $0x3  }
0x37: {  	[smem:$0x3FB8] =	sst s10  }
0x38: {  	s10 =	sld [smem:$0x3FB9]  }
0x39: {  	_ = 	snop;
	(pc) =	sbr.ind lr, $3  }
0x3a: {  	_ = 	snop  }
0x3b: {  	_ = 	snop  }
0x3c: {  	p2 =	seq.s32 s10, $0x1;
	s10 =	sld [smem:$0x3FB8]  }
0x3d: {  	_ =	shalt  }
0x3e: {  	_ =	shalt  }
0x3f: {  	_ =	shalt  }
0x40: {  	_ =	shalt  }
0x41: {  	_ =	shalt  }
0x42: {  	_ =	shalt  }
0x43: {  	_ =	shalt  }
0x44: {  	_ =	shalt  }
0x45: {  	_ =	shalt  }
0x46: {  	_ =	shalt  }
0x47: {  	_ =	shalt  }
0x48: {  	_ =	shalt  }
0x49: {  	_ =	shalt  }
0x4a: {  	_ =	shalt  }
0x4b: {  	_ =	shalt  }
0x4c: {  	_ =	shalt  }
0x4d: {  	_ =	shalt  }
0x4e: {  	_ =	shalt  }
0x4f: {  	_ =	shalt  }
0x50: {  	_ =	shalt  }
0x51: {  	_ =	shalt  }
0x52: {  	_ =	shalt  }
0x53: {  	_ =	shalt  }
0x54: {  	_ =	shalt  }
0x55: {  	_ =	shalt  }
0x56: {  	_ =	shalt  }
0x57: {  	_ =	shalt  }
0x58: {  	_ =	shalt  }
0x59: {  	_ =	shalt  }
0x5a: {  	_ =	shalt  }
0x5b: {  	_ =	shalt  }
0x5c: {  	_ =	shalt  }
0x5d: {  	_ =	shalt  }
0x5e: {  	_ =	shalt  }
0x5f: {  	_ =	shalt  }
0x60: {  	_ =	shalt  }
0x61: {  	_ =	shalt  }
0x62: {  	_ =	shalt  }
0x63: {  	_ =	shalt  }
0x64: {  	_ =	shalt  }
0x65: {  	_ =	shalt  }
0x66: {  	_ =	shalt  }
0x67: {  	_ =	shalt  }
0x68: {  	_ =	shalt  }
0x69: {  	_ =	shalt  }
0x6a: {  	_ =	shalt  }
0x6b: {  	_ =	shalt  }
0x6c: {  	_ =	shalt  }
0x6d: {  	_ =	shalt  }
0x6e: {  	_ =	shalt  }
0x6f: {  	_ =	shalt  }
0x70: {  	_ =	shalt  }
0x71: {  	_ =	shalt  }
0x72: {  	_ =	shalt  }
0x73: {  	_ =	shalt  }
0x74: {  	_ =	shalt  }
0x75: {  	_ =	shalt  }
0x76: {  	_ =	shalt  }
0x77: {  	_ =	shalt  }
0x78: {  	_ =	shalt  }
0x79: {  	_ =	shalt  }
0x7a: {  	_ =	shalt  }
0x7b: {  	_ =	shalt  }
0x7c: {  	_ =	shalt  }
0x7d: {  	_ =	shalt  }
0x7e: {  	_ =	shalt  }
0x7f: {  	_ =	shalt  }
0x80: {  	_ =	shalt  }
0x81: {  	_ =	shalt  }
0x82: {  	_ =	shalt  }
0x83: {  	_ =	shalt  }
0x84: {  	_ =	shalt  }
0x85: {  	_ =	shalt  }
0x86: {  	_ =	shalt  }
0x87: {  	_ =	shalt  }
.Lfunc_end0:
.L_simem_size_0:
called_computation_lowered:
.L_overlay_start_0:
0x88: {  	s2 =	sld [smem:$0x3FD9]  }
0x89: {  	s3 =	sld [smem:$0x3FFE];
	_ =	sdelay $0x1  }
0x8a: {  	s1 =	srdreg.scid  }
0x8b: {  	s0 =	sand.u32 $0x1, s1  }
0x8c: {  	s17 =	sshll.u32 s0, $0xA;
	s2 =	sadd.s32 s3, s2  }
0x8d: {  	s2 =	sadd.s32 s2, s17  }
0x8e: {  	[smem:$0x3FC4] =	sst s2  }
0x8f: {  	_ = 	snop  }
0x90: {  	s2 =	sld [smem:$0x3FC9];
	(tm) =	ssettm $0x1  }
0x91: {  	s18 =	sld [smem:$0x3FFB];
	_ =	sdelay $0x3  }
0x92: {  	_ =	strace s18  }
0x93: {  	s3 =	sld [smem:$0x3FFC];
	_ =	sdelay $0x3  }
0x94: {  	_ =	strace s3  }
0x95: {  	s3 =	sld [smem:$0x3FFD];
	_ =	sdelay $0x3  }
0x96: {  	_ =	strace s3  }
0x97: {  	_ =	strace $0x8FFFFFFF  }
0x98: {  	s19 =	sld [smem:$0x3FDB];
	_ =	sdelay $0x1  }
0x99: {  	s4 =	simm.s32 $_scs_section_size  }
0x9a: {  	s5 =	simm.s32 $_size__tile_overlayer_lowered;
	s6 =	simm.s32 $_tile_overlayer_lowered  }
0x9b: {  	s22 =	simm.s32 $0x1BFF;
	s21 =	sshll.u32 s6, $0x1;
	s3 =	sadd.s32 s4, s19  }
0x9c: {  	s7 =	simm.s32 $0x0;
	s20 =	sshll.u32 s5, $0x1;
	s5 =	sadd.s32 s21, s3  }
0x9d: {  	[timem:s7], [sflag:s22] =	dma.local [hbm:s5], s20  }
0x9e: {  	_ =	swait.ge [sflag:s22], s20  }
0x9f: {  	s4 =	ssub.s32 $0x0, s20;
	[sflag:s22] =	ssyncset.done $0x0  }
0xa0: {  	[sflag:s22] =	ssyncadd.s32 s4;
	_ =	sdelay $0x1  }
0xa1: {  	s23 =	simm.s32 $0x1B8B  }
0xa2: {  	_ =	swait.ge [sflag:s23], $0x1  }
0xa3: {  	[sflag:s23] =	ssyncset.done $0x0  }
0xa4: {  	s25 =	simm.s32 $0x1B8E;
	s24 =	sld [smem:$0x3FFE];
	[sflag:s23] =	ssyncadd.s32 $0xFFFFFFFF  }
0xa5: {  	s26 =	simm.s32 $execute0_lowered;
	[smem:$0x3FD2] =	sst s25  }
0xa6: {  	s5 =	sshll.u32 s26, $0x1;
	_ =	strace $0x80000046;
	[dreg:$0x1] =	wrdreg $0xFFFFFFFF  }
0xa7: {  	s28 =	simm.s32 $_size_execute0_lowered;
	s3 =	sadd.s32 s3, s5;
	[dreg:$0x0] =	wrdreg $0x0  }
0xa8: {  	s5 =	sshll.u32 s28, $0x1;
	[dreg:$0x2] =	wrdreg s3  }
0xa9: {  	[dreg:$0x3] =	wrdreg s5  }
0xaa: {  	[dreg:$0x4] =	wrdreg $0xC0  }
0xab: {  	_ =	task [dreg:s7], $0x5FFFF  }
0xac: {  	[dreg:$0x1] =	wrdreg $0xFFFFFFFF  }
0xad: {  	[dreg:$0x0] =	wrdreg $0x60  }
0xae: {  	[dreg:$0x2] =	wrdreg s2  }
0xaf: {  	[dreg:$0x3] =	wrdreg s24  }
0xb0: {  	[dreg:$0x4] =	wrdreg $0xAD000  }
0xb1: {  	[dreg:$0x5] =	wrdreg $0xCD800  }
0xb2: {  	[dreg:$0x6] =	wrdreg $0x9  }
0xb3: {  	_ =	task.clear_ibuf [dreg:s7], $0x7FFFF;
	_ =	strace $0x90000046  }
0xb4: {  	s29 =	simm.s32 $0x9;
	_ =	strace $0x80000048  }
0xb5: {  	_ =	swait.ge [sflag:s29], $0x1  }
0xb6: {  	[sflag:s29] =	ssyncadd.s32 $0xFFFFFFFF  }
0xb7: {  	_ =	strace $0x90000048  }
0xb8: {  	_ =	sfence  }
0xb9: {  	s30 =	sld [smem:$0x0];
	_ =	sdelay $0x2  }
0xba: {  	s31 =	sshll.u32 s1, $0xD;
	s1 =	sshrl.u32 s1, $0x2  }
0xbb: {  	s3 =	sand.u32 $0x4000, s31;
	s1 =	sadd.s32 s1, s30  }
0xbc: {  	s0 =	sor.u32 s3, s0;
	s1 =	sshll.u32 s1, $0x11  }
0xbd: {  	s0 =	sor.u32 s1, s0  }
0xbe: {  	s0 =	sadd.s32 $0x8F2B, s0  }
0xbf: {  	[sflag:s0] =	ssyncadd.remote.s32 $0x1  }
0xc0: {  	_ =	sfence.sel $0xFFFF  }
0xc1: {  	[dreg:$0x0] =	wrdreg $0xFFFFFFFF;
	(pc) =	sbr.abs _section_cstart, $3  }
0xc2: {  	[dreg:$0x1] =	wrdreg $0xFFFFFFFF  }
0xc3: {  	_ =	task.clear_ibuf [dreg:s7], $0x2FFFF;
	_ =	strace $0x9FFFFFFF  }
0xc4: {  	(tm) =	ssettm $0x7FFFFFFF  }
0xc5: {  	_ =	shalt  }
tec
execute0_lowered:
.L_overlay_start_1:
0x0: {  	(tag) =	ssettag $0x1  }
0x1: {  	s6 =	rddreg [dreg:$0x0]  }
0x2: {  	s1 =	rddreg [dreg:$0x1]  }
0x3: {  	s2 =	rddreg [dreg:$0x2]  }
0x4: {  	s3 =	rddreg [dreg:$0x3]  }
0x5: {  	s10 =	stileid.u32;
	s0 =	srdreg.scid  }
0x6: {  	s4 =	simm.s32 $0x0;
	s5 =	smul.u32 $0x1C, s10;
	s0 =	sand.u32 $0x1, s0  }
0x7: {  	s7 =	smul.u32 $0x16, s10;
	[smem:$0x7FF] =	sst s4;
	s8 =	sshll.u32 s10, $0xD  }
0x8: {  	s10 =	sshll.u32 s10, $0xA;
	p0 =	seq.s32 s0, $0x0;
	s5 =	sadd.s32 $0x160, s5  }
0x9: {  	s9 =	sshll.u32 s0, $0x11;
	_ =	strace $0x80000047;
	s5 =	smov.u32 @p0 s7  }
0xa: {  	s11 =	sshll.u32 s0, $0xE;
	s12 =	ssub.s32 $0x2, s0;
	s7 =	sshll.u32 s5, $0x4  }
0xb: {  	s9 =	sor.u32 s8, s9;
	s13 =	smul.u32 $0x7D0, s5;
	s7 =	sadd.s32 s7, s1  }
0xc: {  	s11 =	sor.u32 s10, s11;
	s14 =	sshrl.u32 s12, $0x1;
	s21 =	sadd.s32 $0xE00, s7  }
0xd: {  	s9 =	sshrl.u32 s9, $0x3;
	s22 =	sadd.s32 s6, s13;
	[dreg:$0x5] =	wrdreg s21  }
0xe: {  	s11 =	sshrl.u32 s11, $0x3;
	s24 =	sadd.s32 $0xE10, s7;
	[dreg:$0x6] =	wrdreg s22  }
0xf: {  	s15 =	smul.u32 $0x3E80, s5;
	s25 =	sadd.s32 $0xE20, s7;
	[dreg:$0x7] =	wrdreg s24  }
0x10: {  	s0 =	sadd.s32 s9, s1;
	s26 =	sadd.s32 $0xE30, s7;
	[dreg:$0x8] =	wrdreg s25  }
0x11: {  	s1 =	sadd.s32 s11, s1;
	s11 =	sadd.s32 $0xE40, s7;
	[dreg:$0x9] =	wrdreg s26  }
0x12: {  	s5 =	ssub.s32 s12, s14;
	s12 =	sadd.s32 $0xE50, s7;
	[dreg:$0xa] =	wrdreg s11  }
0x13: {  	s13 =	sadd.s32 $0xE60, s7;
	[dreg:$0xb] =	wrdreg s12  }
0x14: {  	s14 =	sadd.s32 $0xE70, s7;
	[dreg:$0xc] =	wrdreg s13  }
0x15: {  	s23 =	sshrl.u32 s15, $0x3;
	s15 =	sadd.s32 $0xE80, s7;
	[dreg:$0xd] =	wrdreg s14  }
0x16: {  	s16 =	sadd.s32 $0xE90, s7;
	[dreg:$0xe] =	wrdreg s15  }
0x17: {  	s17 =	sadd.s32 $0xEA0, s7;
	[dreg:$0xf] =	wrdreg s16  }
0x18: {  	s18 =	sadd.s32 $0xEB0, s7;
	[dreg:$0x10] =	wrdreg s17  }
0x19: {  	s19 =	sadd.s32 $0xEC0, s7;
	[dreg:$0x11] =	wrdreg s18  }
0x1a: {  	s20 =	sadd.s32 $0xED0, s7;
	[dreg:$0x12] =	wrdreg s19  }
0x1b: {  	[dreg:$0x13] =	wrdreg s20;
	s21 =	sadd.s32 $0xEE0, s7  }
0x1c: {  	s22 =	sadd.s32 $0xEF0, s7;
	[dreg:$0x14] =	wrdreg s21  }
0x1d: {  	s6 =	sadd.s32 s6, s23;
	s23 =	sadd.s32 $0xF00, s7;
	[dreg:$0x15] =	wrdreg s22  }
0x1e: {  	s24 =	sadd.s32 $0xF10, s7;
	[dreg:$0x16] =	wrdreg s23  }
0x1f: {  	s25 =	sadd.s32 $0xF20, s7;
	[dreg:$0x17] =	wrdreg s24  }
0x20: {  	s26 =	sadd.s32 $0xF30, s7;
	[dreg:$0x18] =	wrdreg s25  }
0x21: {  	s11 =	sadd.s32 $0xF40, s7;
	[dreg:$0x19] =	wrdreg s26  }
0x22: {  	s12 =	sadd.s32 $0xF50, s7;
	[dreg:$0x1a] =	wrdreg s11  }
0x23: {  	s13 =	sadd.s32 $0xF60, s7;
	[dreg:$0x1b] =	wrdreg s12  }
0x24: {  	s14 =	sadd.s32 $0xF70, s7;
	[dreg:$0x1c] =	wrdreg s13  }
0x25: {  	s15 =	sadd.s32 $0xF80, s7;
	[dreg:$0x1d] =	wrdreg s14  }
0x26: {  	s16 =	sadd.s32 $0xF90, s7;
	[dreg:$0x1e] =	wrdreg s15  }
0x27: {  	s17 =	sadd.s32 $0xFA0, s7;
	[dreg:$0x1f] =	wrdreg s16  }
0x28: {  	s31 =	simm.s32 $0x100;
	s7 =	sadd.s32 $0xFB0, s7;
	[smem:$0x7EB] =	sst s17  }
0x29: {  	s8 =	sadd.s32 s8, s2;
	[smem:$0x7EC] =	sst s7;
	s18 =	sadd.s32 $0x7D0, s6  }
0x2a: {  	s9 =	sadd.s32 s10, s3;
	s19 =	sadd.s32 $0xFA0, s6;
	[smem:$0x7ED] =	sst s18  }
0x2b: {  	s28 =	sadd.s32 $0x5000, s0;
	s20 =	sadd.s32 $0x1770, s6;
	[smem:$0x7EE] =	sst s19  }
0x2c: {  	s30 =	smax.u32 s5, $0x1;
	s21 =	sadd.s32 $0x1F40, s6;
	[smem:$0x7EF] =	sst s20  }
0x2d: {  	s0 =	simm.s32 $0x4100;
	s22 =	sadd.s32 $0x2710, s6;
	[smem:$0x7F0] =	sst s21  }
0x2e: {  	s5 =	simm.s32 $0x5;
	s23 =	sadd.s32 $0x2EE0, s6;
	[smem:$0x7F1] =	sst s22  }
0x2f: {  	s29 =	sadd.s32 $0x4000, s1;
	s24 =	sadd.s32 $0x36B0, s6;
	[smem:$0x7F2] =	sst s23  }
0x30: {  	s1 =	simm.s32 $0x80;
	s25 =	sadd.s32 $0x3E80, s6;
	[smem:$0x7F3] =	sst s24  }
0x31: {  	s26 =	sadd.s32 $0x4650, s6;
	s10 =	sadd.s32 $0x4E20, s6;
	[smem:$0x7F4] =	sst s25  }
0x32: {  	s11 =	sadd.s32 $0x55F0, s6;
	s12 =	sadd.s32 $0x5DC0, s6;
	[smem:$0x7F5] =	sst s26  }
0x33: {  	s17 =	sadd.s32 $0x6590, s6;
	s13 =	sadd.s32 $0xB3B0, s6;
	[smem:$0x7F6] =	sst s10  }
0x34: {  	s14 =	sadd.s32 $0xBB80, s6;
	s15 =	sadd.s32 $0xC350, s6;
	[smem:$0x7F7] =	sst s11  }
0x35: {  	s16 =	sadd.s32 $0xCB20, s6;
	s7 =	simm.s32 $0x3;
	[smem:$0x7F8] =	sst s12  }
0x36: {  	s18 =	sadd.s32 $0x6D60, s6;
	s19 =	sadd.s32 $0x7530, s6;
	s20 =	sadd.s32 $0x7D00, s6  }
0x37: {  	s21 =	sadd.s32 $0x84D0, s6;
	s22 =	sadd.s32 $0x8CA0, s6;
	[smem:$0x7F9] =	sst s13  }
.Ltmp0:
0x38: {  	s23 =	sadd.s32 $0x9470, s6;
	[smem:$0x7FA] =	sst s14;
	(pc) =	sbr.rel .LBB2_1-.Ltmp0, $4  }
0x39: {  	s24 =	sadd.s32 $0x9C40, s6;
	s25 =	sadd.s32 $0xA410, s6;
	[smem:$0x7FB] =	sst s15  }
0x3a: {  	s26 =	sadd.s32 $0xABE0, s6;
	[smem:$0x7FC] =	sst s16;
	s6 =	sadd.s32 $0xD2F0, s6  }
0x3b: {  	s10 =	simm.s32 $0x8100;
	s11 =	simm.s32 $0x2;
	s12 =	simm.s32 $0x4  }
0x3c: {  	v0 =	vimm.f32 $1.000000000e+00;
	v1 =	vimm.f32 $0.0e+00;
	s13 =	simm.s32 $0x0;
	[smem:$0x7FD] =	sst s6;
	s6 =	simm.s32 $0x1  }
.LBB2_7:
0x3d: {  	s14 =	stileid.u32  }
0x3e: {  	s14 =	sshll.u32 s14, $0x6  }
0x3f: {  	[bflag:$0x0] =	sbarrier.arrive $0xFFFF;
	s15 =	sshrl.u32 s8, $0x3;
	s14 =	sor.u32 $0x1C05, s14  }
0x40: {  	[hbm:s28], [sflag:s14] =	dma.local [spmem:s15], $0x400  }
0x41: {  	s13 =	sadd.s32 $0x1, s13;
	_ =	swait.ge [sflag:s5], $0x400  }
0x42: {  	p1 =	sne.s32 s13, s30;
	[sflag:s5] =	ssyncset.done $0x0  }
.Ltmp1:
0x43: {  	s16 =	sshrl.u32 s9, $0x3;
	[sflag:s5] =	ssyncadd.s32 $0xFFFFFC00;
	(pc) =	sbr.rel @!p1 .LBB2_8-.Ltmp1, $4  }
0x44: {  	[hbm:s29], [sflag:s14] =	dma.local [spmem:s16], $0x80  }
0x45: {  	_ =	swait.ge [sflag:s5], $0x80  }
0x46: {  	[sflag:s5] =	ssyncset.done $0x0  }
0x47: {  	[sflag:s5] =	ssyncadd.s32 $0xFFFFFF80  }
.LBB2_1:
0x48: {  	s14 =	rddreg [dreg:$0x5]  }
0x49: {  	s16 =	rddreg [dreg:$0x6]  }
0x4a: {  	[tilespmem:s4], [sflag:$0x1] =	stream.linear.gather [hbm4b:s14+s4], $0x80, $0x38;
	[tilespmem:$0xD190] =	vst v63  }
0x4b: {  	s15 =	rddreg [dreg:$0x7]  }
0x4c: {  	[tilespmem:s31], [sflag:$0x3] =	stream.linear.gather [hbm4b:s16+s4], $0x3E80, $0x38;
	[tilespmem:$0xD190] =	vst v63  }
0x4d: {  	s16 =	sld [smem:$0x7ED]  }
0x4e: {  	[tilespmem:s1], [sflag:$0x2] =	stream.linear.gather [hbm4b:s15+s4], $0x80, $0x38;
	[tilespmem:$0xD190] =	vst v63  }
0x4f: {  	s14 =	simm.s32 $0x0  }
0x50: {  	[tilespmem:s0], [sflag:$0x4] =	stream.linear.gather [hbm4b:s16+s4], $0x3E80, $0x38;
	[tilespmem:$0xD190] =	vst v63  }
.LBB2_2:
0x51: {  	p1 =	sne.s32 s14, $0x1FC0  }
.Ltmp2:
0x52: {  	_ = 	snop;
	(pc) =	sbr.rel @p1 .LBB2_2-.Ltmp2, $3  }
0x53: {  	_ =	sdelay $0x1  }
0x54: {  	s15 =	sshra.s32 s14, $0x2  }
0x55: {  	s14 =	sadd.s32 $0x40, s14;
	[tilespmem:s15+$0x8100] =	vst v0  }
0x56: {  	s14 =	simm.s32 $0x8940  }
0x57: {  	[tilespmem:s14+$0xFFFFFFD0] =	vst v1  }
0x58: {  	[tilespmem:s14+$0xFFFFFFE0] =	vst v1  }
0x59: {  	[tilespmem:s14+$0xFFFFFFF0] =	vst v1  }
0x5a: {  	[tilespmem:s14+$0x0] =	vst v1  }
0x5b: {  	[tilespmem:s14+$0x10] =	vst v1  }
0x5c: {  	[tilespmem:s14+$0x20] =	vst v1  }
0x5d: {  	[tilespmem:s14+$0x30] =	vst v1  }
0x5e: {  	s16 =	simm.s32 $0x0;
	s15 =	simm.s32 $0x40;
	[tilespmem:s14+$0xFFFFFFC0] =	vst v1  }
.LBB2_4:
0x5f: {  	p1 =	sne.s32 s15, $0xFC0;
	[tilespmem:s16+$0xA900] =	vst v1;
	s14 =	sadd.s32 $0x80, s14  }
0x60: {  	[tilespmem:s14+$0xFFFFFFD0] =	vst v1  }
0x61: {  	[tilespmem:s14+$0xFFFFFFE0] =	vst v1  }
0x62: {  	[tilespmem:s14+$0xFFFFFFF0] =	vst v1  }
.Ltmp3:
0x63: {  	[tilespmem:s14+$0x0] =	vst v1;
	(pc) =	sbr.rel @p1 .LBB2_4-.Ltmp3, $4  }
0x64: {  	[tilespmem:s14+$0x10] =	vst v1  }
0x65: {  	[tilespmem:s14+$0x20] =	vst v1  }
0x66: {  	[tilespmem:s14+$0x30] =	vst v1  }
0x67: {  	s16 =	sshra.s32 s15, $0x2;
	s15 =	sadd.s32 $0x40, s15;
	[tilespmem:s14+$0xFFFFFFC0] =	vst v1  }
0x68: {  	[tilespmem:s16+$0xA900] =	vst v1  }
0x69: {  	[tilespmem:$0x3F80] =	vst v1  }
0x6a: {  	[tilespmem:$0x3F90] =	vst v1  }
0x6b: {  	[tilespmem:$0x3FA0] =	vst v1  }
0x6c: {  	[tilespmem:$0x3FB0] =	vst v1  }
0x6d: {  	[tilespmem:$0x3FC0] =	vst v1  }
0x6e: {  	[tilespmem:$0x3FD0] =	vst v1  }
0x6f: {  	[tilespmem:$0x3FE0] =	vst v1  }
0x70: {  	[tilespmem:$0x3FF0] =	vst v1  }
0x71: {  	[tilespmem:$0x4000] =	vst v1  }
0x72: {  	[tilespmem:$0x4010] =	vst v1  }
0x73: {  	[tilespmem:$0x4020] =	vst v1  }
0x74: {  	[tilespmem:$0x4030] =	vst v1  }
0x75: {  	[tilespmem:$0x4040] =	vst v1  }
0x76: {  	[tilespmem:$0x4050] =	vst v1  }
0x77: {  	[tilespmem:$0x4060] =	vst v1  }
0x78: {  	[tilespmem:$0x4070] =	vst v1  }
0x79: {  	[tilespmem:$0x4080] =	vst v1  }
0x7a: {  	[tilespmem:$0x4090] =	vst v1  }
0x7b: {  	[tilespmem:$0x40A0] =	vst v1  }
0x7c: {  	[tilespmem:$0x40B0] =	vst v1  }
0x7d: {  	[tilespmem:$0x40C0] =	vst v1  }
0x7e: {  	[tilespmem:$0x40D0] =	vst v1  }
0x7f: {  	[tilespmem:$0x40E0] =	vst v1  }
0x80: {  	[tilespmem:$0x40F0] =	vst v1  }
0x81: {  	[tilespmem:$0x7F80] =	vst v1  }
0x82: {  	[tilespmem:$0x7F90] =	vst v1  }
0x83: {  	[tilespmem:$0x7FA0] =	vst v1  }
0x84: {  	[tilespmem:$0x7FB0] =	vst v1  }
0x85: {  	[tilespmem:$0x7FC0] =	vst v1  }
0x86: {  	[tilespmem:$0x7FD0] =	vst v1  }
0x87: {  	[tilespmem:$0x7FE0] =	vst v1  }
0x88: {  	[tilespmem:$0x7FF0] =	vst v1  }
0x89: {  	[tilespmem:$0x8000] =	vst v1  }
0x8a: {  	[tilespmem:$0x8010] =	vst v1  }
0x8b: {  	[tilespmem:$0x8020] =	vst v1  }
0x8c: {  	[tilespmem:$0x8030] =	vst v1  }
0x8d: {  	[tilespmem:$0x8040] =	vst v1  }
0x8e: {  	[tilespmem:$0x8050] =	vst v1  }
0x8f: {  	[tilespmem:$0x8060] =	vst v1  }
0x90: {  	[tilespmem:$0x8070] =	vst v1  }
0x91: {  	[tilespmem:$0x8080] =	vst v1  }
0x92: {  	[tilespmem:$0x8090] =	vst v1  }
0x93: {  	[tilespmem:$0x80A0] =	vst v1  }
0x94: {  	[tilespmem:$0x80B0] =	vst v1  }
0x95: {  	[tilespmem:$0x80C0] =	vst v1  }
0x96: {  	[tilespmem:$0x80D0] =	vst v1  }
0x97: {  	[tilespmem:$0x80E0] =	vst v1  }
0x98: {  	s14 =	simm.s32 $0x8900;
	[tilespmem:$0x80F0] =	vst v1  }
0x99: {  	[spmem:s8] =	stream.linear.scatter [tilespmem:s14], [sflag:$0x5], $0x2000, $0x38;
	[tilespmem:$0xD190] =	vst v63  }
0x9a: {  	_ =	swait.ge [sflag:s5], $0x2000  }
0x9b: {  	[sflag:s5] =	ssyncset.done $0x0  }
0x9c: {  	s15 =	simm.s32 $0xA900;
	[sflag:s5] =	ssyncadd.s32 $0xFFFFE000  }
0x9d: {  	[spmem:s9] =	stream.linear.scatter [tilespmem:s15], [sflag:$0x5], $0x400, $0x38;
	[tilespmem:$0xD190] =	vst v63  }
0x9e: {  	_ =	swait.ge [sflag:s5], $0x400  }
0x9f: {  	[sflag:s5] =	ssyncset.done $0x0  }
0xa0: {  	[sflag:s5] =	ssyncadd.s32 $0xFFFFFC00  }
0xa1: {  	[bflag:$0x0] =	sbarrier.arrive $0xFFFF  }
0xa2: {  	_ =	swait.ge [sflag:s6], $0x80  }
0xa3: {  	[sflag:s6] =	ssyncset.done $0x0  }
0xa4: {  	[sflag:s6] =	ssyncadd.s32 $0xFFFFFF80  }
0xa5: {  	_ =	swait.ge [sflag:s7], $0x3E80  }
0xa6: {  	[sflag:s7] =	ssyncset.done $0x0  }
0xa7: {  	[sflag:s7] =	ssyncadd.s32 $0xFFFFC180  }
0xa8: {  	[spmem:s2] =	stream.indirect.scatter.add.f32 [tilespmem:s31], [sflag:$0x5], $0x80, s4, s1, $0xb8;
	[tilespmem:$0xD190] =	vst v63  }
0xa9: {  	_ =	swait.ge [sflag:s5], $0x4000  }
0xaa: {  	[sflag:s5] =	ssyncset.done $0x0  }
0xab: {  	[sflag:s5] =	ssyncadd.s32 $0xFFFFC000  }
0xac: {  	[spmem:s3] =	stream.indirect.scatter.add.f32 [tilespmem:s10], [sflag:$0x5], $0x10, s4, s1, $0xb8;
	[tilespmem:$0xD190] =	vst v63  }
0xad: {  	_ =	swait.ge [sflag:s5], $0x800  }
0xae: {  	[sflag:s5] =	ssyncset.done $0x0;
	s16 =	rddreg [dreg:$0x8]  }
0xaf: {  	s15 =	sld [smem:$0x7EE];
	[sflag:s5] =	ssyncadd.s32 $0xFFFFF800  }
0xb0: {  	[tilespmem:s4], [sflag:$0x1] =	stream.linear.gather [hbm4b:s16+s4], $0x80, $0x38;
	[tilespmem:$0xD190] =	vst v63  }
0xb1: {  	_ = 	snop  }
0xb2: {  	[tilespmem:s31], [sflag:$0x3] =	stream.linear.gather [hbm4b:s15+s4], $0x3E80, $0x38;
	[tilespmem:$0xD190] =	vst v63  }
0xb3: {  	_ =	swait.ge [sflag:s11], $0x80  }
0xb4: {  	[sflag:s11] =	ssyncset.done $0x0  }
0xb5: {  	[sflag:s11] =	ssyncadd.s32 $0xFFFFFF80  }
0xb6: {  	_ =	swait.ge [sflag:s12], $0x3E80  }
0xb7: {  	[sflag:s12] =	ssyncset.done $0x0  }
0xb8: {  	[sflag:s12] =	ssyncadd.s32 $0xFFFFC180  }
0xb9: {  	[spmem:s2] =	stream.indirect.scatter.add.f32 [tilespmem:s0], [sflag:$0x5], $0x80, s1, s1, $0xb8;
	[tilespmem:$0xD190] =	vst v63  }
0xba: {  	_ =	swait.ge [sflag:s5], $0x4000  }
0xbb: {  	[sflag:s5] =	ssyncset.done $0x0  }
0xbc: {  	[sflag:s5] =	ssyncadd.s32 $0xFFFFC000  }
0xbd: {  	[spmem:s3] =	stream.indirect.scatter.add.f32 [tilespmem:s10], [sflag:$0x5], $0x10, s1, s1, $0xb8;
	[tilespmem:$0xD190] =	vst v63  }
0xbe: {  	_ =	swait.ge [sflag:s5], $0x800  }
0xbf: {  	[sflag:s5] =	ssyncset.done $0x0;
	s16 =	rddreg [dreg:$0x9]  }
0xc0: {  	s15 =	sld [smem:$0x7EF];
	[sflag:s5] =	ssyncadd.s32 $0xFFFFF800  }
0xc1: {  	[tilespmem:s1], [sflag:$0x2] =	stream.linear.gather [hbm4b:s16+s4], $0x80, $0x38;
	[tilespmem:$0xD190] =	vst v63  }
0xc2: {  	_ = 	snop  }
0xc3: {  	[tilespmem:s0], [sflag:$0x4] =	stream.linear.gather [hbm4b:s15+s4], $0x3E80, $0x38;
	[tilespmem:$0xD190] =	vst v63  }
0xc4: {  	_ =	swait.ge [sflag:s6], $0x80  }
0xc5: {  	[sflag:s6] =	ssyncset.done $0x0  }
0xc6: {  	[sflag:s6] =	ssyncadd.s32 $0xFFFFFF80  }
0xc7: {  	_ =	swait.ge [sflag:s7], $0x3E80  }
0xc8: {  	[sflag:s7] =	ssyncset.done $0x0  }
0xc9: {  	[sflag:s7] =	ssyncadd.s32 $0xFFFFC180  }
0xca: {  	[spmem:s2] =	stream.indirect.scatter.add.f32 [tilespmem:s31], [sflag:$0x5], $0x80, s4, s1, $0xb8;
	[tilespmem:$0xD190] =	vst v63  }
0xcb: {  	_ =	swait.ge [sflag:s5], $0x4000  }
0xcc: {  	[sflag:s5] =	ssyncset.done $0x0  }
0xcd: {  	[sflag:s5] =	ssyncadd.s32 $0xFFFFC000  }
0xce: {  	[spmem:s3] =	stream.indirect.scatter.add.f32 [tilespmem:s10], [sflag:$0x5], $0x10, s4, s1, $0xb8;
	[tilespmem:$0xD190] =	vst v63  }
0xcf: {  	_ =	swait.ge [sflag:s5], $0x800  }
0xd0: {  	[sflag:s5] =	ssyncset.done $0x0;
	s16 =	rddreg [dreg:$0xa]  }
0xd1: {  	s15 =	sld [smem:$0x7F0];
	[sflag:s5] =	ssyncadd.s32 $0xFFFFF800  }
0xd2: {  	[tilespmem:s4], [sflag:$0x1] =	stream.linear.gather [hbm4b:s16+s4], $0x80, $0x38;
	[tilespmem:$0xD190] =	vst v63  }
0xd3: {  	_ = 	snop  }
0xd4: {  	[tilespmem:s31], [sflag:$0x3] =	stream.linear.gather [hbm4b:s15+s4], $0x3E80, $0x38;
	[tilespmem:$0xD190] =	vst v63  }
0xd5: {  	_ =	swait.ge [sflag:s11], $0x80  }
0xd6: {  	[sflag:s11] =	ssyncset.done $0x0  }
0xd7: {  	[sflag:s11] =	ssyncadd.s32 $0xFFFFFF80  }
0xd8: {  	_ =	swait.ge [sflag:s12], $0x3E80  }
0xd9: {  	[sflag:s12] =	ssyncset.done $0x0  }
0xda: {  	[sflag:s12] =	ssyncadd.s32 $0xFFFFC180  }
0xdb: {  	[spmem:s2] =	stream.indirect.scatter.add.f32 [tilespmem:s0], [sflag:$0x5], $0x80, s1, s1, $0xb8;
	[tilespmem:$0xD190] =	vst v63  }
0xdc: {  	_ =	swait.ge [sflag:s5], $0x4000  }
0xdd: {  	[sflag:s5] =	ssyncset.done $0x0  }
0xde: {  	[sflag:s5] =	ssyncadd.s32 $0xFFFFC000  }
0xdf: {  	[spmem:s3] =	stream.indirect.scatter.add.f32 [tilespmem:s10], [sflag:$0x5], $0x10, s1, s1, $0xb8;
	[tilespmem:$0xD190] =	vst v63  }
0xe0: {  	_ =	swait.ge [sflag:s5], $0x800  }
0xe1: {  	[sflag:s5] =	ssyncset.done $0x0;
	s16 =	rddreg [dreg:$0xb]  }
0xe2: {  	s15 =	sld [smem:$0x7F1];
	[sflag:s5] =	ssyncadd.s32 $0xFFFFF800  }
0xe3: {  	[tilespmem:s1], [sflag:$0x2] =	stream.linear.gather [hbm4b:s16+s4], $0x80, $0x38;
	[tilespmem:$0xD190] =	vst v63  }
0xe4: {  	_ = 	snop  }
0xe5: {  	[tilespmem:s0], [sflag:$0x4] =	stream.linear.gather [hbm4b:s15+s4], $0x3E80, $0x38;
	[tilespmem:$0xD190] =	vst v63  }
0xe6: {  	_ =	swait.ge [sflag:s6], $0x80  }
0xe7: {  	[sflag:s6] =	ssyncset.done $0x0  }
0xe8: {  	[sflag:s6] =	ssyncadd.s32 $0xFFFFFF80  }
0xe9: {  	_ =	swait.ge [sflag:s7], $0x3E80  }
0xea: {  	[sflag:s7] =	ssyncset.done $0x0  }
0xeb: {  	[sflag:s7] =	ssyncadd.s32 $0xFFFFC180  }
0xec: {  	[spmem:s2] =	stream.indirect.scatter.add.f32 [tilespmem:s31], [sflag:$0x5], $0x80, s4, s1, $0xb8;
	[tilespmem:$0xD190] =	vst v63  }
0xed: {  	_ =	swait.ge [sflag:s5], $0x4000  }
0xee: {  	[sflag:s5] =	ssyncset.done $0x0  }
0xef: {  	[sflag:s5] =	ssyncadd.s32 $0xFFFFC000  }
0xf0: {  	[spmem:s3] =	stream.indirect.scatter.add.f32 [tilespmem:s10], [sflag:$0x5], $0x10, s4, s1, $0xb8;
	[tilespmem:$0xD190] =	vst v63  }
0xf1: {  	_ =	swait.ge [sflag:s5], $0x800  }
0xf2: {  	[sflag:s5] =	ssyncset.done $0x0;
	s16 =	rddreg [dreg:$0xc]  }
0xf3: {  	s15 =	sld [smem:$0x7F2];
	[sflag:s5] =	ssyncadd.s32 $0xFFFFF800  }
0xf4: {  	[tilespmem:s4], [sflag:$0x1] =	stream.linear.gather [hbm4b:s16+s4], $0x80, $0x38;
	[tilespmem:$0xD190] =	vst v63  }
0xf5: {  	_ = 	snop  }
0xf6: {  	[tilespmem:s31], [sflag:$0x3] =	stream.linear.gather [hbm4b:s15+s4], $0x3E80, $0x38;
	[tilespmem:$0xD190] =	vst v63  }
0xf7: {  	_ =	swait.ge [sflag:s11], $0x80  }
0xf8: {  	[sflag:s11] =	ssyncset.done $0x0  }
0xf9: {  	[sflag:s11] =	ssyncadd.s32 $0xFFFFFF80  }
0xfa: {  	_ =	swait.ge [sflag:s12], $0x3E80  }
0xfb: {  	[sflag:s12] =	ssyncset.done $0x0  }
0xfc: {  	[sflag:s12] =	ssyncadd.s32 $0xFFFFC180  }
0xfd: {  	[spmem:s2] =	stream.indirect.scatter.add.f32 [tilespmem:s0], [sflag:$0x5], $0x80, s1, s1, $0xb8;
	[tilespmem:$0xD190] =	vst v63  }
0xfe: {  	_ =	swait.ge [sflag:s5], $0x4000  }
0xff: {  	[sflag:s5] =	ssyncset.done $0x0  }
0x100: {  	[sflag:s5] =	ssyncadd.s32 $0xFFFFC000  }
0x101: {  	[spmem:s3] =	stream.indirect.scatter.add.f32 [tilespmem:s10], [sflag:$0x5], $0x10, s1, s1, $0xb8;
	[tilespmem:$0xD190] =	vst v63  }
0x102: {  	_ =	swait.ge [sflag:s5], $0x800  }
0x103: {  	[sflag:s5] =	ssyncset.done $0x0;
	s16 =	rddreg [dreg:$0xd]  }
0x104: {  	s15 =	sld [smem:$0x7F3];
	[sflag:s5] =	ssyncadd.s32 $0xFFFFF800  }
0x105: {  	[tilespmem:s1], [sflag:$0x2] =	stream.linear.gather [hbm4b:s16+s4], $0x80, $0x38;
	[tilespmem:$0xD190] =	vst v63  }
0x106: {  	_ = 	snop  }
0x107: {  	[tilespmem:s0], [sflag:$0x4] =	stream.linear.gather [hbm4b:s15+s4], $0x3E80, $0x38;
	[tilespmem:$0xD190] =	vst v63  }
0x108: {  	_ =	swait.ge [sflag:s6], $0x80  }
0x109: {  	[sflag:s6] =	ssyncset.done $0x0  }
0x10a: {  	[sflag:s6] =	ssyncadd.s32 $0xFFFFFF80  }
0x10b: {  	_ =	swait.ge [sflag:s7], $0x3E80  }
0x10c: {  	[sflag:s7] =	ssyncset.done $0x0  }
0x10d: {  	[sflag:s7] =	ssyncadd.s32 $0xFFFFC180  }
0x10e: {  	[spmem:s2] =	stream.indirect.scatter.add.f32 [tilespmem:s31], [sflag:$0x5], $0x80, s4, s1, $0xb8;
	[tilespmem:$0xD190] =	vst v63  }
0x10f: {  	_ =	swait.ge [sflag:s5], $0x4000  }
0x110: {  	[sflag:s5] =	ssyncset.done $0x0  }
0x111: {  	[sflag:s5] =	ssyncadd.s32 $0xFFFFC000  }
0x112: {  	[spmem:s3] =	stream.indirect.scatter.add.f32 [tilespmem:s10], [sflag:$0x5], $0x10, s4, s1, $0xb8;
	[tilespmem:$0xD190] =	vst v63  }
0x113: {  	_ =	swait.ge [sflag:s5], $0x800  }
0x114: {  	[sflag:s5] =	ssyncset.done $0x0;
	s16 =	rddreg [dreg:$0xe]  }
0x115: {  	s15 =	sld [smem:$0x7F4];
	[sflag:s5] =	ssyncadd.s32 $0xFFFFF800  }
0x116: {  	[tilespmem:s4], [sflag:$0x1] =	stream.linear.gather [hbm4b:s16+s4], $0x80, $0x38;
	[tilespmem:$0xD190] =	vst v63  }
0x117: {  	_ = 	snop  }
0x118: {  	[tilespmem:s31], [sflag:$0x3] =	stream.linear.gather [hbm4b:s15+s4], $0x3E80, $0x38;
	[tilespmem:$0xD190] =	vst v63  }
0x119: {  	_ =	swait.ge [sflag:s11], $0x80  }
0x11a: {  	[sflag:s11] =	ssyncset.done $0x0  }
0x11b: {  	[sflag:s11] =	ssyncadd.s32 $0xFFFFFF80  }
0x11c: {  	_ =	swait.ge [sflag:s12], $0x3E80  }
0x11d: {  	[sflag:s12] =	ssyncset.done $0x0  }
0x11e: {  	[sflag:s12] =	ssyncadd.s32 $0xFFFFC180  }
0x11f: {  	[spmem:s2] =	stream.indirect.scatter.add.f32 [tilespmem:s0], [sflag:$0x5], $0x80, s1, s1, $0xb8;
	[tilespmem:$0xD190] =	vst v63  }
0x120: {  	_ =	swait.ge [sflag:s5], $0x4000  }
0x121: {  	[sflag:s5] =	ssyncset.done $0x0  }
0x122: {  	[sflag:s5] =	ssyncadd.s32 $0xFFFFC000  }
0x123: {  	[spmem:s3] =	stream.indirect.scatter.add.f32 [tilespmem:s10], [sflag:$0x5], $0x10, s1, s1, $0xb8;
	[tilespmem:$0xD190] =	vst v63  }
0x124: {  	_ =	swait.ge [sflag:s5], $0x800  }
0x125: {  	[sflag:s5] =	ssyncset.done $0x0;
	s16 =	rddreg [dreg:$0xf]  }
0x126: {  	s15 =	sld [smem:$0x7F5];
	[sflag:s5] =	ssyncadd.s32 $0xFFFFF800  }
0x127: {  	[tilespmem:s1], [sflag:$0x2] =	stream.linear.gather [hbm4b:s16+s4], $0x80, $0x38;
	[tilespmem:$0xD190] =	vst v63  }
0x128: {  	_ = 	snop  }
0x129: {  	[tilespmem:s0], [sflag:$0x4] =	stream.linear.gather [hbm4b:s15+s4], $0x3E80, $0x38;
	[tilespmem:$0xD190] =	vst v63  }
0x12a: {  	_ =	swait.ge [sflag:s6], $0x80  }
0x12b: {  	[sflag:s6] =	ssyncset.done $0x0  }
0x12c: {  	[sflag:s6] =	ssyncadd.s32 $0xFFFFFF80  }
0x12d: {  	_ =	swait.ge [sflag:s7], $0x3E80  }
0x12e: {  	[sflag:s7] =	ssyncset.done $0x0  }
0x12f: {  	[sflag:s7] =	ssyncadd.s32 $0xFFFFC180  }
0x130: {  	[spmem:s2] =	stream.indirect.scatter.add.f32 [tilespmem:s31], [sflag:$0x5], $0x80, s4, s1, $0xb8;
	[tilespmem:$0xD190] =	vst v63  }
0x131: {  	_ =	swait.ge [sflag:s5], $0x4000  }
0x132: {  	[sflag:s5] =	ssyncset.done $0x0  }
0x133: {  	[sflag:s5] =	ssyncadd.s32 $0xFFFFC000  }
0x134: {  	[spmem:s3] =	stream.indirect.scatter.add.f32 [tilespmem:s10], [sflag:$0x5], $0x10, s4, s1, $0xb8;
	[tilespmem:$0xD190] =	vst v63  }
0x135: {  	_ =	swait.ge [sflag:s5], $0x800  }
0x136: {  	[sflag:s5] =	ssyncset.done $0x0;
	s16 =	rddreg [dreg:$0x10]  }
0x137: {  	s15 =	sld [smem:$0x7F6];
	[sflag:s5] =	ssyncadd.s32 $0xFFFFF800  }
0x138: {  	[tilespmem:s4], [sflag:$0x1] =	stream.linear.gather [hbm4b:s16+s4], $0x80, $0x38;
	[tilespmem:$0xD190] =	vst v63  }
0x139: {  	_ = 	snop  }
0x13a: {  	[tilespmem:s31], [sflag:$0x3] =	stream.linear.gather [hbm4b:s15+s4], $0x3E80, $0x38;
	[tilespmem:$0xD190] =	vst v63  }
0x13b: {  	_ =	swait.ge [sflag:s11], $0x80  }
0x13c: {  	[sflag:s11] =	ssyncset.done $0x0  }
0x13d: {  	[sflag:s11] =	ssyncadd.s32 $0xFFFFFF80  }
0x13e: {  	_ =	swait.ge [sflag:s12], $0x3E80  }
0x13f: {  	[sflag:s12] =	ssyncset.done $0x0  }
0x140: {  	[sflag:s12] =	ssyncadd.s32 $0xFFFFC180  }
0x141: {  	[spmem:s2] =	stream.indirect.scatter.add.f32 [tilespmem:s0], [sflag:$0x5], $0x80, s1, s1, $0xb8;
	[tilespmem:$0xD190] =	vst v63  }
0x142: {  	_ =	swait.ge [sflag:s5], $0x4000  }
0x143: {  	[sflag:s5] =	ssyncset.done $0x0  }
0x144: {  	[sflag:s5] =	ssyncadd.s32 $0xFFFFC000  }
0x145: {  	[spmem:s3] =	stream.indirect.scatter.add.f32 [tilespmem:s10], [sflag:$0x5], $0x10, s1, s1, $0xb8;
	[tilespmem:$0xD190] =	vst v63  }
0x146: {  	_ =	swait.ge [sflag:s5], $0x800  }
0x147: {  	[sflag:s5] =	ssyncset.done $0x0;
	s16 =	rddreg [dreg:$0x11]  }
0x148: {  	s15 =	sld [smem:$0x7F7];
	[sflag:s5] =	ssyncadd.s32 $0xFFFFF800  }
0x149: {  	[tilespmem:s1], [sflag:$0x2] =	stream.linear.gather [hbm4b:s16+s4], $0x80, $0x38;
	[tilespmem:$0xD190] =	vst v63  }
0x14a: {  	_ = 	snop  }
0x14b: {  	[tilespmem:s0], [sflag:$0x4] =	stream.linear.gather [hbm4b:s15+s4], $0x3E80, $0x38;
	[tilespmem:$0xD190] =	vst v63  }
0x14c: {  	_ =	swait.ge [sflag:s6], $0x80  }
0x14d: {  	[sflag:s6] =	ssyncset.done $0x0  }
0x14e: {  	[sflag:s6] =	ssyncadd.s32 $0xFFFFFF80  }
0x14f: {  	_ =	swait.ge [sflag:s7], $0x3E80  }
0x150: {  	[sflag:s7] =	ssyncset.done $0x0  }
0x151: {  	[sflag:s7] =	ssyncadd.s32 $0xFFFFC180  }
0x152: {  	[spmem:s2] =	stream.indirect.scatter.add.f32 [tilespmem:s31], [sflag:$0x5], $0x80, s4, s1, $0xb8;
	[tilespmem:$0xD190] =	vst v63  }
0x153: {  	_ =	swait.ge [sflag:s5], $0x4000  }
0x154: {  	[sflag:s5] =	ssyncset.done $0x0  }
0x155: {  	[sflag:s5] =	ssyncadd.s32 $0xFFFFC000  }
0x156: {  	[spmem:s3] =	stream.indirect.scatter.add.f32 [tilespmem:s10], [sflag:$0x5], $0x10, s4, s1, $0xb8;
	[tilespmem:$0xD190] =	vst v63  }
0x157: {  	_ =	swait.ge [sflag:s5], $0x800  }
0x158: {  	[sflag:s5] =	ssyncset.done $0x0;
	s16 =	rddreg [dreg:$0x12]  }
0x159: {  	s15 =	sld [smem:$0x7F8];
	[sflag:s5] =	ssyncadd.s32 $0xFFFFF800  }
0x15a: {  	[tilespmem:s4], [sflag:$0x1] =	stream.linear.gather [hbm4b:s16+s4], $0x80, $0x38;
	[tilespmem:$0xD190] =	vst v63  }
0x15b: {  	_ = 	snop  }
0x15c: {  	[tilespmem:s31], [sflag:$0x3] =	stream.linear.gather [hbm4b:s15+s4], $0x3E80, $0x38;
	[tilespmem:$0xD190] =	vst v63  }
0x15d: {  	_ =	swait.ge [sflag:s11], $0x80  }
0x15e: {  	[sflag:s11] =	ssyncset.done $0x0  }
0x15f: {  	[sflag:s11] =	ssyncadd.s32 $0xFFFFFF80  }
0x160: {  	_ =	swait.ge [sflag:s12], $0x3E80  }
0x161: {  	[sflag:s12] =	ssyncset.done $0x0  }
0x162: {  	[sflag:s12] =	ssyncadd.s32 $0xFFFFC180  }
0x163: {  	[spmem:s2] =	stream.indirect.scatter.add.f32 [tilespmem:s0], [sflag:$0x5], $0x80, s1, s1, $0xb8;
	[tilespmem:$0xD190] =	vst v63  }
0x164: {  	_ =	swait.ge [sflag:s5], $0x4000  }
0x165: {  	[sflag:s5] =	ssyncset.done $0x0  }
0x166: {  	[sflag:s5] =	ssyncadd.s32 $0xFFFFC000  }
0x167: {  	[spmem:s3] =	stream.indirect.scatter.add.f32 [tilespmem:s10], [sflag:$0x5], $0x10, s1, s1, $0xb8;
	[tilespmem:$0xD190] =	vst v63  }
0x168: {  	_ =	swait.ge [sflag:s5], $0x800  }
0x169: {  	[sflag:s5] =	ssyncset.done $0x0  }
0x16a: {  	s16 =	rddreg [dreg:$0x13];
	[sflag:s5] =	ssyncadd.s32 $0xFFFFF800  }
0x16b: {  	[tilespmem:s1], [sflag:$0x2] =	stream.linear.gather [hbm4b:s16+s4], $0x80, $0x38;
	[tilespmem:$0xD190] =	vst v63  }
0x16c: {  	_ = 	snop  }
0x16d: {  	[tilespmem:s0], [sflag:$0x4] =	stream.linear.gather [hbm4b:s17+s4], $0x3E80, $0x38;
	[tilespmem:$0xD190] =	vst v63  }
0x16e: {  	_ =	swait.ge [sflag:s6], $0x80  }
0x16f: {  	[sflag:s6] =	ssyncset.done $0x0  }
0x170: {  	[sflag:s6] =	ssyncadd.s32 $0xFFFFFF80  }
0x171: {  	_ =	swait.ge [sflag:s7], $0x3E80  }
0x172: {  	[sflag:s7] =	ssyncset.done $0x0  }
0x173: {  	[sflag:s7] =	ssyncadd.s32 $0xFFFFC180  }
0x174: {  	[spmem:s2] =	stream.indirect.scatter.add.f32 [tilespmem:s31], [sflag:$0x5], $0x80, s4, s1, $0xb8;
	[tilespmem:$0xD190] =	vst v63  }
0x175: {  	_ =	swait.ge [sflag:s5], $0x4000  }
0x176: {  	[sflag:s5] =	ssyncset.done $0x0  }
0x177: {  	[sflag:s5] =	ssyncadd.s32 $0xFFFFC000  }
0x178: {  	[spmem:s3] =	stream.indirect.scatter.add.f32 [tilespmem:s10], [sflag:$0x5], $0x10, s4, s1, $0xb8;
	[tilespmem:$0xD190] =	vst v63  }
0x179: {  	_ =	swait.ge [sflag:s5], $0x800  }
0x17a: {  	[sflag:s5] =	ssyncset.done $0x0  }
0x17b: {  	s15 =	rddreg [dreg:$0x14];
	[sflag:s5] =	ssyncadd.s32 $0xFFFFF800  }
0x17c: {  	[tilespmem:s4], [sflag:$0x1] =	stream.linear.gather [hbm4b:s15+s4], $0x80, $0x38;
	[tilespmem:$0xD190] =	vst v63  }
0x17d: {  	_ = 	snop  }
0x17e: {  	[tilespmem:s31], [sflag:$0x3] =	stream.linear.gather [hbm4b:s18+s4], $0x3E80, $0x38;
	[tilespmem:$0xD190] =	vst v63  }
0x17f: {  	_ =	swait.ge [sflag:s11], $0x80  }
0x180: {  	[sflag:s11] =	ssyncset.done $0x0  }
0x181: {  	[sflag:s11] =	ssyncadd.s32 $0xFFFFFF80  }
0x182: {  	_ =	swait.ge [sflag:s12], $0x3E80  }
0x183: {  	[sflag:s12] =	ssyncset.done $0x0  }
0x184: {  	[sflag:s12] =	ssyncadd.s32 $0xFFFFC180  }
0x185: {  	[spmem:s2] =	stream.indirect.scatter.add.f32 [tilespmem:s0], [sflag:$0x5], $0x80, s1, s1, $0xb8;
	[tilespmem:$0xD190] =	vst v63  }
0x186: {  	_ =	swait.ge [sflag:s5], $0x4000  }
0x187: {  	[sflag:s5] =	ssyncset.done $0x0  }
0x188: {  	[sflag:s5] =	ssyncadd.s32 $0xFFFFC000  }
0x189: {  	[spmem:s3] =	stream.indirect.scatter.add.f32 [tilespmem:s10], [sflag:$0x5], $0x10, s1, s1, $0xb8;
	[tilespmem:$0xD190] =	vst v63  }
0x18a: {  	_ =	swait.ge [sflag:s5], $0x800  }
0x18b: {  	[sflag:s5] =	ssyncset.done $0x0  }
0x18c: {  	s16 =	rddreg [dreg:$0x15];
	[sflag:s5] =	ssyncadd.s32 $0xFFFFF800  }
0x18d: {  	[tilespmem:s1], [sflag:$0x2] =	stream.linear.gather [hbm4b:s16+s4], $0x80, $0x38;
	[tilespmem:$0xD190] =	vst v63  }
0x18e: {  	_ = 	snop  }
0x18f: {  	[tilespmem:s0], [sflag:$0x4] =	stream.linear.gather [hbm4b:s19+s4], $0x3E80, $0x38;
	[tilespmem:$0xD190] =	vst v63  }
0x190: {  	_ =	swait.ge [sflag:s6], $0x80  }
0x191: {  	[sflag:s6] =	ssyncset.done $0x0  }
0x192: {  	[sflag:s6] =	ssyncadd.s32 $0xFFFFFF80  }
0x193: {  	_ =	swait.ge [sflag:s7], $0x3E80  }
0x194: {  	[sflag:s7] =	ssyncset.done $0x0  }
0x195: {  	[sflag:s7] =	ssyncadd.s32 $0xFFFFC180  }
0x196: {  	[spmem:s2] =	stream.indirect.scatter.add.f32 [tilespmem:s31], [sflag:$0x5], $0x80, s4, s1, $0xb8;
	[tilespmem:$0xD190] =	vst v63  }
0x197: {  	_ =	swait.ge [sflag:s5], $0x4000  }
0x198: {  	[sflag:s5] =	ssyncset.done $0x0  }
0x199: {  	[sflag:s5] =	ssyncadd.s32 $0xFFFFC000  }
0x19a: {  	[spmem:s3] =	stream.indirect.scatter.add.f32 [tilespmem:s10], [sflag:$0x5], $0x10, s4, s1, $0xb8;
	[tilespmem:$0xD190] =	vst v63  }
0x19b: {  	_ =	swait.ge [sflag:s5], $0x800  }
0x19c: {  	[sflag:s5] =	ssyncset.done $0x0  }
0x19d: {  	s15 =	rddreg [dreg:$0x16];
	[sflag:s5] =	ssyncadd.s32 $0xFFFFF800  }
0x19e: {  	[tilespmem:s4], [sflag:$0x1] =	stream.linear.gather [hbm4b:s15+s4], $0x80, $0x38;
	[tilespmem:$0xD190] =	vst v63  }
0x19f: {  	_ = 	snop  }
0x1a0: {  	[tilespmem:s31], [sflag:$0x3] =	stream.linear.gather [hbm4b:s20+s4], $0x3E80, $0x38;
	[tilespmem:$0xD190] =	vst v63  }
0x1a1: {  	_ =	swait.ge [sflag:s11], $0x80  }
0x1a2: {  	[sflag:s11] =	ssyncset.done $0x0  }
0x1a3: {  	[sflag:s11] =	ssyncadd.s32 $0xFFFFFF80  }
0x1a4: {  	_ =	swait.ge [sflag:s12], $0x3E80  }
0x1a5: {  	[sflag:s12] =	ssyncset.done $0x0  }
0x1a6: {  	[sflag:s12] =	ssyncadd.s32 $0xFFFFC180  }
0x1a7: {  	[spmem:s2] =	stream.indirect.scatter.add.f32 [tilespmem:s0], [sflag:$0x5], $0x80, s1, s1, $0xb8;
	[tilespmem:$0xD190] =	vst v63  }
0x1a8: {  	_ =	swait.ge [sflag:s5], $0x4000  }
0x1a9: {  	[sflag:s5] =	ssyncset.done $0x0  }
0x1aa: {  	[sflag:s5] =	ssyncadd.s32 $0xFFFFC000  }
0x1ab: {  	[spmem:s3] =	stream.indirect.scatter.add.f32 [tilespmem:s10], [sflag:$0x5], $0x10, s1, s1, $0xb8;
	[tilespmem:$0xD190] =	vst v63  }
0x1ac: {  	_ =	swait.ge [sflag:s5], $0x800  }
0x1ad: {  	[sflag:s5] =	ssyncset.done $0x0  }
0x1ae: {  	s16 =	rddreg [dreg:$0x17];
	[sflag:s5] =	ssyncadd.s32 $0xFFFFF800  }
0x1af: {  	[tilespmem:s1], [sflag:$0x2] =	stream.linear.gather [hbm4b:s16+s4], $0x80, $0x38;
	[tilespmem:$0xD190] =	vst v63  }
0x1b0: {  	_ = 	snop  }
0x1b1: {  	[tilespmem:s0], [sflag:$0x4] =	stream.linear.gather [hbm4b:s21+s4], $0x3E80, $0x38;
	[tilespmem:$0xD190] =	vst v63  }
0x1b2: {  	_ =	swait.ge [sflag:s6], $0x80  }
0x1b3: {  	[sflag:s6] =	ssyncset.done $0x0  }
0x1b4: {  	[sflag:s6] =	ssyncadd.s32 $0xFFFFFF80  }
0x1b5: {  	_ =	swait.ge [sflag:s7], $0x3E80  }
0x1b6: {  	[sflag:s7] =	ssyncset.done $0x0  }
0x1b7: {  	[sflag:s7] =	ssyncadd.s32 $0xFFFFC180  }
0x1b8: {  	[spmem:s2] =	stream.indirect.scatter.add.f32 [tilespmem:s31], [sflag:$0x5], $0x80, s4, s1, $0xb8;
	[tilespmem:$0xD190] =	vst v63  }
0x1b9: {  	_ =	swait.ge [sflag:s5], $0x4000  }
0x1ba: {  	[sflag:s5] =	ssyncset.done $0x0  }
0x1bb: {  	[sflag:s5] =	ssyncadd.s32 $0xFFFFC000  }
0x1bc: {  	[spmem:s3] =	stream.indirect.scatter.add.f32 [tilespmem:s10], [sflag:$0x5], $0x10, s4, s1, $0xb8;
	[tilespmem:$0xD190] =	vst v63  }
0x1bd: {  	_ =	swait.ge [sflag:s5], $0x800  }
0x1be: {  	[sflag:s5] =	ssyncset.done $0x0  }
0x1bf: {  	s15 =	rddreg [dreg:$0x18];
	[sflag:s5] =	ssyncadd.s32 $0xFFFFF800  }
0x1c0: {  	[tilespmem:s4], [sflag:$0x1] =	stream.linear.gather [hbm4b:s15+s4], $0x80, $0x38;
	[tilespmem:$0xD190] =	vst v63  }
0x1c1: {  	_ = 	snop  }
0x1c2: {  	[tilespmem:s31], [sflag:$0x3] =	stream.linear.gather [hbm4b:s22+s4], $0x3E80, $0x38;
	[tilespmem:$0xD190] =	vst v63  }
0x1c3: {  	_ =	swait.ge [sflag:s11], $0x80  }
0x1c4: {  	[sflag:s11] =	ssyncset.done $0x0  }
0x1c5: {  	[sflag:s11] =	ssyncadd.s32 $0xFFFFFF80  }
0x1c6: {  	_ =	swait.ge [sflag:s12], $0x3E80  }
0x1c7: {  	[sflag:s12] =	ssyncset.done $0x0  }
0x1c8: {  	[sflag:s12] =	ssyncadd.s32 $0xFFFFC180  }
0x1c9: {  	[spmem:s2] =	stream.indirect.scatter.add.f32 [tilespmem:s0], [sflag:$0x5], $0x80, s1, s1, $0xb8;
	[tilespmem:$0xD190] =	vst v63  }
0x1ca: {  	_ =	swait.ge [sflag:s5], $0x4000  }
0x1cb: {  	[sflag:s5] =	ssyncset.done $0x0  }
0x1cc: {  	[sflag:s5] =	ssyncadd.s32 $0xFFFFC000  }
0x1cd: {  	[spmem:s3] =	stream.indirect.scatter.add.f32 [tilespmem:s10], [sflag:$0x5], $0x10, s1, s1, $0xb8;
	[tilespmem:$0xD190] =	vst v63  }
0x1ce: {  	_ =	swait.ge [sflag:s5], $0x800  }
0x1cf: {  	[sflag:s5] =	ssyncset.done $0x0  }
0x1d0: {  	s16 =	rddreg [dreg:$0x19];
	[sflag:s5] =	ssyncadd.s32 $0xFFFFF800  }
0x1d1: {  	[tilespmem:s1], [sflag:$0x2] =	stream.linear.gather [hbm4b:s16+s4], $0x80, $0x38;
	[tilespmem:$0xD190] =	vst v63  }
0x1d2: {  	_ = 	snop  }
0x1d3: {  	[tilespmem:s0], [sflag:$0x4] =	stream.linear.gather [hbm4b:s23+s4], $0x3E80, $0x38;
	[tilespmem:$0xD190] =	vst v63  }
0x1d4: {  	_ =	swait.ge [sflag:s6], $0x80  }
0x1d5: {  	[sflag:s6] =	ssyncset.done $0x0  }
0x1d6: {  	[sflag:s6] =	ssyncadd.s32 $0xFFFFFF80  }
0x1d7: {  	_ =	swait.ge [sflag:s7], $0x3E80  }
0x1d8: {  	[sflag:s7] =	ssyncset.done $0x0  }
0x1d9: {  	[sflag:s7] =	ssyncadd.s32 $0xFFFFC180  }
0x1da: {  	[spmem:s2] =	stream.indirect.scatter.add.f32 [tilespmem:s31], [sflag:$0x5], $0x80, s4, s1, $0xb8;
	[tilespmem:$0xD190] =	vst v63  }
0x1db: {  	_ =	swait.ge [sflag:s5], $0x4000  }
0x1dc: {  	[sflag:s5] =	ssyncset.done $0x0  }
0x1dd: {  	[sflag:s5] =	ssyncadd.s32 $0xFFFFC000  }
0x1de: {  	[spmem:s3] =	stream.indirect.scatter.add.f32 [tilespmem:s10], [sflag:$0x5], $0x10, s4, s1, $0xb8;
	[tilespmem:$0xD190] =	vst v63  }
0x1df: {  	_ =	swait.ge [sflag:s5], $0x800  }
0x1e0: {  	[sflag:s5] =	ssyncset.done $0x0  }
0x1e1: {  	s15 =	rddreg [dreg:$0x1a];
	[sflag:s5] =	ssyncadd.s32 $0xFFFFF800  }
0x1e2: {  	[tilespmem:s4], [sflag:$0x1] =	stream.linear.gather [hbm4b:s15+s4], $0x80, $0x38;
	[tilespmem:$0xD190] =	vst v63  }
0x1e3: {  	_ = 	snop  }
0x1e4: {  	[tilespmem:s31], [sflag:$0x3] =	stream.linear.gather [hbm4b:s24+s4], $0x3E80, $0x38;
	[tilespmem:$0xD190] =	vst v63  }
0x1e5: {  	_ =	swait.ge [sflag:s11], $0x80  }
0x1e6: {  	[sflag:s11] =	ssyncset.done $0x0  }
0x1e7: {  	[sflag:s11] =	ssyncadd.s32 $0xFFFFFF80  }
0x1e8: {  	_ =	swait.ge [sflag:s12], $0x3E80  }
0x1e9: {  	[sflag:s12] =	ssyncset.done $0x0  }
0x1ea: {  	[sflag:s12] =	ssyncadd.s32 $0xFFFFC180  }
0x1eb: {  	[spmem:s2] =	stream.indirect.scatter.add.f32 [tilespmem:s0], [sflag:$0x5], $0x80, s1, s1, $0xb8;
	[tilespmem:$0xD190] =	vst v63  }
0x1ec: {  	_ =	swait.ge [sflag:s5], $0x4000  }
0x1ed: {  	[sflag:s5] =	ssyncset.done $0x0  }
0x1ee: {  	[sflag:s5] =	ssyncadd.s32 $0xFFFFC000  }
0x1ef: {  	[spmem:s3] =	stream.indirect.scatter.add.f32 [tilespmem:s10], [sflag:$0x5], $0x10, s1, s1, $0xb8;
	[tilespmem:$0xD190] =	vst v63  }
0x1f0: {  	_ =	swait.ge [sflag:s5], $0x800  }
0x1f1: {  	[sflag:s5] =	ssyncset.done $0x0  }
0x1f2: {  	s16 =	rddreg [dreg:$0x1b];
	[sflag:s5] =	ssyncadd.s32 $0xFFFFF800  }
0x1f3: {  	[tilespmem:s1], [sflag:$0x2] =	stream.linear.gather [hbm4b:s16+s4], $0x80, $0x38;
	[tilespmem:$0xD190] =	vst v63  }
0x1f4: {  	_ = 	snop  }
0x1f5: {  	[tilespmem:s0], [sflag:$0x4] =	stream.linear.gather [hbm4b:s25+s4], $0x3E80, $0x38;
	[tilespmem:$0xD190] =	vst v63  }
0x1f6: {  	_ =	swait.ge [sflag:s6], $0x80  }
0x1f7: {  	[sflag:s6] =	ssyncset.done $0x0  }
0x1f8: {  	[sflag:s6] =	ssyncadd.s32 $0xFFFFFF80  }
0x1f9: {  	_ =	swait.ge [sflag:s7], $0x3E80  }
0x1fa: {  	[sflag:s7] =	ssyncset.done $0x0  }
0x1fb: {  	[sflag:s7] =	ssyncadd.s32 $0xFFFFC180  }
0x1fc: {  	[spmem:s2] =	stream.indirect.scatter.add.f32 [tilespmem:s31], [sflag:$0x5], $0x80, s4, s1, $0xb8;
	[tilespmem:$0xD190] =	vst v63  }
0x1fd: {  	_ =	swait.ge [sflag:s5], $0x4000  }
0x1fe: {  	[sflag:s5] =	ssyncset.done $0x0  }
0x1ff: {  	[sflag:s5] =	ssyncadd.s32 $0xFFFFC000  }
0x200: {  	[spmem:s3] =	stream.indirect.scatter.add.f32 [tilespmem:s10], [sflag:$0x5], $0x10, s4, s1, $0xb8;
	[tilespmem:$0xD190] =	vst v63  }
0x201: {  	_ =	swait.ge [sflag:s5], $0x800  }
0x202: {  	[sflag:s5] =	ssyncset.done $0x0  }
0x203: {  	s14 =	simm.s32 @!p0 $0x0;
	s15 =	rddreg [dreg:$0x1c];
	[sflag:s5] =	ssyncadd.s32 $0xFFFFF800  }
0x204: {  	[tilespmem:s14], [sflag:$0x1] =	stream.linear.gather @!p0 [hbm4b:s15+s14], $0x80, $0x38;
	[tilespmem:$0xD190] =	vst v63  }
0x205: {  	s15 =	simm.s32 @!p0 $0x100  }
0x206: {  	[tilespmem:s15], [sflag:$0x3] =	stream.linear.gather @!p0 [hbm4b:s26+s14], $0x3E80, $0x38;
	[tilespmem:$0xD190] =	vst v63  }
0x207: {  	_ =	swait.ge [sflag:s11], $0x80  }
0x208: {  	[sflag:s11] =	ssyncset.done $0x0  }
0x209: {  	[sflag:s11] =	ssyncadd.s32 $0xFFFFFF80  }
0x20a: {  	_ =	swait.ge [sflag:s12], $0x3E80  }
0x20b: {  	[sflag:s12] =	ssyncset.done $0x0  }
0x20c: {  	[sflag:s12] =	ssyncadd.s32 $0xFFFFC180  }
0x20d: {  	[spmem:s2] =	stream.indirect.scatter.add.f32 [tilespmem:s0], [sflag:$0x5], $0x80, s1, s1, $0xb8;
	[tilespmem:$0xD190] =	vst v63  }
0x20e: {  	_ =	swait.ge [sflag:s5], $0x4000  }
0x20f: {  	[sflag:s5] =	ssyncset.done $0x0  }
.Ltmp4:
0x210: {  	[sflag:s5] =	ssyncadd.s32 $0xFFFFC000;
	(pc) =	sbr.rel @p0 .LBB2_7-.Ltmp4, $4  }
0x211: {  	[spmem:s3] =	stream.indirect.scatter.add.f32 [tilespmem:s10], [sflag:$0x5], $0x10, s1, s1, $0xb8;
	[tilespmem:$0xD190] =	vst v63  }
0x212: {  	_ =	swait.ge [sflag:s5], $0x800  }
0x213: {  	[sflag:s5] =	ssyncset.done $0x0  }
0x214: {  	[sflag:s5] =	ssyncadd.s32 $0xFFFFF800  }
0x215: {  	s14 =	rddreg [dreg:$0x1d]  }
0x216: {  	s16 =	sld [smem:$0x7F9]  }
0x217: {  	[tilespmem:s1], [sflag:$0x2] =	stream.linear.gather [hbm4b:s14+s4], $0x80, $0x38;
	[tilespmem:$0xD190] =	vst v63  }
0x218: {  	_ = 	snop  }
0x219: {  	[tilespmem:s0], [sflag:$0x4] =	stream.linear.gather [hbm4b:s16+s4], $0x3E80, $0x38;
	[tilespmem:$0xD190] =	vst v63  }
0x21a: {  	_ =	swait.ge [sflag:s6], $0x80  }
0x21b: {  	[sflag:s6] =	ssyncset.done $0x0  }
0x21c: {  	[sflag:s6] =	ssyncadd.s32 $0xFFFFFF80  }
0x21d: {  	_ =	swait.ge [sflag:s7], $0x3E80  }
0x21e: {  	[sflag:s7] =	ssyncset.done $0x0  }
0x21f: {  	[sflag:s7] =	ssyncadd.s32 $0xFFFFC180  }
0x220: {  	[spmem:s2] =	stream.indirect.scatter.add.f32 [tilespmem:s31], [sflag:$0x5], $0x80, s4, s1, $0xb8;
	[tilespmem:$0xD190] =	vst v63  }
0x221: {  	_ =	swait.ge [sflag:s5], $0x4000  }
0x222: {  	[sflag:s5] =	ssyncset.done $0x0  }
0x223: {  	[sflag:s5] =	ssyncadd.s32 $0xFFFFC000  }
0x224: {  	[spmem:s3] =	stream.indirect.scatter.add.f32 [tilespmem:s10], [sflag:$0x5], $0x10, s4, s1, $0xb8;
	[tilespmem:$0xD190] =	vst v63  }
0x225: {  	_ =	swait.ge [sflag:s5], $0x800  }
0x226: {  	[sflag:s5] =	ssyncset.done $0x0;
	s15 =	rddreg [dreg:$0x1e]  }
0x227: {  	s16 =	sld [smem:$0x7FA];
	[sflag:s5] =	ssyncadd.s32 $0xFFFFF800  }
0x228: {  	[tilespmem:s4], [sflag:$0x1] =	stream.linear.gather [hbm4b:s15+s4], $0x80, $0x38;
	[tilespmem:$0xD190] =	vst v63  }
0x229: {  	_ = 	snop  }
0x22a: {  	[tilespmem:s31], [sflag:$0x3] =	stream.linear.gather [hbm4b:s16+s4], $0x3E80, $0x38;
	[tilespmem:$0xD190] =	vst v63  }
0x22b: {  	_ =	swait.ge [sflag:s11], $0x80  }
0x22c: {  	[sflag:s11] =	ssyncset.done $0x0  }
0x22d: {  	[sflag:s11] =	ssyncadd.s32 $0xFFFFFF80  }
0x22e: {  	_ =	swait.ge [sflag:s12], $0x3E80  }
0x22f: {  	[sflag:s12] =	ssyncset.done $0x0  }
0x230: {  	[sflag:s12] =	ssyncadd.s32 $0xFFFFC180  }
0x231: {  	[spmem:s2] =	stream.indirect.scatter.add.f32 [tilespmem:s0], [sflag:$0x5], $0x80, s1, s1, $0xb8;
	[tilespmem:$0xD190] =	vst v63  }
0x232: {  	_ =	swait.ge [sflag:s5], $0x4000  }
0x233: {  	[sflag:s5] =	ssyncset.done $0x0  }
0x234: {  	[sflag:s5] =	ssyncadd.s32 $0xFFFFC000  }
0x235: {  	[spmem:s3] =	stream.indirect.scatter.add.f32 [tilespmem:s10], [sflag:$0x5], $0x10, s1, s1, $0xb8;
	[tilespmem:$0xD190] =	vst v63  }
0x236: {  	_ =	swait.ge [sflag:s5], $0x800  }
0x237: {  	[sflag:s5] =	ssyncset.done $0x0;
	s15 =	rddreg [dreg:$0x1f]  }
0x238: {  	s16 =	sld [smem:$0x7FB];
	[sflag:s5] =	ssyncadd.s32 $0xFFFFF800  }
0x239: {  	[tilespmem:s1], [sflag:$0x2] =	stream.linear.gather [hbm4b:s15+s4], $0x80, $0x38;
	[tilespmem:$0xD190] =	vst v63  }
0x23a: {  	_ = 	snop  }
0x23b: {  	[tilespmem:s0], [sflag:$0x4] =	stream.linear.gather [hbm4b:s16+s4], $0x3E80, $0x38;
	[tilespmem:$0xD190] =	vst v63  }
0x23c: {  	_ =	swait.ge [sflag:s6], $0x80  }
0x23d: {  	[sflag:s6] =	ssyncset.done $0x0  }
0x23e: {  	[sflag:s6] =	ssyncadd.s32 $0xFFFFFF80  }
0x23f: {  	_ =	swait.ge [sflag:s7], $0x3E80  }
0x240: {  	[sflag:s7] =	ssyncset.done $0x0  }
0x241: {  	[sflag:s7] =	ssyncadd.s32 $0xFFFFC180  }
0x242: {  	[spmem:s2] =	stream.indirect.scatter.add.f32 [tilespmem:s31], [sflag:$0x5], $0x80, s4, s1, $0xb8;
	[tilespmem:$0xD190] =	vst v63  }
0x243: {  	_ =	swait.ge [sflag:s5], $0x4000  }
0x244: {  	[sflag:s5] =	ssyncset.done $0x0  }
0x245: {  	[sflag:s5] =	ssyncadd.s32 $0xFFFFC000  }
0x246: {  	[spmem:s3] =	stream.indirect.scatter.add.f32 [tilespmem:s10], [sflag:$0x5], $0x10, s4, s1, $0xb8;
	[tilespmem:$0xD190] =	vst v63  }
0x247: {  	_ =	swait.ge [sflag:s5], $0x800  }
0x248: {  	s15 =	sld [smem:$0x7EB]  }
0x249: {  	[sflag:s5] =	ssyncset.done $0x0  }
0x24a: {  	s16 =	sld [smem:$0x7FC];
	[sflag:s5] =	ssyncadd.s32 $0xFFFFF800  }
0x24b: {  	[tilespmem:s4], [sflag:$0x1] =	stream.linear.gather [hbm4b:s15+s4], $0x80, $0x38;
	[tilespmem:$0xD190] =	vst v63  }
0x24c: {  	_ = 	snop  }
0x24d: {  	[tilespmem:s31], [sflag:$0x3] =	stream.linear.gather [hbm4b:s16+s4], $0x3E80, $0x38;
	[tilespmem:$0xD190] =	vst v63  }
0x24e: {  	_ =	swait.ge [sflag:s11], $0x80  }
0x24f: {  	[sflag:s11] =	ssyncset.done $0x0  }
0x250: {  	[sflag:s11] =	ssyncadd.s32 $0xFFFFFF80  }
0x251: {  	_ =	swait.ge [sflag:s12], $0x3E80  }
0x252: {  	[sflag:s12] =	ssyncset.done $0x0  }
0x253: {  	[sflag:s12] =	ssyncadd.s32 $0xFFFFC180  }
0x254: {  	[spmem:s2] =	stream.indirect.scatter.add.f32 [tilespmem:s0], [sflag:$0x5], $0x80, s1, s1, $0xb8;
	[tilespmem:$0xD190] =	vst v63  }
0x255: {  	_ =	swait.ge [sflag:s5], $0x4000  }
0x256: {  	[sflag:s5] =	ssyncset.done $0x0  }
0x257: {  	[sflag:s5] =	ssyncadd.s32 $0xFFFFC000  }
0x258: {  	[spmem:s3] =	stream.indirect.scatter.add.f32 [tilespmem:s10], [sflag:$0x5], $0x10, s1, s1, $0xb8;
	[tilespmem:$0xD190] =	vst v63  }
0x259: {  	_ =	swait.ge [sflag:s5], $0x800  }
0x25a: {  	s15 =	sld [smem:$0x7EC]  }
0x25b: {  	[sflag:s5] =	ssyncset.done $0x0  }
0x25c: {  	s16 =	sld [smem:$0x7FD];
	[sflag:s5] =	ssyncadd.s32 $0xFFFFF800  }
0x25d: {  	[tilespmem:s1], [sflag:$0x2] =	stream.linear.gather [hbm4b:s15+s4], $0x80, $0x38;
	[tilespmem:$0xD190] =	vst v63  }
0x25e: {  	_ = 	snop  }
0x25f: {  	[tilespmem:s0], [sflag:$0x4] =	stream.linear.gather [hbm4b:s16+s4], $0x3E80, $0x38;
	[tilespmem:$0xD190] =	vst v63  }
0x260: {  	_ =	swait.ge [sflag:s6], $0x80  }
0x261: {  	[sflag:s6] =	ssyncset.done $0x0  }
0x262: {  	[sflag:s6] =	ssyncadd.s32 $0xFFFFFF80  }
0x263: {  	_ =	swait.ge [sflag:s7], $0x3E80  }
0x264: {  	[sflag:s7] =	ssyncset.done $0x0  }
0x265: {  	[sflag:s7] =	ssyncadd.s32 $0xFFFFC180  }
0x266: {  	[spmem:s2] =	stream.indirect.scatter.add.f32 [tilespmem:s31], [sflag:$0x5], $0x80, s4, s1, $0xb8;
	[tilespmem:$0xD190] =	vst v63  }
0x267: {  	_ =	swait.ge [sflag:s5], $0x4000  }
0x268: {  	[sflag:s5] =	ssyncset.done $0x0  }
0x269: {  	[sflag:s5] =	ssyncadd.s32 $0xFFFFC000  }
0x26a: {  	[spmem:s3] =	stream.indirect.scatter.add.f32 [tilespmem:s10], [sflag:$0x5], $0x10, s4, s1, $0xb8;
	[tilespmem:$0xD190] =	vst v63  }
0x26b: {  	_ =	swait.ge [sflag:s5], $0x800  }
0x26c: {  	[sflag:s5] =	ssyncset.done $0x0  }
0x26d: {  	[sflag:s5] =	ssyncadd.s32 $0xFFFFF800  }
0x26e: {  	_ =	swait.ge [sflag:s11], $0x80  }
0x26f: {  	[sflag:s11] =	ssyncset.done $0x0  }
0x270: {  	[sflag:s11] =	ssyncadd.s32 $0xFFFFFF80  }
0x271: {  	_ =	swait.ge [sflag:s12], $0x3E80  }
0x272: {  	[sflag:s12] =	ssyncset.done $0x0  }
0x273: {  	[sflag:s12] =	ssyncadd.s32 $0xFFFFC180  }
0x274: {  	[spmem:s2] =	stream.indirect.scatter.add.f32 [tilespmem:s0], [sflag:$0x5], $0x80, s1, s1, $0xb8;
	[tilespmem:$0xD190] =	vst v63  }
0x275: {  	_ =	swait.ge [sflag:s5], $0x4000  }
0x276: {  	[sflag:s5] =	ssyncset.done $0x0  }
.Ltmp5:
0x277: {  	[sflag:s5] =	ssyncadd.s32 $0xFFFFC000;
	(pc) =	sbr.rel .LBB2_7-.Ltmp5, $4  }
0x278: {  	[spmem:s3] =	stream.indirect.scatter.add.f32 [tilespmem:s10], [sflag:$0x5], $0x10, s1, s1, $0xb8;
	[tilespmem:$0xD190] =	vst v63  }
0x279: {  	_ =	swait.ge [sflag:s5], $0x800  }
0x27a: {  	[sflag:s5] =	ssyncset.done $0x0  }
0x27b: {  	[sflag:s5] =	ssyncadd.s32 $0xFFFFF800  }
.LBB2_8:
0x27c: {  	_ =	sfence.sel $0x180000  }
0x27d: {  	[bflag:$0x0] =	sbarrier.arrive $0xFFFF  }
0x27e: {  	_ =	strace $0x90000047  }
0x27f: {  	s0 =	stileid.u32;
	[bflag:$0x2] =	sbarrier.arrive $0xFFFF  }
0x280: {  	p0 =	sne.s32 s0, $0x0;
	s0 =	rddreg [dreg:$0x4]  }
0x281: {  	s0 =	sadd.s32 @!p0 $0x100000, s0  }
0x282: {  	[sflag:s0] =	ssyncadd.tile.s32 @!p0 $0x1;
	_ =	shalt  }
.Lfunc_end2:
_tile_overlayer_lowered:
.L_overlay_start_2:
0x283: {  	(tag) =	ssettag $0x2  }
0x284: {  	s0 =	rddreg [dreg:$0x0];
	s2 =	stileid.u32  }
0x285: {  	s1 =	rddreg [dreg:$0x1];
	p0 =	sne.s32 s2, $0x0  }
0x286: {  	s3 =	rddreg [dreg:$0x2];
	[bflag:$0x3] =	sbarrier.arrive $0xFFFF;
	s2 =	simm.s32 @!p0 $0x1C05  }
0x287: {  	[timem:s3], [sflag:s2] =	dma.local @!p0 [hbm:s0], s1  }
0x288: {  	s0 =	simm.s32 @!p0 $0x5  }
0x289: {  	_ =	swait.ge @!p0 [sflag:s0], s1  }
0x28a: {  	s1 =	ssub.s32 @!p0 $0x0, s1;
	[sflag:s0] =	ssyncset.done @!p0 $0x0  }
0x28b: {  	[sflag:s0] =	ssyncadd.s32 @!p0 s1  }
0x28c: {  	[bflag:$0x3] =	sbarrier.arrive $0xFFFF  }
0x28d: {  	_ =	shalt  }

</sc_bundles>
